<compile_context>
chip_gen: v7x
topology: tpu7x:2x2x1
jax: 0.10.2.dev20260603
libtpu: 0.0.44.dev20260713+nightly
codegen_flags: <defaults>
</compile_context>

<pallas_src>
import functools

import jax
import jax.numpy as jnp
from jax import lax
from jax.experimental import pallas as pl
from jax.experimental.pallas import tpu as pltpu
from jax.experimental.pallas import tpu_sc as plsc

_NC = 2
_NS = 16
_L = 16
_NW = _NC * _NS

_INV_PAD = 1104


@functools.partial(jax.jit, static_argnames=("vocab_size", "row_chunk"))
def _lookup(inputs_t, vocabulary, *, vocab_size, row_chunk):
    nrows, ncols = inputs_t.shape
    cols_per_w = ncols // _NW
    n_chunks = nrows // row_chunk
    n_win = cols_per_w // _L

    mesh = plsc.VectorSubcoreMesh(
        core_axis_name="c", subcore_axis_name="s",
        num_cores=_NC, num_subcores=_NS)

    @functools.partial(
        pl.kernel,
        out_type=jax.ShapeDtypeStruct((nrows, ncols), jnp.int32),
        mesh=mesh,
        compiler_params=pltpu.CompilerParams(
            needs_layout_passes=False, use_tc_tiling_on_sc=True),
        scratch_types=[
            pltpu.VMEM((vocab_size,), jnp.int32),
            pltpu.VMEM((_INV_PAD,), jnp.int32),
            pltpu.VMEM((row_chunk, cols_per_w), jnp.int32),
            pltpu.VMEM((row_chunk, cols_per_w), jnp.int32),
            pltpu.VMEM((row_chunk, cols_per_w), jnp.int32),
            pltpu.VMEM((row_chunk, cols_per_w), jnp.int32),
            pltpu.SemaphoreType.DMA,
            pltpu.SemaphoreType.DMA,
            pltpu.SemaphoreType.DMA,
            pltpu.SemaphoreType.DMA,
        ],
    )
    def k(in_hbm, vocab_hbm, out_hbm, vocab_v, inv_v,
          in0, in1, out0, out1, isem0, isem1, osem0, osem1):
        wid = lax.axis_index("c") * _NS + lax.axis_index("s")
        col0 = wid * cols_per_w

        inb, outb = [in0, in1], [out0, out1]
        isem, osem = [isem0, isem1], [osem0, osem1]

        def start_in(ci):
            r0 = ci * row_chunk
            return pltpu.async_copy(
                in_hbm.at[pl.ds(r0, row_chunk), pl.ds(col0, cols_per_w)],
                inb[ci % 2], isem[ci % 2])

        def start_out(ci):
            r0 = ci * row_chunk
            return pltpu.async_copy(
                outb[ci % 2],
                out_hbm.at[pl.ds(r0, row_chunk), pl.ds(col0, cols_per_w)],
                osem[ci % 2])

        pending_in = [start_in(0), None]

        pltpu.sync_copy(vocab_hbm, vocab_v)

        def init_body(i, _):
            inv_v[pl.ds(i * _L, _L)] = jnp.full((_L,), vocab_size, jnp.int32)
            return 0
        lax.fori_loop(0, _INV_PAD // _L, init_body, 0)

        def scat_body(i, _):
            b = i * _L
            keys = vocab_v[pl.ds(b, _L)]
            plsc.store_scatter(inv_v, (keys,), b + lax.iota(jnp.int32, _L))
            return 0
        lax.fori_loop(0, vocab_size // _L, scat_body, 0)
        if vocab_size % _L:
            b = vocab_size - _L
            keys = vocab_v[pl.ds(b, _L)]
            plsc.store_scatter(inv_v, (keys,), b + lax.iota(jnp.int32, _L))

        pending_out = [None, None]
        for ci in range(n_chunks):
            b = ci % 2
            if ci + 1 < n_chunks:
                pending_in[1 - b] = start_in(ci + 1)
            pending_in[b].wait()
            if pending_out[b] is not None:
                pending_out[b].wait()
            src, dst = inb[b], outb[b]

            @plsc.parallel_loop(0, row_chunk, step=1)
            def row_body(r):
                for w in range(n_win):
                    idx = src[r, pl.ds(w * _L, _L)]
                    dst[r, pl.ds(w * _L, _L)] = plsc.load_gather(inv_v, (idx,))

            pending_out[b] = start_out(ci)
        for p in pending_out:
            if p is not None:
                p.wait()

    return k(inputs_t, vocabulary)


def kernel(inputs, vocabulary):
    out_t = _lookup(inputs.T, vocabulary,
                    vocab_size=vocabulary.shape[0], row_chunk=40)
    return out_t.T

# --- scband reference (transcript-rebuilt; emitter-appended) ---
"""Pipeline reference for scband-category-lookup-41549513622420 (READ-ONLY COPY).

The authoritative reference and input builder live on the scoring server;
editing this copy changes nothing except your own understanding.
"""

import jax, jax.numpy as jnp
import numpy as np

VOCAB_SIZE = 1000
NUM_OOV_TOKENS = 1
KEY_RANGE = 1100  # input keys drawn from [0, 1100); keys >= VOCAB_SIZE are out-of-vocab


def setup_inputs(seed: int = 0) -> dict:
    key = jax.random.key(seed)
    inputs = jax.random.randint(key, (16384, 200), 0, KEY_RANGE, dtype=jnp.int32)
    # The vocabulary list passed to __init__ (integer keys 0..999), materialized
    # as the layer's lookup-table keys.
    vocabulary = jnp.arange(VOCAB_SIZE, dtype=jnp.int32)
    return {"inputs": inputs, "vocabulary": vocabulary}


def reference(inputs, vocabulary):
    # Faithful translation of lookup_ops.index_table_from_tensor(...).lookup(inputs)
    # with num_oov_buckets=1:
    #   - an in-vocab key k maps to its position in `vocabulary`
    #   - any OOV key maps deterministically to vocab_size (single OOV bucket,
    #     so Fingerprint64(k) % 1 + vocab_size == vocab_size for every OOV key).
    # Implemented as a dense inverse-map gather (SparseCore-friendly jnp.take).
    vocab_size = vocabulary.shape[0]
    inv = jnp.full((KEY_RANGE,), vocab_size, dtype=jnp.int64 if jax.config.jax_enable_x64 else jnp.int32)
    inv = inv.at[vocabulary].set(jnp.arange(vocab_size, dtype=inv.dtype))
    out = jnp.take(inv, inputs, axis=0)
    return out

if __name__ == "__main__":
    import jax
    _d = setup_inputs()
    print(jax.jit(kernel)(*tuple(_d.values())))

</pallas_src>

<mosaic_0001>
#map = affine_map<(d0, d1) -> (0, 0)>
#map1 = affine_map<(d0, d1) -> (0)>
module attributes {stable_mosaic.version = 14 : i64} {
  func.func @k(%arg0: i32, %arg1: i32, %arg2: memref<200x16384xi32, #tpu.memory_space<hbm>>, %arg3: memref<1000xi32, #tpu.memory_space<hbm>>, %arg4: memref<200x16384xi32, #tpu.memory_space<hbm>>, %arg5: memref<1000xi32, #tpu.memory_space<vmem>>, %arg6: memref<1104xi32, #tpu.memory_space<vmem>>, %arg7: memref<40x512xi32, #tpu.memory_space<vmem>>, %arg8: memref<40x512xi32, #tpu.memory_space<vmem>>, %arg9: memref<40x512xi32, #tpu.memory_space<vmem>>, %arg10: memref<40x512xi32, #tpu.memory_space<vmem>>, %arg11: memref<!tpu.dma_semaphore, #tpu.memory_space<semaphore_mem>>, %arg12: memref<!tpu.dma_semaphore, #tpu.memory_space<semaphore_mem>>, %arg13: memref<!tpu.dma_semaphore, #tpu.memory_space<semaphore_mem>>, %arg14: memref<!tpu.dma_semaphore, #tpu.memory_space<semaphore_mem>>) attributes {dimension_semantics = [#tpu.dimension_semantics<core_parallel>, #tpu.dimension_semantics<subcore_parallel>], iteration_bounds = array<i64: 2, 16>, scalar_prefetch = 0 : i64, scratch_operands = 10 : i64, tpu.core_type = #tpu.core_type<sc_vector_subcore>, window_params = [{transform_indices = #map}, {transform_indices = #map1}, {transform_indices = #map}]} {
    %mul3A = arith.constant 16 : i32
    %mul3A_0 = arith.muli %arg0, %mul3A : i32
    %add3A = arith.addi %mul3A_0, %arg1 : i32
    %mul3A_1 = arith.constant 512 : i32
    %mul3A_2 = arith.muli %add3A, %mul3A_1 : i32
    %dma_start3A = arith.constant 0 : i32
    %dma_start3A_3 = tpu.memref_slice %arg2[%dma_start3A, %mul3A_2] : memref<200x16384xi32, #tpu.memory_space<hbm>> -> memref<40x512xi32, #tpu.memory_space<hbm>>
    %dma_start3A_4 = arith.constant 0 : i32
    %dma_start3A_5 = tpu.memref_slice %arg2[%dma_start3A_4, %mul3A_2] : memref<200x16384xi32, #tpu.memory_space<hbm>> -> memref<40x512xi32, #tpu.memory_space<hbm>>
    tpu.enqueue_dma source(%dma_start3A_5 : memref<40x512xi32, #tpu.memory_space<hbm>>) target(%arg7 : memref<40x512xi32, #tpu.memory_space<vmem>>) target_semaphore(%arg11 : memref<!tpu.dma_semaphore, #tpu.memory_space<semaphore_mem>>)
    "tpu.region"() ({
      %run_scoped3A = tpu.sem_alloc : memref<!tpu.dma_semaphore, #tpu.memory_space<semaphore_mem>>
      tpu.enqueue_dma source(%arg3 : memref<1000xi32, #tpu.memory_space<hbm>>) target(%arg5 : memref<1000xi32, #tpu.memory_space<vmem>>) target_semaphore(%run_scoped3A : memref<!tpu.dma_semaphore, #tpu.memory_space<semaphore_mem>>)
      tpu.wait_dma2 semaphore(%run_scoped3A : memref<!tpu.dma_semaphore, #tpu.memory_space<semaphore_mem>>) src(%arg3 : memref<1000xi32, #tpu.memory_space<hbm>>) dst(%arg5 : memref<1000xi32, #tpu.memory_space<vmem>>)
      tpu.yield
    }) : () -> ()
    %scan3A = arith.constant 0 : i32
    %scan3A_6 = arith.constant 0 : i32
    %scan3A_7 = arith.constant 69 : i32
    %scan3A_8 = arith.addi %scan3A_6, %scan3A_7 : i32
    %scan3A_9 = arith.constant 1 : i32
    %scan3A_10 = scf.for %scan3A_112 = %scan3A_6 to %scan3A_8 step %scan3A_9 iter_args(%scan3A_113 = %scan3A) -> (i32)  : i32 {
      %broadcast_in_dim3A = arith.constant 1000 : i32
      %broadcast_in_dim3A_114 = vector.broadcast %broadcast_in_dim3A : i32 to vector<16xi32>
      %mul3A_115 = arith.constant 16 : i32
      %mul3A_116 = arith.muli %scan3A_112, %mul3A_115 : i32
      %swap3A = arith.index_cast %mul3A_116 : i32 to index
      %swap3A_117 = tpu.vector_load %arg6[%swap3A] {strides = array<i32>} : memref<1104xi32, #tpu.memory_space<vmem>>, vector<16xi32>,
      tpu.vector_store %arg6[%swap3A], %broadcast_in_dim3A_114 {strides = array<i32>} : memref<1104xi32, #tpu.memory_space<vmem>>, vector<16xi32>,
      %scan3A_118 = arith.constant 0 : i32
      scf.yield %scan3A_118 : i32
    }
    %scan3A_11 = arith.constant 69 : i32
    %scan3A_12 = arith.constant 0 : i32
    %scan3A_13 = arith.constant 0 : i32
    %scan3A_14 = arith.constant 62 : i32
    %scan3A_15 = arith.addi %scan3A_13, %scan3A_14 : i32
    %scan3A_16 = arith.constant 1 : i32
    %scan3A_17 = scf.for %scan3A_112 = %scan3A_13 to %scan3A_15 step %scan3A_16 iter_args(%scan3A_113 = %scan3A_12) -> (i32)  : i32 {
      %mul3A_114 = arith.constant 16 : i32
      %mul3A_115 = arith.muli %scan3A_112, %mul3A_114 : i32
      %get3A_116 = arith.index_cast %mul3A_115 : i32 to index
      %get3A_117 = tpu.vector_load %arg5[%get3A_116] {strides = array<i32>} : memref<1000xi32, #tpu.memory_space<vmem>>, vector<16xi32>,
      %iota3A_118 = tpu.iota {dimensions = array<i32: 0>} : vector<16xi32>
      %add3A_119 = vector.broadcast %mul3A_115 : i32 to vector<16xi32>
      %add3A_120 = arith.addi %add3A_119, %iota3A_118 : vector<16xi32>
      tpu.vector_store_idx %arg6[%get3A_117], %add3A_120 : memref<1104xi32, #tpu.memory_space<vmem>>[vector<16xi32>], vector<16xi32>,
      %scan3A_121 = arith.constant 0 : i32
      scf.yield %scan3A_121 : i32
    }
    %scan3A_18 = arith.constant 62 : i32
    %get3A = arith.constant 984 : index
    %get3A_19 = tpu.vector_load %arg5[%get3A] {strides = array<i32>} : memref<1000xi32, #tpu.memory_space<vmem>>, vector<16xi32>,
    %iota3A = tpu.iota {dimensions = array<i32: 0>} : vector<16xi32>
    %add3A_20 = arith.constant 984 : i32
    %add3A_21 = vector.broadcast %add3A_20 : i32 to vector<16xi32>
    %add3A_22 = arith.addi %add3A_21, %iota3A : vector<16xi32>
    tpu.vector_store_idx %arg6[%get3A_19], %add3A_22 : memref<1104xi32, #tpu.memory_space<vmem>>[vector<16xi32>], vector<16xi32>,
    %dma_start3A_23 = arith.constant 40 : i32
    %dma_start3A_24 = tpu.memref_slice %arg2[%dma_start3A_23, %mul3A_2] : memref<200x16384xi32, #tpu.memory_space<hbm>> -> memref<40x512xi32, #tpu.memory_space<hbm>>
    %dma_start3A_25 = arith.constant 40 : i32
    %dma_start3A_26 = tpu.memref_slice %arg2[%dma_start3A_25, %mul3A_2] : memref<200x16384xi32, #tpu.memory_space<hbm>> -> memref<40x512xi32, #tpu.memory_space<hbm>>
    tpu.enqueue_dma source(%dma_start3A_26 : memref<40x512xi32, #tpu.memory_space<hbm>>) target(%arg8 : memref<40x512xi32, #tpu.memory_space<vmem>>) target_semaphore(%arg12 : memref<!tpu.dma_semaphore, #tpu.memory_space<semaphore_mem>>)
    %dma_wait3A = arith.constant 0 : i32
    %dma_wait3A_27 = tpu.memref_slice %arg2[%dma_wait3A, %mul3A_2] : memref<200x16384xi32, #tpu.memory_space<hbm>> -> memref<40x512xi32, #tpu.memory_space<hbm>>
    %dma_wait3A_28 = arith.constant 0 : i32
    %dma_wait3A_29 = tpu.memref_slice %arg2[%dma_wait3A_28, %mul3A_2] : memref<200x16384xi32, #tpu.memory_space<hbm>> -> memref<40x512xi32, #tpu.memory_space<hbm>>
    tpu.wait_dma2 semaphore(%arg11 : memref<!tpu.dma_semaphore, #tpu.memory_space<semaphore_mem>>) src(%dma_wait3A_29 : memref<40x512xi32, #tpu.memory_space<hbm>>) dst(%arg7 : memref<40x512xi32, #tpu.memory_space<vmem>>)
    %parallel_loop3A = arith.constant 0 : i32
    %parallel_loop3A_30 = arith.constant 40 : i32
    %parallel_loop3A_31 = arith.constant 1 : i32
    scf.for %parallel_loop3A_112 = %parallel_loop3A to %parallel_loop3A_30 step %parallel_loop3A_31  : i32 {
      %parallel_loop3A_113 = arith.index_cast %parallel_loop3A_112 : i32 to index
      %parallel_loop3A_114 = arith.constant 0 : index
      %parallel_loop3A_115 = tpu.vector_load %arg7[%parallel_loop3A_113, %parallel_loop3A_114] {strides = array<i32>} : memref<40x512xi32, #tpu.memory_space<vmem>>, vector<16xi32>,
      %parallel_loop3A_116 = tpu.vector_load_idx %arg6[%parallel_loop3A_115] : memref<1104xi32, #tpu.memory_space<vmem>>[vector<16xi32>], vector<16xi32>,
      %parallel_loop3A_117 = arith.index_cast %parallel_loop3A_112 : i32 to index
      %parallel_loop3A_118 = arith.constant 0 : index
      %parallel_loop3A_119 = tpu.vector_load %arg9[%parallel_loop3A_117, %parallel_loop3A_118] {strides = array<i32>} : memref<40x512xi32, #tpu.memory_space<vmem>>, vector<16xi32>,
      tpu.vector_store %arg9[%parallel_loop3A_117, %parallel_loop3A_118], %parallel_loop3A_116 {strides = array<i32>} : memref<40x512xi32, #tpu.memory_space<vmem>>, vector<16xi32>,
      %parallel_loop3A_120 = arith.index_cast %parallel_loop3A_112 : i32 to index
      %parallel_loop3A_121 = arith.constant 16 : index
      %parallel_loop3A_122 = tpu.vector_load %arg7[%parallel_loop3A_120, %parallel_loop3A_121] {strides = array<i32>} : memref<40x512xi32, #tpu.memory_space<vmem>>, vector<16xi32>,
      %parallel_loop3A_123 = tpu.vector_load_idx %arg6[%parallel_loop3A_122] : memref<1104xi32, #tpu.memory_space<vmem>>[vector<16xi32>], vector<16xi32>,
      %parallel_loop3A_124 = arith.index_cast %parallel_loop3A_112 : i32 to index
      %parallel_loop3A_125 = arith.constant 16 : index
      %parallel_loop3A_126 = tpu.vector_load %arg9[%parallel_loop3A_124, %parallel_loop3A_125] {strides = array<i32>} : memref<40x512xi32, #tpu.memory_space<vmem>>, vector<16xi32>,
      tpu.vector_store %arg9[%parallel_loop3A_124, %parallel_loop3A_125], %parallel_loop3A_123 {strides = array<i32>} : memref<40x512xi32, #tpu.memory_space<vmem>>, vector<16xi32>,
      %parallel_loop3A_127 = arith.index_cast %parallel_loop3A_112 : i32 to index
      %parallel_loop3A_128 = arith.constant 32 : index
      %parallel_loop3A_129 = tpu.vector_load %arg7[%parallel_loop3A_127, %parallel_loop3A_128] {strides = array<i32>} : memref<40x512xi32, #tpu.memory_space<vmem>>, vector<16xi32>,
      %parallel_loop3A_130 = tpu.vector_load_idx %arg6[%parallel_loop3A_129] : memref<1104xi32, #tpu.memory_space<vmem>>[vector<16xi32>], vector<16xi32>,
      %parallel_loop3A_131 = arith.index_cast %parallel_loop3A_112 : i32 to index
      %parallel_loop3A_132 = arith.constant 32 : index
      %parallel_loop3A_133 = tpu.vector_load %arg9[%parallel_loop3A_131, %parallel_loop3A_132] {strides = array<i32>} : memref<40x512xi32, #tpu.memory_space<vmem>>, vector<16xi32>,
      tpu.vector_store %arg9[%parallel_loop3A_131, %parallel_loop3A_132], %parallel_loop3A_130 {strides = array<i32>} : memref<40x512xi32, #tpu.memory_space<vmem>>, vector<16xi32>,
      %parallel_loop3A_134 = arith.index_cast %parallel_loop3A_112 : i32 to index
      %parallel_loop3A_135 = arith.constant 48 : index
      %parallel_loop3A_136 = tpu.vector_load %arg7[%parallel_loop3A_134, %parallel_loop3A_135] {strides = array<i32>} : memref<40x512xi32, #tpu.memory_space<vmem>>, vector<16xi32>,
      %parallel_loop3A_137 = tpu.vector_load_idx %arg6[%parallel_loop3A_136] : memref<1104xi32, #tpu.memory_space<vmem>>[vector<16xi32>], vector<16xi32>,
      %parallel_loop3A_138 = arith.index_cast %parallel_loop3A_112 : i32 to index
      %parallel_loop3A_139 = arith.constant 48 : index
      %parallel_loop3A_140 = tpu.vector_load %arg9[%parallel_loop3A_138, %parallel_loop3A_139] {strides = array<i32>} : memref<40x512xi32, #tpu.memory_space<vmem>>, vector<16xi32>,
      tpu.vector_store %arg9[%parallel_loop3A_138, %parallel_loop3A_139], %parallel_loop3A_137 {strides = array<i32>} : memref<40x512xi32, #tpu.memory_space<vmem>>, vector<16xi32>,
      %parallel_loop3A_141 = arith.index_cast %parallel_loop3A_112 : i32 to index
      %parallel_loop3A_142 = arith.constant 64 : index
      %parallel_loop3A_143 = tpu.vector_load %arg7[%parallel_loop3A_141, %parallel_loop3A_142] {strides = array<i32>} : memref<40x512xi32, #tpu.memory_space<vmem>>, vector<16xi32>,
      %parallel_loop3A_144 = tpu.vector_load_idx %arg6[%parallel_loop3A_143] : memref<1104xi32, #tpu.memory_space<vmem>>[vector<16xi32>], vector<16xi32>,
      %parallel_loop3A_145 = arith.index_cast %parallel_loop3A_112 : i32 to index
      %parallel_loop3A_146 = arith.constant 64 : index
      %parallel_loop3A_147 = tpu.vector_load %arg9[%parallel_loop3A_145, %parallel_loop3A_146] {strides = array<i32>} : memref<40x512xi32, #tpu.memory_space<vmem>>, vector<16xi32>,
      tpu.vector_store %arg9[%parallel_loop3A_145, %parallel_loop3A_146], %parallel_loop3A_144 {strides = array<i32>} : memref<40x512xi32, #tpu.memory_space<vmem>>, vector<16xi32>,
      %parallel_loop3A_148 = arith.index_cast %parallel_loop3A_112 : i32 to index
      %parallel_loop3A_149 = arith.constant 80 : index
      %parallel_loop3A_150 = tpu.vector_load %arg7[%parallel_loop3A_148, %parallel_loop3A_149] {strides = array<i32>} : memref<40x512xi32, #tpu.memory_space<vmem>>, vector<16xi32>,
      %parallel_loop3A_151 = tpu.vector_load_idx %arg6[%parallel_loop3A_150] : memref<1104xi32, #tpu.memory_space<vmem>>[vector<16xi32>], vector<16xi32>,
      %parallel_loop3A_152 = arith.index_cast %parallel_loop3A_112 : i32 to index
      %parallel_loop3A_153 = arith.constant 80 : index
      %parallel_loop3A_154 = tpu.vector_load %arg9[%parallel_loop3A_152, %parallel_loop3A_153] {strides = array<i32>} : memref<40x512xi32, #tpu.memory_space<vmem>>, vector<16xi32>,
      tpu.vector_store %arg9[%parallel_loop3A_152, %parallel_loop3A_153], %parallel_loop3A_151 {strides = array<i32>} : memref<40x512xi32, #tpu.memory_space<vmem>>, vector<16xi32>,
      %parallel_loop3A_155 = arith.index_cast %parallel_loop3A_112 : i32 to index
      %parallel_loop3A_156 = arith.constant 96 : index
      %parallel_loop3A_157 = tpu.vector_load %arg7[%parallel_loop3A_155, %parallel_loop3A_156] {strides = array<i32>} : memref<40x512xi32, #tpu.memory_space<vmem>>, vector<16xi32>,
      %parallel_loop3A_158 = tpu.vector_load_idx %arg6[%parallel_loop3A_157] : memref<1104xi32, #tpu.memory_space<vmem>>[vector<16xi32>], vector<16xi32>,
      %parallel_loop3A_159 = arith.index_cast %parallel_loop3A_112 : i32 to index
      %parallel_loop3A_160 = arith.constant 96 : index
      %parallel_loop3A_161 = tpu.vector_load %arg9[%parallel_loop3A_159, %parallel_loop3A_160] {strides = array<i32>} : memref<40x512xi32, #tpu.memory_space<vmem>>, vector<16xi32>,
      tpu.vector_store %arg9[%parallel_loop3A_159, %parallel_loop3A_160], %parallel_loop3A_158 {strides = array<i32>} : memref<40x512xi32, #tpu.memory_space<vmem>>, vector<16xi32>,
      %parallel_loop3A_162 = arith.index_cast %parallel_loop3A_112 : i32 to index
      %parallel_loop3A_163 = arith.constant 112 : index
      %parallel_loop3A_164 = tpu.vector_load %arg7[%parallel_loop3A_162, %parallel_loop3A_163] {strides = array<i32>} : memref<40x512xi32, #tpu.memory_space<vmem>>, vector<16xi32>,
      %parallel_loop3A_165 = tpu.vector_load_idx %arg6[%parallel_loop3A_164] : memref<1104xi32, #tpu.memory_space<vmem>>[vector<16xi32>], vector<16xi32>,
      %parallel_loop3A_166 = arith.index_cast %parallel_loop3A_112 : i32 to index
      %parallel_loop3A_167 = arith.constant 112 : index
      %parallel_loop3A_168 = tpu.vector_load %arg9[%parallel_loop3A_166, %parallel_loop3A_167] {strides = array<i32>} : memref<40x512xi32, #tpu.memory_space<vmem>>, vector<16xi32>,
      tpu.vector_store %arg9[%parallel_loop3A_166, %parallel_loop3A_167], %parallel_loop3A_165 {strides = array<i32>} : memref<40x512xi32, #tpu.memory_space<vmem>>, vector<16xi32>,
      %parallel_loop3A_169 = arith.index_cast %parallel_loop3A_112 : i32 to index
      %parallel_loop3A_170 = arith.constant 128 : index
      %parallel_loop3A_171 = tpu.vector_load %arg7[%parallel_loop3A_169, %parallel_loop3A_170] {strides = array<i32>} : memref<40x512xi32, #tpu.memory_space<vmem>>, vector<16xi32>,
      %parallel_loop3A_172 = tpu.vector_load_idx %arg6[%parallel_loop3A_171] : memref<1104xi32, #tpu.memory_space<vmem>>[vector<16xi32>], vector<16xi32>,
      %parallel_loop3A_173 = arith.index_cast %parallel_loop3A_112 : i32 to index
      %parallel_loop3A_174 = arith.constant 128 : index
      %parallel_loop3A_175 = tpu.vector_load %arg9[%parallel_loop3A_173, %parallel_loop3A_174] {strides = array<i32>} : memref<40x512xi32, #tpu.memory_space<vmem>>, vector<16xi32>,
      tpu.vector_store %arg9[%parallel_loop3A_173, %parallel_loop3A_174], %parallel_loop3A_172 {strides = array<i32>} : memref<40x512xi32, #tpu.memory_space<vmem>>, vector<16xi32>,
      %parallel_loop3A_176 = arith.index_cast %parallel_loop3A_112 : i32 to index
      %parallel_loop3A_177 = arith.constant 144 : index
      %parallel_loop3A_178 = tpu.vector_load %arg7[%parallel_loop3A_176, %parallel_loop3A_177] {strides = array<i32>} : memref<40x512xi32, #tpu.memory_space<vmem>>, vector<16xi32>,
      %parallel_loop3A_179 = tpu.vector_load_idx %arg6[%parallel_loop3A_178] : memref<1104xi32, #tpu.memory_space<vmem>>[vector<16xi32>], vector<16xi32>,
      %parallel_loop3A_180 = arith.index_cast %parallel_loop3A_112 : i32 to index
      %parallel_loop3A_181 = arith.constant 144 : index
      %parallel_loop3A_182 = tpu.vector_load %arg9[%parallel_loop3A_180, %parallel_loop3A_181] {strides = array<i32>} : memref<40x512xi32, #tpu.memory_space<vmem>>, vector<16xi32>,
      tpu.vector_store %arg9[%parallel_loop3A_180, %parallel_loop3A_181], %parallel_loop3A_179 {strides = array<i32>} : memref<40x512xi32, #tpu.memory_space<vmem>>, vector<16xi32>,
      %parallel_loop3A_183 = arith.index_cast %parallel_loop3A_112 : i32 to index
      %parallel_loop3A_184 = arith.constant 160 : index
      %parallel_loop3A_185 = tpu.vector_load %arg7[%parallel_loop3A_183, %parallel_loop3A_184] {strides = array<i32>} : memref<40x512xi32, #tpu.memory_space<vmem>>, vector<16xi32>,
      %parallel_loop3A_186 = tpu.vector_load_idx %arg6[%parallel_loop3A_185] : memref<1104xi32, #tpu.memory_space<vmem>>[vector<16xi32>], vector<16xi32>,
      %parallel_loop3A_187 = arith.index_cast %parallel_loop3A_112 : i32 to index
      %parallel_loop3A_188 = arith.constant 160 : index
      %parallel_loop3A_189 = tpu.vector_load %arg9[%parallel_loop3A_187, %parallel_loop3A_188] {strides = array<i32>} : memref<40x512xi32, #tpu.memory_space<vmem>>, vector<16xi32>,
      tpu.vector_store %arg9[%parallel_loop3A_187, %parallel_loop3A_188], %parallel_loop3A_186 {strides = array<i32>} : memref<40x512xi32, #tpu.memory_space<vmem>>, vector<16xi32>,
      %parallel_loop3A_190 = arith.index_cast %parallel_loop3A_112 : i32 to index
      %parallel_loop3A_191 = arith.constant 176 : index
      %parallel_loop3A_192 = tpu.vector_load %arg7[%parallel_loop3A_190, %parallel_loop3A_191] {strides = array<i32>} : memref<40x512xi32, #tpu.memory_space<vmem>>, vector<16xi32>,
      %parallel_loop3A_193 = tpu.vector_load_idx %arg6[%parallel_loop3A_192] : memref<1104xi32, #tpu.memory_space<vmem>>[vector<16xi32>], vector<16xi32>,
      %parallel_loop3A_194 = arith.index_cast %parallel_loop3A_112 : i32 to index
      %parallel_loop3A_195 = arith.constant 176 : index
      %parallel_loop3A_196 = tpu.vector_load %arg9[%parallel_loop3A_194, %parallel_loop3A_195] {strides = array<i32>} : memref<40x512xi32, #tpu.memory_space<vmem>>, vector<16xi32>,
      tpu.vector_store %arg9[%parallel_loop3A_194, %parallel_loop3A_195], %parallel_loop3A_193 {strides = array<i32>} : memref<40x512xi32, #tpu.memory_space<vmem>>, vector<16xi32>,
      %parallel_loop3A_197 = arith.index_cast %parallel_loop3A_112 : i32 to index
      %parallel_loop3A_198 = arith.constant 192 : index
      %parallel_loop3A_199 = tpu.vector_load %arg7[%parallel_loop3A_197, %parallel_loop3A_198] {strides = array<i32>} : memref<40x512xi32, #tpu.memory_space<vmem>>, vector<16xi32>,
      %parallel_loop3A_200 = tpu.vector_load_idx %arg6[%parallel_loop3A_199] : memref<1104xi32, #tpu.memory_space<vmem>>[vector<16xi32>], vector<16xi32>,
      %parallel_loop3A_201 = arith.index_cast %parallel_loop3A_112 : i32 to index
      %parallel_loop3A_202 = arith.constant 192 : index
      %parallel_loop3A_203 = tpu.vector_load %arg9[%parallel_loop3A_201, %parallel_loop3A_202] {strides = array<i32>} : memref<40x512xi32, #tpu.memory_space<vmem>>, vector<16xi32>,
      tpu.vector_store %arg9[%parallel_loop3A_201, %parallel_loop3A_202], %parallel_loop3A_200 {strides = array<i32>} : memref<40x512xi32, #tpu.memory_space<vmem>>, vector<16xi32>,
      %parallel_loop3A_204 = arith.index_cast %parallel_loop3A_112 : i32 to index
      %parallel_loop3A_205 = arith.constant 208 : index
      %parallel_loop3A_206 = tpu.vector_load %arg7[%parallel_loop3A_204, %parallel_loop3A_205] {strides = array<i32>} : memref<40x512xi32, #tpu.memory_space<vmem>>, vector<16xi32>,
      %parallel_loop3A_207 = tpu.vector_load_idx %arg6[%parallel_loop3A_206] : memref<1104xi32, #tpu.memory_space<vmem>>[vector<16xi32>], vector<16xi32>,
      %parallel_loop3A_208 = arith.index_cast %parallel_loop3A_112 : i32 to index
      %parallel_loop3A_209 = arith.constant 208 : index
      %parallel_loop3A_210 = tpu.vector_load %arg9[%parallel_loop3A_208, %parallel_loop3A_209] {strides = array<i32>} : memref<40x512xi32, #tpu.memory_space<vmem>>, vector<16xi32>,
      tpu.vector_store %arg9[%parallel_loop3A_208, %parallel_loop3A_209], %parallel_loop3A_207 {strides = array<i32>} : memref<40x512xi32, #tpu.memory_space<vmem>>, vector<16xi32>,
      %parallel_loop3A_211 = arith.index_cast %parallel_loop3A_112 : i32 to index
      %parallel_loop3A_212 = arith.constant 224 : index
      %parallel_loop3A_213 = tpu.vector_load %arg7[%parallel_loop3A_211, %parallel_loop3A_212] {strides = array<i32>} : memref<40x512xi32, #tpu.memory_space<vmem>>, vector<16xi32>,
      %parallel_loop3A_214 = tpu.vector_load_idx %arg6[%parallel_loop3A_213] : memref<1104xi32, #tpu.memory_space<vmem>>[vector<16xi32>], vector<16xi32>,
      %parallel_loop3A_215 = arith.index_cast %parallel_loop3A_112 : i32 to index
      %parallel_loop3A_216 = arith.constant 224 : index
      %parallel_loop3A_217 = tpu.vector_load %arg9[%parallel_loop3A_215, %parallel_loop3A_216] {strides = array<i32>} : memref<40x512xi32, #tpu.memory_space<vmem>>, vector<16xi32>,
      tpu.vector_store %arg9[%parallel_loop3A_215, %parallel_loop3A_216], %parallel_loop3A_214 {strides = array<i32>} : memref<40x512xi32, #tpu.memory_space<vmem>>, vector<16xi32>,
      %parallel_loop3A_218 = arith.index_cast %parallel_loop3A_112 : i32 to index
      %parallel_loop3A_219 = arith.constant 240 : index
      %parallel_loop3A_220 = tpu.vector_load %arg7[%parallel_loop3A_218, %parallel_loop3A_219] {strides = array<i32>} : memref<40x512xi32, #tpu.memory_space<vmem>>, vector<16xi32>,
      %parallel_loop3A_221 = tpu.vector_load_idx %arg6[%parallel_loop3A_220] : memref<1104xi32, #tpu.memory_space<vmem>>[vector<16xi32>], vector<16xi32>,
      %parallel_loop3A_222 = arith.index_cast %parallel_loop3A_112 : i32 to index
      %parallel_loop3A_223 = arith.constant 240 : index
      %parallel_loop3A_224 = tpu.vector_load %arg9[%parallel_loop3A_222, %parallel_loop3A_223] {strides = array<i32>} : memref<40x512xi32, #tpu.memory_space<vmem>>, vector<16xi32>,
      tpu.vector_store %arg9[%parallel_loop3A_222, %parallel_loop3A_223], %parallel_loop3A_221 {strides = array<i32>} : memref<40x512xi32, #tpu.memory_space<vmem>>, vector<16xi32>,
      %parallel_loop3A_225 = arith.index_cast %parallel_loop3A_112 : i32 to index
      %parallel_loop3A_226 = arith.constant 256 : index
      %parallel_loop3A_227 = tpu.vector_load %arg7[%parallel_loop3A_225, %parallel_loop3A_226] {strides = array<i32>} : memref<40x512xi32, #tpu.memory_space<vmem>>, vector<16xi32>,
      %parallel_loop3A_228 = tpu.vector_load_idx %arg6[%parallel_loop3A_227] : memref<1104xi32, #tpu.memory_space<vmem>>[vector<16xi32>], vector<16xi32>,
      %parallel_loop3A_229 = arith.index_cast %parallel_loop3A_112 : i32 to index
      %parallel_loop3A_230 = arith.constant 256 : index
      %parallel_loop3A_231 = tpu.vector_load %arg9[%parallel_loop3A_229, %parallel_loop3A_230] {strides = array<i32>} : memref<40x512xi32, #tpu.memory_space<vmem>>, vector<16xi32>,
      tpu.vector_store %arg9[%parallel_loop3A_229, %parallel_loop3A_230], %parallel_loop3A_228 {strides = array<i32>} : memref<40x512xi32, #tpu.memory_space<vmem>>, vector<16xi32>,
      %parallel_loop3A_232 = arith.index_cast %parallel_loop3A_112 : i32 to index
      %parallel_loop3A_233 = arith.constant 272 : index
      %parallel_loop3A_234 = tpu.vector_load %arg7[%parallel_loop3A_232, %parallel_loop3A_233] {strides = array<i32>} : memref<40x512xi32, #tpu.memory_space<vmem>>, vector<16xi32>,
      %parallel_loop3A_235 = tpu.vector_load_idx %arg6[%parallel_loop3A_234] : memref<1104xi32, #tpu.memory_space<vmem>>[vector<16xi32>], vector<16xi32>,
      %parallel_loop3A_236 = arith.index_cast %parallel_loop3A_112 : i32 to index
      %parallel_loop3A_237 = arith.constant 272 : index
      %parallel_loop3A_238 = tpu.vector_load %arg9[%parallel_loop3A_236, %parallel_loop3A_237] {strides = array<i32>} : memref<40x512xi32, #tpu.memory_space<vmem>>, vector<16xi32>,
      tpu.vector_store %arg9[%parallel_loop3A_236, %parallel_loop3A_237], %parallel_loop3A_235 {strides = array<i32>} : memref<40x512xi32, #tpu.memory_space<vmem>>, vector<16xi32>,
      %parallel_loop3A_239 = arith.index_cast %parallel_loop3A_112 : i32 to index
      %parallel_loop3A_240 = arith.constant 288 : index
      %parallel_loop3A_241 = tpu.vector_load %arg7[%parallel_loop3A_239, %parallel_loop3A_240] {strides = array<i32>} : memref<40x512xi32, #tpu.memory_space<vmem>>, vector<16xi32>,
      %parallel_loop3A_242 = tpu.vector_load_idx %arg6[%parallel_loop3A_241] : memref<1104xi32, #tpu.memory_space<vmem>>[vector<16xi32>], vector<16xi32>,
      %parallel_loop3A_243 = arith.index_cast %parallel_loop3A_112 : i32 to index
      %parallel_loop3A_244 = arith.constant 288 : index
      %parallel_loop3A_245 = tpu.vector_load %arg9[%parallel_loop3A_243, %parallel_loop3A_244] {strides = array<i32>} : memref<40x512xi32, #tpu.memory_space<vmem>>, vector<16xi32>,
      tpu.vector_store %arg9[%parallel_loop3A_243, %parallel_loop3A_244], %parallel_loop3A_242 {strides = array<i32>} : memref<40x512xi32, #tpu.memory_space<vmem>>, vector<16xi32>,
      %parallel_loop3A_246 = arith.index_cast %parallel_loop3A_112 : i32 to index
      %parallel_loop3A_247 = arith.constant 304 : index
      %parallel_loop3A_248 = tpu.vector_load %arg7[%parallel_loop3A_246, %parallel_loop3A_247] {strides = array<i32>} : memref<40x512xi32, #tpu.memory_space<vmem>>, vector<16xi32>,
      %parallel_loop3A_249 = tpu.vector_load_idx %arg6[%parallel_loop3A_248] : memref<1104xi32, #tpu.memory_space<vmem>>[vector<16xi32>], vector<16xi32>,
      %parallel_loop3A_250 = arith.index_cast %parallel_loop3A_112 : i32 to index
      %parallel_loop3A_251 = arith.constant 304 : index
      %parallel_loop3A_252 = tpu.vector_load %arg9[%parallel_loop3A_250, %parallel_loop3A_251] {strides = array<i32>} : memref<40x512xi32, #tpu.memory_space<vmem>>, vector<16xi32>,
      tpu.vector_store %arg9[%parallel_loop3A_250, %parallel_loop3A_251], %parallel_loop3A_249 {strides = array<i32>} : memref<40x512xi32, #tpu.memory_space<vmem>>, vector<16xi32>,
      %parallel_loop3A_253 = arith.index_cast %parallel_loop3A_112 : i32 to index
      %parallel_loop3A_254 = arith.constant 320 : index
      %parallel_loop3A_255 = tpu.vector_load %arg7[%parallel_loop3A_253, %parallel_loop3A_254] {strides = array<i32>} : memref<40x512xi32, #tpu.memory_space<vmem>>, vector<16xi32>,
      %parallel_loop3A_256 = tpu.vector_load_idx %arg6[%parallel_loop3A_255] : memref<1104xi32, #tpu.memory_space<vmem>>[vector<16xi32>], vector<16xi32>,
      %parallel_loop3A_257 = arith.index_cast %parallel_loop3A_112 : i32 to index
      %parallel_loop3A_258 = arith.constant 320 : index
      %parallel_loop3A_259 = tpu.vector_load %arg9[%parallel_loop3A_257, %parallel_loop3A_258] {strides = array<i32>} : memref<40x512xi32, #tpu.memory_space<vmem>>, vector<16xi32>,
      tpu.vector_store %arg9[%parallel_loop3A_257, %parallel_loop3A_258], %parallel_loop3A_256 {strides = array<i32>} : memref<40x512xi32, #tpu.memory_space<vmem>>, vector<16xi32>,
      %parallel_loop3A_260 = arith.index_cast %parallel_loop3A_112 : i32 to index
      %parallel_loop3A_261 = arith.constant 336 : index
      %parallel_loop3A_262 = tpu.vector_load %arg7[%parallel_loop3A_260, %parallel_loop3A_261] {strides = array<i32>} : memref<40x512xi32, #tpu.memory_space<vmem>>, vector<16xi32>,
      %parallel_loop3A_263 = tpu.vector_load_idx %arg6[%parallel_loop3A_262] : memref<1104xi32, #tpu.memory_space<vmem>>[vector<16xi32>], vector<16xi32>,
      %parallel_loop3A_264 = arith.index_cast %parallel_loop3A_112 : i32 to index
      %parallel_loop3A_265 = arith.constant 336 : index
      %parallel_loop3A_266 = tpu.vector_load %arg9[%parallel_loop3A_264, %parallel_loop3A_265] {strides = array<i32>} : memref<40x512xi32, #tpu.memory_space<vmem>>, vector<16xi32>,
      tpu.vector_store %arg9[%parallel_loop3A_264, %parallel_loop3A_265], %parallel_loop3A_263 {strides = array<i32>} : memref<40x512xi32, #tpu.memory_space<vmem>>, vector<16xi32>,
      %parallel_loop3A_267 = arith.index_cast %parallel_loop3A_112 : i32 to index
      %parallel_loop3A_268 = arith.constant 352 : index
      %parallel_loop3A_269 = tpu.vector_load %arg7[%parallel_loop3A_267, %parallel_loop3A_268] {strides = array<i32>} : memref<40x512xi32, #tpu.memory_space<vmem>>, vector<16xi32>,
      %parallel_loop3A_270 = tpu.vector_load_idx %arg6[%parallel_loop3A_269] : memref<1104xi32, #tpu.memory_space<vmem>>[vector<16xi32>], vector<16xi32>,
      %parallel_loop3A_271 = arith.index_cast %parallel_loop3A_112 : i32 to index
      %parallel_loop3A_272 = arith.constant 352 : index
      %parallel_loop3A_273 = tpu.vector_load %arg9[%parallel_loop3A_271, %parallel_loop3A_272] {strides = array<i32>} : memref<40x512xi32, #tpu.memory_space<vmem>>, vector<16xi32>,
      tpu.vector_store %arg9[%parallel_loop3A_271, %parallel_loop3A_272], %parallel_loop3A_270 {strides = array<i32>} : memref<40x512xi32, #tpu.memory_space<vmem>>, vector<16xi32>,
      %parallel_loop3A_274 = arith.index_cast %parallel_loop3A_112 : i32 to index
      %parallel_loop3A_275 = arith.constant 368 : index
      %parallel_loop3A_276 = tpu.vector_load %arg7[%parallel_loop3A_274, %parallel_loop3A_275] {strides = array<i32>} : memref<40x512xi32, #tpu.memory_space<vmem>>, vector<16xi32>,
      %parallel_loop3A_277 = tpu.vector_load_idx %arg6[%parallel_loop3A_276] : memref<1104xi32, #tpu.memory_space<vmem>>[vector<16xi32>], vector<16xi32>,
      %parallel_loop3A_278 = arith.index_cast %parallel_loop3A_112 : i32 to index
      %parallel_loop3A_279 = arith.constant 368 : index
      %parallel_loop3A_280 = tpu.vector_load %arg9[%parallel_loop3A_278, %parallel_loop3A_279] {strides = array<i32>} : memref<40x512xi32, #tpu.memory_space<vmem>>, vector<16xi32>,
      tpu.vector_store %arg9[%parallel_loop3A_278, %parallel_loop3A_279], %parallel_loop3A_277 {strides = array<i32>} : memref<40x512xi32, #tpu.memory_space<vmem>>, vector<16xi32>,
      %parallel_loop3A_281 = arith.index_cast %parallel_loop3A_112 : i32 to index
      %parallel_loop3A_282 = arith.constant 384 : index
      %parallel_loop3A_283 = tpu.vector_load %arg7[%parallel_loop3A_281, %parallel_loop3A_282] {strides = array<i32>} : memref<40x512xi32, #tpu.memory_space<vmem>>, vector<16xi32>,
      %parallel_loop3A_284 = tpu.vector_load_idx %arg6[%parallel_loop3A_283] : memref<1104xi32, #tpu.memory_space<vmem>>[vector<16xi32>], vector<16xi32>,
      %parallel_loop3A_285 = arith.index_cast %parallel_loop3A_112 : i32 to index
      %parallel_loop3A_286 = arith.constant 384 : index
      %parallel_loop3A_287 = tpu.vector_load %arg9[%parallel_loop3A_285, %parallel_loop3A_286] {strides = array<i32>} : memref<40x512xi32, #tpu.memory_space<vmem>>, vector<16xi32>,
      tpu.vector_store %arg9[%parallel_loop3A_285, %parallel_loop3A_286], %parallel_loop3A_284 {strides = array<i32>} : memref<40x512xi32, #tpu.memory_space<vmem>>, vector<16xi32>,
      %parallel_loop3A_288 = arith.index_cast %parallel_loop3A_112 : i32 to index
      %parallel_loop3A_289 = arith.constant 400 : index
      %parallel_loop3A_290 = tpu.vector_load %arg7[%parallel_loop3A_288, %parallel_loop3A_289] {strides = array<i32>} : memref<40x512xi32, #tpu.memory_space<vmem>>, vector<16xi32>,
      %parallel_loop3A_291 = tpu.vector_load_idx %arg6[%parallel_loop3A_290] : memref<1104xi32, #tpu.memory_space<vmem>>[vector<16xi32>], vector<16xi32>,
      %parallel_loop3A_292 = arith.index_cast %parallel_loop3A_112 : i32 to index
      %parallel_loop3A_293 = arith.constant 400 : index
      %parallel_loop3A_294 = tpu.vector_load %arg9[%parallel_loop3A_292, %parallel_loop3A_293] {strides = array<i32>} : memref<40x512xi32, #tpu.memory_space<vmem>>, vector<16xi32>,
      tpu.vector_store %arg9[%parallel_loop3A_292, %parallel_loop3A_293], %parallel_loop3A_291 {strides = array<i32>} : memref<40x512xi32, #tpu.memory_space<vmem>>, vector<16xi32>,
      %parallel_loop3A_295 = arith.index_cast %parallel_loop3A_112 : i32 to index
      %parallel_loop3A_296 = arith.constant 416 : index
      %parallel_loop3A_297 = tpu.vector_load %arg7[%parallel_loop3A_295, %parallel_loop3A_296] {strides = array<i32>} : memref<40x512xi32, #tpu.memory_space<vmem>>, vector<16xi32>,
      %parallel_loop3A_298 = tpu.vector_load_idx %arg6[%parallel_loop3A_297] : memref<1104xi32, #tpu.memory_space<vmem>>[vector<16xi32>], vector<16xi32>,
      %parallel_loop3A_299 = arith.index_cast %parallel_loop3A_112 : i32 to index
      %parallel_loop3A_300 = arith.constant 416 : index
      %parallel_loop3A_301 = tpu.vector_load %arg9[%parallel_loop3A_299, %parallel_loop3A_300] {strides = array<i32>} : memref<40x512xi32, #tpu.memory_space<vmem>>, vector<16xi32>,
      tpu.vector_store %arg9[%parallel_loop3A_299, %parallel_loop3A_300], %parallel_loop3A_298 {strides = array<i32>} : memref<40x512xi32, #tpu.memory_space<vmem>>, vector<16xi32>,
      %parallel_loop3A_302 = arith.index_cast %parallel_loop3A_112 : i32 to index
      %parallel_loop3A_303 = arith.constant 432 : index
      %parallel_loop3A_304 = tpu.vector_load %arg7[%parallel_loop3A_302, %parallel_loop3A_303] {strides = array<i32>} : memref<40x512xi32, #tpu.memory_space<vmem>>, vector<16xi32>,
      %parallel_loop3A_305 = tpu.vector_load_idx %arg6[%parallel_loop3A_304] : memref<1104xi32, #tpu.memory_space<vmem>>[vector<16xi32>], vector<16xi32>,
      %parallel_loop3A_306 = arith.index_cast %parallel_loop3A_112 : i32 to index
      %parallel_loop3A_307 = arith.constant 432 : index
      %parallel_loop3A_308 = tpu.vector_load %arg9[%parallel_loop3A_306, %parallel_loop3A_307] {strides = array<i32>} : memref<40x512xi32, #tpu.memory_space<vmem>>, vector<16xi32>,
      tpu.vector_store %arg9[%parallel_loop3A_306, %parallel_loop3A_307], %parallel_loop3A_305 {strides = array<i32>} : memref<40x512xi32, #tpu.memory_space<vmem>>, vector<16xi32>,
      %parallel_loop3A_309 = arith.index_cast %parallel_loop3A_112 : i32 to index
      %parallel_loop3A_310 = arith.constant 448 : index
      %parallel_loop3A_311 = tpu.vector_load %arg7[%parallel_loop3A_309, %parallel_loop3A_310] {strides = array<i32>} : memref<40x512xi32, #tpu.memory_space<vmem>>, vector<16xi32>,
      %parallel_loop3A_312 = tpu.vector_load_idx %arg6[%parallel_loop3A_311] : memref<1104xi32, #tpu.memory_space<vmem>>[vector<16xi32>], vector<16xi32>,
      %parallel_loop3A_313 = arith.index_cast %parallel_loop3A_112 : i32 to index
      %parallel_loop3A_314 = arith.constant 448 : index
      %parallel_loop3A_315 = tpu.vector_load %arg9[%parallel_loop3A_313, %parallel_loop3A_314] {strides = array<i32>} : memref<40x512xi32, #tpu.memory_space<vmem>>, vector<16xi32>,
      tpu.vector_store %arg9[%parallel_loop3A_313, %parallel_loop3A_314], %parallel_loop3A_312 {strides = array<i32>} : memref<40x512xi32, #tpu.memory_space<vmem>>, vector<16xi32>,
      %parallel_loop3A_316 = arith.index_cast %parallel_loop3A_112 : i32 to index
      %parallel_loop3A_317 = arith.constant 464 : index
      %parallel_loop3A_318 = tpu.vector_load %arg7[%parallel_loop3A_316, %parallel_loop3A_317] {strides = array<i32>} : memref<40x512xi32, #tpu.memory_space<vmem>>, vector<16xi32>,
      %parallel_loop3A_319 = tpu.vector_load_idx %arg6[%parallel_loop3A_318] : memref<1104xi32, #tpu.memory_space<vmem>>[vector<16xi32>], vector<16xi32>,
      %parallel_loop3A_320 = arith.index_cast %parallel_loop3A_112 : i32 to index
      %parallel_loop3A_321 = arith.constant 464 : index
      %parallel_loop3A_322 = tpu.vector_load %arg9[%parallel_loop3A_320, %parallel_loop3A_321] {strides = array<i32>} : memref<40x512xi32, #tpu.memory_space<vmem>>, vector<16xi32>,
      tpu.vector_store %arg9[%parallel_loop3A_320, %parallel_loop3A_321], %parallel_loop3A_319 {strides = array<i32>} : memref<40x512xi32, #tpu.memory_space<vmem>>, vector<16xi32>,
      %parallel_loop3A_323 = arith.index_cast %parallel_loop3A_112 : i32 to index
      %parallel_loop3A_324 = arith.constant 480 : index
      %parallel_loop3A_325 = tpu.vector_load %arg7[%parallel_loop3A_323, %parallel_loop3A_324] {strides = array<i32>} : memref<40x512xi32, #tpu.memory_space<vmem>>, vector<16xi32>,
      %parallel_loop3A_326 = tpu.vector_load_idx %arg6[%parallel_loop3A_325] : memref<1104xi32, #tpu.memory_space<vmem>>[vector<16xi32>], vector<16xi32>,
      %parallel_loop3A_327 = arith.index_cast %parallel_loop3A_112 : i32 to index
      %parallel_loop3A_328 = arith.constant 480 : index
      %parallel_loop3A_329 = tpu.vector_load %arg9[%parallel_loop3A_327, %parallel_loop3A_328] {strides = array<i32>} : memref<40x512xi32, #tpu.memory_space<vmem>>, vector<16xi32>,
      tpu.vector_store %arg9[%parallel_loop3A_327, %parallel_loop3A_328], %parallel_loop3A_326 {strides = array<i32>} : memref<40x512xi32, #tpu.memory_space<vmem>>, vector<16xi32>,
      %parallel_loop3A_330 = arith.index_cast %parallel_loop3A_112 : i32 to index
      %parallel_loop3A_331 = arith.constant 496 : index
      %parallel_loop3A_332 = tpu.vector_load %arg7[%parallel_loop3A_330, %parallel_loop3A_331] {strides = array<i32>} : memref<40x512xi32, #tpu.memory_space<vmem>>, vector<16xi32>,
      %parallel_loop3A_333 = tpu.vector_load_idx %arg6[%parallel_loop3A_332] : memref<1104xi32, #tpu.memory_space<vmem>>[vector<16xi32>], vector<16xi32>,
      %parallel_loop3A_334 = arith.index_cast %parallel_loop3A_112 : i32 to index
      %parallel_loop3A_335 = arith.constant 496 : index
      %parallel_loop3A_336 = tpu.vector_load %arg9[%parallel_loop3A_334, %parallel_loop3A_335] {strides = array<i32>} : memref<40x512xi32, #tpu.memory_space<vmem>>, vector<16xi32>,
      tpu.vector_store %arg9[%parallel_loop3A_334, %parallel_loop3A_335], %parallel_loop3A_333 {strides = array<i32>} : memref<40x512xi32, #tpu.memory_space<vmem>>, vector<16xi32>,
    } {sc.loop_unroll_factor = 1 : i64, sc.parallel_access}
    %dma_start3A_32 = arith.constant 0 : i32
    %dma_start3A_33 = tpu.memref_slice %arg4[%dma_start3A_32, %mul3A_2] : memref<200x16384xi32, #tpu.memory_space<hbm>> -> memref<40x512xi32, #tpu.memory_space<hbm>>
    %dma_start3A_34 = arith.constant 0 : i32
    %dma_start3A_35 = tpu.memref_slice %arg4[%dma_start3A_34, %mul3A_2] : memref<200x16384xi32, #tpu.memory_space<hbm>> -> memref<40x512xi32, #tpu.memory_space<hbm>>
    tpu.enqueue_dma source(%arg9 : memref<40x512xi32, #tpu.memory_space<vmem>>) target(%dma_start3A_35 : memref<40x512xi32, #tpu.memory_space<hbm>>) target_semaphore(%arg13 : memref<!tpu.dma_semaphore, #tpu.memory_space<semaphore_mem>>)
    %dma_start3A_36 = arith.constant 80 : i32
    %dma_start3A_37 = tpu.memref_slice %arg2[%dma_start3A_36, %mul3A_2] : memref<200x16384xi32, #tpu.memory_space<hbm>> -> memref<40x512xi32, #tpu.memory_space<hbm>>
    %dma_start3A_38 = arith.constant 80 : i32
    %dma_start3A_39 = tpu.memref_slice %arg2[%dma_start3A_38, %mul3A_2] : memref<200x16384xi32, #tpu.memory_space<hbm>> -> memref<40x512xi32, #tpu.memory_space<hbm>>
    tpu.enqueue_dma source(%dma_start3A_39 : memref<40x512xi32, #tpu.memory_space<hbm>>) target(%arg7 : memref<40x512xi32, #tpu.memory_space<vmem>>) target_semaphore(%arg11 : memref<!tpu.dma_semaphore, #tpu.memory_space<semaphore_mem>>)
    %dma_wait3A_40 = arith.constant 40 : i32
    %dma_wait3A_41 = tpu.memref_slice %arg2[%dma_wait3A_40, %mul3A_2] : memref<200x16384xi32, #tpu.memory_space<hbm>> -> memref<40x512xi32, #tpu.memory_space<hbm>>
    %dma_wait3A_42 = arith.constant 40 : i32
    %dma_wait3A_43 = tpu.memref_slice %arg2[%dma_wait3A_42, %mul3A_2] : memref<200x16384xi32, #tpu.memory_space<hbm>> -> memref<40x512xi32, #tpu.memory_space<hbm>>
    tpu.wait_dma2 semaphore(%arg12 : memref<!tpu.dma_semaphore, #tpu.memory_space<semaphore_mem>>) src(%dma_wait3A_43 : memref<40x512xi32, #tpu.memory_space<hbm>>) dst(%arg8 : memref<40x512xi32, #tpu.memory_space<vmem>>)
    %parallel_loop3A_44 = arith.constant 0 : i32
    %parallel_loop3A_45 = arith.constant 40 : i32
    %parallel_loop3A_46 = arith.constant 1 : i32
    scf.for %parallel_loop3A_112 = %parallel_loop3A_44 to %parallel_loop3A_45 step %parallel_loop3A_46  : i32 {
      %parallel_loop3A_113 = arith.index_cast %parallel_loop3A_112 : i32 to index
      %parallel_loop3A_114 = arith.constant 0 : index
      %parallel_loop3A_115 = tpu.vector_load %arg8[%parallel_loop3A_113, %parallel_loop3A_114] {strides = array<i32>} : memref<40x512xi32, #tpu.memory_space<vmem>>, vector<16xi32>,
      %parallel_loop3A_116 = tpu.vector_load_idx %arg6[%parallel_loop3A_115] : memref<1104xi32, #tpu.memory_space<vmem>>[vector<16xi32>], vector<16xi32>,
      %parallel_loop3A_117 = arith.index_cast %parallel_loop3A_112 : i32 to index
      %parallel_loop3A_118 = arith.constant 0 : index
      %parallel_loop3A_119 = tpu.vector_load %arg10[%parallel_loop3A_117, %parallel_loop3A_118] {strides = array<i32>} : memref<40x512xi32, #tpu.memory_space<vmem>>, vector<16xi32>,
      tpu.vector_store %arg10[%parallel_loop3A_117, %parallel_loop3A_118], %parallel_loop3A_116 {strides = array<i32>} : memref<40x512xi32, #tpu.memory_space<vmem>>, vector<16xi32>,
      %parallel_loop3A_120 = arith.index_cast %parallel_loop3A_112 : i32 to index
      %parallel_loop3A_121 = arith.constant 16 : index
      %parallel_loop3A_122 = tpu.vector_load %arg8[%parallel_loop3A_120, %parallel_loop3A_121] {strides = array<i32>} : memref<40x512xi32, #tpu.memory_space<vmem>>, vector<16xi32>,
      %parallel_loop3A_123 = tpu.vector_load_idx %arg6[%parallel_loop3A_122] : memref<1104xi32, #tpu.memory_space<vmem>>[vector<16xi32>], vector<16xi32>,
      %parallel_loop3A_124 = arith.index_cast %parallel_loop3A_112 : i32 to index
      %parallel_loop3A_125 = arith.constant 16 : index
      %parallel_loop3A_126 = tpu.vector_load %arg10[%parallel_loop3A_124, %parallel_loop3A_125] {strides = array<i32>} : memref<40x512xi32, #tpu.memory_space<vmem>>, vector<16xi32>,
      tpu.vector_store %arg10[%parallel_loop3A_124, %parallel_loop3A_125], %parallel_loop3A_123 {strides = array<i32>} : memref<40x512xi32, #tpu.memory_space<vmem>>, vector<16xi32>,
      %parallel_loop3A_127 = arith.index_cast %parallel_loop3A_112 : i32 to index
      %parallel_loop3A_128 = arith.constant 32 : index
      %parallel_loop3A_129 = tpu.vector_load %arg8[%parallel_loop3A_127, %parallel_loop3A_128] {strides = array<i32>} : memref<40x512xi32, #tpu.memory_space<vmem>>, vector<16xi32>,
      %parallel_loop3A_130 = tpu.vector_load_idx %arg6[%parallel_loop3A_129] : memref<1104xi32, #tpu.memory_space<vmem>>[vector<16xi32>], vector<16xi32>,
      %parallel_loop3A_131 = arith.index_cast %parallel_loop3A_112 : i32 to index
      %parallel_loop3A_132 = arith.constant 32 : index
      %parallel_loop3A_133 = tpu.vector_load %arg10[%parallel_loop3A_131, %parallel_loop3A_132] {strides = array<i32>} : memref<40x512xi32, #tpu.memory_space<vmem>>, vector<16xi32>,
      tpu.vector_store %arg10[%parallel_loop3A_131, %parallel_loop3A_132], %parallel_loop3A_130 {strides = array<i32>} : memref<40x512xi32, #tpu.memory_space<vmem>>, vector<16xi32>,
      %parallel_loop3A_134 = arith.index_cast %parallel_loop3A_112 : i32 to index
      %parallel_loop3A_135 = arith.constant 48 : index
      %parallel_loop3A_136 = tpu.vector_load %arg8[%parallel_loop3A_134, %parallel_loop3A_135] {strides = array<i32>} : memref<40x512xi32, #tpu.memory_space<vmem>>, vector<16xi32>,
      %parallel_loop3A_137 = tpu.vector_load_idx %arg6[%parallel_loop3A_136] : memref<1104xi32, #tpu.memory_space<vmem>>[vector<16xi32>], vector<16xi32>,
      %parallel_loop3A_138 = arith.index_cast %parallel_loop3A_112 : i32 to index
      %parallel_loop3A_139 = arith.constant 48 : index
      %parallel_loop3A_140 = tpu.vector_load %arg10[%parallel_loop3A_138, %parallel_loop3A_139] {strides = array<i32>} : memref<40x512xi32, #tpu.memory_space<vmem>>, vector<16xi32>,
      tpu.vector_store %arg10[%parallel_loop3A_138, %parallel_loop3A_139], %parallel_loop3A_137 {strides = array<i32>} : memref<40x512xi32, #tpu.memory_space<vmem>>, vector<16xi32>,
      %parallel_loop3A_141 = arith.index_cast %parallel_loop3A_112 : i32 to index
      %parallel_loop3A_142 = arith.constant 64 : index
      %parallel_loop3A_143 = tpu.vector_load %arg8[%parallel_loop3A_141, %parallel_loop3A_142] {strides = array<i32>} : memref<40x512xi32, #tpu.memory_space<vmem>>, vector<16xi32>,
      %parallel_loop3A_144 = tpu.vector_load_idx %arg6[%parallel_loop3A_143] : memref<1104xi32, #tpu.memory_space<vmem>>[vector<16xi32>], vector<16xi32>,
      %parallel_loop3A_145 = arith.index_cast %parallel_loop3A_112 : i32 to index
      %parallel_loop3A_146 = arith.constant 64 : index
      %parallel_loop3A_147 = tpu.vector_load %arg10[%parallel_loop3A_145, %parallel_loop3A_146] {strides = array<i32>} : memref<40x512xi32, #tpu.memory_space<vmem>>, vector<16xi32>,
      tpu.vector_store %arg10[%parallel_loop3A_145, %parallel_loop3A_146], %parallel_loop3A_144 {strides = array<i32>} : memref<40x512xi32, #tpu.memory_space<vmem>>, vector<16xi32>,
      %parallel_loop3A_148 = arith.index_cast %parallel_loop3A_112 : i32 to index
      %parallel_loop3A_149 = arith.constant 80 : index
      %parallel_loop3A_150 = tpu.vector_load %arg8[%parallel_loop3A_148, %parallel_loop3A_149] {strides = array<i32>} : memref<40x512xi32, #tpu.memory_space<vmem>>, vector<16xi32>,
      %parallel_loop3A_151 = tpu.vector_load_idx %arg6[%parallel_loop3A_150] : memref<1104xi32, #tpu.memory_space<vmem>>[vector<16xi32>], vector<16xi32>,
      %parallel_loop3A_152 = arith.index_cast %parallel_loop3A_112 : i32 to index
      %parallel_loop3A_153 = arith.constant 80 : index
      %parallel_loop3A_154 = tpu.vector_load %arg10[%parallel_loop3A_152, %parallel_loop3A_153] {strides = array<i32>} : memref<40x512xi32, #tpu.memory_space<vmem>>, vector<16xi32>,
      tpu.vector_store %arg10[%parallel_loop3A_152, %parallel_loop3A_153], %parallel_loop3A_151 {strides = array<i32>} : memref<40x512xi32, #tpu.memory_space<vmem>>, vector<16xi32>,
      %parallel_loop3A_155 = arith.index_cast %parallel_loop3A_112 : i32 to index
      %parallel_loop3A_156 = arith.constant 96 : index
      %parallel_loop3A_157 = tpu.vector_load %arg8[%parallel_loop3A_155, %parallel_loop3A_156] {strides = array<i32>} : memref<40x512xi32, #tpu.memory_space<vmem>>, vector<16xi32>,
      %parallel_loop3A_158 = tpu.vector_load_idx %arg6[%parallel_loop3A_157] : memref<1104xi32, #tpu.memory_space<vmem>>[vector<16xi32>], vector<16xi32>,
      %parallel_loop3A_159 = arith.index_cast %parallel_loop3A_112 : i32 to index
      %parallel_loop3A_160 = arith.constant 96 : index
      %parallel_loop3A_161 = tpu.vector_load %arg10[%parallel_loop3A_159, %parallel_loop3A_160] {strides = array<i32>} : memref<40x512xi32, #tpu.memory_space<vmem>>, vector<16xi32>,
      tpu.vector_store %arg10[%parallel_loop3A_159, %parallel_loop3A_160], %parallel_loop3A_158 {strides = array<i32>} : memref<40x512xi32, #tpu.memory_space<vmem>>, vector<16xi32>,
      %parallel_loop3A_162 = arith.index_cast %parallel_loop3A_112 : i32 to index
      %parallel_loop3A_163 = arith.constant 112 : index
      %parallel_loop3A_164 = tpu.vector_load %arg8[%parallel_loop3A_162, %parallel_loop3A_163] {strides = array<i32>} : memref<40x512xi32, #tpu.memory_space<vmem>>, vector<16xi32>,
      %parallel_loop3A_165 = tpu.vector_load_idx %arg6[%parallel_loop3A_164] : memref<1104xi32, #tpu.memory_space<vmem>>[vector<16xi32>], vector<16xi32>,
      %parallel_loop3A_166 = arith.index_cast %parallel_loop3A_112 : i32 to index
      %parallel_loop3A_167 = arith.constant 112 : index
      %parallel_loop3A_168 = tpu.vector_load %arg10[%parallel_loop3A_166, %parallel_loop3A_167] {strides = array<i32>} : memref<40x512xi32, #tpu.memory_space<vmem>>, vector<16xi32>,
      tpu.vector_store %arg10[%parallel_loop3A_166, %parallel_loop3A_167], %parallel_loop3A_165 {strides = array<i32>} : memref<40x512xi32, #tpu.memory_space<vmem>>, vector<16xi32>,
      %parallel_loop3A_169 = arith.index_cast %parallel_loop3A_112 : i32 to index
      %parallel_loop3A_170 = arith.constant 128 : index
      %parallel_loop3A_171 = tpu.vector_load %arg8[%parallel_loop3A_169, %parallel_loop3A_170] {strides = array<i32>} : memref<40x512xi32, #tpu.memory_space<vmem>>, vector<16xi32>,
      %parallel_loop3A_172 = tpu.vector_load_idx %arg6[%parallel_loop3A_171] : memref<1104xi32, #tpu.memory_space<vmem>>[vector<16xi32>], vector<16xi32>,
      %parallel_loop3A_173 = arith.index_cast %parallel_loop3A_112 : i32 to index
      %parallel_loop3A_174 = arith.constant 128 : index
      %parallel_loop3A_175 = tpu.vector_load %arg10[%parallel_loop3A_173, %parallel_loop3A_174] {strides = array<i32>} : memref<40x512xi32, #tpu.memory_space<vmem>>, vector<16xi32>,
      tpu.vector_store %arg10[%parallel_loop3A_173, %parallel_loop3A_174], %parallel_loop3A_172 {strides = array<i32>} : memref<40x512xi32, #tpu.memory_space<vmem>>, vector<16xi32>,
      %parallel_loop3A_176 = arith.index_cast %parallel_loop3A_112 : i32 to index
      %parallel_loop3A_177 = arith.constant 144 : index
      %parallel_loop3A_178 = tpu.vector_load %arg8[%parallel_loop3A_176, %parallel_loop3A_177] {strides = array<i32>} : memref<40x512xi32, #tpu.memory_space<vmem>>, vector<16xi32>,
      %parallel_loop3A_179 = tpu.vector_load_idx %arg6[%parallel_loop3A_178] : memref<1104xi32, #tpu.memory_space<vmem>>[vector<16xi32>], vector<16xi32>,
      %parallel_loop3A_180 = arith.index_cast %parallel_loop3A_112 : i32 to index
      %parallel_loop3A_181 = arith.constant 144 : index
      %parallel_loop3A_182 = tpu.vector_load %arg10[%parallel_loop3A_180, %parallel_loop3A_181] {strides = array<i32>} : memref<40x512xi32, #tpu.memory_space<vmem>>, vector<16xi32>,
      tpu.vector_store %arg10[%parallel_loop3A_180, %parallel_loop3A_181], %parallel_loop3A_179 {strides = array<i32>} : memref<40x512xi32, #tpu.memory_space<vmem>>, vector<16xi32>,
      %parallel_loop3A_183 = arith.index_cast %parallel_loop3A_112 : i32 to index
      %parallel_loop3A_184 = arith.constant 160 : index
      %parallel_loop3A_185 = tpu.vector_load %arg8[%parallel_loop3A_183, %parallel_loop3A_184] {strides = array<i32>} : memref<40x512xi32, #tpu.memory_space<vmem>>, vector<16xi32>,
      %parallel_loop3A_186 = tpu.vector_load_idx %arg6[%parallel_loop3A_185] : memref<1104xi32, #tpu.memory_space<vmem>>[vector<16xi32>], vector<16xi32>,
      %parallel_loop3A_187 = arith.index_cast %parallel_loop3A_112 : i32 to index
      %parallel_loop3A_188 = arith.constant 160 : index
      %parallel_loop3A_189 = tpu.vector_load %arg10[%parallel_loop3A_187, %parallel_loop3A_188] {strides = array<i32>} : memref<40x512xi32, #tpu.memory_space<vmem>>, vector<16xi32>,
      tpu.vector_store %arg10[%parallel_loop3A_187, %parallel_loop3A_188], %parallel_loop3A_186 {strides = array<i32>} : memref<40x512xi32, #tpu.memory_space<vmem>>, vector<16xi32>,
      %parallel_loop3A_190 = arith.index_cast %parallel_loop3A_112 : i32 to index
      %parallel_loop3A_191 = arith.constant 176 : index
      %parallel_loop3A_192 = tpu.vector_load %arg8[%parallel_loop3A_190, %parallel_loop3A_191] {strides = array<i32>} : memref<40x512xi32, #tpu.memory_space<vmem>>, vector<16xi32>,
      %parallel_loop3A_193 = tpu.vector_load_idx %arg6[%parallel_loop3A_192] : memref<1104xi32, #tpu.memory_space<vmem>>[vector<16xi32>], vector<16xi32>,
      %parallel_loop3A_194 = arith.index_cast %parallel_loop3A_112 : i32 to index
      %parallel_loop3A_195 = arith.constant 176 : index
      %parallel_loop3A_196 = tpu.vector_load %arg10[%parallel_loop3A_194, %parallel_loop3A_195] {strides = array<i32>} : memref<40x512xi32, #tpu.memory_space<vmem>>, vector<16xi32>,
      tpu.vector_store %arg10[%parallel_loop3A_194, %parallel_loop3A_195], %parallel_loop3A_193 {strides = array<i32>} : memref<40x512xi32, #tpu.memory_space<vmem>>, vector<16xi32>,
      %parallel_loop3A_197 = arith.index_cast %parallel_loop3A_112 : i32 to index
      %parallel_loop3A_198 = arith.constant 192 : index
      %parallel_loop3A_199 = tpu.vector_load %arg8[%parallel_loop3A_197, %parallel_loop3A_198] {strides = array<i32>} : memref<40x512xi32, #tpu.memory_space<vmem>>, vector<16xi32>,
      %parallel_loop3A_200 = tpu.vector_load_idx %arg6[%parallel_loop3A_199] : memref<1104xi32, #tpu.memory_space<vmem>>[vector<16xi32>], vector<16xi32>,
      %parallel_loop3A_201 = arith.index_cast %parallel_loop3A_112 : i32 to index
      %parallel_loop3A_202 = arith.constant 192 : index
      %parallel_loop3A_203 = tpu.vector_load %arg10[%parallel_loop3A_201, %parallel_loop3A_202] {strides = array<i32>} : memref<40x512xi32, #tpu.memory_space<vmem>>, vector<16xi32>,
      tpu.vector_store %arg10[%parallel_loop3A_201, %parallel_loop3A_202], %parallel_loop3A_200 {strides = array<i32>} : memref<40x512xi32, #tpu.memory_space<vmem>>, vector<16xi32>,
      %parallel_loop3A_204 = arith.index_cast %parallel_loop3A_112 : i32 to index
      %parallel_loop3A_205 = arith.constant 208 : index
      %parallel_loop3A_206 = tpu.vector_load %arg8[%parallel_loop3A_204, %parallel_loop3A_205] {strides = array<i32>} : memref<40x512xi32, #tpu.memory_space<vmem>>, vector<16xi32>,
      %parallel_loop3A_207 = tpu.vector_load_idx %arg6[%parallel_loop3A_206] : memref<1104xi32, #tpu.memory_space<vmem>>[vector<16xi32>], vector<16xi32>,
      %parallel_loop3A_208 = arith.index_cast %parallel_loop3A_112 : i32 to index
      %parallel_loop3A_209 = arith.constant 208 : index
      %parallel_loop3A_210 = tpu.vector_load %arg10[%parallel_loop3A_208, %parallel_loop3A_209] {strides = array<i32>} : memref<40x512xi32, #tpu.memory_space<vmem>>, vector<16xi32>,
      tpu.vector_store %arg10[%parallel_loop3A_208, %parallel_loop3A_209], %parallel_loop3A_207 {strides = array<i32>} : memref<40x512xi32, #tpu.memory_space<vmem>>, vector<16xi32>,
      %parallel_loop3A_211 = arith.index_cast %parallel_loop3A_112 : i32 to index
      %parallel_loop3A_212 = arith.constant 224 : index
      %parallel_loop3A_213 = tpu.vector_load %arg8[%parallel_loop3A_211, %parallel_loop3A_212] {strides = array<i32>} : memref<40x512xi32, #tpu.memory_space<vmem>>, vector<16xi32>,
      %parallel_loop3A_214 = tpu.vector_load_idx %arg6[%parallel_loop3A_213] : memref<1104xi32, #tpu.memory_space<vmem>>[vector<16xi32>], vector<16xi32>,
      %parallel_loop3A_215 = arith.index_cast %parallel_loop3A_112 : i32 to index
      %parallel_loop3A_216 = arith.constant 224 : index
      %parallel_loop3A_217 = tpu.vector_load %arg10[%parallel_loop3A_215, %parallel_loop3A_216] {strides = array<i32>} : memref<40x512xi32, #tpu.memory_space<vmem>>, vector<16xi32>,
      tpu.vector_store %arg10[%parallel_loop3A_215, %parallel_loop3A_216], %parallel_loop3A_214 {strides = array<i32>} : memref<40x512xi32, #tpu.memory_space<vmem>>, vector<16xi32>,
      %parallel_loop3A_218 = arith.index_cast %parallel_loop3A_112 : i32 to index
      %parallel_loop3A_219 = arith.constant 240 : index
      %parallel_loop3A_220 = tpu.vector_load %arg8[%parallel_loop3A_218, %parallel_loop3A_219] {strides = array<i32>} : memref<40x512xi32, #tpu.memory_space<vmem>>, vector<16xi32>,
      %parallel_loop3A_221 = tpu.vector_load_idx %arg6[%parallel_loop3A_220] : memref<1104xi32, #tpu.memory_space<vmem>>[vector<16xi32>], vector<16xi32>,
      %parallel_loop3A_222 = arith.index_cast %parallel_loop3A_112 : i32 to index
      %parallel_loop3A_223 = arith.constant 240 : index
      %parallel_loop3A_224 = tpu.vector_load %arg10[%parallel_loop3A_222, %parallel_loop3A_223] {strides = array<i32>} : memref<40x512xi32, #tpu.memory_space<vmem>>, vector<16xi32>,
      tpu.vector_store %arg10[%parallel_loop3A_222, %parallel_loop3A_223], %parallel_loop3A_221 {strides = array<i32>} : memref<40x512xi32, #tpu.memory_space<vmem>>, vector<16xi32>,
      %parallel_loop3A_225 = arith.index_cast %parallel_loop3A_112 : i32 to index
      %parallel_loop3A_226 = arith.constant 256 : index
      %parallel_loop3A_227 = tpu.vector_load %arg8[%parallel_loop3A_225, %parallel_loop3A_226] {strides = array<i32>} : memref<40x512xi32, #tpu.memory_space<vmem>>, vector<16xi32>,
      %parallel_loop3A_228 = tpu.vector_load_idx %arg6[%parallel_loop3A_227] : memref<1104xi32, #tpu.memory_space<vmem>>[vector<16xi32>], vector<16xi32>,
      %parallel_loop3A_229 = arith.index_cast %parallel_loop3A_112 : i32 to index
      %parallel_loop3A_230 = arith.constant 256 : index
      %parallel_loop3A_231 = tpu.vector_load %arg10[%parallel_loop3A_229, %parallel_loop3A_230] {strides = array<i32>} : memref<40x512xi32, #tpu.memory_space<vmem>>, vector<16xi32>,
      tpu.vector_store %arg10[%parallel_loop3A_229, %parallel_loop3A_230], %parallel_loop3A_228 {strides = array<i32>} : memref<40x512xi32, #tpu.memory_space<vmem>>, vector<16xi32>,
      %parallel_loop3A_232 = arith.index_cast %parallel_loop3A_112 : i32 to index
      %parallel_loop3A_233 = arith.constant 272 : index
      %parallel_loop3A_234 = tpu.vector_load %arg8[%parallel_loop3A_232, %parallel_loop3A_233] {strides = array<i32>} : memref<40x512xi32, #tpu.memory_space<vmem>>, vector<16xi32>,
      %parallel_loop3A_235 = tpu.vector_load_idx %arg6[%parallel_loop3A_234] : memref<1104xi32, #tpu.memory_space<vmem>>[vector<16xi32>], vector<16xi32>,
      %parallel_loop3A_236 = arith.index_cast %parallel_loop3A_112 : i32 to index
      %parallel_loop3A_237 = arith.constant 272 : index
      %parallel_loop3A_238 = tpu.vector_load %arg10[%parallel_loop3A_236, %parallel_loop3A_237] {strides = array<i32>} : memref<40x512xi32, #tpu.memory_space<vmem>>, vector<16xi32>,
      tpu.vector_store %arg10[%parallel_loop3A_236, %parallel_loop3A_237], %parallel_loop3A_235 {strides = array<i32>} : memref<40x512xi32, #tpu.memory_space<vmem>>, vector<16xi32>,
      %parallel_loop3A_239 = arith.index_cast %parallel_loop3A_112 : i32 to index
      %parallel_loop3A_240 = arith.constant 288 : index
      %parallel_loop3A_241 = tpu.vector_load %arg8[%parallel_loop3A_239, %parallel_loop3A_240] {strides = array<i32>} : memref<40x512xi32, #tpu.memory_space<vmem>>, vector<16xi32>,
      %parallel_loop3A_242 = tpu.vector_load_idx %arg6[%parallel_loop3A_241] : memref<1104xi32, #tpu.memory_space<vmem>>[vector<16xi32>], vector<16xi32>,
      %parallel_loop3A_243 = arith.index_cast %parallel_loop3A_112 : i32 to index
      %parallel_loop3A_244 = arith.constant 288 : index
      %parallel_loop3A_245 = tpu.vector_load %arg10[%parallel_loop3A_243, %parallel_loop3A_244] {strides = array<i32>} : memref<40x512xi32, #tpu.memory_space<vmem>>, vector<16xi32>,
      tpu.vector_store %arg10[%parallel_loop3A_243, %parallel_loop3A_244], %parallel_loop3A_242 {strides = array<i32>} : memref<40x512xi32, #tpu.memory_space<vmem>>, vector<16xi32>,
      %parallel_loop3A_246 = arith.index_cast %parallel_loop3A_112 : i32 to index
      %parallel_loop3A_247 = arith.constant 304 : index
      %parallel_loop3A_248 = tpu.vector_load %arg8[%parallel_loop3A_246, %parallel_loop3A_247] {strides = array<i32>} : memref<40x512xi32, #tpu.memory_space<vmem>>, vector<16xi32>,
      %parallel_loop3A_249 = tpu.vector_load_idx %arg6[%parallel_loop3A_248] : memref<1104xi32, #tpu.memory_space<vmem>>[vector<16xi32>], vector<16xi32>,
      %parallel_loop3A_250 = arith.index_cast %parallel_loop3A_112 : i32 to index
      %parallel_loop3A_251 = arith.constant 304 : index
      %parallel_loop3A_252 = tpu.vector_load %arg10[%parallel_loop3A_250, %parallel_loop3A_251] {strides = array<i32>} : memref<40x512xi32, #tpu.memory_space<vmem>>, vector<16xi32>,
      tpu.vector_store %arg10[%parallel_loop3A_250, %parallel_loop3A_251], %parallel_loop3A_249 {strides = array<i32>} : memref<40x512xi32, #tpu.memory_space<vmem>>, vector<16xi32>,
      %parallel_loop3A_253 = arith.index_cast %parallel_loop3A_112 : i32 to index
      %parallel_loop3A_254 = arith.constant 320 : index
      %parallel_loop3A_255 = tpu.vector_load %arg8[%parallel_loop3A_253, %parallel_loop3A_254] {strides = array<i32>} : memref<40x512xi32, #tpu.memory_space<vmem>>, vector<16xi32>,
      %parallel_loop3A_256 = tpu.vector_load_idx %arg6[%parallel_loop3A_255] : memref<1104xi32, #tpu.memory_space<vmem>>[vector<16xi32>], vector<16xi32>,
      %parallel_loop3A_257 = arith.index_cast %parallel_loop3A_112 : i32 to index
      %parallel_loop3A_258 = arith.constant 320 : index
      %parallel_loop3A_259 = tpu.vector_load %arg10[%parallel_loop3A_257, %parallel_loop3A_258] {strides = array<i32>} : memref<40x512xi32, #tpu.memory_space<vmem>>, vector<16xi32>,
      tpu.vector_store %arg10[%parallel_loop3A_257, %parallel_loop3A_258], %parallel_loop3A_256 {strides = array<i32>} : memref<40x512xi32, #tpu.memory_space<vmem>>, vector<16xi32>,
      %parallel_loop3A_260 = arith.index_cast %parallel_loop3A_112 : i32 to index
      %parallel_loop3A_261 = arith.constant 336 : index
      %parallel_loop3A_262 = tpu.vector_load %arg8[%parallel_loop3A_260, %parallel_loop3A_261] {strides = array<i32>} : memref<40x512xi32, #tpu.memory_space<vmem>>, vector<16xi32>,
      %parallel_loop3A_263 = tpu.vector_load_idx %arg6[%parallel_loop3A_262] : memref<1104xi32, #tpu.memory_space<vmem>>[vector<16xi32>], vector<16xi32>,
      %parallel_loop3A_264 = arith.index_cast %parallel_loop3A_112 : i32 to index
      %parallel_loop3A_265 = arith.constant 336 : index
      %parallel_loop3A_266 = tpu.vector_load %arg10[%parallel_loop3A_264, %parallel_loop3A_265] {strides = array<i32>} : memref<40x512xi32, #tpu.memory_space<vmem>>, vector<16xi32>,
      tpu.vector_store %arg10[%parallel_loop3A_264, %parallel_loop3A_265], %parallel_loop3A_263 {strides = array<i32>} : memref<40x512xi32, #tpu.memory_space<vmem>>, vector<16xi32>,
      %parallel_loop3A_267 = arith.index_cast %parallel_loop3A_112 : i32 to index
      %parallel_loop3A_268 = arith.constant 352 : index
      %parallel_loop3A_269 = tpu.vector_load %arg8[%parallel_loop3A_267, %parallel_loop3A_268] {strides = array<i32>} : memref<40x512xi32, #tpu.memory_space<vmem>>, vector<16xi32>,
      %parallel_loop3A_270 = tpu.vector_load_idx %arg6[%parallel_loop3A_269] : memref<1104xi32, #tpu.memory_space<vmem>>[vector<16xi32>], vector<16xi32>,
      %parallel_loop3A_271 = arith.index_cast %parallel_loop3A_112 : i32 to index
      %parallel_loop3A_272 = arith.constant 352 : index
      %parallel_loop3A_273 = tpu.vector_load %arg10[%parallel_loop3A_271, %parallel_loop3A_272] {strides = array<i32>} : memref<40x512xi32, #tpu.memory_space<vmem>>, vector<16xi32>,
      tpu.vector_store %arg10[%parallel_loop3A_271, %parallel_loop3A_272], %parallel_loop3A_270 {strides = array<i32>} : memref<40x512xi32, #tpu.memory_space<vmem>>, vector<16xi32>,
      %parallel_loop3A_274 = arith.index_cast %parallel_loop3A_112 : i32 to index
      %parallel_loop3A_275 = arith.constant 368 : index
      %parallel_loop3A_276 = tpu.vector_load %arg8[%parallel_loop3A_274, %parallel_loop3A_275] {strides = array<i32>} : memref<40x512xi32, #tpu.memory_space<vmem>>, vector<16xi32>,
      %parallel_loop3A_277 = tpu.vector_load_idx %arg6[%parallel_loop3A_276] : memref<1104xi32, #tpu.memory_space<vmem>>[vector<16xi32>], vector<16xi32>,
      %parallel_loop3A_278 = arith.index_cast %parallel_loop3A_112 : i32 to index
      %parallel_loop3A_279 = arith.constant 368 : index
      %parallel_loop3A_280 = tpu.vector_load %arg10[%parallel_loop3A_278, %parallel_loop3A_279] {strides = array<i32>} : memref<40x512xi32, #tpu.memory_space<vmem>>, vector<16xi32>,
      tpu.vector_store %arg10[%parallel_loop3A_278, %parallel_loop3A_279], %parallel_loop3A_277 {strides = array<i32>} : memref<40x512xi32, #tpu.memory_space<vmem>>, vector<16xi32>,
      %parallel_loop3A_281 = arith.index_cast %parallel_loop3A_112 : i32 to index
      %parallel_loop3A_282 = arith.constant 384 : index
      %parallel_loop3A_283 = tpu.vector_load %arg8[%parallel_loop3A_281, %parallel_loop3A_282] {strides = array<i32>} : memref<40x512xi32, #tpu.memory_space<vmem>>, vector<16xi32>,
      %parallel_loop3A_284 = tpu.vector_load_idx %arg6[%parallel_loop3A_283] : memref<1104xi32, #tpu.memory_space<vmem>>[vector<16xi32>], vector<16xi32>,
      %parallel_loop3A_285 = arith.index_cast %parallel_loop3A_112 : i32 to index
      %parallel_loop3A_286 = arith.constant 384 : index
      %parallel_loop3A_287 = tpu.vector_load %arg10[%parallel_loop3A_285, %parallel_loop3A_286] {strides = array<i32>} : memref<40x512xi32, #tpu.memory_space<vmem>>, vector<16xi32>,
      tpu.vector_store %arg10[%parallel_loop3A_285, %parallel_loop3A_286], %parallel_loop3A_284 {strides = array<i32>} : memref<40x512xi32, #tpu.memory_space<vmem>>, vector<16xi32>,
      %parallel_loop3A_288 = arith.index_cast %parallel_loop3A_112 : i32 to index
      %parallel_loop3A_289 = arith.constant 400 : index
      %parallel_loop3A_290 = tpu.vector_load %arg8[%parallel_loop3A_288, %parallel_loop3A_289] {strides = array<i32>} : memref<40x512xi32, #tpu.memory_space<vmem>>, vector<16xi32>,
      %parallel_loop3A_291 = tpu.vector_load_idx %arg6[%parallel_loop3A_290] : memref<1104xi32, #tpu.memory_space<vmem>>[vector<16xi32>], vector<16xi32>,
      %parallel_loop3A_292 = arith.index_cast %parallel_loop3A_112 : i32 to index
      %parallel_loop3A_293 = arith.constant 400 : index
      %parallel_loop3A_294 = tpu.vector_load %arg10[%parallel_loop3A_292, %parallel_loop3A_293] {strides = array<i32>} : memref<40x512xi32, #tpu.memory_space<vmem>>, vector<16xi32>,
      tpu.vector_store %arg10[%parallel_loop3A_292, %parallel_loop3A_293], %parallel_loop3A_291 {strides = array<i32>} : memref<40x512xi32, #tpu.memory_space<vmem>>, vector<16xi32>,
      %parallel_loop3A_295 = arith.index_cast %parallel_loop3A_112 : i32 to index
      %parallel_loop3A_296 = arith.constant 416 : index
      %parallel_loop3A_297 = tpu.vector_load %arg8[%parallel_loop3A_295, %parallel_loop3A_296] {strides = array<i32>} : memref<40x512xi32, #tpu.memory_space<vmem>>, vector<16xi32>,
      %parallel_loop3A_298 = tpu.vector_load_idx %arg6[%parallel_loop3A_297] : memref<1104xi32, #tpu.memory_space<vmem>>[vector<16xi32>], vector<16xi32>,
      %parallel_loop3A_299 = arith.index_cast %parallel_loop3A_112 : i32 to index
      %parallel_loop3A_300 = arith.constant 416 : index
      %parallel_loop3A_301 = tpu.vector_load %arg10[%parallel_loop3A_299, %parallel_loop3A_300] {strides = array<i32>} : memref<40x512xi32, #tpu.memory_space<vmem>>, vector<16xi32>,
      tpu.vector_store %arg10[%parallel_loop3A_299, %parallel_loop3A_300], %parallel_loop3A_298 {strides = array<i32>} : memref<40x512xi32, #tpu.memory_space<vmem>>, vector<16xi32>,
      %parallel_loop3A_302 = arith.index_cast %parallel_loop3A_112 : i32 to index
      %parallel_loop3A_303 = arith.constant 432 : index
      %parallel_loop3A_304 = tpu.vector_load %arg8[%parallel_loop3A_302, %parallel_loop3A_303] {strides = array<i32>} : memref<40x512xi32, #tpu.memory_space<vmem>>, vector<16xi32>,
      %parallel_loop3A_305 = tpu.vector_load_idx %arg6[%parallel_loop3A_304] : memref<1104xi32, #tpu.memory_space<vmem>>[vector<16xi32>], vector<16xi32>,
      %parallel_loop3A_306 = arith.index_cast %parallel_loop3A_112 : i32 to index
      %parallel_loop3A_307 = arith.constant 432 : index
      %parallel_loop3A_308 = tpu.vector_load %arg10[%parallel_loop3A_306, %parallel_loop3A_307] {strides = array<i32>} : memref<40x512xi32, #tpu.memory_space<vmem>>, vector<16xi32>,
      tpu.vector_store %arg10[%parallel_loop3A_306, %parallel_loop3A_307], %parallel_loop3A_305 {strides = array<i32>} : memref<40x512xi32, #tpu.memory_space<vmem>>, vector<16xi32>,
      %parallel_loop3A_309 = arith.index_cast %parallel_loop3A_112 : i32 to index
      %parallel_loop3A_310 = arith.constant 448 : index
      %parallel_loop3A_311 = tpu.vector_load %arg8[%parallel_loop3A_309, %parallel_loop3A_310] {strides = array<i32>} : memref<40x512xi32, #tpu.memory_space<vmem>>, vector<16xi32>,
      %parallel_loop3A_312 = tpu.vector_load_idx %arg6[%parallel_loop3A_311] : memref<1104xi32, #tpu.memory_space<vmem>>[vector<16xi32>], vector<16xi32>,
      %parallel_loop3A_313 = arith.index_cast %parallel_loop3A_112 : i32 to index
      %parallel_loop3A_314 = arith.constant 448 : index
      %parallel_loop3A_315 = tpu.vector_load %arg10[%parallel_loop3A_313, %parallel_loop3A_314] {strides = array<i32>} : memref<40x512xi32, #tpu.memory_space<vmem>>, vector<16xi32>,
      tpu.vector_store %arg10[%parallel_loop3A_313, %parallel_loop3A_314], %parallel_loop3A_312 {strides = array<i32>} : memref<40x512xi32, #tpu.memory_space<vmem>>, vector<16xi32>,
      %parallel_loop3A_316 = arith.index_cast %parallel_loop3A_112 : i32 to index
      %parallel_loop3A_317 = arith.constant 464 : index
      %parallel_loop3A_318 = tpu.vector_load %arg8[%parallel_loop3A_316, %parallel_loop3A_317] {strides = array<i32>} : memref<40x512xi32, #tpu.memory_space<vmem>>, vector<16xi32>,
      %parallel_loop3A_319 = tpu.vector_load_idx %arg6[%parallel_loop3A_318] : memref<1104xi32, #tpu.memory_space<vmem>>[vector<16xi32>], vector<16xi32>,
      %parallel_loop3A_320 = arith.index_cast %parallel_loop3A_112 : i32 to index
      %parallel_loop3A_321 = arith.constant 464 : index
      %parallel_loop3A_322 = tpu.vector_load %arg10[%parallel_loop3A_320, %parallel_loop3A_321] {strides = array<i32>} : memref<40x512xi32, #tpu.memory_space<vmem>>, vector<16xi32>,
      tpu.vector_store %arg10[%parallel_loop3A_320, %parallel_loop3A_321], %parallel_loop3A_319 {strides = array<i32>} : memref<40x512xi32, #tpu.memory_space<vmem>>, vector<16xi32>,
      %parallel_loop3A_323 = arith.index_cast %parallel_loop3A_112 : i32 to index
      %parallel_loop3A_324 = arith.constant 480 : index
      %parallel_loop3A_325 = tpu.vector_load %arg8[%parallel_loop3A_323, %parallel_loop3A_324] {strides = array<i32>} : memref<40x512xi32, #tpu.memory_space<vmem>>, vector<16xi32>,
      %parallel_loop3A_326 = tpu.vector_load_idx %arg6[%parallel_loop3A_325] : memref<1104xi32, #tpu.memory_space<vmem>>[vector<16xi32>], vector<16xi32>,
      %parallel_loop3A_327 = arith.index_cast %parallel_loop3A_112 : i32 to index
      %parallel_loop3A_328 = arith.constant 480 : index
      %parallel_loop3A_329 = tpu.vector_load %arg10[%parallel_loop3A_327, %parallel_loop3A_328] {strides = array<i32>} : memref<40x512xi32, #tpu.memory_space<vmem>>, vector<16xi32>,
      tpu.vector_store %arg10[%parallel_loop3A_327, %parallel_loop3A_328], %parallel_loop3A_326 {strides = array<i32>} : memref<40x512xi32, #tpu.memory_space<vmem>>, vector<16xi32>,
      %parallel_loop3A_330 = arith.index_cast %parallel_loop3A_112 : i32 to index
      %parallel_loop3A_331 = arith.constant 496 : index
      %parallel_loop3A_332 = tpu.vector_load %arg8[%parallel_loop3A_330, %parallel_loop3A_331] {strides = array<i32>} : memref<40x512xi32, #tpu.memory_space<vmem>>, vector<16xi32>,
      %parallel_loop3A_333 = tpu.vector_load_idx %arg6[%parallel_loop3A_332] : memref<1104xi32, #tpu.memory_space<vmem>>[vector<16xi32>], vector<16xi32>,
      %parallel_loop3A_334 = arith.index_cast %parallel_loop3A_112 : i32 to index
      %parallel_loop3A_335 = arith.constant 496 : index
      %parallel_loop3A_336 = tpu.vector_load %arg10[%parallel_loop3A_334, %parallel_loop3A_335] {strides = array<i32>} : memref<40x512xi32, #tpu.memory_space<vmem>>, vector<16xi32>,
      tpu.vector_store %arg10[%parallel_loop3A_334, %parallel_loop3A_335], %parallel_loop3A_333 {strides = array<i32>} : memref<40x512xi32, #tpu.memory_space<vmem>>, vector<16xi32>,
    } {sc.loop_unroll_factor = 1 : i64, sc.parallel_access}
    %dma_start3A_47 = arith.constant 40 : i32
    %dma_start3A_48 = tpu.memref_slice %arg4[%dma_start3A_47, %mul3A_2] : memref<200x16384xi32, #tpu.memory_space<hbm>> -> memref<40x512xi32, #tpu.memory_space<hbm>>
    %dma_start3A_49 = arith.constant 40 : i32
    %dma_start3A_50 = tpu.memref_slice %arg4[%dma_start3A_49, %mul3A_2] : memref<200x16384xi32, #tpu.memory_space<hbm>> -> memref<40x512xi32, #tpu.memory_space<hbm>>
    tpu.enqueue_dma source(%arg10 : memref<40x512xi32, #tpu.memory_space<vmem>>) target(%dma_start3A_50 : memref<40x512xi32, #tpu.memory_space<hbm>>) target_semaphore(%arg14 : memref<!tpu.dma_semaphore, #tpu.memory_space<semaphore_mem>>)
    %dma_start3A_51 = arith.constant 120 : i32
    %dma_start3A_52 = tpu.memref_slice %arg2[%dma_start3A_51, %mul3A_2] : memref<200x16384xi32, #tpu.memory_space<hbm>> -> memref<40x512xi32, #tpu.memory_space<hbm>>
    %dma_start3A_53 = arith.constant 120 : i32
    %dma_start3A_54 = tpu.memref_slice %arg2[%dma_start3A_53, %mul3A_2] : memref<200x16384xi32, #tpu.memory_space<hbm>> -> memref<40x512xi32, #tpu.memory_space<hbm>>
    tpu.enqueue_dma source(%dma_start3A_54 : memref<40x512xi32, #tpu.memory_space<hbm>>) target(%arg8 : memref<40x512xi32, #tpu.memory_space<vmem>>) target_semaphore(%arg12 : memref<!tpu.dma_semaphore, #tpu.memory_space<semaphore_mem>>)
    %dma_wait3A_55 = arith.constant 80 : i32
    %dma_wait3A_56 = tpu.memref_slice %arg2[%dma_wait3A_55, %mul3A_2] : memref<200x16384xi32, #tpu.memory_space<hbm>> -> memref<40x512xi32, #tpu.memory_space<hbm>>
    %dma_wait3A_57 = arith.constant 80 : i32
    %dma_wait3A_58 = tpu.memref_slice %arg2[%dma_wait3A_57, %mul3A_2] : memref<200x16384xi32, #tpu.memory_space<hbm>> -> memref<40x512xi32, #tpu.memory_space<hbm>>
    tpu.wait_dma2 semaphore(%arg11 : memref<!tpu.dma_semaphore, #tpu.memory_space<semaphore_mem>>) src(%dma_wait3A_58 : memref<40x512xi32, #tpu.memory_space<hbm>>) dst(%arg7 : memref<40x512xi32, #tpu.memory_space<vmem>>)
    %dma_wait3A_59 = arith.constant 0 : i32
    %dma_wait3A_60 = tpu.memref_slice %arg4[%dma_wait3A_59, %mul3A_2] : memref<200x16384xi32, #tpu.memory_space<hbm>> -> memref<40x512xi32, #tpu.memory_space<hbm>>
    %dma_wait3A_61 = arith.constant 0 : i32
    %dma_wait3A_62 = tpu.memref_slice %arg4[%dma_wait3A_61, %mul3A_2] : memref<200x16384xi32, #tpu.memory_space<hbm>> -> memref<40x512xi32, #tpu.memory_space<hbm>>
    tpu.wait_dma2 semaphore(%arg13 : memref<!tpu.dma_semaphore, #tpu.memory_space<semaphore_mem>>) src(%arg9 : memref<40x512xi32, #tpu.memory_space<vmem>>) dst(%dma_wait3A_62 : memref<40x512xi32, #tpu.memory_space<hbm>>)
    %parallel_loop3A_63 = arith.constant 0 : i32
    %parallel_loop3A_64 = arith.constant 40 : i32
    %parallel_loop3A_65 = arith.constant 1 : i32
    scf.for %parallel_loop3A_112 = %parallel_loop3A_63 to %parallel_loop3A_64 step %parallel_loop3A_65  : i32 {
      %parallel_loop3A_113 = arith.index_cast %parallel_loop3A_112 : i32 to index
      %parallel_loop3A_114 = arith.constant 0 : index
      %parallel_loop3A_115 = tpu.vector_load %arg7[%parallel_loop3A_113, %parallel_loop3A_114] {strides = array<i32>} : memref<40x512xi32, #tpu.memory_space<vmem>>, vector<16xi32>,
      %parallel_loop3A_116 = tpu.vector_load_idx %arg6[%parallel_loop3A_115] : memref<1104xi32, #tpu.memory_space<vmem>>[vector<16xi32>], vector<16xi32>,
      %parallel_loop3A_117 = arith.index_cast %parallel_loop3A_112 : i32 to index
      %parallel_loop3A_118 = arith.constant 0 : index
      %parallel_loop3A_119 = tpu.vector_load %arg9[%parallel_loop3A_117, %parallel_loop3A_118] {strides = array<i32>} : memref<40x512xi32, #tpu.memory_space<vmem>>, vector<16xi32>,
      tpu.vector_store %arg9[%parallel_loop3A_117, %parallel_loop3A_118], %parallel_loop3A_116 {strides = array<i32>} : memref<40x512xi32, #tpu.memory_space<vmem>>, vector<16xi32>,
      %parallel_loop3A_120 = arith.index_cast %parallel_loop3A_112 : i32 to index
      %parallel_loop3A_121 = arith.constant 16 : index
      %parallel_loop3A_122 = tpu.vector_load %arg7[%parallel_loop3A_120, %parallel_loop3A_121] {strides = array<i32>} : memref<40x512xi32, #tpu.memory_space<vmem>>, vector<16xi32>,
      %parallel_loop3A_123 = tpu.vector_load_idx %arg6[%parallel_loop3A_122] : memref<1104xi32, #tpu.memory_space<vmem>>[vector<16xi32>], vector<16xi32>,
      %parallel_loop3A_124 = arith.index_cast %parallel_loop3A_112 : i32 to index
      %parallel_loop3A_125 = arith.constant 16 : index
      %parallel_loop3A_126 = tpu.vector_load %arg9[%parallel_loop3A_124, %parallel_loop3A_125] {strides = array<i32>} : memref<40x512xi32, #tpu.memory_space<vmem>>, vector<16xi32>,
      tpu.vector_store %arg9[%parallel_loop3A_124, %parallel_loop3A_125], %parallel_loop3A_123 {strides = array<i32>} : memref<40x512xi32, #tpu.memory_space<vmem>>, vector<16xi32>,
      %parallel_loop3A_127 = arith.index_cast %parallel_loop3A_112 : i32 to index
      %parallel_loop3A_128 = arith.constant 32 : index
      %parallel_loop3A_129 = tpu.vector_load %arg7[%parallel_loop3A_127, %parallel_loop3A_128] {strides = array<i32>} : memref<40x512xi32, #tpu.memory_space<vmem>>, vector<16xi32>,
      %parallel_loop3A_130 = tpu.vector_load_idx %arg6[%parallel_loop3A_129] : memref<1104xi32, #tpu.memory_space<vmem>>[vector<16xi32>], vector<16xi32>,
      %parallel_loop3A_131 = arith.index_cast %parallel_loop3A_112 : i32 to index
      %parallel_loop3A_132 = arith.constant 32 : index
      %parallel_loop3A_133 = tpu.vector_load %arg9[%parallel_loop3A_131, %parallel_loop3A_132] {strides = array<i32>} : memref<40x512xi32, #tpu.memory_space<vmem>>, vector<16xi32>,
      tpu.vector_store %arg9[%parallel_loop3A_131, %parallel_loop3A_132], %parallel_loop3A_130 {strides = array<i32>} : memref<40x512xi32, #tpu.memory_space<vmem>>, vector<16xi32>,
      %parallel_loop3A_134 = arith.index_cast %parallel_loop3A_112 : i32 to index
      %parallel_loop3A_135 = arith.constant 48 : index
      %parallel_loop3A_136 = tpu.vector_load %arg7[%parallel_loop3A_134, %parallel_loop3A_135] {strides = array<i32>} : memref<40x512xi32, #tpu.memory_space<vmem>>, vector<16xi32>,
      %parallel_loop3A_137 = tpu.vector_load_idx %arg6[%parallel_loop3A_136] : memref<1104xi32, #tpu.memory_space<vmem>>[vector<16xi32>], vector<16xi32>,
      %parallel_loop3A_138 = arith.index_cast %parallel_loop3A_112 : i32 to index
      %parallel_loop3A_139 = arith.constant 48 : index
      %parallel_loop3A_140 = tpu.vector_load %arg9[%parallel_loop3A_138, %parallel_loop3A_139] {strides = array<i32>} : memref<40x512xi32, #tpu.memory_space<vmem>>, vector<16xi32>,
      tpu.vector_store %arg9[%parallel_loop3A_138, %parallel_loop3A_139], %parallel_loop3A_137 {strides = array<i32>} : memref<40x512xi32, #tpu.memory_space<vmem>>, vector<16xi32>,
      %parallel_loop3A_141 = arith.index_cast %parallel_loop3A_112 : i32 to index
      %parallel_loop3A_142 = arith.constant 64 : index
      %parallel_loop3A_143 = tpu.vector_load %arg7[%parallel_loop3A_141, %parallel_loop3A_142] {strides = array<i32>} : memref<40x512xi32, #tpu.memory_space<vmem>>, vector<16xi32>,
      %parallel_loop3A_144 = tpu.vector_load_idx %arg6[%parallel_loop3A_143] : memref<1104xi32, #tpu.memory_space<vmem>>[vector<16xi32>], vector<16xi32>,
      %parallel_loop3A_145 = arith.index_cast %parallel_loop3A_112 : i32 to index
      %parallel_loop3A_146 = arith.constant 64 : index
      %parallel_loop3A_147 = tpu.vector_load %arg9[%parallel_loop3A_145, %parallel_loop3A_146] {strides = array<i32>} : memref<40x512xi32, #tpu.memory_space<vmem>>, vector<16xi32>,
      tpu.vector_store %arg9[%parallel_loop3A_145, %parallel_loop3A_146], %parallel_loop3A_144 {strides = array<i32>} : memref<40x512xi32, #tpu.memory_space<vmem>>, vector<16xi32>,
      %parallel_loop3A_148 = arith.index_cast %parallel_loop3A_112 : i32 to index
      %parallel_loop3A_149 = arith.constant 80 : index
      %parallel_loop3A_150 = tpu.vector_load %arg7[%parallel_loop3A_148, %parallel_loop3A_149] {strides = array<i32>} : memref<40x512xi32, #tpu.memory_space<vmem>>, vector<16xi32>,
      %parallel_loop3A_151 = tpu.vector_load_idx %arg6[%parallel_loop3A_150] : memref<1104xi32, #tpu.memory_space<vmem>>[vector<16xi32>], vector<16xi32>,
      %parallel_loop3A_152 = arith.index_cast %parallel_loop3A_112 : i32 to index
      %parallel_loop3A_153 = arith.constant 80 : index
      %parallel_loop3A_154 = tpu.vector_load %arg9[%parallel_loop3A_152, %parallel_loop3A_153] {strides = array<i32>} : memref<40x512xi32, #tpu.memory_space<vmem>>, vector<16xi32>,
      tpu.vector_store %arg9[%parallel_loop3A_152, %parallel_loop3A_153], %parallel_loop3A_151 {strides = array<i32>} : memref<40x512xi32, #tpu.memory_space<vmem>>, vector<16xi32>,
      %parallel_loop3A_155 = arith.index_cast %parallel_loop3A_112 : i32 to index
      %parallel_loop3A_156 = arith.constant 96 : index
      %parallel_loop3A_157 = tpu.vector_load %arg7[%parallel_loop3A_155, %parallel_loop3A_156] {strides = array<i32>} : memref<40x512xi32, #tpu.memory_space<vmem>>, vector<16xi32>,
      %parallel_loop3A_158 = tpu.vector_load_idx %arg6[%parallel_loop3A_157] : memref<1104xi32, #tpu.memory_space<vmem>>[vector<16xi32>], vector<16xi32>,
      %parallel_loop3A_159 = arith.index_cast %parallel_loop3A_112 : i32 to index
      %parallel_loop3A_160 = arith.constant 96 : index
      %parallel_loop3A_161 = tpu.vector_load %arg9[%parallel_loop3A_159, %parallel_loop3A_160] {strides = array<i32>} : memref<40x512xi32, #tpu.memory_space<vmem>>, vector<16xi32>,
      tpu.vector_store %arg9[%parallel_loop3A_159, %parallel_loop3A_160], %parallel_loop3A_158 {strides = array<i32>} : memref<40x512xi32, #tpu.memory_space<vmem>>, vector<16xi32>,
      %parallel_loop3A_162 = arith.index_cast %parallel_loop3A_112 : i32 to index
      %parallel_loop3A_163 = arith.constant 112 : index
      %parallel_loop3A_164 = tpu.vector_load %arg7[%parallel_loop3A_162, %parallel_loop3A_163] {strides = array<i32>} : memref<40x512xi32, #tpu.memory_space<vmem>>, vector<16xi32>,
      %parallel_loop3A_165 = tpu.vector_load_idx %arg6[%parallel_loop3A_164] : memref<1104xi32, #tpu.memory_space<vmem>>[vector<16xi32>], vector<16xi32>,
      %parallel_loop3A_166 = arith.index_cast %parallel_loop3A_112 : i32 to index
      %parallel_loop3A_167 = arith.constant 112 : index
      %parallel_loop3A_168 = tpu.vector_load %arg9[%parallel_loop3A_166, %parallel_loop3A_167] {strides = array<i32>} : memref<40x512xi32, #tpu.memory_space<vmem>>, vector<16xi32>,
      tpu.vector_store %arg9[%parallel_loop3A_166, %parallel_loop3A_167], %parallel_loop3A_165 {strides = array<i32>} : memref<40x512xi32, #tpu.memory_space<vmem>>, vector<16xi32>,
      %parallel_loop3A_169 = arith.index_cast %parallel_loop3A_112 : i32 to index
      %parallel_loop3A_170 = arith.constant 128 : index
      %parallel_loop3A_171 = tpu.vector_load %arg7[%parallel_loop3A_169, %parallel_loop3A_170] {strides = array<i32>} : memref<40x512xi32, #tpu.memory_space<vmem>>, vector<16xi32>,
      %parallel_loop3A_172 = tpu.vector_load_idx %arg6[%parallel_loop3A_171] : memref<1104xi32, #tpu.memory_space<vmem>>[vector<16xi32>], vector<16xi32>,
      %parallel_loop3A_173 = arith.index_cast %parallel_loop3A_112 : i32 to index
      %parallel_loop3A_174 = arith.constant 128 : index
      %parallel_loop3A_175 = tpu.vector_load %arg9[%parallel_loop3A_173, %parallel_loop3A_174] {strides = array<i32>} : memref<40x512xi32, #tpu.memory_space<vmem>>, vector<16xi32>,
      tpu.vector_store %arg9[%parallel_loop3A_173, %parallel_loop3A_174], %parallel_loop3A_172 {strides = array<i32>} : memref<40x512xi32, #tpu.memory_space<vmem>>, vector<16xi32>,
      %parallel_loop3A_176 = arith.index_cast %parallel_loop3A_112 : i32 to index
      %parallel_loop3A_177 = arith.constant 144 : index
      %parallel_loop3A_178 = tpu.vector_load %arg7[%parallel_loop3A_176, %parallel_loop3A_177] {strides = array<i32>} : memref<40x512xi32, #tpu.memory_space<vmem>>, vector<16xi32>,
      %parallel_loop3A_179 = tpu.vector_load_idx %arg6[%parallel_loop3A_178] : memref<1104xi32, #tpu.memory_space<vmem>>[vector<16xi32>], vector<16xi32>,
      %parallel_loop3A_180 = arith.index_cast %parallel_loop3A_112 : i32 to index
      %parallel_loop3A_181 = arith.constant 144 : index
      %parallel_loop3A_182 = tpu.vector_load %arg9[%parallel_loop3A_180, %parallel_loop3A_181] {strides = array<i32>} : memref<40x512xi32, #tpu.memory_space<vmem>>, vector<16xi32>,
      tpu.vector_store %arg9[%parallel_loop3A_180, %parallel_loop3A_181], %parallel_loop3A_179 {strides = array<i32>} : memref<40x512xi32, #tpu.memory_space<vmem>>, vector<16xi32>,
      %parallel_loop3A_183 = arith.index_cast %parallel_loop3A_112 : i32 to index
      %parallel_loop3A_184 = arith.constant 160 : index
      %parallel_loop3A_185 = tpu.vector_load %arg7[%parallel_loop3A_183, %parallel_loop3A_184] {strides = array<i32>} : memref<40x512xi32, #tpu.memory_space<vmem>>, vector<16xi32>,
      %parallel_loop3A_186 = tpu.vector_load_idx %arg6[%parallel_loop3A_185] : memref<1104xi32, #tpu.memory_space<vmem>>[vector<16xi32>], vector<16xi32>,
      %parallel_loop3A_187 = arith.index_cast %parallel_loop3A_112 : i32 to index
      %parallel_loop3A_188 = arith.constant 160 : index
      %parallel_loop3A_189 = tpu.vector_load %arg9[%parallel_loop3A_187, %parallel_loop3A_188] {strides = array<i32>} : memref<40x512xi32, #tpu.memory_space<vmem>>, vector<16xi32>,
      tpu.vector_store %arg9[%parallel_loop3A_187, %parallel_loop3A_188], %parallel_loop3A_186 {strides = array<i32>} : memref<40x512xi32, #tpu.memory_space<vmem>>, vector<16xi32>,
      %parallel_loop3A_190 = arith.index_cast %parallel_loop3A_112 : i32 to index
      %parallel_loop3A_191 = arith.constant 176 : index
      %parallel_loop3A_192 = tpu.vector_load %arg7[%parallel_loop3A_190, %parallel_loop3A_191] {strides = array<i32>} : memref<40x512xi32, #tpu.memory_space<vmem>>, vector<16xi32>,
      %parallel_loop3A_193 = tpu.vector_load_idx %arg6[%parallel_loop3A_192] : memref<1104xi32, #tpu.memory_space<vmem>>[vector<16xi32>], vector<16xi32>,
      %parallel_loop3A_194 = arith.index_cast %parallel_loop3A_112 : i32 to index
      %parallel_loop3A_195 = arith.constant 176 : index
      %parallel_loop3A_196 = tpu.vector_load %arg9[%parallel_loop3A_194, %parallel_loop3A_195] {strides = array<i32>} : memref<40x512xi32, #tpu.memory_space<vmem>>, vector<16xi32>,
      tpu.vector_store %arg9[%parallel_loop3A_194, %parallel_loop3A_195], %parallel_loop3A_193 {strides = array<i32>} : memref<40x512xi32, #tpu.memory_space<vmem>>, vector<16xi32>,
      %parallel_loop3A_197 = arith.index_cast %parallel_loop3A_112 : i32 to index
      %parallel_loop3A_198 = arith.constant 192 : index
      %parallel_loop3A_199 = tpu.vector_load %arg7[%parallel_loop3A_197, %parallel_loop3A_198] {strides = array<i32>} : memref<40x512xi32, #tpu.memory_space<vmem>>, vector<16xi32>,
      %parallel_loop3A_200 = tpu.vector_load_idx %arg6[%parallel_loop3A_199] : memref<1104xi32, #tpu.memory_space<vmem>>[vector<16xi32>], vector<16xi32>,
      %parallel_loop3A_201 = arith.index_cast %parallel_loop3A_112 : i32 to index
      %parallel_loop3A_202 = arith.constant 192 : index
      %parallel_loop3A_203 = tpu.vector_load %arg9[%parallel_loop3A_201, %parallel_loop3A_202] {strides = array<i32>} : memref<40x512xi32, #tpu.memory_space<vmem>>, vector<16xi32>,
      tpu.vector_store %arg9[%parallel_loop3A_201, %parallel_loop3A_202], %parallel_loop3A_200 {strides = array<i32>} : memref<40x512xi32, #tpu.memory_space<vmem>>, vector<16xi32>,
      %parallel_loop3A_204 = arith.index_cast %parallel_loop3A_112 : i32 to index
      %parallel_loop3A_205 = arith.constant 208 : index
      %parallel_loop3A_206 = tpu.vector_load %arg7[%parallel_loop3A_204, %parallel_loop3A_205] {strides = array<i32>} : memref<40x512xi32, #tpu.memory_space<vmem>>, vector<16xi32>,
      %parallel_loop3A_207 = tpu.vector_load_idx %arg6[%parallel_loop3A_206] : memref<1104xi32, #tpu.memory_space<vmem>>[vector<16xi32>], vector<16xi32>,
      %parallel_loop3A_208 = arith.index_cast %parallel_loop3A_112 : i32 to index
      %parallel_loop3A_209 = arith.constant 208 : index
      %parallel_loop3A_210 = tpu.vector_load %arg9[%parallel_loop3A_208, %parallel_loop3A_209] {strides = array<i32>} : memref<40x512xi32, #tpu.memory_space<vmem>>, vector<16xi32>,
      tpu.vector_store %arg9[%parallel_loop3A_208, %parallel_loop3A_209], %parallel_loop3A_207 {strides = array<i32>} : memref<40x512xi32, #tpu.memory_space<vmem>>, vector<16xi32>,
      %parallel_loop3A_211 = arith.index_cast %parallel_loop3A_112 : i32 to index
      %parallel_loop3A_212 = arith.constant 224 : index
      %parallel_loop3A_213 = tpu.vector_load %arg7[%parallel_loop3A_211, %parallel_loop3A_212] {strides = array<i32>} : memref<40x512xi32, #tpu.memory_space<vmem>>, vector<16xi32>,
      %parallel_loop3A_214 = tpu.vector_load_idx %arg6[%parallel_loop3A_213] : memref<1104xi32, #tpu.memory_space<vmem>>[vector<16xi32>], vector<16xi32>,
      %parallel_loop3A_215 = arith.index_cast %parallel_loop3A_112 : i32 to index
      %parallel_loop3A_216 = arith.constant 224 : index
      %parallel_loop3A_217 = tpu.vector_load %arg9[%parallel_loop3A_215, %parallel_loop3A_216] {strides = array<i32>} : memref<40x512xi32, #tpu.memory_space<vmem>>, vector<16xi32>,
      tpu.vector_store %arg9[%parallel_loop3A_215, %parallel_loop3A_216], %parallel_loop3A_214 {strides = array<i32>} : memref<40x512xi32, #tpu.memory_space<vmem>>, vector<16xi32>,
      %parallel_loop3A_218 = arith.index_cast %parallel_loop3A_112 : i32 to index
      %parallel_loop3A_219 = arith.constant 240 : index
      %parallel_loop3A_220 = tpu.vector_load %arg7[%parallel_loop3A_218, %parallel_loop3A_219] {strides = array<i32>} : memref<40x512xi32, #tpu.memory_space<vmem>>, vector<16xi32>,
      %parallel_loop3A_221 = tpu.vector_load_idx %arg6[%parallel_loop3A_220] : memref<1104xi32, #tpu.memory_space<vmem>>[vector<16xi32>], vector<16xi32>,
      %parallel_loop3A_222 = arith.index_cast %parallel_loop3A_112 : i32 to index
      %parallel_loop3A_223 = arith.constant 240 : index
      %parallel_loop3A_224 = tpu.vector_load %arg9[%parallel_loop3A_222, %parallel_loop3A_223] {strides = array<i32>} : memref<40x512xi32, #tpu.memory_space<vmem>>, vector<16xi32>,
      tpu.vector_store %arg9[%parallel_loop3A_222, %parallel_loop3A_223], %parallel_loop3A_221 {strides = array<i32>} : memref<40x512xi32, #tpu.memory_space<vmem>>, vector<16xi32>,
      %parallel_loop3A_225 = arith.index_cast %parallel_loop3A_112 : i32 to index
      %parallel_loop3A_226 = arith.constant 256 : index
      %parallel_loop3A_227 = tpu.vector_load %arg7[%parallel_loop3A_225, %parallel_loop3A_226] {strides = array<i32>} : memref<40x512xi32, #tpu.memory_space<vmem>>, vector<16xi32>,
      %parallel_loop3A_228 = tpu.vector_load_idx %arg6[%parallel_loop3A_227] : memref<1104xi32, #tpu.memory_space<vmem>>[vector<16xi32>], vector<16xi32>,
      %parallel_loop3A_229 = arith.index_cast %parallel_loop3A_112 : i32 to index
      %parallel_loop3A_230 = arith.constant 256 : index
      %parallel_loop3A_231 = tpu.vector_load %arg9[%parallel_loop3A_229, %parallel_loop3A_230] {strides = array<i32>} : memref<40x512xi32, #tpu.memory_space<vmem>>, vector<16xi32>,
      tpu.vector_store %arg9[%parallel_loop3A_229, %parallel_loop3A_230], %parallel_loop3A_228 {strides = array<i32>} : memref<40x512xi32, #tpu.memory_space<vmem>>, vector<16xi32>,
      %parallel_loop3A_232 = arith.index_cast %parallel_loop3A_112 : i32 to index
      %parallel_loop3A_233 = arith.constant 272 : index
      %parallel_loop3A_234 = tpu.vector_load %arg7[%parallel_loop3A_232, %parallel_loop3A_233] {strides = array<i32>} : memref<40x512xi32, #tpu.memory_space<vmem>>, vector<16xi32>,
      %parallel_loop3A_235 = tpu.vector_load_idx %arg6[%parallel_loop3A_234] : memref<1104xi32, #tpu.memory_space<vmem>>[vector<16xi32>], vector<16xi32>,
      %parallel_loop3A_236 = arith.index_cast %parallel_loop3A_112 : i32 to index
      %parallel_loop3A_237 = arith.constant 272 : index
      %parallel_loop3A_238 = tpu.vector_load %arg9[%parallel_loop3A_236, %parallel_loop3A_237] {strides = array<i32>} : memref<40x512xi32, #tpu.memory_space<vmem>>, vector<16xi32>,
      tpu.vector_store %arg9[%parallel_loop3A_236, %parallel_loop3A_237], %parallel_loop3A_235 {strides = array<i32>} : memref<40x512xi32, #tpu.memory_space<vmem>>, vector<16xi32>,
      %parallel_loop3A_239 = arith.index_cast %parallel_loop3A_112 : i32 to index
      %parallel_loop3A_240 = arith.constant 288 : index
      %parallel_loop3A_241 = tpu.vector_load %arg7[%parallel_loop3A_239, %parallel_loop3A_240] {strides = array<i32>} : memref<40x512xi32, #tpu.memory_space<vmem>>, vector<16xi32>,
      %parallel_loop3A_242 = tpu.vector_load_idx %arg6[%parallel_loop3A_241] : memref<1104xi32, #tpu.memory_space<vmem>>[vector<16xi32>], vector<16xi32>,
      %parallel_loop3A_243 = arith.index_cast %parallel_loop3A_112 : i32 to index
      %parallel_loop3A_244 = arith.constant 288 : index
      %parallel_loop3A_245 = tpu.vector_load %arg9[%parallel_loop3A_243, %parallel_loop3A_244] {strides = array<i32>} : memref<40x512xi32, #tpu.memory_space<vmem>>, vector<16xi32>,
      tpu.vector_store %arg9[%parallel_loop3A_243, %parallel_loop3A_244], %parallel_loop3A_242 {strides = array<i32>} : memref<40x512xi32, #tpu.memory_space<vmem>>, vector<16xi32>,
      %parallel_loop3A_246 = arith.index_cast %parallel_loop3A_112 : i32 to index
      %parallel_loop3A_247 = arith.constant 304 : index
      %parallel_loop3A_248 = tpu.vector_load %arg7[%parallel_loop3A_246, %parallel_loop3A_247] {strides = array<i32>} : memref<40x512xi32, #tpu.memory_space<vmem>>, vector<16xi32>,
      %parallel_loop3A_249 = tpu.vector_load_idx %arg6[%parallel_loop3A_248] : memref<1104xi32, #tpu.memory_space<vmem>>[vector<16xi32>], vector<16xi32>,
      %parallel_loop3A_250 = arith.index_cast %parallel_loop3A_112 : i32 to index
      %parallel_loop3A_251 = arith.constant 304 : index
      %parallel_loop3A_252 = tpu.vector_load %arg9[%parallel_loop3A_250, %parallel_loop3A_251] {strides = array<i32>} : memref<40x512xi32, #tpu.memory_space<vmem>>, vector<16xi32>,
      tpu.vector_store %arg9[%parallel_loop3A_250, %parallel_loop3A_251], %parallel_loop3A_249 {strides = array<i32>} : memref<40x512xi32, #tpu.memory_space<vmem>>, vector<16xi32>,
      %parallel_loop3A_253 = arith.index_cast %parallel_loop3A_112 : i32 to index
      %parallel_loop3A_254 = arith.constant 320 : index
      %parallel_loop3A_255 = tpu.vector_load %arg7[%parallel_loop3A_253, %parallel_loop3A_254] {strides = array<i32>} : memref<40x512xi32, #tpu.memory_space<vmem>>, vector<16xi32>,
      %parallel_loop3A_256 = tpu.vector_load_idx %arg6[%parallel_loop3A_255] : memref<1104xi32, #tpu.memory_space<vmem>>[vector<16xi32>], vector<16xi32>,
      %parallel_loop3A_257 = arith.index_cast %parallel_loop3A_112 : i32 to index
      %parallel_loop3A_258 = arith.constant 320 : index
      %parallel_loop3A_259 = tpu.vector_load %arg9[%parallel_loop3A_257, %parallel_loop3A_258] {strides = array<i32>} : memref<40x512xi32, #tpu.memory_space<vmem>>, vector<16xi32>,
      tpu.vector_store %arg9[%parallel_loop3A_257, %parallel_loop3A_258], %parallel_loop3A_256 {strides = array<i32>} : memref<40x512xi32, #tpu.memory_space<vmem>>, vector<16xi32>,
      %parallel_loop3A_260 = arith.index_cast %parallel_loop3A_112 : i32 to index
      %parallel_loop3A_261 = arith.constant 336 : index
      %parallel_loop3A_262 = tpu.vector_load %arg7[%parallel_loop3A_260, %parallel_loop3A_261] {strides = array<i32>} : memref<40x512xi32, #tpu.memory_space<vmem>>, vector<16xi32>,
      %parallel_loop3A_263 = tpu.vector_load_idx %arg6[%parallel_loop3A_262] : memref<1104xi32, #tpu.memory_space<vmem>>[vector<16xi32>], vector<16xi32>,
      %parallel_loop3A_264 = arith.index_cast %parallel_loop3A_112 : i32 to index
      %parallel_loop3A_265 = arith.constant 336 : index
      %parallel_loop3A_266 = tpu.vector_load %arg9[%parallel_loop3A_264, %parallel_loop3A_265] {strides = array<i32>} : memref<40x512xi32, #tpu.memory_space<vmem>>, vector<16xi32>,
      tpu.vector_store %arg9[%parallel_loop3A_264, %parallel_loop3A_265], %parallel_loop3A_263 {strides = array<i32>} : memref<40x512xi32, #tpu.memory_space<vmem>>, vector<16xi32>,
      %parallel_loop3A_267 = arith.index_cast %parallel_loop3A_112 : i32 to index
      %parallel_loop3A_268 = arith.constant 352 : index
      %parallel_loop3A_269 = tpu.vector_load %arg7[%parallel_loop3A_267, %parallel_loop3A_268] {strides = array<i32>} : memref<40x512xi32, #tpu.memory_space<vmem>>, vector<16xi32>,
      %parallel_loop3A_270 = tpu.vector_load_idx %arg6[%parallel_loop3A_269] : memref<1104xi32, #tpu.memory_space<vmem>>[vector<16xi32>], vector<16xi32>,
      %parallel_loop3A_271 = arith.index_cast %parallel_loop3A_112 : i32 to index
      %parallel_loop3A_272 = arith.constant 352 : index
      %parallel_loop3A_273 = tpu.vector_load %arg9[%parallel_loop3A_271, %parallel_loop3A_272] {strides = array<i32>} : memref<40x512xi32, #tpu.memory_space<vmem>>, vector<16xi32>,
      tpu.vector_store %arg9[%parallel_loop3A_271, %parallel_loop3A_272], %parallel_loop3A_270 {strides = array<i32>} : memref<40x512xi32, #tpu.memory_space<vmem>>, vector<16xi32>,
      %parallel_loop3A_274 = arith.index_cast %parallel_loop3A_112 : i32 to index
      %parallel_loop3A_275 = arith.constant 368 : index
      %parallel_loop3A_276 = tpu.vector_load %arg7[%parallel_loop3A_274, %parallel_loop3A_275] {strides = array<i32>} : memref<40x512xi32, #tpu.memory_space<vmem>>, vector<16xi32>,
      %parallel_loop3A_277 = tpu.vector_load_idx %arg6[%parallel_loop3A_276] : memref<1104xi32, #tpu.memory_space<vmem>>[vector<16xi32>], vector<16xi32>,
      %parallel_loop3A_278 = arith.index_cast %parallel_loop3A_112 : i32 to index
      %parallel_loop3A_279 = arith.constant 368 : index
      %parallel_loop3A_280 = tpu.vector_load %arg9[%parallel_loop3A_278, %parallel_loop3A_279] {strides = array<i32>} : memref<40x512xi32, #tpu.memory_space<vmem>>, vector<16xi32>,
      tpu.vector_store %arg9[%parallel_loop3A_278, %parallel_loop3A_279], %parallel_loop3A_277 {strides = array<i32>} : memref<40x512xi32, #tpu.memory_space<vmem>>, vector<16xi32>,
      %parallel_loop3A_281 = arith.index_cast %parallel_loop3A_112 : i32 to index
      %parallel_loop3A_282 = arith.constant 384 : index
      %parallel_loop3A_283 = tpu.vector_load %arg7[%parallel_loop3A_281, %parallel_loop3A_282] {strides = array<i32>} : memref<40x512xi32, #tpu.memory_space<vmem>>, vector<16xi32>,
      %parallel_loop3A_284 = tpu.vector_load_idx %arg6[%parallel_loop3A_283] : memref<1104xi32, #tpu.memory_space<vmem>>[vector<16xi32>], vector<16xi32>,
      %parallel_loop3A_285 = arith.index_cast %parallel_loop3A_112 : i32 to index
      %parallel_loop3A_286 = arith.constant 384 : index
      %parallel_loop3A_287 = tpu.vector_load %arg9[%parallel_loop3A_285, %parallel_loop3A_286] {strides = array<i32>} : memref<40x512xi32, #tpu.memory_space<vmem>>, vector<16xi32>,
      tpu.vector_store %arg9[%parallel_loop3A_285, %parallel_loop3A_286], %parallel_loop3A_284 {strides = array<i32>} : memref<40x512xi32, #tpu.memory_space<vmem>>, vector<16xi32>,
      %parallel_loop3A_288 = arith.index_cast %parallel_loop3A_112 : i32 to index
      %parallel_loop3A_289 = arith.constant 400 : index
      %parallel_loop3A_290 = tpu.vector_load %arg7[%parallel_loop3A_288, %parallel_loop3A_289] {strides = array<i32>} : memref<40x512xi32, #tpu.memory_space<vmem>>, vector<16xi32>,
      %parallel_loop3A_291 = tpu.vector_load_idx %arg6[%parallel_loop3A_290] : memref<1104xi32, #tpu.memory_space<vmem>>[vector<16xi32>], vector<16xi32>,
      %parallel_loop3A_292 = arith.index_cast %parallel_loop3A_112 : i32 to index
      %parallel_loop3A_293 = arith.constant 400 : index
      %parallel_loop3A_294 = tpu.vector_load %arg9[%parallel_loop3A_292, %parallel_loop3A_293] {strides = array<i32>} : memref<40x512xi32, #tpu.memory_space<vmem>>, vector<16xi32>,
      tpu.vector_store %arg9[%parallel_loop3A_292, %parallel_loop3A_293], %parallel_loop3A_291 {strides = array<i32>} : memref<40x512xi32, #tpu.memory_space<vmem>>, vector<16xi32>,
      %parallel_loop3A_295 = arith.index_cast %parallel_loop3A_112 : i32 to index
      %parallel_loop3A_296 = arith.constant 416 : index
      %parallel_loop3A_297 = tpu.vector_load %arg7[%parallel_loop3A_295, %parallel_loop3A_296] {strides = array<i32>} : memref<40x512xi32, #tpu.memory_space<vmem>>, vector<16xi32>,
      %parallel_loop3A_298 = tpu.vector_load_idx %arg6[%parallel_loop3A_297] : memref<1104xi32, #tpu.memory_space<vmem>>[vector<16xi32>], vector<16xi32>,
      %parallel_loop3A_299 = arith.index_cast %parallel_loop3A_112 : i32 to index
      %parallel_loop3A_300 = arith.constant 416 : index
      %parallel_loop3A_301 = tpu.vector_load %arg9[%parallel_loop3A_299, %parallel_loop3A_300] {strides = array<i32>} : memref<40x512xi32, #tpu.memory_space<vmem>>, vector<16xi32>,
      tpu.vector_store %arg9[%parallel_loop3A_299, %parallel_loop3A_300], %parallel_loop3A_298 {strides = array<i32>} : memref<40x512xi32, #tpu.memory_space<vmem>>, vector<16xi32>,
      %parallel_loop3A_302 = arith.index_cast %parallel_loop3A_112 : i32 to index
      %parallel_loop3A_303 = arith.constant 432 : index
      %parallel_loop3A_304 = tpu.vector_load %arg7[%parallel_loop3A_302, %parallel_loop3A_303] {strides = array<i32>} : memref<40x512xi32, #tpu.memory_space<vmem>>, vector<16xi32>,
      %parallel_loop3A_305 = tpu.vector_load_idx %arg6[%parallel_loop3A_304] : memref<1104xi32, #tpu.memory_space<vmem>>[vector<16xi32>], vector<16xi32>,
      %parallel_loop3A_306 = arith.index_cast %parallel_loop3A_112 : i32 to index
      %parallel_loop3A_307 = arith.constant 432 : index
      %parallel_loop3A_308 = tpu.vector_load %arg9[%parallel_loop3A_306, %parallel_loop3A_307] {strides = array<i32>} : memref<40x512xi32, #tpu.memory_space<vmem>>, vector<16xi32>,
      tpu.vector_store %arg9[%parallel_loop3A_306, %parallel_loop3A_307], %parallel_loop3A_305 {strides = array<i32>} : memref<40x512xi32, #tpu.memory_space<vmem>>, vector<16xi32>,
      %parallel_loop3A_309 = arith.index_cast %parallel_loop3A_112 : i32 to index
      %parallel_loop3A_310 = arith.constant 448 : index
      %parallel_loop3A_311 = tpu.vector_load %arg7[%parallel_loop3A_309, %parallel_loop3A_310] {strides = array<i32>} : memref<40x512xi32, #tpu.memory_space<vmem>>, vector<16xi32>,
      %parallel_loop3A_312 = tpu.vector_load_idx %arg6[%parallel_loop3A_311] : memref<1104xi32, #tpu.memory_space<vmem>>[vector<16xi32>], vector<16xi32>,
      %parallel_loop3A_313 = arith.index_cast %parallel_loop3A_112 : i32 to index
      %parallel_loop3A_314 = arith.constant 448 : index
      %parallel_loop3A_315 = tpu.vector_load %arg9[%parallel_loop3A_313, %parallel_loop3A_314] {strides = array<i32>} : memref<40x512xi32, #tpu.memory_space<vmem>>, vector<16xi32>,
      tpu.vector_store %arg9[%parallel_loop3A_313, %parallel_loop3A_314], %parallel_loop3A_312 {strides = array<i32>} : memref<40x512xi32, #tpu.memory_space<vmem>>, vector<16xi32>,
      %parallel_loop3A_316 = arith.index_cast %parallel_loop3A_112 : i32 to index
      %parallel_loop3A_317 = arith.constant 464 : index
      %parallel_loop3A_318 = tpu.vector_load %arg7[%parallel_loop3A_316, %parallel_loop3A_317] {strides = array<i32>} : memref<40x512xi32, #tpu.memory_space<vmem>>, vector<16xi32>,
      %parallel_loop3A_319 = tpu.vector_load_idx %arg6[%parallel_loop3A_318] : memref<1104xi32, #tpu.memory_space<vmem>>[vector<16xi32>], vector<16xi32>,
      %parallel_loop3A_320 = arith.index_cast %parallel_loop3A_112 : i32 to index
      %parallel_loop3A_321 = arith.constant 464 : index
      %parallel_loop3A_322 = tpu.vector_load %arg9[%parallel_loop3A_320, %parallel_loop3A_321] {strides = array<i32>} : memref<40x512xi32, #tpu.memory_space<vmem>>, vector<16xi32>,
      tpu.vector_store %arg9[%parallel_loop3A_320, %parallel_loop3A_321], %parallel_loop3A_319 {strides = array<i32>} : memref<40x512xi32, #tpu.memory_space<vmem>>, vector<16xi32>,
      %parallel_loop3A_323 = arith.index_cast %parallel_loop3A_112 : i32 to index
      %parallel_loop3A_324 = arith.constant 480 : index
      %parallel_loop3A_325 = tpu.vector_load %arg7[%parallel_loop3A_323, %parallel_loop3A_324] {strides = array<i32>} : memref<40x512xi32, #tpu.memory_space<vmem>>, vector<16xi32>,
      %parallel_loop3A_326 = tpu.vector_load_idx %arg6[%parallel_loop3A_325] : memref<1104xi32, #tpu.memory_space<vmem>>[vector<16xi32>], vector<16xi32>,
      %parallel_loop3A_327 = arith.index_cast %parallel_loop3A_112 : i32 to index
      %parallel_loop3A_328 = arith.constant 480 : index
      %parallel_loop3A_329 = tpu.vector_load %arg9[%parallel_loop3A_327, %parallel_loop3A_328] {strides = array<i32>} : memref<40x512xi32, #tpu.memory_space<vmem>>, vector<16xi32>,
      tpu.vector_store %arg9[%parallel_loop3A_327, %parallel_loop3A_328], %parallel_loop3A_326 {strides = array<i32>} : memref<40x512xi32, #tpu.memory_space<vmem>>, vector<16xi32>,
      %parallel_loop3A_330 = arith.index_cast %parallel_loop3A_112 : i32 to index
      %parallel_loop3A_331 = arith.constant 496 : index
      %parallel_loop3A_332 = tpu.vector_load %arg7[%parallel_loop3A_330, %parallel_loop3A_331] {strides = array<i32>} : memref<40x512xi32, #tpu.memory_space<vmem>>, vector<16xi32>,
      %parallel_loop3A_333 = tpu.vector_load_idx %arg6[%parallel_loop3A_332] : memref<1104xi32, #tpu.memory_space<vmem>>[vector<16xi32>], vector<16xi32>,
      %parallel_loop3A_334 = arith.index_cast %parallel_loop3A_112 : i32 to index
      %parallel_loop3A_335 = arith.constant 496 : index
      %parallel_loop3A_336 = tpu.vector_load %arg9[%parallel_loop3A_334, %parallel_loop3A_335] {strides = array<i32>} : memref<40x512xi32, #tpu.memory_space<vmem>>, vector<16xi32>,
      tpu.vector_store %arg9[%parallel_loop3A_334, %parallel_loop3A_335], %parallel_loop3A_333 {strides = array<i32>} : memref<40x512xi32, #tpu.memory_space<vmem>>, vector<16xi32>,
    } {sc.loop_unroll_factor = 1 : i64, sc.parallel_access}
    %dma_start3A_66 = arith.constant 80 : i32
    %dma_start3A_67 = tpu.memref_slice %arg4[%dma_start3A_66, %mul3A_2] : memref<200x16384xi32, #tpu.memory_space<hbm>> -> memref<40x512xi32, #tpu.memory_space<hbm>>
    %dma_start3A_68 = arith.constant 80 : i32
    %dma_start3A_69 = tpu.memref_slice %arg4[%dma_start3A_68, %mul3A_2] : memref<200x16384xi32, #tpu.memory_space<hbm>> -> memref<40x512xi32, #tpu.memory_space<hbm>>
    tpu.enqueue_dma source(%arg9 : memref<40x512xi32, #tpu.memory_space<vmem>>) target(%dma_start3A_69 : memref<40x512xi32, #tpu.memory_space<hbm>>) target_semaphore(%arg13 : memref<!tpu.dma_semaphore, #tpu.memory_space<semaphore_mem>>)
    %dma_start3A_70 = arith.constant 160 : i32
    %dma_start3A_71 = tpu.memref_slice %arg2[%dma_start3A_70, %mul3A_2] : memref<200x16384xi32, #tpu.memory_space<hbm>> -> memref<40x512xi32, #tpu.memory_space<hbm>>
    %dma_start3A_72 = arith.constant 160 : i32
    %dma_start3A_73 = tpu.memref_slice %arg2[%dma_start3A_72, %mul3A_2] : memref<200x16384xi32, #tpu.memory_space<hbm>> -> memref<40x512xi32, #tpu.memory_space<hbm>>
    tpu.enqueue_dma source(%dma_start3A_73 : memref<40x512xi32, #tpu.memory_space<hbm>>) target(%arg7 : memref<40x512xi32, #tpu.memory_space<vmem>>) target_semaphore(%arg11 : memref<!tpu.dma_semaphore, #tpu.memory_space<semaphore_mem>>)
    %dma_wait3A_74 = arith.constant 120 : i32
    %dma_wait3A_75 = tpu.memref_slice %arg2[%dma_wait3A_74, %mul3A_2] : memref<200x16384xi32, #tpu.memory_space<hbm>> -> memref<40x512xi32, #tpu.memory_space<hbm>>
    %dma_wait3A_76 = arith.constant 120 : i32
    %dma_wait3A_77 = tpu.memref_slice %arg2[%dma_wait3A_76, %mul3A_2] : memref<200x16384xi32, #tpu.memory_space<hbm>> -> memref<40x512xi32, #tpu.memory_space<hbm>>
    tpu.wait_dma2 semaphore(%arg12 : memref<!tpu.dma_semaphore, #tpu.memory_space<semaphore_mem>>) src(%dma_wait3A_77 : memref<40x512xi32, #tpu.memory_space<hbm>>) dst(%arg8 : memref<40x512xi32, #tpu.memory_space<vmem>>)
    %dma_wait3A_78 = arith.constant 40 : i32
    %dma_wait3A_79 = tpu.memref_slice %arg4[%dma_wait3A_78, %mul3A_2] : memref<200x16384xi32, #tpu.memory_space<hbm>> -> memref<40x512xi32, #tpu.memory_space<hbm>>
    %dma_wait3A_80 = arith.constant 40 : i32
    %dma_wait3A_81 = tpu.memref_slice %arg4[%dma_wait3A_80, %mul3A_2] : memref<200x16384xi32, #tpu.memory_space<hbm>> -> memref<40x512xi32, #tpu.memory_space<hbm>>
    tpu.wait_dma2 semaphore(%arg14 : memref<!tpu.dma_semaphore, #tpu.memory_space<semaphore_mem>>) src(%arg10 : memref<40x512xi32, #tpu.memory_space<vmem>>) dst(%dma_wait3A_81 : memref<40x512xi32, #tpu.memory_space<hbm>>)
    %parallel_loop3A_82 = arith.constant 0 : i32
    %parallel_loop3A_83 = arith.constant 40 : i32
    %parallel_loop3A_84 = arith.constant 1 : i32
    scf.for %parallel_loop3A_112 = %parallel_loop3A_82 to %parallel_loop3A_83 step %parallel_loop3A_84  : i32 {
      %parallel_loop3A_113 = arith.index_cast %parallel_loop3A_112 : i32 to index
      %parallel_loop3A_114 = arith.constant 0 : index
      %parallel_loop3A_115 = tpu.vector_load %arg8[%parallel_loop3A_113, %parallel_loop3A_114] {strides = array<i32>} : memref<40x512xi32, #tpu.memory_space<vmem>>, vector<16xi32>,
      %parallel_loop3A_116 = tpu.vector_load_idx %arg6[%parallel_loop3A_115] : memref<1104xi32, #tpu.memory_space<vmem>>[vector<16xi32>], vector<16xi32>,
      %parallel_loop3A_117 = arith.index_cast %parallel_loop3A_112 : i32 to index
      %parallel_loop3A_118 = arith.constant 0 : index
      %parallel_loop3A_119 = tpu.vector_load %arg10[%parallel_loop3A_117, %parallel_loop3A_118] {strides = array<i32>} : memref<40x512xi32, #tpu.memory_space<vmem>>, vector<16xi32>,
      tpu.vector_store %arg10[%parallel_loop3A_117, %parallel_loop3A_118], %parallel_loop3A_116 {strides = array<i32>} : memref<40x512xi32, #tpu.memory_space<vmem>>, vector<16xi32>,
      %parallel_loop3A_120 = arith.index_cast %parallel_loop3A_112 : i32 to index
      %parallel_loop3A_121 = arith.constant 16 : index
      %parallel_loop3A_122 = tpu.vector_load %arg8[%parallel_loop3A_120, %parallel_loop3A_121] {strides = array<i32>} : memref<40x512xi32, #tpu.memory_space<vmem>>, vector<16xi32>,
      %parallel_loop3A_123 = tpu.vector_load_idx %arg6[%parallel_loop3A_122] : memref<1104xi32, #tpu.memory_space<vmem>>[vector<16xi32>], vector<16xi32>,
      %parallel_loop3A_124 = arith.index_cast %parallel_loop3A_112 : i32 to index
      %parallel_loop3A_125 = arith.constant 16 : index
      %parallel_loop3A_126 = tpu.vector_load %arg10[%parallel_loop3A_124, %parallel_loop3A_125] {strides = array<i32>} : memref<40x512xi32, #tpu.memory_space<vmem>>, vector<16xi32>,
      tpu.vector_store %arg10[%parallel_loop3A_124, %parallel_loop3A_125], %parallel_loop3A_123 {strides = array<i32>} : memref<40x512xi32, #tpu.memory_space<vmem>>, vector<16xi32>,
      %parallel_loop3A_127 = arith.index_cast %parallel_loop3A_112 : i32 to index
      %parallel_loop3A_128 = arith.constant 32 : index
      %parallel_loop3A_129 = tpu.vector_load %arg8[%parallel_loop3A_127, %parallel_loop3A_128] {strides = array<i32>} : memref<40x512xi32, #tpu.memory_space<vmem>>, vector<16xi32>,
      %parallel_loop3A_130 = tpu.vector_load_idx %arg6[%parallel_loop3A_129] : memref<1104xi32, #tpu.memory_space<vmem>>[vector<16xi32>], vector<16xi32>,
      %parallel_loop3A_131 = arith.index_cast %parallel_loop3A_112 : i32 to index
      %parallel_loop3A_132 = arith.constant 32 : index
      %parallel_loop3A_133 = tpu.vector_load %arg10[%parallel_loop3A_131, %parallel_loop3A_132] {strides = array<i32>} : memref<40x512xi32, #tpu.memory_space<vmem>>, vector<16xi32>,
      tpu.vector_store %arg10[%parallel_loop3A_131, %parallel_loop3A_132], %parallel_loop3A_130 {strides = array<i32>} : memref<40x512xi32, #tpu.memory_space<vmem>>, vector<16xi32>,
      %parallel_loop3A_134 = arith.index_cast %parallel_loop3A_112 : i32 to index
      %parallel_loop3A_135 = arith.constant 48 : index
      %parallel_loop3A_136 = tpu.vector_load %arg8[%parallel_loop3A_134, %parallel_loop3A_135] {strides = array<i32>} : memref<40x512xi32, #tpu.memory_space<vmem>>, vector<16xi32>,
      %parallel_loop3A_137 = tpu.vector_load_idx %arg6[%parallel_loop3A_136] : memref<1104xi32, #tpu.memory_space<vmem>>[vector<16xi32>], vector<16xi32>,
      %parallel_loop3A_138 = arith.index_cast %parallel_loop3A_112 : i32 to index
      %parallel_loop3A_139 = arith.constant 48 : index
      %parallel_loop3A_140 = tpu.vector_load %arg10[%parallel_loop3A_138, %parallel_loop3A_139] {strides = array<i32>} : memref<40x512xi32, #tpu.memory_space<vmem>>, vector<16xi32>,
      tpu.vector_store %arg10[%parallel_loop3A_138, %parallel_loop3A_139], %parallel_loop3A_137 {strides = array<i32>} : memref<40x512xi32, #tpu.memory_space<vmem>>, vector<16xi32>,
      %parallel_loop3A_141 = arith.index_cast %parallel_loop3A_112 : i32 to index
      %parallel_loop3A_142 = arith.constant 64 : index
      %parallel_loop3A_143 = tpu.vector_load %arg8[%parallel_loop3A_141, %parallel_loop3A_142] {strides = array<i32>} : memref<40x512xi32, #tpu.memory_space<vmem>>, vector<16xi32>,
      %parallel_loop3A_144 = tpu.vector_load_idx %arg6[%parallel_loop3A_143] : memref<1104xi32, #tpu.memory_space<vmem>>[vector<16xi32>], vector<16xi32>,
      %parallel_loop3A_145 = arith.index_cast %parallel_loop3A_112 : i32 to index
      %parallel_loop3A_146 = arith.constant 64 : index
      %parallel_loop3A_147 = tpu.vector_load %arg10[%parallel_loop3A_145, %parallel_loop3A_146] {strides = array<i32>} : memref<40x512xi32, #tpu.memory_space<vmem>>, vector<16xi32>,
      tpu.vector_store %arg10[%parallel_loop3A_145, %parallel_loop3A_146], %parallel_loop3A_144 {strides = array<i32>} : memref<40x512xi32, #tpu.memory_space<vmem>>, vector<16xi32>,
      %parallel_loop3A_148 = arith.index_cast %parallel_loop3A_112 : i32 to index
      %parallel_loop3A_149 = arith.constant 80 : index
      %parallel_loop3A_150 = tpu.vector_load %arg8[%parallel_loop3A_148, %parallel_loop3A_149] {strides = array<i32>} : memref<40x512xi32, #tpu.memory_space<vmem>>, vector<16xi32>,
      %parallel_loop3A_151 = tpu.vector_load_idx %arg6[%parallel_loop3A_150] : memref<1104xi32, #tpu.memory_space<vmem>>[vector<16xi32>], vector<16xi32>,
      %parallel_loop3A_152 = arith.index_cast %parallel_loop3A_112 : i32 to index
      %parallel_loop3A_153 = arith.constant 80 : index
      %parallel_loop3A_154 = tpu.vector_load %arg10[%parallel_loop3A_152, %parallel_loop3A_153] {strides = array<i32>} : memref<40x512xi32, #tpu.memory_space<vmem>>, vector<16xi32>,
      tpu.vector_store %arg10[%parallel_loop3A_152, %parallel_loop3A_153], %parallel_loop3A_151 {strides = array<i32>} : memref<40x512xi32, #tpu.memory_space<vmem>>, vector<16xi32>,
      %parallel_loop3A_155 = arith.index_cast %parallel_loop3A_112 : i32 to index
      %parallel_loop3A_156 = arith.constant 96 : index
      %parallel_loop3A_157 = tpu.vector_load %arg8[%parallel_loop3A_155, %parallel_loop3A_156] {strides = array<i32>} : memref<40x512xi32, #tpu.memory_space<vmem>>, vector<16xi32>,
      %parallel_loop3A_158 = tpu.vector_load_idx %arg6[%parallel_loop3A_157] : memref<1104xi32, #tpu.memory_space<vmem>>[vector<16xi32>], vector<16xi32>,
      %parallel_loop3A_159 = arith.index_cast %parallel_loop3A_112 : i32 to index
      %parallel_loop3A_160 = arith.constant 96 : index
      %parallel_loop3A_161 = tpu.vector_load %arg10[%parallel_loop3A_159, %parallel_loop3A_160] {strides = array<i32>} : memref<40x512xi32, #tpu.memory_space<vmem>>, vector<16xi32>,
      tpu.vector_store %arg10[%parallel_loop3A_159, %parallel_loop3A_160], %parallel_loop3A_158 {strides = array<i32>} : memref<40x512xi32, #tpu.memory_space<vmem>>, vector<16xi32>,
      %parallel_loop3A_162 = arith.index_cast %parallel_loop3A_112 : i32 to index
      %parallel_loop3A_163 = arith.constant 112 : index
      %parallel_loop3A_164 = tpu.vector_load %arg8[%parallel_loop3A_162, %parallel_loop3A_163] {strides = array<i32>} : memref<40x512xi32, #tpu.memory_space<vmem>>, vector<16xi32>,
      %parallel_loop3A_165 = tpu.vector_load_idx %arg6[%parallel_loop3A_164] : memref<1104xi32, #tpu.memory_space<vmem>>[vector<16xi32>], vector<16xi32>,
      %parallel_loop3A_166 = arith.index_cast %parallel_loop3A_112 : i32 to index
      %parallel_loop3A_167 = arith.constant 112 : index
      %parallel_loop3A_168 = tpu.vector_load %arg10[%parallel_loop3A_166, %parallel_loop3A_167] {strides = array<i32>} : memref<40x512xi32, #tpu.memory_space<vmem>>, vector<16xi32>,
      tpu.vector_store %arg10[%parallel_loop3A_166, %parallel_loop3A_167], %parallel_loop3A_165 {strides = array<i32>} : memref<40x512xi32, #tpu.memory_space<vmem>>, vector<16xi32>,
      %parallel_loop3A_169 = arith.index_cast %parallel_loop3A_112 : i32 to index
      %parallel_loop3A_170 = arith.constant 128 : index
      %parallel_loop3A_171 = tpu.vector_load %arg8[%parallel_loop3A_169, %parallel_loop3A_170] {strides = array<i32>} : memref<40x512xi32, #tpu.memory_space<vmem>>, vector<16xi32>,
      %parallel_loop3A_172 = tpu.vector_load_idx %arg6[%parallel_loop3A_171] : memref<1104xi32, #tpu.memory_space<vmem>>[vector<16xi32>], vector<16xi32>,
      %parallel_loop3A_173 = arith.index_cast %parallel_loop3A_112 : i32 to index
      %parallel_loop3A_174 = arith.constant 128 : index
      %parallel_loop3A_175 = tpu.vector_load %arg10[%parallel_loop3A_173, %parallel_loop3A_174] {strides = array<i32>} : memref<40x512xi32, #tpu.memory_space<vmem>>, vector<16xi32>,
      tpu.vector_store %arg10[%parallel_loop3A_173, %parallel_loop3A_174], %parallel_loop3A_172 {strides = array<i32>} : memref<40x512xi32, #tpu.memory_space<vmem>>, vector<16xi32>,
      %parallel_loop3A_176 = arith.index_cast %parallel_loop3A_112 : i32 to index
      %parallel_loop3A_177 = arith.constant 144 : index
      %parallel_loop3A_178 = tpu.vector_load %arg8[%parallel_loop3A_176, %parallel_loop3A_177] {strides = array<i32>} : memref<40x512xi32, #tpu.memory_space<vmem>>, vector<16xi32>,
      %parallel_loop3A_179 = tpu.vector_load_idx %arg6[%parallel_loop3A_178] : memref<1104xi32, #tpu.memory_space<vmem>>[vector<16xi32>], vector<16xi32>,
      %parallel_loop3A_180 = arith.index_cast %parallel_loop3A_112 : i32 to index
      %parallel_loop3A_181 = arith.constant 144 : index
      %parallel_loop3A_182 = tpu.vector_load %arg10[%parallel_loop3A_180, %parallel_loop3A_181] {strides = array<i32>} : memref<40x512xi32, #tpu.memory_space<vmem>>, vector<16xi32>,
      tpu.vector_store %arg10[%parallel_loop3A_180, %parallel_loop3A_181], %parallel_loop3A_179 {strides = array<i32>} : memref<40x512xi32, #tpu.memory_space<vmem>>, vector<16xi32>,
      %parallel_loop3A_183 = arith.index_cast %parallel_loop3A_112 : i32 to index
      %parallel_loop3A_184 = arith.constant 160 : index
      %parallel_loop3A_185 = tpu.vector_load %arg8[%parallel_loop3A_183, %parallel_loop3A_184] {strides = array<i32>} : memref<40x512xi32, #tpu.memory_space<vmem>>, vector<16xi32>,
      %parallel_loop3A_186 = tpu.vector_load_idx %arg6[%parallel_loop3A_185] : memref<1104xi32, #tpu.memory_space<vmem>>[vector<16xi32>], vector<16xi32>,
      %parallel_loop3A_187 = arith.index_cast %parallel_loop3A_112 : i32 to index
      %parallel_loop3A_188 = arith.constant 160 : index
      %parallel_loop3A_189 = tpu.vector_load %arg10[%parallel_loop3A_187, %parallel_loop3A_188] {strides = array<i32>} : memref<40x512xi32, #tpu.memory_space<vmem>>, vector<16xi32>,
      tpu.vector_store %arg10[%parallel_loop3A_187, %parallel_loop3A_188], %parallel_loop3A_186 {strides = array<i32>} : memref<40x512xi32, #tpu.memory_space<vmem>>, vector<16xi32>,
      %parallel_loop3A_190 = arith.index_cast %parallel_loop3A_112 : i32 to index
      %parallel_loop3A_191 = arith.constant 176 : index
      %parallel_loop3A_192 = tpu.vector_load %arg8[%parallel_loop3A_190, %parallel_loop3A_191] {strides = array<i32>} : memref<40x512xi32, #tpu.memory_space<vmem>>, vector<16xi32>,
      %parallel_loop3A_193 = tpu.vector_load_idx %arg6[%parallel_loop3A_192] : memref<1104xi32, #tpu.memory_space<vmem>>[vector<16xi32>], vector<16xi32>,
      %parallel_loop3A_194 = arith.index_cast %parallel_loop3A_112 : i32 to index
      %parallel_loop3A_195 = arith.constant 176 : index
      %parallel_loop3A_196 = tpu.vector_load %arg10[%parallel_loop3A_194, %parallel_loop3A_195] {strides = array<i32>} : memref<40x512xi32, #tpu.memory_space<vmem>>, vector<16xi32>,
      tpu.vector_store %arg10[%parallel_loop3A_194, %parallel_loop3A_195], %parallel_loop3A_193 {strides = array<i32>} : memref<40x512xi32, #tpu.memory_space<vmem>>, vector<16xi32>,
      %parallel_loop3A_197 = arith.index_cast %parallel_loop3A_112 : i32 to index
      %parallel_loop3A_198 = arith.constant 192 : index
      %parallel_loop3A_199 = tpu.vector_load %arg8[%parallel_loop3A_197, %parallel_loop3A_198] {strides = array<i32>} : memref<40x512xi32, #tpu.memory_space<vmem>>, vector<16xi32>,
      %parallel_loop3A_200 = tpu.vector_load_idx %arg6[%parallel_loop3A_199] : memref<1104xi32, #tpu.memory_space<vmem>>[vector<16xi32>], vector<16xi32>,
      %parallel_loop3A_201 = arith.index_cast %parallel_loop3A_112 : i32 to index
      %parallel_loop3A_202 = arith.constant 192 : index
      %parallel_loop3A_203 = tpu.vector_load %arg10[%parallel_loop3A_201, %parallel_loop3A_202] {strides = array<i32>} : memref<40x512xi32, #tpu.memory_space<vmem>>, vector<16xi32>,
      tpu.vector_store %arg10[%parallel_loop3A_201, %parallel_loop3A_202], %parallel_loop3A_200 {strides = array<i32>} : memref<40x512xi32, #tpu.memory_space<vmem>>, vector<16xi32>,
      %parallel_loop3A_204 = arith.index_cast %parallel_loop3A_112 : i32 to index
      %parallel_loop3A_205 = arith.constant 208 : index
      %parallel_loop3A_206 = tpu.vector_load %arg8[%parallel_loop3A_204, %parallel_loop3A_205] {strides = array<i32>} : memref<40x512xi32, #tpu.memory_space<vmem>>, vector<16xi32>,
      %parallel_loop3A_207 = tpu.vector_load_idx %arg6[%parallel_loop3A_206] : memref<1104xi32, #tpu.memory_space<vmem>>[vector<16xi32>], vector<16xi32>,
      %parallel_loop3A_208 = arith.index_cast %parallel_loop3A_112 : i32 to index
      %parallel_loop3A_209 = arith.constant 208 : index
      %parallel_loop3A_210 = tpu.vector_load %arg10[%parallel_loop3A_208, %parallel_loop3A_209] {strides = array<i32>} : memref<40x512xi32, #tpu.memory_space<vmem>>, vector<16xi32>,
      tpu.vector_store %arg10[%parallel_loop3A_208, %parallel_loop3A_209], %parallel_loop3A_207 {strides = array<i32>} : memref<40x512xi32, #tpu.memory_space<vmem>>, vector<16xi32>,
      %parallel_loop3A_211 = arith.index_cast %parallel_loop3A_112 : i32 to index
      %parallel_loop3A_212 = arith.constant 224 : index
      %parallel_loop3A_213 = tpu.vector_load %arg8[%parallel_loop3A_211, %parallel_loop3A_212] {strides = array<i32>} : memref<40x512xi32, #tpu.memory_space<vmem>>, vector<16xi32>,
      %parallel_loop3A_214 = tpu.vector_load_idx %arg6[%parallel_loop3A_213] : memref<1104xi32, #tpu.memory_space<vmem>>[vector<16xi32>], vector<16xi32>,
      %parallel_loop3A_215 = arith.index_cast %parallel_loop3A_112 : i32 to index
      %parallel_loop3A_216 = arith.constant 224 : index
      %parallel_loop3A_217 = tpu.vector_load %arg10[%parallel_loop3A_215, %parallel_loop3A_216] {strides = array<i32>} : memref<40x512xi32, #tpu.memory_space<vmem>>, vector<16xi32>,
      tpu.vector_store %arg10[%parallel_loop3A_215, %parallel_loop3A_216], %parallel_loop3A_214 {strides = array<i32>} : memref<40x512xi32, #tpu.memory_space<vmem>>, vector<16xi32>,
      %parallel_loop3A_218 = arith.index_cast %parallel_loop3A_112 : i32 to index
      %parallel_loop3A_219 = arith.constant 240 : index
      %parallel_loop3A_220 = tpu.vector_load %arg8[%parallel_loop3A_218, %parallel_loop3A_219] {strides = array<i32>} : memref<40x512xi32, #tpu.memory_space<vmem>>, vector<16xi32>,
      %parallel_loop3A_221 = tpu.vector_load_idx %arg6[%parallel_loop3A_220] : memref<1104xi32, #tpu.memory_space<vmem>>[vector<16xi32>], vector<16xi32>,
      %parallel_loop3A_222 = arith.index_cast %parallel_loop3A_112 : i32 to index
      %parallel_loop3A_223 = arith.constant 240 : index
      %parallel_loop3A_224 = tpu.vector_load %arg10[%parallel_loop3A_222, %parallel_loop3A_223] {strides = array<i32>} : memref<40x512xi32, #tpu.memory_space<vmem>>, vector<16xi32>,
      tpu.vector_store %arg10[%parallel_loop3A_222, %parallel_loop3A_223], %parallel_loop3A_221 {strides = array<i32>} : memref<40x512xi32, #tpu.memory_space<vmem>>, vector<16xi32>,
      %parallel_loop3A_225 = arith.index_cast %parallel_loop3A_112 : i32 to index
      %parallel_loop3A_226 = arith.constant 256 : index
      %parallel_loop3A_227 = tpu.vector_load %arg8[%parallel_loop3A_225, %parallel_loop3A_226] {strides = array<i32>} : memref<40x512xi32, #tpu.memory_space<vmem>>, vector<16xi32>,
      %parallel_loop3A_228 = tpu.vector_load_idx %arg6[%parallel_loop3A_227] : memref<1104xi32, #tpu.memory_space<vmem>>[vector<16xi32>], vector<16xi32>,
      %parallel_loop3A_229 = arith.index_cast %parallel_loop3A_112 : i32 to index
      %parallel_loop3A_230 = arith.constant 256 : index
      %parallel_loop3A_231 = tpu.vector_load %arg10[%parallel_loop3A_229, %parallel_loop3A_230] {strides = array<i32>} : memref<40x512xi32, #tpu.memory_space<vmem>>, vector<16xi32>,
      tpu.vector_store %arg10[%parallel_loop3A_229, %parallel_loop3A_230], %parallel_loop3A_228 {strides = array<i32>} : memref<40x512xi32, #tpu.memory_space<vmem>>, vector<16xi32>,
      %parallel_loop3A_232 = arith.index_cast %parallel_loop3A_112 : i32 to index
      %parallel_loop3A_233 = arith.constant 272 : index
      %parallel_loop3A_234 = tpu.vector_load %arg8[%parallel_loop3A_232, %parallel_loop3A_233] {strides = array<i32>} : memref<40x512xi32, #tpu.memory_space<vmem>>, vector<16xi32>,
      %parallel_loop3A_235 = tpu.vector_load_idx %arg6[%parallel_loop3A_234] : memref<1104xi32, #tpu.memory_space<vmem>>[vector<16xi32>], vector<16xi32>,
      %parallel_loop3A_236 = arith.index_cast %parallel_loop3A_112 : i32 to index
      %parallel_loop3A_237 = arith.constant 272 : index
      %parallel_loop3A_238 = tpu.vector_load %arg10[%parallel_loop3A_236, %parallel_loop3A_237] {strides = array<i32>} : memref<40x512xi32, #tpu.memory_space<vmem>>, vector<16xi32>,
      tpu.vector_store %arg10[%parallel_loop3A_236, %parallel_loop3A_237], %parallel_loop3A_235 {strides = array<i32>} : memref<40x512xi32, #tpu.memory_space<vmem>>, vector<16xi32>,
      %parallel_loop3A_239 = arith.index_cast %parallel_loop3A_112 : i32 to index
      %parallel_loop3A_240 = arith.constant 288 : index
      %parallel_loop3A_241 = tpu.vector_load %arg8[%parallel_loop3A_239, %parallel_loop3A_240] {strides = array<i32>} : memref<40x512xi32, #tpu.memory_space<vmem>>, vector<16xi32>,
      %parallel_loop3A_242 = tpu.vector_load_idx %arg6[%parallel_loop3A_241] : memref<1104xi32, #tpu.memory_space<vmem>>[vector<16xi32>], vector<16xi32>,
      %parallel_loop3A_243 = arith.index_cast %parallel_loop3A_112 : i32 to index
      %parallel_loop3A_244 = arith.constant 288 : index
      %parallel_loop3A_245 = tpu.vector_load %arg10[%parallel_loop3A_243, %parallel_loop3A_244] {strides = array<i32>} : memref<40x512xi32, #tpu.memory_space<vmem>>, vector<16xi32>,
      tpu.vector_store %arg10[%parallel_loop3A_243, %parallel_loop3A_244], %parallel_loop3A_242 {strides = array<i32>} : memref<40x512xi32, #tpu.memory_space<vmem>>, vector<16xi32>,
      %parallel_loop3A_246 = arith.index_cast %parallel_loop3A_112 : i32 to index
      %parallel_loop3A_247 = arith.constant 304 : index
      %parallel_loop3A_248 = tpu.vector_load %arg8[%parallel_loop3A_246, %parallel_loop3A_247] {strides = array<i32>} : memref<40x512xi32, #tpu.memory_space<vmem>>, vector<16xi32>,
      %parallel_loop3A_249 = tpu.vector_load_idx %arg6[%parallel_loop3A_248] : memref<1104xi32, #tpu.memory_space<vmem>>[vector<16xi32>], vector<16xi32>,
      %parallel_loop3A_250 = arith.index_cast %parallel_loop3A_112 : i32 to index
      %parallel_loop3A_251 = arith.constant 304 : index
      %parallel_loop3A_252 = tpu.vector_load %arg10[%parallel_loop3A_250, %parallel_loop3A_251] {strides = array<i32>} : memref<40x512xi32, #tpu.memory_space<vmem>>, vector<16xi32>,
      tpu.vector_store %arg10[%parallel_loop3A_250, %parallel_loop3A_251], %parallel_loop3A_249 {strides = array<i32>} : memref<40x512xi32, #tpu.memory_space<vmem>>, vector<16xi32>,
      %parallel_loop3A_253 = arith.index_cast %parallel_loop3A_112 : i32 to index
      %parallel_loop3A_254 = arith.constant 320 : index
      %parallel_loop3A_255 = tpu.vector_load %arg8[%parallel_loop3A_253, %parallel_loop3A_254] {strides = array<i32>} : memref<40x512xi32, #tpu.memory_space<vmem>>, vector<16xi32>,
      %parallel_loop3A_256 = tpu.vector_load_idx %arg6[%parallel_loop3A_255] : memref<1104xi32, #tpu.memory_space<vmem>>[vector<16xi32>], vector<16xi32>,
      %parallel_loop3A_257 = arith.index_cast %parallel_loop3A_112 : i32 to index
      %parallel_loop3A_258 = arith.constant 320 : index
      %parallel_loop3A_259 = tpu.vector_load %arg10[%parallel_loop3A_257, %parallel_loop3A_258] {strides = array<i32>} : memref<40x512xi32, #tpu.memory_space<vmem>>, vector<16xi32>,
      tpu.vector_store %arg10[%parallel_loop3A_257, %parallel_loop3A_258], %parallel_loop3A_256 {strides = array<i32>} : memref<40x512xi32, #tpu.memory_space<vmem>>, vector<16xi32>,
      %parallel_loop3A_260 = arith.index_cast %parallel_loop3A_112 : i32 to index
      %parallel_loop3A_261 = arith.constant 336 : index
      %parallel_loop3A_262 = tpu.vector_load %arg8[%parallel_loop3A_260, %parallel_loop3A_261] {strides = array<i32>} : memref<40x512xi32, #tpu.memory_space<vmem>>, vector<16xi32>,
      %parallel_loop3A_263 = tpu.vector_load_idx %arg6[%parallel_loop3A_262] : memref<1104xi32, #tpu.memory_space<vmem>>[vector<16xi32>], vector<16xi32>,
      %parallel_loop3A_264 = arith.index_cast %parallel_loop3A_112 : i32 to index
      %parallel_loop3A_265 = arith.constant 336 : index
      %parallel_loop3A_266 = tpu.vector_load %arg10[%parallel_loop3A_264, %parallel_loop3A_265] {strides = array<i32>} : memref<40x512xi32, #tpu.memory_space<vmem>>, vector<16xi32>,
      tpu.vector_store %arg10[%parallel_loop3A_264, %parallel_loop3A_265], %parallel_loop3A_263 {strides = array<i32>} : memref<40x512xi32, #tpu.memory_space<vmem>>, vector<16xi32>,
      %parallel_loop3A_267 = arith.index_cast %parallel_loop3A_112 : i32 to index
      %parallel_loop3A_268 = arith.constant 352 : index
      %parallel_loop3A_269 = tpu.vector_load %arg8[%parallel_loop3A_267, %parallel_loop3A_268] {strides = array<i32>} : memref<40x512xi32, #tpu.memory_space<vmem>>, vector<16xi32>,
      %parallel_loop3A_270 = tpu.vector_load_idx %arg6[%parallel_loop3A_269] : memref<1104xi32, #tpu.memory_space<vmem>>[vector<16xi32>], vector<16xi32>,
      %parallel_loop3A_271 = arith.index_cast %parallel_loop3A_112 : i32 to index
      %parallel_loop3A_272 = arith.constant 352 : index
      %parallel_loop3A_273 = tpu.vector_load %arg10[%parallel_loop3A_271, %parallel_loop3A_272] {strides = array<i32>} : memref<40x512xi32, #tpu.memory_space<vmem>>, vector<16xi32>,
      tpu.vector_store %arg10[%parallel_loop3A_271, %parallel_loop3A_272], %parallel_loop3A_270 {strides = array<i32>} : memref<40x512xi32, #tpu.memory_space<vmem>>, vector<16xi32>,
      %parallel_loop3A_274 = arith.index_cast %parallel_loop3A_112 : i32 to index
      %parallel_loop3A_275 = arith.constant 368 : index
      %parallel_loop3A_276 = tpu.vector_load %arg8[%parallel_loop3A_274, %parallel_loop3A_275] {strides = array<i32>} : memref<40x512xi32, #tpu.memory_space<vmem>>, vector<16xi32>,
      %parallel_loop3A_277 = tpu.vector_load_idx %arg6[%parallel_loop3A_276] : memref<1104xi32, #tpu.memory_space<vmem>>[vector<16xi32>], vector<16xi32>,
      %parallel_loop3A_278 = arith.index_cast %parallel_loop3A_112 : i32 to index
      %parallel_loop3A_279 = arith.constant 368 : index
      %parallel_loop3A_280 = tpu.vector_load %arg10[%parallel_loop3A_278, %parallel_loop3A_279] {strides = array<i32>} : memref<40x512xi32, #tpu.memory_space<vmem>>, vector<16xi32>,
      tpu.vector_store %arg10[%parallel_loop3A_278, %parallel_loop3A_279], %parallel_loop3A_277 {strides = array<i32>} : memref<40x512xi32, #tpu.memory_space<vmem>>, vector<16xi32>,
      %parallel_loop3A_281 = arith.index_cast %parallel_loop3A_112 : i32 to index
      %parallel_loop3A_282 = arith.constant 384 : index
      %parallel_loop3A_283 = tpu.vector_load %arg8[%parallel_loop3A_281, %parallel_loop3A_282] {strides = array<i32>} : memref<40x512xi32, #tpu.memory_space<vmem>>, vector<16xi32>,
      %parallel_loop3A_284 = tpu.vector_load_idx %arg6[%parallel_loop3A_283] : memref<1104xi32, #tpu.memory_space<vmem>>[vector<16xi32>], vector<16xi32>,
      %parallel_loop3A_285 = arith.index_cast %parallel_loop3A_112 : i32 to index
      %parallel_loop3A_286 = arith.constant 384 : index
      %parallel_loop3A_287 = tpu.vector_load %arg10[%parallel_loop3A_285, %parallel_loop3A_286] {strides = array<i32>} : memref<40x512xi32, #tpu.memory_space<vmem>>, vector<16xi32>,
      tpu.vector_store %arg10[%parallel_loop3A_285, %parallel_loop3A_286], %parallel_loop3A_284 {strides = array<i32>} : memref<40x512xi32, #tpu.memory_space<vmem>>, vector<16xi32>,
      %parallel_loop3A_288 = arith.index_cast %parallel_loop3A_112 : i32 to index
      %parallel_loop3A_289 = arith.constant 400 : index
      %parallel_loop3A_290 = tpu.vector_load %arg8[%parallel_loop3A_288, %parallel_loop3A_289] {strides = array<i32>} : memref<40x512xi32, #tpu.memory_space<vmem>>, vector<16xi32>,
      %parallel_loop3A_291 = tpu.vector_load_idx %arg6[%parallel_loop3A_290] : memref<1104xi32, #tpu.memory_space<vmem>>[vector<16xi32>], vector<16xi32>,
      %parallel_loop3A_292 = arith.index_cast %parallel_loop3A_112 : i32 to index
      %parallel_loop3A_293 = arith.constant 400 : index
      %parallel_loop3A_294 = tpu.vector_load %arg10[%parallel_loop3A_292, %parallel_loop3A_293] {strides = array<i32>} : memref<40x512xi32, #tpu.memory_space<vmem>>, vector<16xi32>,
      tpu.vector_store %arg10[%parallel_loop3A_292, %parallel_loop3A_293], %parallel_loop3A_291 {strides = array<i32>} : memref<40x512xi32, #tpu.memory_space<vmem>>, vector<16xi32>,
      %parallel_loop3A_295 = arith.index_cast %parallel_loop3A_112 : i32 to index
      %parallel_loop3A_296 = arith.constant 416 : index
      %parallel_loop3A_297 = tpu.vector_load %arg8[%parallel_loop3A_295, %parallel_loop3A_296] {strides = array<i32>} : memref<40x512xi32, #tpu.memory_space<vmem>>, vector<16xi32>,
      %parallel_loop3A_298 = tpu.vector_load_idx %arg6[%parallel_loop3A_297] : memref<1104xi32, #tpu.memory_space<vmem>>[vector<16xi32>], vector<16xi32>,
      %parallel_loop3A_299 = arith.index_cast %parallel_loop3A_112 : i32 to index
      %parallel_loop3A_300 = arith.constant 416 : index
      %parallel_loop3A_301 = tpu.vector_load %arg10[%parallel_loop3A_299, %parallel_loop3A_300] {strides = array<i32>} : memref<40x512xi32, #tpu.memory_space<vmem>>, vector<16xi32>,
      tpu.vector_store %arg10[%parallel_loop3A_299, %parallel_loop3A_300], %parallel_loop3A_298 {strides = array<i32>} : memref<40x512xi32, #tpu.memory_space<vmem>>, vector<16xi32>,
      %parallel_loop3A_302 = arith.index_cast %parallel_loop3A_112 : i32 to index
      %parallel_loop3A_303 = arith.constant 432 : index
      %parallel_loop3A_304 = tpu.vector_load %arg8[%parallel_loop3A_302, %parallel_loop3A_303] {strides = array<i32>} : memref<40x512xi32, #tpu.memory_space<vmem>>, vector<16xi32>,
      %parallel_loop3A_305 = tpu.vector_load_idx %arg6[%parallel_loop3A_304] : memref<1104xi32, #tpu.memory_space<vmem>>[vector<16xi32>], vector<16xi32>,
      %parallel_loop3A_306 = arith.index_cast %parallel_loop3A_112 : i32 to index
      %parallel_loop3A_307 = arith.constant 432 : index
      %parallel_loop3A_308 = tpu.vector_load %arg10[%parallel_loop3A_306, %parallel_loop3A_307] {strides = array<i32>} : memref<40x512xi32, #tpu.memory_space<vmem>>, vector<16xi32>,
      tpu.vector_store %arg10[%parallel_loop3A_306, %parallel_loop3A_307], %parallel_loop3A_305 {strides = array<i32>} : memref<40x512xi32, #tpu.memory_space<vmem>>, vector<16xi32>,
      %parallel_loop3A_309 = arith.index_cast %parallel_loop3A_112 : i32 to index
      %parallel_loop3A_310 = arith.constant 448 : index
      %parallel_loop3A_311 = tpu.vector_load %arg8[%parallel_loop3A_309, %parallel_loop3A_310] {strides = array<i32>} : memref<40x512xi32, #tpu.memory_space<vmem>>, vector<16xi32>,
      %parallel_loop3A_312 = tpu.vector_load_idx %arg6[%parallel_loop3A_311] : memref<1104xi32, #tpu.memory_space<vmem>>[vector<16xi32>], vector<16xi32>,
      %parallel_loop3A_313 = arith.index_cast %parallel_loop3A_112 : i32 to index
      %parallel_loop3A_314 = arith.constant 448 : index
      %parallel_loop3A_315 = tpu.vector_load %arg10[%parallel_loop3A_313, %parallel_loop3A_314] {strides = array<i32>} : memref<40x512xi32, #tpu.memory_space<vmem>>, vector<16xi32>,
      tpu.vector_store %arg10[%parallel_loop3A_313, %parallel_loop3A_314], %parallel_loop3A_312 {strides = array<i32>} : memref<40x512xi32, #tpu.memory_space<vmem>>, vector<16xi32>,
      %parallel_loop3A_316 = arith.index_cast %parallel_loop3A_112 : i32 to index
      %parallel_loop3A_317 = arith.constant 464 : index
      %parallel_loop3A_318 = tpu.vector_load %arg8[%parallel_loop3A_316, %parallel_loop3A_317] {strides = array<i32>} : memref<40x512xi32, #tpu.memory_space<vmem>>, vector<16xi32>,
      %parallel_loop3A_319 = tpu.vector_load_idx %arg6[%parallel_loop3A_318] : memref<1104xi32, #tpu.memory_space<vmem>>[vector<16xi32>], vector<16xi32>,
      %parallel_loop3A_320 = arith.index_cast %parallel_loop3A_112 : i32 to index
      %parallel_loop3A_321 = arith.constant 464 : index
      %parallel_loop3A_322 = tpu.vector_load %arg10[%parallel_loop3A_320, %parallel_loop3A_321] {strides = array<i32>} : memref<40x512xi32, #tpu.memory_space<vmem>>, vector<16xi32>,
      tpu.vector_store %arg10[%parallel_loop3A_320, %parallel_loop3A_321], %parallel_loop3A_319 {strides = array<i32>} : memref<40x512xi32, #tpu.memory_space<vmem>>, vector<16xi32>,
      %parallel_loop3A_323 = arith.index_cast %parallel_loop3A_112 : i32 to index
      %parallel_loop3A_324 = arith.constant 480 : index
      %parallel_loop3A_325 = tpu.vector_load %arg8[%parallel_loop3A_323, %parallel_loop3A_324] {strides = array<i32>} : memref<40x512xi32, #tpu.memory_space<vmem>>, vector<16xi32>,
      %parallel_loop3A_326 = tpu.vector_load_idx %arg6[%parallel_loop3A_325] : memref<1104xi32, #tpu.memory_space<vmem>>[vector<16xi32>], vector<16xi32>,
      %parallel_loop3A_327 = arith.index_cast %parallel_loop3A_112 : i32 to index
      %parallel_loop3A_328 = arith.constant 480 : index
      %parallel_loop3A_329 = tpu.vector_load %arg10[%parallel_loop3A_327, %parallel_loop3A_328] {strides = array<i32>} : memref<40x512xi32, #tpu.memory_space<vmem>>, vector<16xi32>,
      tpu.vector_store %arg10[%parallel_loop3A_327, %parallel_loop3A_328], %parallel_loop3A_326 {strides = array<i32>} : memref<40x512xi32, #tpu.memory_space<vmem>>, vector<16xi32>,
      %parallel_loop3A_330 = arith.index_cast %parallel_loop3A_112 : i32 to index
      %parallel_loop3A_331 = arith.constant 496 : index
      %parallel_loop3A_332 = tpu.vector_load %arg8[%parallel_loop3A_330, %parallel_loop3A_331] {strides = array<i32>} : memref<40x512xi32, #tpu.memory_space<vmem>>, vector<16xi32>,
      %parallel_loop3A_333 = tpu.vector_load_idx %arg6[%parallel_loop3A_332] : memref<1104xi32, #tpu.memory_space<vmem>>[vector<16xi32>], vector<16xi32>,
      %parallel_loop3A_334 = arith.index_cast %parallel_loop3A_112 : i32 to index
      %parallel_loop3A_335 = arith.constant 496 : index
      %parallel_loop3A_336 = tpu.vector_load %arg10[%parallel_loop3A_334, %parallel_loop3A_335] {strides = array<i32>} : memref<40x512xi32, #tpu.memory_space<vmem>>, vector<16xi32>,
      tpu.vector_store %arg10[%parallel_loop3A_334, %parallel_loop3A_335], %parallel_loop3A_333 {strides = array<i32>} : memref<40x512xi32, #tpu.memory_space<vmem>>, vector<16xi32>,
    } {sc.loop_unroll_factor = 1 : i64, sc.parallel_access}
    %dma_start3A_85 = arith.constant 120 : i32
    %dma_start3A_86 = tpu.memref_slice %arg4[%dma_start3A_85, %mul3A_2] : memref<200x16384xi32, #tpu.memory_space<hbm>> -> memref<40x512xi32, #tpu.memory_space<hbm>>
    %dma_start3A_87 = arith.constant 120 : i32
    %dma_start3A_88 = tpu.memref_slice %arg4[%dma_start3A_87, %mul3A_2] : memref<200x16384xi32, #tpu.memory_space<hbm>> -> memref<40x512xi32, #tpu.memory_space<hbm>>
    tpu.enqueue_dma source(%arg10 : memref<40x512xi32, #tpu.memory_space<vmem>>) target(%dma_start3A_88 : memref<40x512xi32, #tpu.memory_space<hbm>>) target_semaphore(%arg14 : memref<!tpu.dma_semaphore, #tpu.memory_space<semaphore_mem>>)
    %dma_wait3A_89 = arith.constant 160 : i32
    %dma_wait3A_90 = tpu.memref_slice %arg2[%dma_wait3A_89, %mul3A_2] : memref<200x16384xi32, #tpu.memory_space<hbm>> -> memref<40x512xi32, #tpu.memory_space<hbm>>
    %dma_wait3A_91 = arith.constant 160 : i32
    %dma_wait3A_92 = tpu.memref_slice %arg2[%dma_wait3A_91, %mul3A_2] : memref<200x16384xi32, #tpu.memory_space<hbm>> -> memref<40x512xi32, #tpu.memory_space<hbm>>
    tpu.wait_dma2 semaphore(%arg11 : memref<!tpu.dma_semaphore, #tpu.memory_space<semaphore_mem>>) src(%dma_wait3A_92 : memref<40x512xi32, #tpu.memory_space<hbm>>) dst(%arg7 : memref<40x512xi32, #tpu.memory_space<vmem>>)
    %dma_wait3A_93 = arith.constant 80 : i32
    %dma_wait3A_94 = tpu.memref_slice %arg4[%dma_wait3A_93, %mul3A_2] : memref<200x16384xi32, #tpu.memory_space<hbm>> -> memref<40x512xi32, #tpu.memory_space<hbm>>
    %dma_wait3A_95 = arith.constant 80 : i32
    %dma_wait3A_96 = tpu.memref_slice %arg4[%dma_wait3A_95, %mul3A_2] : memref<200x16384xi32, #tpu.memory_space<hbm>> -> memref<40x512xi32, #tpu.memory_space<hbm>>
    tpu.wait_dma2 semaphore(%arg13 : memref<!tpu.dma_semaphore, #tpu.memory_space<semaphore_mem>>) src(%arg9 : memref<40x512xi32, #tpu.memory_space<vmem>>) dst(%dma_wait3A_96 : memref<40x512xi32, #tpu.memory_space<hbm>>)
    %parallel_loop3A_97 = arith.constant 0 : i32
    %parallel_loop3A_98 = arith.constant 40 : i32
    %parallel_loop3A_99 = arith.constant 1 : i32
    scf.for %parallel_loop3A_112 = %parallel_loop3A_97 to %parallel_loop3A_98 step %parallel_loop3A_99  : i32 {
      %parallel_loop3A_113 = arith.index_cast %parallel_loop3A_112 : i32 to index
      %parallel_loop3A_114 = arith.constant 0 : index
      %parallel_loop3A_115 = tpu.vector_load %arg7[%parallel_loop3A_113, %parallel_loop3A_114] {strides = array<i32>} : memref<40x512xi32, #tpu.memory_space<vmem>>, vector<16xi32>,
      %parallel_loop3A_116 = tpu.vector_load_idx %arg6[%parallel_loop3A_115] : memref<1104xi32, #tpu.memory_space<vmem>>[vector<16xi32>], vector<16xi32>,
      %parallel_loop3A_117 = arith.index_cast %parallel_loop3A_112 : i32 to index
      %parallel_loop3A_118 = arith.constant 0 : index
      %parallel_loop3A_119 = tpu.vector_load %arg9[%parallel_loop3A_117, %parallel_loop3A_118] {strides = array<i32>} : memref<40x512xi32, #tpu.memory_space<vmem>>, vector<16xi32>,
      tpu.vector_store %arg9[%parallel_loop3A_117, %parallel_loop3A_118], %parallel_loop3A_116 {strides = array<i32>} : memref<40x512xi32, #tpu.memory_space<vmem>>, vector<16xi32>,
      %parallel_loop3A_120 = arith.index_cast %parallel_loop3A_112 : i32 to index
      %parallel_loop3A_121 = arith.constant 16 : index
      %parallel_loop3A_122 = tpu.vector_load %arg7[%parallel_loop3A_120, %parallel_loop3A_121] {strides = array<i32>} : memref<40x512xi32, #tpu.memory_space<vmem>>, vector<16xi32>,
      %parallel_loop3A_123 = tpu.vector_load_idx %arg6[%parallel_loop3A_122] : memref<1104xi32, #tpu.memory_space<vmem>>[vector<16xi32>], vector<16xi32>,
      %parallel_loop3A_124 = arith.index_cast %parallel_loop3A_112 : i32 to index
      %parallel_loop3A_125 = arith.constant 16 : index
      %parallel_loop3A_126 = tpu.vector_load %arg9[%parallel_loop3A_124, %parallel_loop3A_125] {strides = array<i32>} : memref<40x512xi32, #tpu.memory_space<vmem>>, vector<16xi32>,
      tpu.vector_store %arg9[%parallel_loop3A_124, %parallel_loop3A_125], %parallel_loop3A_123 {strides = array<i32>} : memref<40x512xi32, #tpu.memory_space<vmem>>, vector<16xi32>,
      %parallel_loop3A_127 = arith.index_cast %parallel_loop3A_112 : i32 to index
      %parallel_loop3A_128 = arith.constant 32 : index
      %parallel_loop3A_129 = tpu.vector_load %arg7[%parallel_loop3A_127, %parallel_loop3A_128] {strides = array<i32>} : memref<40x512xi32, #tpu.memory_space<vmem>>, vector<16xi32>,
      %parallel_loop3A_130 = tpu.vector_load_idx %arg6[%parallel_loop3A_129] : memref<1104xi32, #tpu.memory_space<vmem>>[vector<16xi32>], vector<16xi32>,
      %parallel_loop3A_131 = arith.index_cast %parallel_loop3A_112 : i32 to index
      %parallel_loop3A_132 = arith.constant 32 : index
      %parallel_loop3A_133 = tpu.vector_load %arg9[%parallel_loop3A_131, %parallel_loop3A_132] {strides = array<i32>} : memref<40x512xi32, #tpu.memory_space<vmem>>, vector<16xi32>,
      tpu.vector_store %arg9[%parallel_loop3A_131, %parallel_loop3A_132], %parallel_loop3A_130 {strides = array<i32>} : memref<40x512xi32, #tpu.memory_space<vmem>>, vector<16xi32>,
      %parallel_loop3A_134 = arith.index_cast %parallel_loop3A_112 : i32 to index
      %parallel_loop3A_135 = arith.constant 48 : index
      %parallel_loop3A_136 = tpu.vector_load %arg7[%parallel_loop3A_134, %parallel_loop3A_135] {strides = array<i32>} : memref<40x512xi32, #tpu.memory_space<vmem>>, vector<16xi32>,
      %parallel_loop3A_137 = tpu.vector_load_idx %arg6[%parallel_loop3A_136] : memref<1104xi32, #tpu.memory_space<vmem>>[vector<16xi32>], vector<16xi32>,
      %parallel_loop3A_138 = arith.index_cast %parallel_loop3A_112 : i32 to index
      %parallel_loop3A_139 = arith.constant 48 : index
      %parallel_loop3A_140 = tpu.vector_load %arg9[%parallel_loop3A_138, %parallel_loop3A_139] {strides = array<i32>} : memref<40x512xi32, #tpu.memory_space<vmem>>, vector<16xi32>,
      tpu.vector_store %arg9[%parallel_loop3A_138, %parallel_loop3A_139], %parallel_loop3A_137 {strides = array<i32>} : memref<40x512xi32, #tpu.memory_space<vmem>>, vector<16xi32>,
      %parallel_loop3A_141 = arith.index_cast %parallel_loop3A_112 : i32 to index
      %parallel_loop3A_142 = arith.constant 64 : index
      %parallel_loop3A_143 = tpu.vector_load %arg7[%parallel_loop3A_141, %parallel_loop3A_142] {strides = array<i32>} : memref<40x512xi32, #tpu.memory_space<vmem>>, vector<16xi32>,
      %parallel_loop3A_144 = tpu.vector_load_idx %arg6[%parallel_loop3A_143] : memref<1104xi32, #tpu.memory_space<vmem>>[vector<16xi32>], vector<16xi32>,
      %parallel_loop3A_145 = arith.index_cast %parallel_loop3A_112 : i32 to index
      %parallel_loop3A_146 = arith.constant 64 : index
      %parallel_loop3A_147 = tpu.vector_load %arg9[%parallel_loop3A_145, %parallel_loop3A_146] {strides = array<i32>} : memref<40x512xi32, #tpu.memory_space<vmem>>, vector<16xi32>,
      tpu.vector_store %arg9[%parallel_loop3A_145, %parallel_loop3A_146], %parallel_loop3A_144 {strides = array<i32>} : memref<40x512xi32, #tpu.memory_space<vmem>>, vector<16xi32>,
      %parallel_loop3A_148 = arith.index_cast %parallel_loop3A_112 : i32 to index
      %parallel_loop3A_149 = arith.constant 80 : index
      %parallel_loop3A_150 = tpu.vector_load %arg7[%parallel_loop3A_148, %parallel_loop3A_149] {strides = array<i32>} : memref<40x512xi32, #tpu.memory_space<vmem>>, vector<16xi32>,
      %parallel_loop3A_151 = tpu.vector_load_idx %arg6[%parallel_loop3A_150] : memref<1104xi32, #tpu.memory_space<vmem>>[vector<16xi32>], vector<16xi32>,
      %parallel_loop3A_152 = arith.index_cast %parallel_loop3A_112 : i32 to index
      %parallel_loop3A_153 = arith.constant 80 : index
      %parallel_loop3A_154 = tpu.vector_load %arg9[%parallel_loop3A_152, %parallel_loop3A_153] {strides = array<i32>} : memref<40x512xi32, #tpu.memory_space<vmem>>, vector<16xi32>,
      tpu.vector_store %arg9[%parallel_loop3A_152, %parallel_loop3A_153], %parallel_loop3A_151 {strides = array<i32>} : memref<40x512xi32, #tpu.memory_space<vmem>>, vector<16xi32>,
      %parallel_loop3A_155 = arith.index_cast %parallel_loop3A_112 : i32 to index
      %parallel_loop3A_156 = arith.constant 96 : index
      %parallel_loop3A_157 = tpu.vector_load %arg7[%parallel_loop3A_155, %parallel_loop3A_156] {strides = array<i32>} : memref<40x512xi32, #tpu.memory_space<vmem>>, vector<16xi32>,
      %parallel_loop3A_158 = tpu.vector_load_idx %arg6[%parallel_loop3A_157] : memref<1104xi32, #tpu.memory_space<vmem>>[vector<16xi32>], vector<16xi32>,
      %parallel_loop3A_159 = arith.index_cast %parallel_loop3A_112 : i32 to index
      %parallel_loop3A_160 = arith.constant 96 : index
      %parallel_loop3A_161 = tpu.vector_load %arg9[%parallel_loop3A_159, %parallel_loop3A_160] {strides = array<i32>} : memref<40x512xi32, #tpu.memory_space<vmem>>, vector<16xi32>,
      tpu.vector_store %arg9[%parallel_loop3A_159, %parallel_loop3A_160], %parallel_loop3A_158 {strides = array<i32>} : memref<40x512xi32, #tpu.memory_space<vmem>>, vector<16xi32>,
      %parallel_loop3A_162 = arith.index_cast %parallel_loop3A_112 : i32 to index
      %parallel_loop3A_163 = arith.constant 112 : index
      %parallel_loop3A_164 = tpu.vector_load %arg7[%parallel_loop3A_162, %parallel_loop3A_163] {strides = array<i32>} : memref<40x512xi32, #tpu.memory_space<vmem>>, vector<16xi32>,
      %parallel_loop3A_165 = tpu.vector_load_idx %arg6[%parallel_loop3A_164] : memref<1104xi32, #tpu.memory_space<vmem>>[vector<16xi32>], vector<16xi32>,
      %parallel_loop3A_166 = arith.index_cast %parallel_loop3A_112 : i32 to index
      %parallel_loop3A_167 = arith.constant 112 : index
      %parallel_loop3A_168 = tpu.vector_load %arg9[%parallel_loop3A_166, %parallel_loop3A_167] {strides = array<i32>} : memref<40x512xi32, #tpu.memory_space<vmem>>, vector<16xi32>,
      tpu.vector_store %arg9[%parallel_loop3A_166, %parallel_loop3A_167], %parallel_loop3A_165 {strides = array<i32>} : memref<40x512xi32, #tpu.memory_space<vmem>>, vector<16xi32>,
      %parallel_loop3A_169 = arith.index_cast %parallel_loop3A_112 : i32 to index
      %parallel_loop3A_170 = arith.constant 128 : index
      %parallel_loop3A_171 = tpu.vector_load %arg7[%parallel_loop3A_169, %parallel_loop3A_170] {strides = array<i32>} : memref<40x512xi32, #tpu.memory_space<vmem>>, vector<16xi32>,
      %parallel_loop3A_172 = tpu.vector_load_idx %arg6[%parallel_loop3A_171] : memref<1104xi32, #tpu.memory_space<vmem>>[vector<16xi32>], vector<16xi32>,
      %parallel_loop3A_173 = arith.index_cast %parallel_loop3A_112 : i32 to index
      %parallel_loop3A_174 = arith.constant 128 : index
      %parallel_loop3A_175 = tpu.vector_load %arg9[%parallel_loop3A_173, %parallel_loop3A_174] {strides = array<i32>} : memref<40x512xi32, #tpu.memory_space<vmem>>, vector<16xi32>,
      tpu.vector_store %arg9[%parallel_loop3A_173, %parallel_loop3A_174], %parallel_loop3A_172 {strides = array<i32>} : memref<40x512xi32, #tpu.memory_space<vmem>>, vector<16xi32>,
      %parallel_loop3A_176 = arith.index_cast %parallel_loop3A_112 : i32 to index
      %parallel_loop3A_177 = arith.constant 144 : index
      %parallel_loop3A_178 = tpu.vector_load %arg7[%parallel_loop3A_176, %parallel_loop3A_177] {strides = array<i32>} : memref<40x512xi32, #tpu.memory_space<vmem>>, vector<16xi32>,
      %parallel_loop3A_179 = tpu.vector_load_idx %arg6[%parallel_loop3A_178] : memref<1104xi32, #tpu.memory_space<vmem>>[vector<16xi32>], vector<16xi32>,
      %parallel_loop3A_180 = arith.index_cast %parallel_loop3A_112 : i32 to index
      %parallel_loop3A_181 = arith.constant 144 : index
      %parallel_loop3A_182 = tpu.vector_load %arg9[%parallel_loop3A_180, %parallel_loop3A_181] {strides = array<i32>} : memref<40x512xi32, #tpu.memory_space<vmem>>, vector<16xi32>,
      tpu.vector_store %arg9[%parallel_loop3A_180, %parallel_loop3A_181], %parallel_loop3A_179 {strides = array<i32>} : memref<40x512xi32, #tpu.memory_space<vmem>>, vector<16xi32>,
      %parallel_loop3A_183 = arith.index_cast %parallel_loop3A_112 : i32 to index
      %parallel_loop3A_184 = arith.constant 160 : index
      %parallel_loop3A_185 = tpu.vector_load %arg7[%parallel_loop3A_183, %parallel_loop3A_184] {strides = array<i32>} : memref<40x512xi32, #tpu.memory_space<vmem>>, vector<16xi32>,
      %parallel_loop3A_186 = tpu.vector_load_idx %arg6[%parallel_loop3A_185] : memref<1104xi32, #tpu.memory_space<vmem>>[vector<16xi32>], vector<16xi32>,
      %parallel_loop3A_187 = arith.index_cast %parallel_loop3A_112 : i32 to index
      %parallel_loop3A_188 = arith.constant 160 : index
      %parallel_loop3A_189 = tpu.vector_load %arg9[%parallel_loop3A_187, %parallel_loop3A_188] {strides = array<i32>} : memref<40x512xi32, #tpu.memory_space<vmem>>, vector<16xi32>,
      tpu.vector_store %arg9[%parallel_loop3A_187, %parallel_loop3A_188], %parallel_loop3A_186 {strides = array<i32>} : memref<40x512xi32, #tpu.memory_space<vmem>>, vector<16xi32>,
      %parallel_loop3A_190 = arith.index_cast %parallel_loop3A_112 : i32 to index
      %parallel_loop3A_191 = arith.constant 176 : index
      %parallel_loop3A_192 = tpu.vector_load %arg7[%parallel_loop3A_190, %parallel_loop3A_191] {strides = array<i32>} : memref<40x512xi32, #tpu.memory_space<vmem>>, vector<16xi32>,
      %parallel_loop3A_193 = tpu.vector_load_idx %arg6[%parallel_loop3A_192] : memref<1104xi32, #tpu.memory_space<vmem>>[vector<16xi32>], vector<16xi32>,
      %parallel_loop3A_194 = arith.index_cast %parallel_loop3A_112 : i32 to index
      %parallel_loop3A_195 = arith.constant 176 : index
      %parallel_loop3A_196 = tpu.vector_load %arg9[%parallel_loop3A_194, %parallel_loop3A_195] {strides = array<i32>} : memref<40x512xi32, #tpu.memory_space<vmem>>, vector<16xi32>,
      tpu.vector_store %arg9[%parallel_loop3A_194, %parallel_loop3A_195], %parallel_loop3A_193 {strides = array<i32>} : memref<40x512xi32, #tpu.memory_space<vmem>>, vector<16xi32>,
      %parallel_loop3A_197 = arith.index_cast %parallel_loop3A_112 : i32 to index
      %parallel_loop3A_198 = arith.constant 192 : index
      %parallel_loop3A_199 = tpu.vector_load %arg7[%parallel_loop3A_197, %parallel_loop3A_198] {strides = array<i32>} : memref<40x512xi32, #tpu.memory_space<vmem>>, vector<16xi32>,
      %parallel_loop3A_200 = tpu.vector_load_idx %arg6[%parallel_loop3A_199] : memref<1104xi32, #tpu.memory_space<vmem>>[vector<16xi32>], vector<16xi32>,
      %parallel_loop3A_201 = arith.index_cast %parallel_loop3A_112 : i32 to index
      %parallel_loop3A_202 = arith.constant 192 : index
      %parallel_loop3A_203 = tpu.vector_load %arg9[%parallel_loop3A_201, %parallel_loop3A_202] {strides = array<i32>} : memref<40x512xi32, #tpu.memory_space<vmem>>, vector<16xi32>,
      tpu.vector_store %arg9[%parallel_loop3A_201, %parallel_loop3A_202], %parallel_loop3A_200 {strides = array<i32>} : memref<40x512xi32, #tpu.memory_space<vmem>>, vector<16xi32>,
      %parallel_loop3A_204 = arith.index_cast %parallel_loop3A_112 : i32 to index
      %parallel_loop3A_205 = arith.constant 208 : index
      %parallel_loop3A_206 = tpu.vector_load %arg7[%parallel_loop3A_204, %parallel_loop3A_205] {strides = array<i32>} : memref<40x512xi32, #tpu.memory_space<vmem>>, vector<16xi32>,
      %parallel_loop3A_207 = tpu.vector_load_idx %arg6[%parallel_loop3A_206] : memref<1104xi32, #tpu.memory_space<vmem>>[vector<16xi32>], vector<16xi32>,
      %parallel_loop3A_208 = arith.index_cast %parallel_loop3A_112 : i32 to index
      %parallel_loop3A_209 = arith.constant 208 : index
      %parallel_loop3A_210 = tpu.vector_load %arg9[%parallel_loop3A_208, %parallel_loop3A_209] {strides = array<i32>} : memref<40x512xi32, #tpu.memory_space<vmem>>, vector<16xi32>,
      tpu.vector_store %arg9[%parallel_loop3A_208, %parallel_loop3A_209], %parallel_loop3A_207 {strides = array<i32>} : memref<40x512xi32, #tpu.memory_space<vmem>>, vector<16xi32>,
      %parallel_loop3A_211 = arith.index_cast %parallel_loop3A_112 : i32 to index
      %parallel_loop3A_212 = arith.constant 224 : index
      %parallel_loop3A_213 = tpu.vector_load %arg7[%parallel_loop3A_211, %parallel_loop3A_212] {strides = array<i32>} : memref<40x512xi32, #tpu.memory_space<vmem>>, vector<16xi32>,
      %parallel_loop3A_214 = tpu.vector_load_idx %arg6[%parallel_loop3A_213] : memref<1104xi32, #tpu.memory_space<vmem>>[vector<16xi32>], vector<16xi32>,
      %parallel_loop3A_215 = arith.index_cast %parallel_loop3A_112 : i32 to index
      %parallel_loop3A_216 = arith.constant 224 : index
      %parallel_loop3A_217 = tpu.vector_load %arg9[%parallel_loop3A_215, %parallel_loop3A_216] {strides = array<i32>} : memref<40x512xi32, #tpu.memory_space<vmem>>, vector<16xi32>,
      tpu.vector_store %arg9[%parallel_loop3A_215, %parallel_loop3A_216], %parallel_loop3A_214 {strides = array<i32>} : memref<40x512xi32, #tpu.memory_space<vmem>>, vector<16xi32>,
      %parallel_loop3A_218 = arith.index_cast %parallel_loop3A_112 : i32 to index
      %parallel_loop3A_219 = arith.constant 240 : index
      %parallel_loop3A_220 = tpu.vector_load %arg7[%parallel_loop3A_218, %parallel_loop3A_219] {strides = array<i32>} : memref<40x512xi32, #tpu.memory_space<vmem>>, vector<16xi32>,
      %parallel_loop3A_221 = tpu.vector_load_idx %arg6[%parallel_loop3A_220] : memref<1104xi32, #tpu.memory_space<vmem>>[vector<16xi32>], vector<16xi32>,
      %parallel_loop3A_222 = arith.index_cast %parallel_loop3A_112 : i32 to index
      %parallel_loop3A_223 = arith.constant 240 : index
      %parallel_loop3A_224 = tpu.vector_load %arg9[%parallel_loop3A_222, %parallel_loop3A_223] {strides = array<i32>} : memref<40x512xi32, #tpu.memory_space<vmem>>, vector<16xi32>,
      tpu.vector_store %arg9[%parallel_loop3A_222, %parallel_loop3A_223], %parallel_loop3A_221 {strides = array<i32>} : memref<40x512xi32, #tpu.memory_space<vmem>>, vector<16xi32>,
      %parallel_loop3A_225 = arith.index_cast %parallel_loop3A_112 : i32 to index
      %parallel_loop3A_226 = arith.constant 256 : index
      %parallel_loop3A_227 = tpu.vector_load %arg7[%parallel_loop3A_225, %parallel_loop3A_226] {strides = array<i32>} : memref<40x512xi32, #tpu.memory_space<vmem>>, vector<16xi32>,
      %parallel_loop3A_228 = tpu.vector_load_idx %arg6[%parallel_loop3A_227] : memref<1104xi32, #tpu.memory_space<vmem>>[vector<16xi32>], vector<16xi32>,
      %parallel_loop3A_229 = arith.index_cast %parallel_loop3A_112 : i32 to index
      %parallel_loop3A_230 = arith.constant 256 : index
      %parallel_loop3A_231 = tpu.vector_load %arg9[%parallel_loop3A_229, %parallel_loop3A_230] {strides = array<i32>} : memref<40x512xi32, #tpu.memory_space<vmem>>, vector<16xi32>,
      tpu.vector_store %arg9[%parallel_loop3A_229, %parallel_loop3A_230], %parallel_loop3A_228 {strides = array<i32>} : memref<40x512xi32, #tpu.memory_space<vmem>>, vector<16xi32>,
      %parallel_loop3A_232 = arith.index_cast %parallel_loop3A_112 : i32 to index
      %parallel_loop3A_233 = arith.constant 272 : index
      %parallel_loop3A_234 = tpu.vector_load %arg7[%parallel_loop3A_232, %parallel_loop3A_233] {strides = array<i32>} : memref<40x512xi32, #tpu.memory_space<vmem>>, vector<16xi32>,
      %parallel_loop3A_235 = tpu.vector_load_idx %arg6[%parallel_loop3A_234] : memref<1104xi32, #tpu.memory_space<vmem>>[vector<16xi32>], vector<16xi32>,
      %parallel_loop3A_236 = arith.index_cast %parallel_loop3A_112 : i32 to index
      %parallel_loop3A_237 = arith.constant 272 : index
      %parallel_loop3A_238 = tpu.vector_load %arg9[%parallel_loop3A_236, %parallel_loop3A_237] {strides = array<i32>} : memref<40x512xi32, #tpu.memory_space<vmem>>, vector<16xi32>,
      tpu.vector_store %arg9[%parallel_loop3A_236, %parallel_loop3A_237], %parallel_loop3A_235 {strides = array<i32>} : memref<40x512xi32, #tpu.memory_space<vmem>>, vector<16xi32>,
      %parallel_loop3A_239 = arith.index_cast %parallel_loop3A_112 : i32 to index
      %parallel_loop3A_240 = arith.constant 288 : index
      %parallel_loop3A_241 = tpu.vector_load %arg7[%parallel_loop3A_239, %parallel_loop3A_240] {strides = array<i32>} : memref<40x512xi32, #tpu.memory_space<vmem>>, vector<16xi32>,
      %parallel_loop3A_242 = tpu.vector_load_idx %arg6[%parallel_loop3A_241] : memref<1104xi32, #tpu.memory_space<vmem>>[vector<16xi32>], vector<16xi32>,
      %parallel_loop3A_243 = arith.index_cast %parallel_loop3A_112 : i32 to index
      %parallel_loop3A_244 = arith.constant 288 : index
      %parallel_loop3A_245 = tpu.vector_load %arg9[%parallel_loop3A_243, %parallel_loop3A_244] {strides = array<i32>} : memref<40x512xi32, #tpu.memory_space<vmem>>, vector<16xi32>,
      tpu.vector_store %arg9[%parallel_loop3A_243, %parallel_loop3A_244], %parallel_loop3A_242 {strides = array<i32>} : memref<40x512xi32, #tpu.memory_space<vmem>>, vector<16xi32>,
      %parallel_loop3A_246 = arith.index_cast %parallel_loop3A_112 : i32 to index
      %parallel_loop3A_247 = arith.constant 304 : index
      %parallel_loop3A_248 = tpu.vector_load %arg7[%parallel_loop3A_246, %parallel_loop3A_247] {strides = array<i32>} : memref<40x512xi32, #tpu.memory_space<vmem>>, vector<16xi32>,
      %parallel_loop3A_249 = tpu.vector_load_idx %arg6[%parallel_loop3A_248] : memref<1104xi32, #tpu.memory_space<vmem>>[vector<16xi32>], vector<16xi32>,
      %parallel_loop3A_250 = arith.index_cast %parallel_loop3A_112 : i32 to index
      %parallel_loop3A_251 = arith.constant 304 : index
      %parallel_loop3A_252 = tpu.vector_load %arg9[%parallel_loop3A_250, %parallel_loop3A_251] {strides = array<i32>} : memref<40x512xi32, #tpu.memory_space<vmem>>, vector<16xi32>,
      tpu.vector_store %arg9[%parallel_loop3A_250, %parallel_loop3A_251], %parallel_loop3A_249 {strides = array<i32>} : memref<40x512xi32, #tpu.memory_space<vmem>>, vector<16xi32>,
      %parallel_loop3A_253 = arith.index_cast %parallel_loop3A_112 : i32 to index
      %parallel_loop3A_254 = arith.constant 320 : index
      %parallel_loop3A_255 = tpu.vector_load %arg7[%parallel_loop3A_253, %parallel_loop3A_254] {strides = array<i32>} : memref<40x512xi32, #tpu.memory_space<vmem>>, vector<16xi32>,
      %parallel_loop3A_256 = tpu.vector_load_idx %arg6[%parallel_loop3A_255] : memref<1104xi32, #tpu.memory_space<vmem>>[vector<16xi32>], vector<16xi32>,
      %parallel_loop3A_257 = arith.index_cast %parallel_loop3A_112 : i32 to index
      %parallel_loop3A_258 = arith.constant 320 : index
      %parallel_loop3A_259 = tpu.vector_load %arg9[%parallel_loop3A_257, %parallel_loop3A_258] {strides = array<i32>} : memref<40x512xi32, #tpu.memory_space<vmem>>, vector<16xi32>,
      tpu.vector_store %arg9[%parallel_loop3A_257, %parallel_loop3A_258], %parallel_loop3A_256 {strides = array<i32>} : memref<40x512xi32, #tpu.memory_space<vmem>>, vector<16xi32>,
      %parallel_loop3A_260 = arith.index_cast %parallel_loop3A_112 : i32 to index
      %parallel_loop3A_261 = arith.constant 336 : index
      %parallel_loop3A_262 = tpu.vector_load %arg7[%parallel_loop3A_260, %parallel_loop3A_261] {strides = array<i32>} : memref<40x512xi32, #tpu.memory_space<vmem>>, vector<16xi32>,
      %parallel_loop3A_263 = tpu.vector_load_idx %arg6[%parallel_loop3A_262] : memref<1104xi32, #tpu.memory_space<vmem>>[vector<16xi32>], vector<16xi32>,
      %parallel_loop3A_264 = arith.index_cast %parallel_loop3A_112 : i32 to index
      %parallel_loop3A_265 = arith.constant 336 : index
      %parallel_loop3A_266 = tpu.vector_load %arg9[%parallel_loop3A_264, %parallel_loop3A_265] {strides = array<i32>} : memref<40x512xi32, #tpu.memory_space<vmem>>, vector<16xi32>,
      tpu.vector_store %arg9[%parallel_loop3A_264, %parallel_loop3A_265], %parallel_loop3A_263 {strides = array<i32>} : memref<40x512xi32, #tpu.memory_space<vmem>>, vector<16xi32>,
      %parallel_loop3A_267 = arith.index_cast %parallel_loop3A_112 : i32 to index
      %parallel_loop3A_268 = arith.constant 352 : index
      %parallel_loop3A_269 = tpu.vector_load %arg7[%parallel_loop3A_267, %parallel_loop3A_268] {strides = array<i32>} : memref<40x512xi32, #tpu.memory_space<vmem>>, vector<16xi32>,
      %parallel_loop3A_270 = tpu.vector_load_idx %arg6[%parallel_loop3A_269] : memref<1104xi32, #tpu.memory_space<vmem>>[vector<16xi32>], vector<16xi32>,
      %parallel_loop3A_271 = arith.index_cast %parallel_loop3A_112 : i32 to index
      %parallel_loop3A_272 = arith.constant 352 : index
      %parallel_loop3A_273 = tpu.vector_load %arg9[%parallel_loop3A_271, %parallel_loop3A_272] {strides = array<i32>} : memref<40x512xi32, #tpu.memory_space<vmem>>, vector<16xi32>,
      tpu.vector_store %arg9[%parallel_loop3A_271, %parallel_loop3A_272], %parallel_loop3A_270 {strides = array<i32>} : memref<40x512xi32, #tpu.memory_space<vmem>>, vector<16xi32>,
      %parallel_loop3A_274 = arith.index_cast %parallel_loop3A_112 : i32 to index
      %parallel_loop3A_275 = arith.constant 368 : index
      %parallel_loop3A_276 = tpu.vector_load %arg7[%parallel_loop3A_274, %parallel_loop3A_275] {strides = array<i32>} : memref<40x512xi32, #tpu.memory_space<vmem>>, vector<16xi32>,
      %parallel_loop3A_277 = tpu.vector_load_idx %arg6[%parallel_loop3A_276] : memref<1104xi32, #tpu.memory_space<vmem>>[vector<16xi32>], vector<16xi32>,
      %parallel_loop3A_278 = arith.index_cast %parallel_loop3A_112 : i32 to index
      %parallel_loop3A_279 = arith.constant 368 : index
      %parallel_loop3A_280 = tpu.vector_load %arg9[%parallel_loop3A_278, %parallel_loop3A_279] {strides = array<i32>} : memref<40x512xi32, #tpu.memory_space<vmem>>, vector<16xi32>,
      tpu.vector_store %arg9[%parallel_loop3A_278, %parallel_loop3A_279], %parallel_loop3A_277 {strides = array<i32>} : memref<40x512xi32, #tpu.memory_space<vmem>>, vector<16xi32>,
      %parallel_loop3A_281 = arith.index_cast %parallel_loop3A_112 : i32 to index
      %parallel_loop3A_282 = arith.constant 384 : index
      %parallel_loop3A_283 = tpu.vector_load %arg7[%parallel_loop3A_281, %parallel_loop3A_282] {strides = array<i32>} : memref<40x512xi32, #tpu.memory_space<vmem>>, vector<16xi32>,
      %parallel_loop3A_284 = tpu.vector_load_idx %arg6[%parallel_loop3A_283] : memref<1104xi32, #tpu.memory_space<vmem>>[vector<16xi32>], vector<16xi32>,
      %parallel_loop3A_285 = arith.index_cast %parallel_loop3A_112 : i32 to index
      %parallel_loop3A_286 = arith.constant 384 : index
      %parallel_loop3A_287 = tpu.vector_load %arg9[%parallel_loop3A_285, %parallel_loop3A_286] {strides = array<i32>} : memref<40x512xi32, #tpu.memory_space<vmem>>, vector<16xi32>,
      tpu.vector_store %arg9[%parallel_loop3A_285, %parallel_loop3A_286], %parallel_loop3A_284 {strides = array<i32>} : memref<40x512xi32, #tpu.memory_space<vmem>>, vector<16xi32>,
      %parallel_loop3A_288 = arith.index_cast %parallel_loop3A_112 : i32 to index
      %parallel_loop3A_289 = arith.constant 400 : index
      %parallel_loop3A_290 = tpu.vector_load %arg7[%parallel_loop3A_288, %parallel_loop3A_289] {strides = array<i32>} : memref<40x512xi32, #tpu.memory_space<vmem>>, vector<16xi32>,
      %parallel_loop3A_291 = tpu.vector_load_idx %arg6[%parallel_loop3A_290] : memref<1104xi32, #tpu.memory_space<vmem>>[vector<16xi32>], vector<16xi32>,
      %parallel_loop3A_292 = arith.index_cast %parallel_loop3A_112 : i32 to index
      %parallel_loop3A_293 = arith.constant 400 : index
      %parallel_loop3A_294 = tpu.vector_load %arg9[%parallel_loop3A_292, %parallel_loop3A_293] {strides = array<i32>} : memref<40x512xi32, #tpu.memory_space<vmem>>, vector<16xi32>,
      tpu.vector_store %arg9[%parallel_loop3A_292, %parallel_loop3A_293], %parallel_loop3A_291 {strides = array<i32>} : memref<40x512xi32, #tpu.memory_space<vmem>>, vector<16xi32>,
      %parallel_loop3A_295 = arith.index_cast %parallel_loop3A_112 : i32 to index
      %parallel_loop3A_296 = arith.constant 416 : index
      %parallel_loop3A_297 = tpu.vector_load %arg7[%parallel_loop3A_295, %parallel_loop3A_296] {strides = array<i32>} : memref<40x512xi32, #tpu.memory_space<vmem>>, vector<16xi32>,
      %parallel_loop3A_298 = tpu.vector_load_idx %arg6[%parallel_loop3A_297] : memref<1104xi32, #tpu.memory_space<vmem>>[vector<16xi32>], vector<16xi32>,
      %parallel_loop3A_299 = arith.index_cast %parallel_loop3A_112 : i32 to index
      %parallel_loop3A_300 = arith.constant 416 : index
      %parallel_loop3A_301 = tpu.vector_load %arg9[%parallel_loop3A_299, %parallel_loop3A_300] {strides = array<i32>} : memref<40x512xi32, #tpu.memory_space<vmem>>, vector<16xi32>,
      tpu.vector_store %arg9[%parallel_loop3A_299, %parallel_loop3A_300], %parallel_loop3A_298 {strides = array<i32>} : memref<40x512xi32, #tpu.memory_space<vmem>>, vector<16xi32>,
      %parallel_loop3A_302 = arith.index_cast %parallel_loop3A_112 : i32 to index
      %parallel_loop3A_303 = arith.constant 432 : index
      %parallel_loop3A_304 = tpu.vector_load %arg7[%parallel_loop3A_302, %parallel_loop3A_303] {strides = array<i32>} : memref<40x512xi32, #tpu.memory_space<vmem>>, vector<16xi32>,
      %parallel_loop3A_305 = tpu.vector_load_idx %arg6[%parallel_loop3A_304] : memref<1104xi32, #tpu.memory_space<vmem>>[vector<16xi32>], vector<16xi32>,
      %parallel_loop3A_306 = arith.index_cast %parallel_loop3A_112 : i32 to index
      %parallel_loop3A_307 = arith.constant 432 : index
      %parallel_loop3A_308 = tpu.vector_load %arg9[%parallel_loop3A_306, %parallel_loop3A_307] {strides = array<i32>} : memref<40x512xi32, #tpu.memory_space<vmem>>, vector<16xi32>,
      tpu.vector_store %arg9[%parallel_loop3A_306, %parallel_loop3A_307], %parallel_loop3A_305 {strides = array<i32>} : memref<40x512xi32, #tpu.memory_space<vmem>>, vector<16xi32>,
      %parallel_loop3A_309 = arith.index_cast %parallel_loop3A_112 : i32 to index
      %parallel_loop3A_310 = arith.constant 448 : index
      %parallel_loop3A_311 = tpu.vector_load %arg7[%parallel_loop3A_309, %parallel_loop3A_310] {strides = array<i32>} : memref<40x512xi32, #tpu.memory_space<vmem>>, vector<16xi32>,
      %parallel_loop3A_312 = tpu.vector_load_idx %arg6[%parallel_loop3A_311] : memref<1104xi32, #tpu.memory_space<vmem>>[vector<16xi32>], vector<16xi32>,
      %parallel_loop3A_313 = arith.index_cast %parallel_loop3A_112 : i32 to index
      %parallel_loop3A_314 = arith.constant 448 : index
      %parallel_loop3A_315 = tpu.vector_load %arg9[%parallel_loop3A_313, %parallel_loop3A_314] {strides = array<i32>} : memref<40x512xi32, #tpu.memory_space<vmem>>, vector<16xi32>,
      tpu.vector_store %arg9[%parallel_loop3A_313, %parallel_loop3A_314], %parallel_loop3A_312 {strides = array<i32>} : memref<40x512xi32, #tpu.memory_space<vmem>>, vector<16xi32>,
      %parallel_loop3A_316 = arith.index_cast %parallel_loop3A_112 : i32 to index
      %parallel_loop3A_317 = arith.constant 464 : index
      %parallel_loop3A_318 = tpu.vector_load %arg7[%parallel_loop3A_316, %parallel_loop3A_317] {strides = array<i32>} : memref<40x512xi32, #tpu.memory_space<vmem>>, vector<16xi32>,
      %parallel_loop3A_319 = tpu.vector_load_idx %arg6[%parallel_loop3A_318] : memref<1104xi32, #tpu.memory_space<vmem>>[vector<16xi32>], vector<16xi32>,
      %parallel_loop3A_320 = arith.index_cast %parallel_loop3A_112 : i32 to index
      %parallel_loop3A_321 = arith.constant 464 : index
      %parallel_loop3A_322 = tpu.vector_load %arg9[%parallel_loop3A_320, %parallel_loop3A_321] {strides = array<i32>} : memref<40x512xi32, #tpu.memory_space<vmem>>, vector<16xi32>,
      tpu.vector_store %arg9[%parallel_loop3A_320, %parallel_loop3A_321], %parallel_loop3A_319 {strides = array<i32>} : memref<40x512xi32, #tpu.memory_space<vmem>>, vector<16xi32>,
      %parallel_loop3A_323 = arith.index_cast %parallel_loop3A_112 : i32 to index
      %parallel_loop3A_324 = arith.constant 480 : index
      %parallel_loop3A_325 = tpu.vector_load %arg7[%parallel_loop3A_323, %parallel_loop3A_324] {strides = array<i32>} : memref<40x512xi32, #tpu.memory_space<vmem>>, vector<16xi32>,
      %parallel_loop3A_326 = tpu.vector_load_idx %arg6[%parallel_loop3A_325] : memref<1104xi32, #tpu.memory_space<vmem>>[vector<16xi32>], vector<16xi32>,
      %parallel_loop3A_327 = arith.index_cast %parallel_loop3A_112 : i32 to index
      %parallel_loop3A_328 = arith.constant 480 : index
      %parallel_loop3A_329 = tpu.vector_load %arg9[%parallel_loop3A_327, %parallel_loop3A_328] {strides = array<i32>} : memref<40x512xi32, #tpu.memory_space<vmem>>, vector<16xi32>,
      tpu.vector_store %arg9[%parallel_loop3A_327, %parallel_loop3A_328], %parallel_loop3A_326 {strides = array<i32>} : memref<40x512xi32, #tpu.memory_space<vmem>>, vector<16xi32>,
      %parallel_loop3A_330 = arith.index_cast %parallel_loop3A_112 : i32 to index
      %parallel_loop3A_331 = arith.constant 496 : index
      %parallel_loop3A_332 = tpu.vector_load %arg7[%parallel_loop3A_330, %parallel_loop3A_331] {strides = array<i32>} : memref<40x512xi32, #tpu.memory_space<vmem>>, vector<16xi32>,
      %parallel_loop3A_333 = tpu.vector_load_idx %arg6[%parallel_loop3A_332] : memref<1104xi32, #tpu.memory_space<vmem>>[vector<16xi32>], vector<16xi32>,
      %parallel_loop3A_334 = arith.index_cast %parallel_loop3A_112 : i32 to index
      %parallel_loop3A_335 = arith.constant 496 : index
      %parallel_loop3A_336 = tpu.vector_load %arg9[%parallel_loop3A_334, %parallel_loop3A_335] {strides = array<i32>} : memref<40x512xi32, #tpu.memory_space<vmem>>, vector<16xi32>,
      tpu.vector_store %arg9[%parallel_loop3A_334, %parallel_loop3A_335], %parallel_loop3A_333 {strides = array<i32>} : memref<40x512xi32, #tpu.memory_space<vmem>>, vector<16xi32>,
    } {sc.loop_unroll_factor = 1 : i64, sc.parallel_access}
    %dma_start3A_100 = arith.constant 160 : i32
    %dma_start3A_101 = tpu.memref_slice %arg4[%dma_start3A_100, %mul3A_2] : memref<200x16384xi32, #tpu.memory_space<hbm>> -> memref<40x512xi32, #tpu.memory_space<hbm>>
    %dma_start3A_102 = arith.constant 160 : i32
    %dma_start3A_103 = tpu.memref_slice %arg4[%dma_start3A_102, %mul3A_2] : memref<200x16384xi32, #tpu.memory_space<hbm>> -> memref<40x512xi32, #tpu.memory_space<hbm>>
    tpu.enqueue_dma source(%arg9 : memref<40x512xi32, #tpu.memory_space<vmem>>) target(%dma_start3A_103 : memref<40x512xi32, #tpu.memory_space<hbm>>) target_semaphore(%arg13 : memref<!tpu.dma_semaphore, #tpu.memory_space<semaphore_mem>>)
    %dma_wait3A_104 = arith.constant 160 : i32
    %dma_wait3A_105 = tpu.memref_slice %arg4[%dma_wait3A_104, %mul3A_2] : memref<200x16384xi32, #tpu.memory_space<hbm>> -> memref<40x512xi32, #tpu.memory_space<hbm>>
    %dma_wait3A_106 = arith.constant 160 : i32
    %dma_wait3A_107 = tpu.memref_slice %arg4[%dma_wait3A_106, %mul3A_2] : memref<200x16384xi32, #tpu.memory_space<hbm>> -> memref<40x512xi32, #tpu.memory_space<hbm>>
    tpu.wait_dma2 semaphore(%arg13 : memref<!tpu.dma_semaphore, #tpu.memory_space<semaphore_mem>>) src(%arg9 : memref<40x512xi32, #tpu.memory_space<vmem>>) dst(%dma_wait3A_107 : memref<40x512xi32, #tpu.memory_space<hbm>>)
    %dma_wait3A_108 = arith.constant 120 : i32
    %dma_wait3A_109 = tpu.memref_slice %arg4[%dma_wait3A_108, %mul3A_2] : memref<200x16384xi32, #tpu.memory_space<hbm>> -> memref<40x512xi32, #tpu.memory_space<hbm>>
    %dma_wait3A_110 = arith.constant 120 : i32
    %dma_wait3A_111 = tpu.memref_slice %arg4[%dma_wait3A_110, %mul3A_2] : memref<200x16384xi32, #tpu.memory_space<hbm>> -> memref<40x512xi32, #tpu.memory_space<hbm>>
    tpu.wait_dma2 semaphore(%arg14 : memref<!tpu.dma_semaphore, #tpu.memory_space<semaphore_mem>>) src(%arg10 : memref<40x512xi32, #tpu.memory_space<vmem>>) dst(%dma_wait3A_111 : memref<40x512xi32, #tpu.memory_space<hbm>>)
    return
  }
}

</mosaic_0001>

<sc_bundles>
// kernel: _lookup.3.cloned.1.call-start
scs
__scs_entry_jumppad:
0x0: {  	(pc) =	sbr.rel $0x88, $3  }
0x1: {  	(tag) =	ssettag $0x0;
	lr =	simm.s32 $0x1  }
0x2: {  	[smem:$0x3F9F] =	sst lr;
	_ =	strace $0xD0000000  }
0x3: {  	_ = 	snop  }
0x4: {  	_ = 	snop  }
0x5: {  	_ = 	snop  }
0x6: {  	_ = 	snop  }
0x7: {  	_ = 	snop  }
__scs_overlays_trampoline_lowered:
0x8: {  	[smem:$0x3FAE] =	sst s0  }
0x9: {  	[smem:$0x3FAF] =	sst s1  }
0xa: {  	[smem:$0x3FB0] =	sst s2  }
0xb: {  	[smem:$0x3FB1] =	sst s3  }
0xc: {  	[smem:$0x3FB2] =	sst s4  }
0xd: {  	[smem:$0x3FB3] =	sst s5  }
0xe: {  	[smem:$0x3FB4] =	sst s6  }
0xf: {  	[smem:$0x3FB5] =	sst s7  }
0x10: {  	[smem:$0x3FB6] =	sst s8  }
0x11: {  	[smem:$0x3FB7] =	sst s9;
	s0 =	simm.s32 @!p0 $0x0  }
0x12: {  	s1 =	sld [smem:$0x3F9D];
	s0 =	simm.s32 @p0 $0x1  }
0x13: {  	[smem:$0x3FB8] =	sst s0;
	s0 =	simm.s32 @!p1 $0x0  }
0x14: {  	s2 =	sld [smem:$0x3F9C];
	s0 =	simm.s32 @p1 $0x1  }
0x15: {  	[smem:$0x3FB9] =	sst s0;
	s0 =	simm.s32 @!p2 $0x0  }
0x16: {  	s3 =	sld [smem:$0x3FDB];
	s0 =	simm.s32 @p2 $0x1  }
0x17: {  	s4 =	simm.s32 $0x1BF5;
	[smem:$0x3FBB] =	sst s0  }
0x18: {  	s0 =	sld [smem:$0x3F9E];
	_ =	swait.ge [sflag:s4], $0x0  }
0x19: {  	s7 =	sld [smem:$0x3F9F]  }
0x1a: {  	s8 =	sadd.s32 $0xFFFFE003, lr  }
0x1b: {  	s9 =	sadd.s32 $0xFFFFFEF7, lr;
	s5 =	simm.s32 $0xFFFFFFFF;
	p2 =	slt.u32 s8, $0xFFFFF086  }
0x1c: {  	p1 =	slt.u32 s9, $0xF7A;
	s5 =	simm.s32 @!p2 $0x0  }
0x1d: {  	s5 =	simm.s32 @p1 $0x1;
	p0 =	seq.s32 s7, s2  }
0x1e: {  	s7 =	smul.u32 @!p0 $0xF7A, s2;
	p2 =	seq.s32 @!p0 s5, $0x0  }
0x1f: {  	s9 =	smul.u32 $0xF7A, s1;
	s8 =	simm.s32 @!p0 $0x1BF5;
	p2 =	por !p2, p0  }
0x20: {  	[sflag:s8] =	ssyncset.s32 @!p0 $0xFFFFF086;
	s6 =	sadd.s32 @!p0 s3, s7;
	s7 =	simm.s32 @!p0 $0x108  }
0x21: {  	s3 =	sadd.s32 s3, s9;
	s6 =	sadd.s32 @!p0 $0x88, s6;
	s7 =	simm.s32 @p2 $0x1082  }
0x22: {  	[simem:s7], [sflag:s8] =	dma.local @!p0 [hbm:s6], $0xF7A  }
0x23: {  	s9 =	sor.u32 $0xD0000000, s2;
	s6 =	simm.s32 $0x108;
	_ =	swait.ge @!p0 [sflag:s8], $0x0  }
0x24: {  	s3 =	sadd.s32 $0x88, s3;
	s6 =	simm.s32 @!p1 $0x1082;
	[sflag:s4] =	ssyncset.s32 $0xFFFFF086  }
0x25: {  	[simem:s6], [sflag:s4] =	dma.local [hbm:s3], $0xF7A  }
0x26: {  	[smem:$0x3F9F] =	sst s1;
	(tag) =	ssettag s2;
	_ =	strace s9  }
0x27: {  	s1 =	sld [smem:$0x3FAF]  }
0x28: {  	s2 =	sld [smem:$0x3FB0]  }
0x29: {  	s4 =	sld [smem:$0x3FB2]  }
0x2a: {  	p0 =	seq.s32 s5, $0x0;
	s5 =	sld [smem:$0x3FB3]  }
0x2b: {  	s6 =	sld [smem:$0x3FB4]  }
0x2c: {  	s7 =	sld [smem:$0x3FB5]  }
0x2d: {  	s3 =	simm.s32 $0x108;
	s8 =	sld [smem:$0x3FB6]  }
0x2e: {  	s3 =	simm.s32 @!p0 $0x1082;
	s9 =	sld [smem:$0x3FB7]  }
0x2f: {  	lr =	sadd.s32 s0, s3;
	s0 =	sld [smem:$0x3FAE]  }
0x30: {  	s3 =	sld [smem:$0x3FB1]  }
0x31: {  	[smem:$0x3FBA] =	sst s10  }
0x32: {  	s10 =	sld [smem:$0x3FB8];
	_ =	sdelay $0x3  }
0x33: {  	p0 =	seq.s32 s10, $0x1;
	s10 =	sld [smem:$0x3FBA];
	_ =	sdelay $0x3  }
0x34: {  	[smem:$0x3FBA] =	sst s10  }
0x35: {  	s10 =	sld [smem:$0x3FB9];
	_ =	sdelay $0x3  }
0x36: {  	p1 =	seq.s32 s10, $0x1;
	s10 =	sld [smem:$0x3FBA];
	_ =	sdelay $0x3  }
0x37: {  	[smem:$0x3FBA] =	sst s10  }
0x38: {  	s10 =	sld [smem:$0x3FBB]  }
0x39: {  	_ = 	snop;
	(pc) =	sbr.ind lr, $3  }
0x3a: {  	_ = 	snop  }
0x3b: {  	_ = 	snop  }
0x3c: {  	p2 =	seq.s32 s10, $0x1;
	s10 =	sld [smem:$0x3FBA]  }
0x3d: {  	_ =	shalt  }
0x3e: {  	_ =	shalt  }
0x3f: {  	_ =	shalt  }
0x40: {  	_ =	shalt  }
0x41: {  	_ =	shalt  }
0x42: {  	_ =	shalt  }
0x43: {  	_ =	shalt  }
0x44: {  	_ =	shalt  }
0x45: {  	_ =	shalt  }
0x46: {  	_ =	shalt  }
0x47: {  	_ =	shalt  }
0x48: {  	_ =	shalt  }
0x49: {  	_ =	shalt  }
0x4a: {  	_ =	shalt  }
0x4b: {  	_ =	shalt  }
0x4c: {  	_ =	shalt  }
0x4d: {  	_ =	shalt  }
0x4e: {  	_ =	shalt  }
0x4f: {  	_ =	shalt  }
0x50: {  	_ =	shalt  }
0x51: {  	_ =	shalt  }
0x52: {  	_ =	shalt  }
0x53: {  	_ =	shalt  }
0x54: {  	_ =	shalt  }
0x55: {  	_ =	shalt  }
0x56: {  	_ =	shalt  }
0x57: {  	_ =	shalt  }
0x58: {  	_ =	shalt  }
0x59: {  	_ =	shalt  }
0x5a: {  	_ =	shalt  }
0x5b: {  	_ =	shalt  }
0x5c: {  	_ =	shalt  }
0x5d: {  	_ =	shalt  }
0x5e: {  	_ =	shalt  }
0x5f: {  	_ =	shalt  }
0x60: {  	_ =	shalt  }
0x61: {  	_ =	shalt  }
0x62: {  	_ =	shalt  }
0x63: {  	_ =	shalt  }
0x64: {  	_ =	shalt  }
0x65: {  	_ =	shalt  }
0x66: {  	_ =	shalt  }
0x67: {  	_ =	shalt  }
0x68: {  	_ =	shalt  }
0x69: {  	_ =	shalt  }
0x6a: {  	_ =	shalt  }
0x6b: {  	_ =	shalt  }
0x6c: {  	_ =	shalt  }
0x6d: {  	_ =	shalt  }
0x6e: {  	_ =	shalt  }
0x6f: {  	_ =	shalt  }
0x70: {  	_ =	shalt  }
0x71: {  	_ =	shalt  }
0x72: {  	_ =	shalt  }
0x73: {  	_ =	shalt  }
0x74: {  	_ =	shalt  }
0x75: {  	_ =	shalt  }
0x76: {  	_ =	shalt  }
0x77: {  	_ =	shalt  }
0x78: {  	_ =	shalt  }
0x79: {  	_ =	shalt  }
0x7a: {  	_ =	shalt  }
0x7b: {  	_ =	shalt  }
0x7c: {  	_ =	shalt  }
0x7d: {  	_ =	shalt  }
0x7e: {  	_ =	shalt  }
0x7f: {  	_ =	shalt  }
0x80: {  	_ =	shalt  }
0x81: {  	_ =	shalt  }
0x82: {  	_ =	shalt  }
0x83: {  	_ =	shalt  }
0x84: {  	_ =	shalt  }
0x85: {  	_ =	shalt  }
0x86: {  	_ =	shalt  }
0x87: {  	_ =	shalt  }
.Lfunc_end0:
.L_simem_size_0:
called_computation_lowered:
.L_overlay_start_0:
0x88: {  	s2 =	sld [smem:$0x3FD9]  }
0x89: {  	s3 =	sld [smem:$0x3FFE];
	_ =	sdelay $0x1  }
0x8a: {  	s1 =	srdreg.scid  }
0x8b: {  	s0 =	sand.u32 $0x1, s1  }
0x8c: {  	s18 =	sshll.u32 s0, $0xA;
	s2 =	sadd.s32 s3, s2  }
0x8d: {  	s2 =	sadd.s32 s2, s18  }
0x8e: {  	[smem:$0x3FC6] =	sst s2  }
0x8f: {  	_ = 	snop  }
0x90: {  	s2 =	sld [smem:$0x3FC9]  }
0x91: {  	s19 =	sld [smem:$0x3FC8]  }
0x92: {  	s4 =	sld [smem:$0x3FD0];
	(tm) =	ssettm $0x1  }
0x93: {  	s5 =	sld [smem:$0x3FFB];
	_ =	sdelay $0x3  }
0x94: {  	_ =	strace s5  }
0x95: {  	s5 =	sld [smem:$0x3FFC];
	_ =	sdelay $0x3  }
0x96: {  	_ =	strace s5  }
0x97: {  	s5 =	sld [smem:$0x3FFD];
	_ =	sdelay $0x3  }
0x98: {  	_ =	strace s5  }
0x99: {  	_ =	strace $0x8FFFFFFF  }
0x9a: {  	s20 =	sld [smem:$0x3FDB];
	_ =	sdelay $0x1  }
0x9b: {  	s6 =	simm.s32 $_scs_section_size  }
0x9c: {  	s7 =	simm.s32 $_size__tile_overlayer_lowered;
	s8 =	simm.s32 $_tile_overlayer_lowered  }
0x9d: {  	s23 =	simm.s32 $0x1BFF;
	s22 =	sshll.u32 s8, $0x1;
	s5 =	sadd.s32 s6, s20  }
0x9e: {  	s9 =	simm.s32 $0x0;
	s21 =	sshll.u32 s7, $0x1;
	s7 =	sadd.s32 s22, s5  }
0x9f: {  	[timem:s9], [sflag:s23] =	dma.local [hbm:s7], s21  }
0xa0: {  	_ =	swait.ge [sflag:s23], s21  }
0xa1: {  	s6 =	ssub.s32 $0x0, s21;
	[sflag:s23] =	ssyncset.done $0x0  }
0xa2: {  	[sflag:s23] =	ssyncadd.s32 s6;
	_ =	sdelay $0x1  }
0xa3: {  	s24 =	simm.s32 $0x1B8B  }
0xa4: {  	_ =	swait.ge [sflag:s24], $0x1  }
0xa5: {  	[sflag:s24] =	ssyncset.done $0x0  }
0xa6: {  	s25 =	simm.s32 $0x1B8E;
	[sflag:s24] =	ssyncadd.s32 $0xFFFFFFFF  }
0xa7: {  	s26 =	simm.s32 $execute0_lowered;
	[smem:$0x3FD2] =	sst s25  }
0xa8: {  	s6 =	sshll.u32 s26, $0x1;
	_ =	strace $0x80000046;
	[dreg:$0x1] =	wrdreg $0xFFFFFFFF  }
0xa9: {  	s28 =	simm.s32 $_size_execute0_lowered;
	s5 =	sadd.s32 s5, s6;
	[dreg:$0x0] =	wrdreg $0x0  }
0xaa: {  	s6 =	sshll.u32 s28, $0x1;
	[dreg:$0x2] =	wrdreg s5  }
0xab: {  	[dreg:$0x3] =	wrdreg s6  }
0xac: {  	[dreg:$0x4] =	wrdreg $0xC0  }
0xad: {  	_ =	task [dreg:s9], $0x5FFFF  }
0xae: {  	[dreg:$0x1] =	wrdreg $0xFFFFFFFF  }
0xaf: {  	[dreg:$0x0] =	wrdreg $0x60  }
0xb0: {  	[dreg:$0x2] =	wrdreg s2  }
0xb1: {  	[dreg:$0x3] =	wrdreg s19  }
0xb2: {  	[dreg:$0x4] =	wrdreg s4  }
0xb3: {  	[dreg:$0x5] =	wrdreg $0x9  }
0xb4: {  	_ =	task.clear_ibuf [dreg:s9], $0x6FFFF;
	_ =	strace $0x90000046  }
0xb5: {  	s29 =	simm.s32 $0x9;
	_ =	strace $0x80000048  }
0xb6: {  	_ =	swait.ge [sflag:s29], $0x1  }
0xb7: {  	[sflag:s29] =	ssyncadd.s32 $0xFFFFFFFF  }
0xb8: {  	_ =	strace $0x90000048  }
0xb9: {  	_ =	sfence  }
0xba: {  	s30 =	sld [smem:$0x0];
	_ =	sdelay $0x2  }
0xbb: {  	s31 =	sshll.u32 s1, $0xD;
	s1 =	sshrl.u32 s1, $0x2  }
0xbc: {  	s3 =	sand.u32 $0x4000, s31;
	s1 =	sadd.s32 s1, s30  }
0xbd: {  	s0 =	sor.u32 s3, s0;
	s1 =	sshll.u32 s1, $0x11  }
0xbe: {  	s0 =	sor.u32 s1, s0  }
0xbf: {  	s0 =	sadd.s32 $0x8F2B, s0  }
0xc0: {  	[sflag:s0] =	ssyncadd.remote.s32 $0x1  }
0xc1: {  	_ =	sfence.sel $0xFFFF  }
0xc2: {  	[dreg:$0x0] =	wrdreg $0xFFFFFFFF;
	(pc) =	sbr.abs _section_cstart, $3  }
0xc3: {  	[dreg:$0x1] =	wrdreg $0xFFFFFFFF  }
0xc4: {  	_ =	task.clear_ibuf [dreg:s9], $0x2FFFF;
	_ =	strace $0x9FFFFFFF  }
0xc5: {  	(tm) =	ssettm $0x7FFFFFFF  }
tec
execute0_lowered:
.L_overlay_start_1:
0x0: {  	(tag) =	ssettag $0x1  }
0x1: {  	s0 =	rddreg [dreg:$0x0]  }
0x2: {  	s1 =	rddreg [dreg:$0x2];
	s2 =	srdreg.scid  }
0x3: {  	s6 =	simm.s32 $0x0;
	s3 =	stileid.u32;
	s15 =	simm.s32 $0x1000  }
0x4: {  	s16 =	simm.s32 $0x20000;
	s17 =	simm.s32 $0x880;
	s18 =	simm.s32 $0x5  }
0x5: {  	s19 =	simm.s32 $0x400;
	s20 =	simm.s32 $0x5880;
	s21 =	simm.s32 $0x1  }
0x6: {  	s22 =	simm.s32 $0xA880;
	s23 =	simm.s32 $0x2;
	s24 =	simm.s32 $0xF880  }
0x7: {  	s25 =	simm.s32 $0x3;
	s26 =	simm.s32 $0x4;
	s2 =	sand.u32 $0x1, s2  }
0x8: {  	s28 =	simm.s32 $0x0;
	s5 =	sshll.u32 s3, $0x9;
	s4 =	ssub.s32 $0x2, s2  }
0x9: {  	[smem:$0x7FF] =	sst s6;
	s2 =	sshll.u32 s2, $0xD;
	s31 =	sshrl.u32 s4, $0x1  }
0xa: {  	_ =	strace $0x80000047;
	s2 =	sor.u32 s5, s2;
	s14 =	ssub.s32 s4, s31  }
0xb: {  	s8 =	sor.u32 $0x14000, s2;
	s4 =	sadd.s32 s0, s2;
	s10 =	sor.u32 $0x28000, s2  }
0xc: {  	s6 =	sadd.s32 s1, s2;
	s12 =	sor.u32 $0x3C000, s2;
	s2 =	sor.u32 $0x50000, s2  }
0xd: {  	s5 =	sadd.s32 s0, s8;
	s7 =	sadd.s32 s0, s10;
	s8 =	sadd.s32 s1, s8  }
0xe: {  	v0 =	vlaneseq.u32;
	s9 =	sadd.s32 s0, s12;
	s10 =	sadd.s32 s1, s10;
	s11 =	sadd.s32 s0, s2  }
0xf: {  	v1 =	vimm.s32 $0x3E8;
	v2 =	vadd.s32 $0x3D8, v0;
	s12 =	sadd.s32 s1, s12;
	s13 =	sadd.s32 s1, s2;
	s14 =	smax.u32 s14, $0x1  }
.LBB2_1:
0x10: {  	[tilespmem:s17], [sflag:$0x1] =	stream.strided.gather [hbm4b:s4+s15], $0x5000, s16, s15, $0x38;
	[tilespmem:$0x14880] =	vst v63  }
0x11: {  	s0 =	rddreg [dreg:$0x1];
	s1 =	simm.s32 $0x0  }
0x12: {  	[tilespmem:s1], [sflag:$0x5] =	stream.linear.gather [hbm4b:s0+s1], $0x400, $0x38;
	[tilespmem:$0x14880] =	vst v63  }
0x13: {  	_ =	swait.ge [sflag:s18], $0x400  }
0x14: {  	[sflag:s18] =	ssyncset.done $0x0  }
0x15: {  	s0 =	simm.s32 $0x0;
	[sflag:s18] =	ssyncadd.s32 $0xFFFFFC00  }
.LBB2_2:
0x16: {  	p0 =	sne.s32 s0, $0x1100  }
.Ltmp0:
0x17: {  	_ = 	snop;
	(pc) =	sbr.rel @p0 .LBB2_2-.Ltmp0, $3  }
0x18: {  	_ =	sdelay $0x1  }
0x19: {  	s1 =	sshra.s32 s0, $0x2  }
0x1a: {  	s0 =	sadd.s32 $0x40, s0;
	[tilespmem:s1+$0x400] =	vst v1  }
0x1b: {  	s0 =	simm.s32 $0x0  }
0x1c: {  	s1 =	simm.s32 $0x10;
	s2 =	simm.s32 $0x0;
	v3 =	vld [tilespmem:s0+$0x0]  }
.LBB2_4:
0x1d: {  	p0 =	sne.s32 s1, $0x3D0;
	_ =	sdelay $0x3  }
.Ltmp1:
0x1e: {  	(pc) =	sbr.rel @p0 .LBB2_4-.Ltmp1, $4  }
0x1f: {  	_ = 	snop  }
0x20: {  	v4 =	vor.u32 s0, v0;
	s0 =	smov.u32 s1  }
0x21: {  	s2 =	sadd.s32 $0x10, s2;
	[tilespmem:v3+s19+$0x0] =	vst.idx.msk $0xffff, v4  }
0x22: {  	s1 =	sadd.s32 $0x10, s1;
	v3 =	vld [tilespmem:s2+$0x0]  }
0x23: {  	_ =	sdelay $0x6  }
0x24: {  	v4 =	vor.u32 s0, v0  }
0x25: {  	[tilespmem:v3+s19+$0x0] =	vst.idx.msk $0xffff, v4  }
0x26: {  	v3 =	vld [tilespmem:$0x3D8];
	_ =	sdelay $0x7  }
0x27: {  	[tilespmem:v3+s19+$0x0] =	vst.idx.msk $0xffff, v2  }
0x28: {  	[tilespmem:s20], [sflag:$0x2] =	stream.strided.gather [hbm4b:s5+s15], $0x5000, s16, s15, $0x38;
	[tilespmem:$0x14880] =	vst v63  }
0x29: {  	s3 =	simm.s32 $0x0;
	_ =	swait.ge [sflag:s21], $0x5000  }
0x2a: {  	s1 =	sand.u32 $0x7000, s3;
	s0 =	sand.u32 $0x380, s3;
	[sflag:s21] =	ssyncset.done $0x0  }
0x2b: {  	s29 =	sor.u32 s0, s1;
	[sflag:s21] =	ssyncadd.s32 $0xFFFFB000  }
0x2c: {  	v3 =	vld [tilespmem:s29+$0x880];
	_ =	sdelay $0x5  }
0x2d: {  	v4 =	vld [tilespmem:s29+$0x890];
	_ =	sdelay $0x1  }
0x2e: {  	v3 =	vld.idx.msk [tilespmem:v3+s19+$0x0], $0xffff;
	_ =	sdelay $0x3  }
0x2f: {  	v5 =	vld [tilespmem:s29+$0x8A0]  }
0x30: {  	[tilespmem:s29+$0xA880] =	vst v3  }
0x31: {  	v3 =	vld.idx.msk [tilespmem:v4+s19+$0x0], $0xffff;
	_ =	sdelay $0x3  }
0x32: {  	v4 =	vld [tilespmem:s29+$0x8B0]  }
0x33: {  	[tilespmem:s29+$0xA890] =	vst v3  }
0x34: {  	v3 =	vld.idx.msk [tilespmem:v5+s19+$0x0], $0xffff;
	_ =	sdelay $0x3  }
0x35: {  	v5 =	vld [tilespmem:s29+$0x8C0]  }
0x36: {  	[tilespmem:s29+$0xA8A0] =	vst v3  }
0x37: {  	v3 =	vld.idx.msk [tilespmem:v4+s19+$0x0], $0xffff;
	_ =	sdelay $0x3  }
0x38: {  	v4 =	vld [tilespmem:s29+$0x8D0]  }
0x39: {  	[tilespmem:s29+$0xA8B0] =	vst v3  }
0x3a: {  	v3 =	vld.idx.msk [tilespmem:v5+s19+$0x0], $0xffff;
	_ =	sdelay $0x3  }
0x3b: {  	v5 =	vld [tilespmem:s29+$0x8E0]  }
0x3c: {  	[tilespmem:s29+$0xA8C0] =	vst v3  }
0x3d: {  	v3 =	vld.idx.msk [tilespmem:v4+s19+$0x0], $0xffff;
	_ =	sdelay $0x3  }
0x3e: {  	v4 =	vld [tilespmem:s29+$0x8F0]  }
0x3f: {  	[tilespmem:s29+$0xA8D0] =	vst v3  }
0x40: {  	v3 =	vld.idx.msk [tilespmem:v5+s19+$0x0], $0xffff;
	_ =	sdelay $0x3  }
0x41: {  	v5 =	vld [tilespmem:s29+$0xC80]  }
0x42: {  	[tilespmem:s29+$0xA8E0] =	vst v3  }
0x43: {  	v3 =	vld.idx.msk [tilespmem:v4+s19+$0x0], $0xffff;
	_ =	sdelay $0x1  }
0x44: {  	s2 =	simm.s32 $0x200;
	s3 =	simm.s32 $0x80  }
0x45: {  	s0 =	sand.u32 $0x7000, s2;
	s1 =	sand.u32 $0x380, s3  }
0x46: {  	s30 =	sor.u32 s1, s0;
	v4 =	vld [tilespmem:s29+$0xC90]  }
0x47: {  	v6 =	vld [tilespmem:s30+$0x880];
	[tilespmem:s29+$0xA8F0] =	vst v3  }
0x48: {  	v3 =	vld.idx.msk [tilespmem:v5+s19+$0x0], $0xffff;
	_ =	sdelay $0x3  }
0x49: {  	v5 =	vld [tilespmem:s29+$0xCA0]  }
0x4a: {  	v7 =	vld [tilespmem:s30+$0x890];
	[tilespmem:s29+$0xAC80] =	vst v3  }
0x4b: {  	v3 =	vld.idx.msk [tilespmem:v4+s19+$0x0], $0xffff  }
0x4c: {  	v4 =	vld.idx.msk [tilespmem:v6+s19+$0x0], $0xffff;
	_ =	sdelay $0x2  }
0x4d: {  	v6 =	vld [tilespmem:s29+$0xCB0]  }
0x4e: {  	v8 =	vld [tilespmem:s30+$0x8A0];
	[tilespmem:s29+$0xAC90] =	vst v3  }
0x4f: {  	[tilespmem:s30+$0xA880] =	vst v4;
	v3 =	vld.idx.msk [tilespmem:v5+s19+$0x0], $0xffff  }
0x50: {  	v4 =	vld.idx.msk [tilespmem:v7+s19+$0x0], $0xffff;
	_ =	sdelay $0x2  }
0x51: {  	v5 =	vld [tilespmem:s29+$0xCC0]  }
0x52: {  	v7 =	vld [tilespmem:s30+$0x8B0];
	[tilespmem:s29+$0xACA0] =	vst v3  }
0x53: {  	[tilespmem:s30+$0xA890] =	vst v4;
	v3 =	vld.idx.msk [tilespmem:v6+s19+$0x0], $0xffff  }
0x54: {  	v4 =	vld.idx.msk [tilespmem:v8+s19+$0x0], $0xffff;
	_ =	sdelay $0x2  }
0x55: {  	v6 =	vld [tilespmem:s29+$0xCD0]  }
0x56: {  	v8 =	vld [tilespmem:s30+$0x8C0];
	[tilespmem:s29+$0xACB0] =	vst v3  }
0x57: {  	[tilespmem:s30+$0xA8A0] =	vst v4;
	v3 =	vld.idx.msk [tilespmem:v5+s19+$0x0], $0xffff  }
0x58: {  	v4 =	vld.idx.msk [tilespmem:v7+s19+$0x0], $0xffff;
	_ =	sdelay $0x2  }
0x59: {  	v5 =	vld [tilespmem:s29+$0xCE0]  }
0x5a: {  	v7 =	vld [tilespmem:s30+$0x8D0];
	[tilespmem:s29+$0xACC0] =	vst v3  }
0x5b: {  	[tilespmem:s30+$0xA8B0] =	vst v4;
	v3 =	vld.idx.msk [tilespmem:v6+s19+$0x0], $0xffff  }
0x5c: {  	v4 =	vld.idx.msk [tilespmem:v8+s19+$0x0], $0xffff;
	_ =	sdelay $0x2  }
0x5d: {  	v6 =	vld [tilespmem:s29+$0xCF0]  }
0x5e: {  	v8 =	vld [tilespmem:s30+$0x8E0];
	[tilespmem:s29+$0xACD0] =	vst v3  }
0x5f: {  	[tilespmem:s30+$0xA8C0] =	vst v4;
	v3 =	vld.idx.msk [tilespmem:v5+s19+$0x0], $0xffff  }
0x60: {  	v4 =	vld.idx.msk [tilespmem:v7+s19+$0x0], $0xffff;
	_ =	sdelay $0x2  }
0x61: {  	v5 =	vld [tilespmem:s29+$0x1080]  }
0x62: {  	s2 =	simm.s32 $0x400;
	s3 =	simm.s32 $0x100;
	v7 =	vld [tilespmem:s30+$0x8F0];
	[tilespmem:s29+$0xACE0] =	vst v3  }
0x63: {  	s0 =	sand.u32 $0x7000, s2;
	s1 =	sand.u32 $0x380, s3;
	[tilespmem:s30+$0xA8D0] =	vst v4;
	v3 =	vld.idx.msk [tilespmem:v6+s19+$0x0], $0xffff  }
0x64: {  	s31 =	sor.u32 s1, s0;
	v4 =	vld.idx.msk [tilespmem:v8+s19+$0x0], $0xffff  }
0x65: {  	v9 =	vld [tilespmem:s31+$0x880]  }
0x66: {  	v10 =	vld [tilespmem:s31+$0x890]  }
0x67: {  	v6 =	vld [tilespmem:s29+$0x1090]  }
0x68: {  	v8 =	vld [tilespmem:s30+$0xC80];
	[tilespmem:s29+$0xACF0] =	vst v3  }
0x69: {  	[tilespmem:s30+$0xA8E0] =	vst v4;
	v3 =	vld.idx.msk [tilespmem:v5+s19+$0x0], $0xffff  }
0x6a: {  	v4 =	vld.idx.msk [tilespmem:v7+s19+$0x0], $0xffff  }
0x6b: {  	v11 =	vld [tilespmem:s31+$0x8A0]  }
0x6c: {  	v12 =	vld [tilespmem:s31+$0x8E0]  }
0x6d: {  	v5 =	vld [tilespmem:s29+$0x10A0]  }
0x6e: {  	v7 =	vld [tilespmem:s30+$0xC90];
	[tilespmem:s29+$0xB080] =	vst v3  }
0x6f: {  	[tilespmem:s30+$0xA8F0] =	vst v4;
	v3 =	vld.idx.msk [tilespmem:v6+s19+$0x0], $0xffff  }
0x70: {  	v4 =	vld.idx.msk [tilespmem:v8+s19+$0x0], $0xffff  }
0x71: {  	v13 =	vld [tilespmem:s29+$0x1490]  }
0x72: {  	v14 =	vld [tilespmem:s30+$0x1080]  }
0x73: {  	v6 =	vld [tilespmem:s29+$0x10B0]  }
0x74: {  	v8 =	vld [tilespmem:s30+$0xCA0];
	[tilespmem:s29+$0xB090] =	vst v3  }
0x75: {  	[tilespmem:s30+$0xAC80] =	vst v4;
	v3 =	vld.idx.msk [tilespmem:v5+s19+$0x0], $0xffff  }
0x76: {  	v4 =	vld.idx.msk [tilespmem:v7+s19+$0x0], $0xffff  }
0x77: {  	v5 =	vld.idx.msk [tilespmem:v9+s19+$0x0], $0xffff  }
0x78: {  	v15 =	vld [tilespmem:s31+$0x8F0]  }
0x79: {  	v7 =	vld [tilespmem:s29+$0x10C0]  }
0x7a: {  	v9 =	vld [tilespmem:s30+$0xCB0];
	[tilespmem:s29+$0xB0A0] =	vst v3  }
0x7b: {  	[tilespmem:s30+$0xAC90] =	vst v4;
	v3 =	vld.idx.msk [tilespmem:v6+s19+$0x0], $0xffff  }
0x7c: {  	[tilespmem:s31+$0xA880] =	vst v5;
	v4 =	vld.idx.msk [tilespmem:v8+s19+$0x0], $0xffff  }
0x7d: {  	v5 =	vld.idx.msk [tilespmem:v10+s19+$0x0], $0xffff  }
0x7e: {  	v6 =	vld [tilespmem:s29+$0x10D0]  }
0x7f: {  	v8 =	vld [tilespmem:s30+$0xCC0]  }
0x80: {  	v10 =	vld [tilespmem:s31+$0x8B0];
	[tilespmem:s29+$0xB0B0] =	vst v3  }
0x81: {  	[tilespmem:s30+$0xACA0] =	vst v4;
	v3 =	vld.idx.msk [tilespmem:v7+s19+$0x0], $0xffff  }
0x82: {  	[tilespmem:s31+$0xA890] =	vst v5;
	v4 =	vld.idx.msk [tilespmem:v9+s19+$0x0], $0xffff  }
0x83: {  	v5 =	vld.idx.msk [tilespmem:v11+s19+$0x0], $0xffff  }
0x84: {  	v7 =	vld [tilespmem:s29+$0x10E0]  }
0x85: {  	v9 =	vld [tilespmem:s30+$0xCD0]  }
0x86: {  	v11 =	vld [tilespmem:s31+$0x8C0];
	[tilespmem:s29+$0xB0C0] =	vst v3  }
0x87: {  	[tilespmem:s30+$0xACB0] =	vst v4;
	v3 =	vld.idx.msk [tilespmem:v6+s19+$0x0], $0xffff  }
0x88: {  	[tilespmem:s31+$0xA8A0] =	vst v5;
	v4 =	vld.idx.msk [tilespmem:v8+s19+$0x0], $0xffff  }
0x89: {  	v5 =	vld.idx.msk [tilespmem:v10+s19+$0x0], $0xffff  }
0x8a: {  	v6 =	vld [tilespmem:s29+$0x10F0]  }
0x8b: {  	v8 =	vld [tilespmem:s30+$0xCE0]  }
0x8c: {  	v10 =	vld [tilespmem:s31+$0x8D0];
	[tilespmem:s29+$0xB0D0] =	vst v3  }
0x8d: {  	[tilespmem:s30+$0xACC0] =	vst v4;
	v4 =	vld.idx.msk [tilespmem:v7+s19+$0x0], $0xffff  }
0x8e: {  	[tilespmem:s31+$0xA8B0] =	vst v5;
	v5 =	vld.idx.msk [tilespmem:v9+s19+$0x0], $0xffff  }
0x8f: {  	v7 =	vld.idx.msk [tilespmem:v11+s19+$0x0], $0xffff  }
0x90: {  	v16 =	vld [tilespmem:s29+$0x14A0]  }
0x91: {  	v9 =	vld [tilespmem:s29+$0x1480]  }
0x92: {  	v11 =	vld [tilespmem:s30+$0xCF0];
	[tilespmem:s29+$0xB0E0] =	vst v4  }
0x93: {  	[tilespmem:s30+$0xACD0] =	vst v5;
	v5 =	vld.idx.msk [tilespmem:v6+s19+$0x0], $0xffff  }
0x94: {  	[tilespmem:s31+$0xA8C0] =	vst v7;
	v6 =	vld.idx.msk [tilespmem:v8+s19+$0x0], $0xffff  }
0x95: {  	v7 =	vld.idx.msk [tilespmem:v10+s19+$0x0], $0xffff  }
0x96: {  	v3 =	vld [tilespmem:s29+$0x14F0]  }
0x97: {  	v4 =	vld [tilespmem:s29+$0x14E0]  }
0x98: {  	v8 =	vld [tilespmem:s30+$0x1090];
	[tilespmem:s29+$0xB0F0] =	vst v5  }
0x99: {  	[tilespmem:s30+$0xACE0] =	vst v6;
	v6 =	vld.idx.msk [tilespmem:v9+s19+$0x0], $0xffff  }
0x9a: {  	[tilespmem:s31+$0xA8D0] =	vst v7;
	v7 =	vld.idx.msk [tilespmem:v11+s19+$0x0], $0xffff  }
0x9b: {  	v9 =	vld.idx.msk [tilespmem:v12+s19+$0x0], $0xffff  }
0x9c: {  	v10 =	vld [tilespmem:s31+$0xC80]  }
0x9d: {  	v5 =	vld [tilespmem:s29+$0x14D0]  }
0x9e: {  	v11 =	vld [tilespmem:s31+$0xC90];
	[tilespmem:s29+$0xB480] =	vst v6  }
0x9f: {  	[tilespmem:s30+$0xACF0] =	vst v7;
	v7 =	vld.idx.msk [tilespmem:v13+s19+$0x0], $0xffff  }
0xa0: {  	[tilespmem:s31+$0xA8E0] =	vst v9;
	v14 =	vld.idx.msk [tilespmem:v14+s19+$0x0], $0xffff  }
0xa1: {  	s2 =	simm.s32 $0x180;
	s1 =	simm.s32 $0x600;
	v12 =	vld.idx.msk [tilespmem:v15+s19+$0x0], $0xffff  }
0xa2: {  	s3 =	sand.u32 $0x380, s2;
	s0 =	sand.u32 $0x7000, s1;
	v6 =	vld [tilespmem:s29+$0x14B0]  }
0xa3: {  	s0 =	sor.u32 s3, s0;
	v9 =	vld [tilespmem:s30+$0x10A0]  }
0xa4: {  	v13 =	vld [tilespmem:s0+$0x880];
	[tilespmem:s29+$0xB490] =	vst v7  }
0xa5: {  	s1 =	simm.s32 $0x800;
	[tilespmem:s30+$0xB080] =	vst v14;
	v7 =	vld.idx.msk [tilespmem:v16+s19+$0x0], $0xffff  }
.LBB2_6:
0xa6: {  	p0 =	sne.s32 s1, $0x4E00;
	[tilespmem:s31+$0xA8F0] =	vst v12;
	v8 =	vld.idx.msk [tilespmem:v8+s19+$0x0], $0xffff  }
0xa7: {  	v10 =	vld.idx.msk [tilespmem:v10+s19+$0x0], $0xffff  }
0xa8: {  	v12 =	vld [tilespmem:s29+$0x14C0]  }
0xa9: {  	v14 =	vld [tilespmem:s30+$0x10B0]  }
0xaa: {  	v15 =	vld [tilespmem:s31+$0xCA0]  }
0xab: {  	v16 =	vld [tilespmem:s0+$0x890];
	[tilespmem:s29+$0xB4A0] =	vst v7  }
0xac: {  	[tilespmem:s30+$0xB090] =	vst v8;
	v6 =	vld.idx.msk [tilespmem:v6+s19+$0x0], $0xffff  }
0xad: {  	[tilespmem:s31+$0xAC80] =	vst v10;
	v7 =	vld.idx.msk [tilespmem:v9+s19+$0x0], $0xffff  }
0xae: {  	v8 =	vld.idx.msk [tilespmem:v11+s19+$0x0], $0xffff  }
0xaf: {  	v9 =	vld.idx.msk [tilespmem:v13+s19+$0x0], $0xffff  }
0xb0: {  	v10 =	vld [tilespmem:s30+$0x10C0]  }
0xb1: {  	v11 =	vld [tilespmem:s31+$0xCB0]  }
0xb2: {  	v13 =	vld [tilespmem:s0+$0x8A0];
	[tilespmem:s29+$0xB4B0] =	vst v6  }
0xb3: {  	[tilespmem:s30+$0xB0A0] =	vst v7;
	v6 =	vld.idx.msk [tilespmem:v12+s19+$0x0], $0xffff  }
0xb4: {  	[tilespmem:s31+$0xAC90] =	vst v8;
	v7 =	vld.idx.msk [tilespmem:v14+s19+$0x0], $0xffff  }
0xb5: {  	[tilespmem:s0+$0xA880] =	vst v9;
	v8 =	vld.idx.msk [tilespmem:v15+s19+$0x0], $0xffff  }
0xb6: {  	v9 =	vld.idx.msk [tilespmem:v16+s19+$0x0], $0xffff  }
0xb7: {  	v12 =	vld [tilespmem:s30+$0x10D0]  }
0xb8: {  	v14 =	vld [tilespmem:s31+$0xCC0]  }
0xb9: {  	v15 =	vld [tilespmem:s0+$0x8B0];
	[tilespmem:s29+$0xB4C0] =	vst v6  }
0xba: {  	[tilespmem:s30+$0xB0B0] =	vst v7;
	v5 =	vld.idx.msk [tilespmem:v5+s19+$0x0], $0xffff  }
0xbb: {  	[tilespmem:s31+$0xACA0] =	vst v8;
	v6 =	vld.idx.msk [tilespmem:v10+s19+$0x0], $0xffff  }
0xbc: {  	[tilespmem:s0+$0xA890] =	vst v9;
	v7 =	vld.idx.msk [tilespmem:v11+s19+$0x0], $0xffff  }
0xbd: {  	v8 =	vld.idx.msk [tilespmem:v13+s19+$0x0], $0xffff  }
0xbe: {  	v9 =	vld [tilespmem:s30+$0x10E0]  }
0xbf: {  	v10 =	vld [tilespmem:s31+$0xCD0]  }
0xc0: {  	v11 =	vld [tilespmem:s0+$0x8C0];
	[tilespmem:s29+$0xB4D0] =	vst v5  }
0xc1: {  	[tilespmem:s30+$0xB0C0] =	vst v6;
	v4 =	vld.idx.msk [tilespmem:v4+s19+$0x0], $0xffff  }
0xc2: {  	[tilespmem:s31+$0xACB0] =	vst v7;
	v5 =	vld.idx.msk [tilespmem:v12+s19+$0x0], $0xffff  }
0xc3: {  	[tilespmem:s0+$0xA8A0] =	vst v8;
	v6 =	vld.idx.msk [tilespmem:v14+s19+$0x0], $0xffff  }
0xc4: {  	v7 =	vld.idx.msk [tilespmem:v15+s19+$0x0], $0xffff  }
0xc5: {  	v8 =	vld [tilespmem:s30+$0x10F0]  }
0xc6: {  	v12 =	vld [tilespmem:s31+$0xCE0]  }
0xc7: {  	v13 =	vld [tilespmem:s0+$0x8D0];
	[tilespmem:s29+$0xB4E0] =	vst v4  }
0xc8: {  	[tilespmem:s30+$0xB0D0] =	vst v5;
	v4 =	vld.idx.msk [tilespmem:v3+s19+$0x0], $0xffff  }
0xc9: {  	[tilespmem:s31+$0xACC0] =	vst v6;
	v5 =	vld.idx.msk [tilespmem:v9+s19+$0x0], $0xffff  }
0xca: {  	[tilespmem:s0+$0xA8B0] =	vst v7;
	v6 =	vld.idx.msk [tilespmem:v10+s19+$0x0], $0xffff  }
0xcb: {  	v7 =	vld.idx.msk [tilespmem:v11+s19+$0x0], $0xffff  }
0xcc: {  	v3 =	vld [tilespmem:s30+$0x14F0]  }
0xcd: {  	v9 =	vld [tilespmem:s30+$0x1480]  }
0xce: {  	v10 =	vld [tilespmem:s31+$0xCF0];
	[tilespmem:s29+$0xB4F0] =	vst v4;
	s29 =	smov.u32 s30;
	s30 =	smov.u32 s31;
	s31 =	smov.u32 s0  }
0xcf: {  	v11 =	vld [tilespmem:s31+$0x8E0];
	[tilespmem:s29+$0xB0E0] =	vst v5  }
0xd0: {  	[tilespmem:s30+$0xACD0] =	vst v6;
	v5 =	vld.idx.msk [tilespmem:v8+s19+$0x0], $0xffff  }
0xd1: {  	[tilespmem:s31+$0xA8C0] =	vst v7;
	v6 =	vld.idx.msk [tilespmem:v12+s19+$0x0], $0xffff  }
0xd2: {  	v7 =	vld.idx.msk [tilespmem:v13+s19+$0x0], $0xffff  }
0xd3: {  	v4 =	vld [tilespmem:s29+$0x14E0]  }
0xd4: {  	v12 =	vld [tilespmem:s29+$0x1490]  }
0xd5: {  	v13 =	vld [tilespmem:s30+$0x1080]  }
0xd6: {  	v14 =	vld [tilespmem:s31+$0x8F0];
	[tilespmem:s29+$0xB0F0] =	vst v5  }
0xd7: {  	[tilespmem:s30+$0xACE0] =	vst v6;
	v6 =	vld.idx.msk [tilespmem:v9+s19+$0x0], $0xffff  }
0xd8: {  	[tilespmem:s31+$0xA8D0] =	vst v7;
	v7 =	vld.idx.msk [tilespmem:v10+s19+$0x0], $0xffff  }
0xd9: {  	v9 =	vld.idx.msk [tilespmem:v11+s19+$0x0], $0xffff  }
0xda: {  	v5 =	vld [tilespmem:s29+$0x14D0]  }
0xdb: {  	v15 =	vld [tilespmem:s29+$0x14A0]  }
0xdc: {  	v8 =	vld [tilespmem:s30+$0x1090]  }
0xdd: {  	v10 =	vld [tilespmem:s31+$0xC80];
	[tilespmem:s29+$0xB480] =	vst v6  }
0xde: {  	[tilespmem:s30+$0xACF0] =	vst v7;
	v7 =	vld.idx.msk [tilespmem:v12+s19+$0x0], $0xffff  }
0xdf: {  	[tilespmem:s31+$0xA8E0] =	vst v9;
	v16 =	vld.idx.msk [tilespmem:v13+s19+$0x0], $0xffff  }
0xe0: {  	v12 =	vld.idx.msk [tilespmem:v14+s19+$0x0], $0xffff  }
.Ltmp2:
0xe1: {  	s2 =	sadd.s32 $0x80, s2;
	v6 =	vld [tilespmem:s29+$0x14B0];
	(pc) =	sbr.rel @p0 .LBB2_6-.Ltmp2, $4  }
0xe2: {  	s3 =	sand.u32 $0x380, s2;
	s0 =	sand.u32 $0x7000, s1;
	v9 =	vld [tilespmem:s30+$0x10A0]  }
0xe3: {  	s0 =	sor.u32 s3, s0;
	v11 =	vld [tilespmem:s31+$0xC90]  }
0xe4: {  	v13 =	vld [tilespmem:s0+$0x880];
	[tilespmem:s29+$0xB490] =	vst v7  }
0xe5: {  	s1 =	sadd.s32 $0x200, s1;
	[tilespmem:s30+$0xB080] =	vst v16;
	v7 =	vld.idx.msk [tilespmem:v15+s19+$0x0], $0xffff  }
0xe6: {  	_ =	sdelay $0x4  }
0xe7: {  	v14 =	vld [tilespmem:s0+$0x890];
	_ =	sdelay $0x1  }
0xe8: {  	v13 =	vld.idx.msk [tilespmem:v13+s19+$0x0], $0xffff;
	_ =	sdelay $0x3  }
0xe9: {  	v15 =	vld [tilespmem:s0+$0x8A0]  }
0xea: {  	[tilespmem:s0+$0xA880] =	vst v13  }
0xeb: {  	v13 =	vld.idx.msk [tilespmem:v14+s19+$0x0], $0xffff;
	_ =	sdelay $0x3  }
0xec: {  	v14 =	vld [tilespmem:s0+$0x8B0]  }
0xed: {  	[tilespmem:s0+$0xA890] =	vst v13  }
0xee: {  	v13 =	vld.idx.msk [tilespmem:v15+s19+$0x0], $0xffff;
	_ =	sdelay $0x3  }
0xef: {  	v15 =	vld [tilespmem:s0+$0x8C0]  }
0xf0: {  	[tilespmem:s0+$0xA8A0] =	vst v13  }
0xf1: {  	v13 =	vld.idx.msk [tilespmem:v14+s19+$0x0], $0xffff;
	_ =	sdelay $0x3  }
0xf2: {  	v14 =	vld [tilespmem:s0+$0x8D0]  }
0xf3: {  	[tilespmem:s0+$0xA8B0] =	vst v13  }
0xf4: {  	v13 =	vld.idx.msk [tilespmem:v15+s19+$0x0], $0xffff;
	_ =	sdelay $0x3  }
0xf5: {  	v15 =	vld [tilespmem:s0+$0x8E0]  }
0xf6: {  	[tilespmem:s0+$0xA8C0] =	vst v13  }
0xf7: {  	v13 =	vld.idx.msk [tilespmem:v14+s19+$0x0], $0xffff;
	_ =	sdelay $0x3  }
0xf8: {  	v14 =	vld [tilespmem:s0+$0x8F0]  }
0xf9: {  	[tilespmem:s0+$0xA8D0] =	vst v13  }
0xfa: {  	v13 =	vld.idx.msk [tilespmem:v15+s19+$0x0], $0xffff;
	_ =	sdelay $0x3  }
0xfb: {  	v15 =	vld [tilespmem:s0+$0xC80]  }
0xfc: {  	[tilespmem:s0+$0xA8E0] =	vst v13  }
0xfd: {  	v13 =	vld.idx.msk [tilespmem:v14+s19+$0x0], $0xffff;
	_ =	sdelay $0x1  }
0xfe: {  	[tilespmem:s31+$0xA8F0] =	vst v12  }
0xff: {  	v10 =	vld.idx.msk [tilespmem:v10+s19+$0x0], $0xffff  }
0x100: {  	v12 =	vld [tilespmem:s0+$0xC90]  }
0x101: {  	[tilespmem:s0+$0xA8F0] =	vst v13  }
0x102: {  	v13 =	vld.idx.msk [tilespmem:v15+s19+$0x0], $0xffff;
	_ =	sdelay $0x1  }
0x103: {  	[tilespmem:s31+$0xAC80] =	vst v10;
	v14 =	vld [tilespmem:s31+$0xCA0]  }
0x104: {  	v11 =	vld.idx.msk [tilespmem:v11+s19+$0x0], $0xffff  }
0x105: {  	v10 =	vld [tilespmem:s0+$0xCA0]  }
0x106: {  	[tilespmem:s0+$0xAC80] =	vst v13  }
0x107: {  	v12 =	vld.idx.msk [tilespmem:v12+s19+$0x0], $0xffff;
	_ =	sdelay $0x1  }
0x108: {  	[tilespmem:s31+$0xAC90] =	vst v11;
	v11 =	vld [tilespmem:s0+$0xCB0]  }
0x109: {  	v13 =	vld [tilespmem:s31+$0xCB0]  }
0x10a: {  	v14 =	vld.idx.msk [tilespmem:v14+s19+$0x0], $0xffff  }
0x10b: {  	[tilespmem:s0+$0xAC90] =	vst v12  }
0x10c: {  	v10 =	vld.idx.msk [tilespmem:v10+s19+$0x0], $0xffff  }
0x10d: {  	v8 =	vld.idx.msk [tilespmem:v8+s19+$0x0], $0xffff  }
0x10e: {  	v15 =	vld [tilespmem:s31+$0xCC0]  }
0x10f: {  	[tilespmem:s31+$0xACA0] =	vst v14;
	v14 =	vld [tilespmem:s0+$0xCC0]  }
0x110: {  	v12 =	vld [tilespmem:s30+$0x10B0]  }
0x111: {  	v13 =	vld.idx.msk [tilespmem:v13+s19+$0x0], $0xffff;
	[tilespmem:s0+$0xACA0] =	vst v10  }
0x112: {  	[tilespmem:s30+$0xB090] =	vst v8;
	v8 =	vld.idx.msk [tilespmem:v11+s19+$0x0], $0xffff  }
0x113: {  	v9 =	vld.idx.msk [tilespmem:v9+s19+$0x0], $0xffff  }
0x114: {  	v10 =	vld [tilespmem:s30+$0x10C0]  }
0x115: {  	v11 =	vld [tilespmem:s31+$0xCD0]  }
0x116: {  	[tilespmem:s31+$0xACB0] =	vst v13;
	v13 =	vld [tilespmem:s0+$0xCD0]  }
0x117: {  	v15 =	vld.idx.msk [tilespmem:v15+s19+$0x0], $0xffff;
	[tilespmem:s0+$0xACB0] =	vst v8  }
0x118: {  	[tilespmem:s30+$0xB0A0] =	vst v9;
	v8 =	vld.idx.msk [tilespmem:v14+s19+$0x0], $0xffff  }
0x119: {  	v9 =	vld.idx.msk [tilespmem:v12+s19+$0x0], $0xffff  }
0x11a: {  	v12 =	vld [tilespmem:s30+$0x10D0]  }
0x11b: {  	v14 =	vld [tilespmem:s31+$0xCE0]  }
0x11c: {  	[tilespmem:s31+$0xACC0] =	vst v15;
	v15 =	vld [tilespmem:s0+$0xCE0]  }
0x11d: {  	v11 =	vld.idx.msk [tilespmem:v11+s19+$0x0], $0xffff;
	[tilespmem:s0+$0xACC0] =	vst v8  }
0x11e: {  	[tilespmem:s30+$0xB0B0] =	vst v9;
	v8 =	vld.idx.msk [tilespmem:v13+s19+$0x0], $0xffff  }
0x11f: {  	v9 =	vld.idx.msk [tilespmem:v10+s19+$0x0], $0xffff  }
0x120: {  	v10 =	vld [tilespmem:s30+$0x10E0]  }
0x121: {  	v13 =	vld [tilespmem:s31+$0xCF0]  }
0x122: {  	[tilespmem:s31+$0xACD0] =	vst v11;
	v11 =	vld [tilespmem:s0+$0xCF0]  }
0x123: {  	v14 =	vld.idx.msk [tilespmem:v14+s19+$0x0], $0xffff;
	[tilespmem:s0+$0xACD0] =	vst v8  }
0x124: {  	v8 =	vld.idx.msk [tilespmem:v15+s19+$0x0], $0xffff  }
0x125: {  	[tilespmem:s30+$0xB0C0] =	vst v9  }
0x126: {  	v9 =	vld.idx.msk [tilespmem:v12+s19+$0x0], $0xffff  }
0x127: {  	v15 =	vld [tilespmem:s31+$0x1080]  }
0x128: {  	[tilespmem:s31+$0xACE0] =	vst v14;
	v14 =	vld [tilespmem:s0+$0x1080]  }
0x129: {  	v13 =	vld.idx.msk [tilespmem:v13+s19+$0x0], $0xffff;
	[tilespmem:s0+$0xACE0] =	vst v8  }
0x12a: {  	v8 =	vld.idx.msk [tilespmem:v11+s19+$0x0], $0xffff  }
0x12b: {  	v12 =	vld [tilespmem:s30+$0x10F0];
	[tilespmem:s30+$0xB0D0] =	vst v9  }
0x12c: {  	v9 =	vld.idx.msk [tilespmem:v10+s19+$0x0], $0xffff  }
0x12d: {  	v10 =	vld [tilespmem:s31+$0x1090]  }
0x12e: {  	v11 =	vld [tilespmem:s0+$0x1090];
	[tilespmem:s31+$0xACF0] =	vst v13  }
0x12f: {  	v13 =	vld.idx.msk [tilespmem:v15+s19+$0x0], $0xffff;
	[tilespmem:s0+$0xACF0] =	vst v8  }
0x130: {  	v8 =	vld.idx.msk [tilespmem:v14+s19+$0x0], $0xffff;
	_ =	sdelay $0x2  }
0x131: {  	v16 =	vld [tilespmem:s31+$0x10A0]  }
0x132: {  	[tilespmem:s31+$0xB080] =	vst v13;
	v13 =	vld [tilespmem:s0+$0x10A0]  }
0x133: {  	v10 =	vld.idx.msk [tilespmem:v10+s19+$0x0], $0xffff;
	[tilespmem:s0+$0xB080] =	vst v8  }
0x134: {  	[tilespmem:s30+$0xB0E0] =	vst v9;
	v8 =	vld.idx.msk [tilespmem:v11+s19+$0x0], $0xffff  }
0x135: {  	v9 =	vld.idx.msk [tilespmem:v12+s19+$0x0], $0xffff  }
0x136: {  	v15 =	vld [tilespmem:s30+$0x1480]  }
0x137: {  	v11 =	vld [tilespmem:s31+$0x10B0]  }
0x138: {  	[tilespmem:s31+$0xB090] =	vst v10;
	v10 =	vld [tilespmem:s0+$0x10B0]  }
0x139: {  	v12 =	vld.idx.msk [tilespmem:v16+s19+$0x0], $0xffff;
	[tilespmem:s0+$0xB090] =	vst v8  }
0x13a: {  	v8 =	vld.idx.msk [tilespmem:v13+s19+$0x0], $0xffff;
	_ =	sdelay $0x2  }
0x13b: {  	v17 =	vld [tilespmem:s31+$0x10C0]  }
0x13c: {  	[tilespmem:s31+$0xB0A0] =	vst v12;
	v12 =	vld [tilespmem:s0+$0x10C0]  }
0x13d: {  	v11 =	vld.idx.msk [tilespmem:v11+s19+$0x0], $0xffff;
	[tilespmem:s0+$0xB0A0] =	vst v8  }
0x13e: {  	v8 =	vld.idx.msk [tilespmem:v10+s19+$0x0], $0xffff  }
0x13f: {  	[tilespmem:s30+$0xB0F0] =	vst v9  }
0x140: {  	v9 =	vld.idx.msk [tilespmem:v15+s19+$0x0], $0xffff  }
0x141: {  	v15 =	vld [tilespmem:s31+$0x10D0]  }
0x142: {  	[tilespmem:s31+$0xB0B0] =	vst v11;
	v11 =	vld [tilespmem:s0+$0x10D0]  }
0x143: {  	v17 =	vld.idx.msk [tilespmem:v17+s19+$0x0], $0xffff;
	[tilespmem:s0+$0xB0B0] =	vst v8  }
0x144: {  	v8 =	vld.idx.msk [tilespmem:v12+s19+$0x0], $0xffff;
	_ =	sdelay $0x2  }
0x145: {  	v19 =	vld [tilespmem:s31+$0x10E0]  }
0x146: {  	v52 =	vld [tilespmem:s0+$0x10E0];
	[tilespmem:s31+$0xB0C0] =	vst v17  }
0x147: {  	v15 =	vld.idx.msk [tilespmem:v15+s19+$0x0], $0xffff;
	[tilespmem:s0+$0xB0C0] =	vst v8  }
0x148: {  	v8 =	vld.idx.msk [tilespmem:v11+s19+$0x0], $0xffff  }
0x149: {  	v51 =	vld [tilespmem:s30+$0x1490]  }
0x14a: {  	v18 =	vld [tilespmem:s30+$0x14A0]  }
0x14b: {  	v53 =	vld [tilespmem:s31+$0x10F0]  }
0x14c: {  	[tilespmem:s31+$0xB0D0] =	vst v15;
	v15 =	vld [tilespmem:s0+$0x10F0]  }
0x14d: {  	v19 =	vld.idx.msk [tilespmem:v19+s19+$0x0], $0xffff;
	[tilespmem:s0+$0xB0D0] =	vst v8  }
0x14e: {  	v8 =	vld.idx.msk [tilespmem:v52+s19+$0x0], $0xffff  }
0x14f: {  	v54 =	vld [tilespmem:s31+$0x14F0]  }
0x150: {  	v20 =	vld [tilespmem:s31+$0x1480]  }
0x151: {  	v55 =	vld [tilespmem:s0+$0x1480]  }
0x152: {  	v22 =	vld [tilespmem:s31+$0x1490];
	[tilespmem:s31+$0xB0E0] =	vst v19  }
0x153: {  	v16 =	vld.idx.msk [tilespmem:v53+s19+$0x0], $0xffff;
	[tilespmem:s0+$0xB0E0] =	vst v8  }
0x154: {  	v8 =	vld.idx.msk [tilespmem:v15+s19+$0x0], $0xffff  }
0x155: {  	v23 =	vld [tilespmem:s0+$0x14E0]  }
0x156: {  	v56 =	vld [tilespmem:s0+$0x1490]  }
0x157: {  	v57 =	vld [tilespmem:s31+$0x14D0]  }
0x158: {  	v24 =	vld [tilespmem:s31+$0x14A0];
	[tilespmem:s31+$0xB0F0] =	vst v16  }
0x159: {  	v20 =	vld.idx.msk [tilespmem:v20+s19+$0x0], $0xffff;
	[tilespmem:s0+$0xB0F0] =	vst v8  }
0x15a: {  	v8 =	vld.idx.msk [tilespmem:v55+s19+$0x0], $0xffff  }
0x15b: {  	v58 =	vld [tilespmem:s0+$0x14A0];
	[tilespmem:s30+$0xB480] =	vst v9  }
0x15c: {  	v9 =	vld.idx.msk [tilespmem:v51+s19+$0x0], $0xffff  }
0x15d: {  	v59 =	vld [tilespmem:s30+$0x14C0]  }
0x15e: {  	v11 =	vld [tilespmem:s30+$0x14B0];
	[tilespmem:s31+$0xB480] =	vst v20  }
0x15f: {  	v22 =	vld.idx.msk [tilespmem:v22+s19+$0x0], $0xffff;
	[tilespmem:s0+$0xB480] =	vst v8  }
0x160: {  	v8 =	vld.idx.msk [tilespmem:v56+s19+$0x0], $0xffff  }
0x161: {  	v60 =	vld [tilespmem:s31+$0x14B0];
	[tilespmem:s30+$0xB490] =	vst v9  }
0x162: {  	v9 =	vld.idx.msk [tilespmem:v18+s19+$0x0], $0xffff  }
0x163: {  	v61 =	vld [tilespmem:s0+$0x14B0]  }
0x164: {  	v10 =	vld [tilespmem:s29+$0x14C0];
	[tilespmem:s31+$0xB490] =	vst v22  }
0x165: {  	[tilespmem:s0+$0xB490] =	vst v8;
	v8 =	vld.idx.msk [tilespmem:v24+s19+$0x0], $0xffff  }
0x166: {  	[tilespmem:s29+$0xB4A0] =	vst v7;
	v7 =	vld.idx.msk [tilespmem:v58+s19+$0x0], $0xffff  }
0x167: {  	v6 =	vld.idx.msk [tilespmem:v6+s19+$0x0], $0xffff;
	[tilespmem:s30+$0xB4A0] =	vst v9  }
0x168: {  	v9 =	vld.idx.msk [tilespmem:v11+s19+$0x0], $0xffff  }
0x169: {  	v11 =	vld [tilespmem:s31+$0x14C0]  }
0x16a: {  	[tilespmem:s31+$0xB4A0] =	vst v8;
	v8 =	vld [tilespmem:s0+$0x14C0]  }
0x16b: {  	[tilespmem:s0+$0xB4A0] =	vst v7;
	v7 =	vld.idx.msk [tilespmem:v60+s19+$0x0], $0xffff  }
0x16c: {  	v62 =	vld.idx.msk [tilespmem:v61+s19+$0x0], $0xffff  }
0x16d: {  	[tilespmem:s29+$0xB4B0] =	vst v6;
	v12 =	vld [tilespmem:s30+$0x14D0]  }
0x16e: {  	v6 =	vld.idx.msk [tilespmem:v10+s19+$0x0], $0xffff  }
0x16f: {  	v25 =	vld [tilespmem:s0+$0x14D0];
	[tilespmem:s30+$0xB4B0] =	vst v9  }
0x170: {  	[tilespmem:s31+$0xB4B0] =	vst v7;
	v7 =	vld.idx.msk [tilespmem:v59+s19+$0x0], $0xffff  }
0x171: {  	[tilespmem:s0+$0xB4B0] =	vst v62;
	v9 =	vld.idx.msk [tilespmem:v11+s19+$0x0], $0xffff  }
0x172: {  	v8 =	vld.idx.msk [tilespmem:v8+s19+$0x0], $0xffff  }
0x173: {  	v13 =	vld [tilespmem:s30+$0x14E0];
	[tilespmem:s29+$0xB4C0] =	vst v6  }
0x174: {  	v5 =	vld.idx.msk [tilespmem:v5+s19+$0x0], $0xffff  }
0x175: {  	v15 =	vld [tilespmem:s31+$0x14E0];
	[tilespmem:s30+$0xB4C0] =	vst v7  }
0x176: {  	v6 =	vld.idx.msk [tilespmem:v12+s19+$0x0], $0xffff;
	[tilespmem:s31+$0xB4C0] =	vst v9  }
0x177: {  	v7 =	vld.idx.msk [tilespmem:v57+s19+$0x0], $0xffff;
	[tilespmem:s0+$0xB4C0] =	vst v8  }
0x178: {  	v8 =	vld.idx.msk [tilespmem:v25+s19+$0x0], $0xffff  }
0x179: {  	v21 =	vld [tilespmem:s0+$0x14F0]  }
0x17a: {  	v14 =	vld [tilespmem:s30+$0x14F0];
	[tilespmem:s29+$0xB4D0] =	vst v5  }
0x17b: {  	v4 =	vld.idx.msk [tilespmem:v4+s19+$0x0], $0xffff;
	[tilespmem:s30+$0xB4D0] =	vst v6  }
0x17c: {  	v5 =	vld.idx.msk [tilespmem:v13+s19+$0x0], $0xffff;
	[tilespmem:s31+$0xB4D0] =	vst v7  }
0x17d: {  	v6 =	vld.idx.msk [tilespmem:v15+s19+$0x0], $0xffff;
	[tilespmem:s0+$0xB4D0] =	vst v8  }
0x17e: {  	v7 =	vld.idx.msk [tilespmem:v23+s19+$0x0], $0xffff;
	_ =	sdelay $0x1  }
0x17f: {  	[tilespmem:s29+$0xB4E0] =	vst v4  }
0x180: {  	v3 =	vld.idx.msk [tilespmem:v3+s19+$0x0], $0xffff;
	[tilespmem:s30+$0xB4E0] =	vst v5  }
0x181: {  	v4 =	vld.idx.msk [tilespmem:v14+s19+$0x0], $0xffff;
	[tilespmem:s31+$0xB4E0] =	vst v6  }
0x182: {  	v5 =	vld.idx.msk [tilespmem:v54+s19+$0x0], $0xffff;
	[tilespmem:s0+$0xB4E0] =	vst v7  }
0x183: {  	v6 =	vld.idx.msk [tilespmem:v21+s19+$0x0], $0xffff;
	_ =	sdelay $0x1  }
0x184: {  	[tilespmem:s29+$0xB4F0] =	vst v3  }
0x185: {  	[tilespmem:s30+$0xB4F0] =	vst v4  }
0x186: {  	[tilespmem:s31+$0xB4F0] =	vst v5  }
0x187: {  	[tilespmem:s0+$0xB4F0] =	vst v6  }
0x188: {  	[hbm4b:s6+s15] =	stream.strided.scatter [tilespmem:s22], [sflag:$0x3], $0x5000, s16, s15, $0x38;
	[tilespmem:$0x14880] =	vst v63  }
0x189: {  	_ = 	snop  }
0x18a: {  	[tilespmem:s17], [sflag:$0x1] =	stream.strided.gather [hbm4b:s7+s15], $0x5000, s16, s15, $0x38;
	[tilespmem:$0x14880] =	vst v63  }
0x18b: {  	s3 =	simm.s32 $0x0;
	_ =	swait.ge [sflag:s23], $0x5000  }
0x18c: {  	s1 =	sand.u32 $0x7000, s3;
	s0 =	sand.u32 $0x380, s3;
	[sflag:s23] =	ssyncset.done $0x0  }
0x18d: {  	s29 =	sor.u32 s0, s1;
	[sflag:s23] =	ssyncadd.s32 $0xFFFFB000  }
0x18e: {  	v3 =	vld [tilespmem:s29+$0x5880];
	_ =	sdelay $0x5  }
0x18f: {  	v4 =	vld [tilespmem:s29+$0x5890];
	_ =	sdelay $0x1  }
0x190: {  	v3 =	vld.idx.msk [tilespmem:v3+s19+$0x0], $0xffff;
	_ =	sdelay $0x3  }
0x191: {  	v5 =	vld [tilespmem:s29+$0x58A0]  }
0x192: {  	[tilespmem:s29+$0xF880] =	vst v3  }
0x193: {  	v3 =	vld.idx.msk [tilespmem:v4+s19+$0x0], $0xffff;
	_ =	sdelay $0x3  }
0x194: {  	v4 =	vld [tilespmem:s29+$0x58B0]  }
0x195: {  	[tilespmem:s29+$0xF890] =	vst v3  }
0x196: {  	v3 =	vld.idx.msk [tilespmem:v5+s19+$0x0], $0xffff;
	_ =	sdelay $0x3  }
0x197: {  	v5 =	vld [tilespmem:s29+$0x58C0]  }
0x198: {  	[tilespmem:s29+$0xF8A0] =	vst v3  }
0x199: {  	v3 =	vld.idx.msk [tilespmem:v4+s19+$0x0], $0xffff;
	_ =	sdelay $0x3  }
0x19a: {  	v4 =	vld [tilespmem:s29+$0x58D0]  }
0x19b: {  	[tilespmem:s29+$0xF8B0] =	vst v3  }
0x19c: {  	v3 =	vld.idx.msk [tilespmem:v5+s19+$0x0], $0xffff;
	_ =	sdelay $0x3  }
0x19d: {  	v5 =	vld [tilespmem:s29+$0x58E0]  }
0x19e: {  	[tilespmem:s29+$0xF8C0] =	vst v3  }
0x19f: {  	v3 =	vld.idx.msk [tilespmem:v4+s19+$0x0], $0xffff;
	_ =	sdelay $0x3  }
0x1a0: {  	v4 =	vld [tilespmem:s29+$0x58F0]  }
0x1a1: {  	[tilespmem:s29+$0xF8D0] =	vst v3  }
0x1a2: {  	v3 =	vld.idx.msk [tilespmem:v5+s19+$0x0], $0xffff;
	_ =	sdelay $0x3  }
0x1a3: {  	v5 =	vld [tilespmem:s29+$0x5C80]  }
0x1a4: {  	[tilespmem:s29+$0xF8E0] =	vst v3  }
0x1a5: {  	v3 =	vld.idx.msk [tilespmem:v4+s19+$0x0], $0xffff;
	_ =	sdelay $0x1  }
0x1a6: {  	s2 =	simm.s32 $0x200;
	s3 =	simm.s32 $0x80  }
0x1a7: {  	s0 =	sand.u32 $0x7000, s2;
	s1 =	sand.u32 $0x380, s3  }
0x1a8: {  	s30 =	sor.u32 s1, s0;
	v4 =	vld [tilespmem:s29+$0x5C90]  }
0x1a9: {  	v6 =	vld [tilespmem:s30+$0x5880];
	[tilespmem:s29+$0xF8F0] =	vst v3  }
0x1aa: {  	v3 =	vld.idx.msk [tilespmem:v5+s19+$0x0], $0xffff;
	_ =	sdelay $0x3  }
0x1ab: {  	v5 =	vld [tilespmem:s29+$0x5CA0]  }
0x1ac: {  	v7 =	vld [tilespmem:s30+$0x5890];
	[tilespmem:s29+$0xFC80] =	vst v3  }
0x1ad: {  	v3 =	vld.idx.msk [tilespmem:v4+s19+$0x0], $0xffff  }
0x1ae: {  	v4 =	vld.idx.msk [tilespmem:v6+s19+$0x0], $0xffff;
	_ =	sdelay $0x2  }
0x1af: {  	v6 =	vld [tilespmem:s29+$0x5CB0]  }
0x1b0: {  	v8 =	vld [tilespmem:s30+$0x58A0];
	[tilespmem:s29+$0xFC90] =	vst v3  }
0x1b1: {  	[tilespmem:s30+$0xF880] =	vst v4;
	v3 =	vld.idx.msk [tilespmem:v5+s19+$0x0], $0xffff  }
0x1b2: {  	v4 =	vld.idx.msk [tilespmem:v7+s19+$0x0], $0xffff;
	_ =	sdelay $0x2  }
0x1b3: {  	v5 =	vld [tilespmem:s29+$0x5CC0]  }
0x1b4: {  	v7 =	vld [tilespmem:s30+$0x58B0];
	[tilespmem:s29+$0xFCA0] =	vst v3  }
0x1b5: {  	[tilespmem:s30+$0xF890] =	vst v4;
	v3 =	vld.idx.msk [tilespmem:v6+s19+$0x0], $0xffff  }
0x1b6: {  	v4 =	vld.idx.msk [tilespmem:v8+s19+$0x0], $0xffff;
	_ =	sdelay $0x2  }
0x1b7: {  	v6 =	vld [tilespmem:s29+$0x5CD0]  }
0x1b8: {  	v8 =	vld [tilespmem:s30+$0x58C0];
	[tilespmem:s29+$0xFCB0] =	vst v3  }
0x1b9: {  	[tilespmem:s30+$0xF8A0] =	vst v4;
	v3 =	vld.idx.msk [tilespmem:v5+s19+$0x0], $0xffff  }
0x1ba: {  	v4 =	vld.idx.msk [tilespmem:v7+s19+$0x0], $0xffff;
	_ =	sdelay $0x2  }
0x1bb: {  	v5 =	vld [tilespmem:s29+$0x5CE0]  }
0x1bc: {  	v7 =	vld [tilespmem:s30+$0x58D0];
	[tilespmem:s29+$0xFCC0] =	vst v3  }
0x1bd: {  	[tilespmem:s30+$0xF8B0] =	vst v4;
	v3 =	vld.idx.msk [tilespmem:v6+s19+$0x0], $0xffff  }
0x1be: {  	v4 =	vld.idx.msk [tilespmem:v8+s19+$0x0], $0xffff;
	_ =	sdelay $0x2  }
0x1bf: {  	v6 =	vld [tilespmem:s29+$0x5CF0]  }
0x1c0: {  	v8 =	vld [tilespmem:s30+$0x58E0];
	[tilespmem:s29+$0xFCD0] =	vst v3  }
0x1c1: {  	[tilespmem:s30+$0xF8C0] =	vst v4;
	v3 =	vld.idx.msk [tilespmem:v5+s19+$0x0], $0xffff  }
0x1c2: {  	v4 =	vld.idx.msk [tilespmem:v7+s19+$0x0], $0xffff;
	_ =	sdelay $0x2  }
0x1c3: {  	v5 =	vld [tilespmem:s29+$0x6080]  }
0x1c4: {  	s2 =	simm.s32 $0x400;
	s3 =	simm.s32 $0x100;
	v7 =	vld [tilespmem:s30+$0x58F0];
	[tilespmem:s29+$0xFCE0] =	vst v3  }
0x1c5: {  	s0 =	sand.u32 $0x7000, s2;
	s1 =	sand.u32 $0x380, s3;
	[tilespmem:s30+$0xF8D0] =	vst v4;
	v3 =	vld.idx.msk [tilespmem:v6+s19+$0x0], $0xffff  }
0x1c6: {  	s31 =	sor.u32 s1, s0;
	v4 =	vld.idx.msk [tilespmem:v8+s19+$0x0], $0xffff  }
0x1c7: {  	v9 =	vld [tilespmem:s31+$0x5880]  }
0x1c8: {  	v10 =	vld [tilespmem:s31+$0x5890]  }
0x1c9: {  	v6 =	vld [tilespmem:s29+$0x6090]  }
0x1ca: {  	v8 =	vld [tilespmem:s30+$0x5C80];
	[tilespmem:s29+$0xFCF0] =	vst v3  }
0x1cb: {  	[tilespmem:s30+$0xF8E0] =	vst v4;
	v3 =	vld.idx.msk [tilespmem:v5+s19+$0x0], $0xffff  }
0x1cc: {  	v4 =	vld.idx.msk [tilespmem:v7+s19+$0x0], $0xffff  }
0x1cd: {  	v11 =	vld [tilespmem:s31+$0x58A0]  }
0x1ce: {  	v12 =	vld [tilespmem:s31+$0x58E0]  }
0x1cf: {  	v5 =	vld [tilespmem:s29+$0x60A0]  }
0x1d0: {  	v7 =	vld [tilespmem:s30+$0x5C90];
	[tilespmem:s29+$0x10080] =	vst v3  }
0x1d1: {  	[tilespmem:s30+$0xF8F0] =	vst v4;
	v3 =	vld.idx.msk [tilespmem:v6+s19+$0x0], $0xffff  }
0x1d2: {  	v4 =	vld.idx.msk [tilespmem:v8+s19+$0x0], $0xffff  }
0x1d3: {  	v13 =	vld [tilespmem:s29+$0x6490]  }
0x1d4: {  	v14 =	vld [tilespmem:s30+$0x6080]  }
0x1d5: {  	v6 =	vld [tilespmem:s29+$0x60B0]  }
0x1d6: {  	v8 =	vld [tilespmem:s30+$0x5CA0];
	[tilespmem:s29+$0x10090] =	vst v3  }
0x1d7: {  	[tilespmem:s30+$0xFC80] =	vst v4;
	v3 =	vld.idx.msk [tilespmem:v5+s19+$0x0], $0xffff  }
0x1d8: {  	v4 =	vld.idx.msk [tilespmem:v7+s19+$0x0], $0xffff  }
0x1d9: {  	v5 =	vld.idx.msk [tilespmem:v9+s19+$0x0], $0xffff  }
0x1da: {  	v15 =	vld [tilespmem:s31+$0x58F0]  }
0x1db: {  	v7 =	vld [tilespmem:s29+$0x60C0]  }
0x1dc: {  	v9 =	vld [tilespmem:s30+$0x5CB0];
	[tilespmem:s29+$0x100A0] =	vst v3  }
0x1dd: {  	[tilespmem:s30+$0xFC90] =	vst v4;
	v3 =	vld.idx.msk [tilespmem:v6+s19+$0x0], $0xffff  }
0x1de: {  	[tilespmem:s31+$0xF880] =	vst v5;
	v4 =	vld.idx.msk [tilespmem:v8+s19+$0x0], $0xffff  }
0x1df: {  	v5 =	vld.idx.msk [tilespmem:v10+s19+$0x0], $0xffff  }
0x1e0: {  	v6 =	vld [tilespmem:s29+$0x60D0]  }
0x1e1: {  	v8 =	vld [tilespmem:s30+$0x5CC0]  }
0x1e2: {  	v10 =	vld [tilespmem:s31+$0x58B0];
	[tilespmem:s29+$0x100B0] =	vst v3  }
0x1e3: {  	[tilespmem:s30+$0xFCA0] =	vst v4;
	v3 =	vld.idx.msk [tilespmem:v7+s19+$0x0], $0xffff  }
0x1e4: {  	[tilespmem:s31+$0xF890] =	vst v5;
	v4 =	vld.idx.msk [tilespmem:v9+s19+$0x0], $0xffff  }
0x1e5: {  	v5 =	vld.idx.msk [tilespmem:v11+s19+$0x0], $0xffff  }
0x1e6: {  	v7 =	vld [tilespmem:s29+$0x60E0]  }
0x1e7: {  	v9 =	vld [tilespmem:s30+$0x5CD0]  }
0x1e8: {  	v11 =	vld [tilespmem:s31+$0x58C0];
	[tilespmem:s29+$0x100C0] =	vst v3  }
0x1e9: {  	[tilespmem:s30+$0xFCB0] =	vst v4;
	v3 =	vld.idx.msk [tilespmem:v6+s19+$0x0], $0xffff  }
0x1ea: {  	[tilespmem:s31+$0xF8A0] =	vst v5;
	v4 =	vld.idx.msk [tilespmem:v8+s19+$0x0], $0xffff  }
0x1eb: {  	v5 =	vld.idx.msk [tilespmem:v10+s19+$0x0], $0xffff  }
0x1ec: {  	v6 =	vld [tilespmem:s29+$0x60F0]  }
0x1ed: {  	v8 =	vld [tilespmem:s30+$0x5CE0]  }
0x1ee: {  	v10 =	vld [tilespmem:s31+$0x58D0];
	[tilespmem:s29+$0x100D0] =	vst v3  }
0x1ef: {  	[tilespmem:s30+$0xFCC0] =	vst v4;
	v4 =	vld.idx.msk [tilespmem:v7+s19+$0x0], $0xffff  }
0x1f0: {  	[tilespmem:s31+$0xF8B0] =	vst v5;
	v5 =	vld.idx.msk [tilespmem:v9+s19+$0x0], $0xffff  }
0x1f1: {  	v7 =	vld.idx.msk [tilespmem:v11+s19+$0x0], $0xffff  }
0x1f2: {  	v63 =	vld [tilespmem:s29+$0x64A0]  }
0x1f3: {  	v9 =	vld [tilespmem:s29+$0x6480]  }
0x1f4: {  	v11 =	vld [tilespmem:s30+$0x5CF0];
	[tilespmem:s29+$0x100E0] =	vst v4  }
0x1f5: {  	[tilespmem:s30+$0xFCD0] =	vst v5;
	v5 =	vld.idx.msk [tilespmem:v6+s19+$0x0], $0xffff  }
0x1f6: {  	[tilespmem:s31+$0xF8C0] =	vst v7;
	v6 =	vld.idx.msk [tilespmem:v8+s19+$0x0], $0xffff  }
0x1f7: {  	v7 =	vld.idx.msk [tilespmem:v10+s19+$0x0], $0xffff  }
0x1f8: {  	v3 =	vld [tilespmem:s29+$0x64F0]  }
0x1f9: {  	v4 =	vld [tilespmem:s29+$0x64E0]  }
0x1fa: {  	v8 =	vld [tilespmem:s30+$0x6090];
	[tilespmem:s29+$0x100F0] =	vst v5  }
0x1fb: {  	[tilespmem:s30+$0xFCE0] =	vst v6;
	v6 =	vld.idx.msk [tilespmem:v9+s19+$0x0], $0xffff  }
0x1fc: {  	[tilespmem:s31+$0xF8D0] =	vst v7;
	v7 =	vld.idx.msk [tilespmem:v11+s19+$0x0], $0xffff  }
0x1fd: {  	v9 =	vld.idx.msk [tilespmem:v12+s19+$0x0], $0xffff  }
0x1fe: {  	v10 =	vld [tilespmem:s31+$0x5C80]  }
0x1ff: {  	v5 =	vld [tilespmem:s29+$0x64D0]  }
0x200: {  	v11 =	vld [tilespmem:s31+$0x5C90];
	[tilespmem:s29+$0x10480] =	vst v6  }
0x201: {  	[tilespmem:s30+$0xFCF0] =	vst v7;
	v7 =	vld.idx.msk [tilespmem:v13+s19+$0x0], $0xffff  }
0x202: {  	[tilespmem:s31+$0xF8E0] =	vst v9;
	v14 =	vld.idx.msk [tilespmem:v14+s19+$0x0], $0xffff  }
0x203: {  	s2 =	simm.s32 $0x180;
	s1 =	simm.s32 $0x600;
	v12 =	vld.idx.msk [tilespmem:v15+s19+$0x0], $0xffff  }
0x204: {  	s3 =	sand.u32 $0x380, s2;
	s0 =	sand.u32 $0x7000, s1;
	v6 =	vld [tilespmem:s29+$0x64B0]  }
0x205: {  	s0 =	sor.u32 s3, s0;
	v9 =	vld [tilespmem:s30+$0x60A0]  }
0x206: {  	v13 =	vld [tilespmem:s0+$0x5880];
	[tilespmem:s29+$0x10490] =	vst v7  }
0x207: {  	s1 =	simm.s32 $0x800;
	[tilespmem:s30+$0x10080] =	vst v14;
	v7 =	vld.idx.msk [tilespmem:v63+s19+$0x0], $0xffff  }
.LBB2_8:
0x208: {  	p0 =	sne.s32 s1, $0x4E00;
	[tilespmem:s31+$0xF8F0] =	vst v12;
	v8 =	vld.idx.msk [tilespmem:v8+s19+$0x0], $0xffff  }
0x209: {  	v10 =	vld.idx.msk [tilespmem:v10+s19+$0x0], $0xffff  }
0x20a: {  	v12 =	vld [tilespmem:s29+$0x64C0]  }
0x20b: {  	v14 =	vld [tilespmem:s30+$0x60B0]  }
0x20c: {  	v15 =	vld [tilespmem:s31+$0x5CA0]  }
0x20d: {  	v16 =	vld [tilespmem:s0+$0x5890];
	[tilespmem:s29+$0x104A0] =	vst v7  }
0x20e: {  	[tilespmem:s30+$0x10090] =	vst v8;
	v6 =	vld.idx.msk [tilespmem:v6+s19+$0x0], $0xffff  }
0x20f: {  	[tilespmem:s31+$0xFC80] =	vst v10;
	v7 =	vld.idx.msk [tilespmem:v9+s19+$0x0], $0xffff  }
0x210: {  	v8 =	vld.idx.msk [tilespmem:v11+s19+$0x0], $0xffff  }
0x211: {  	v9 =	vld.idx.msk [tilespmem:v13+s19+$0x0], $0xffff  }
0x212: {  	v10 =	vld [tilespmem:s30+$0x60C0]  }
0x213: {  	v11 =	vld [tilespmem:s31+$0x5CB0]  }
0x214: {  	v13 =	vld [tilespmem:s0+$0x58A0];
	[tilespmem:s29+$0x104B0] =	vst v6  }
0x215: {  	[tilespmem:s30+$0x100A0] =	vst v7;
	v6 =	vld.idx.msk [tilespmem:v12+s19+$0x0], $0xffff  }
0x216: {  	[tilespmem:s31+$0xFC90] =	vst v8;
	v7 =	vld.idx.msk [tilespmem:v14+s19+$0x0], $0xffff  }
0x217: {  	[tilespmem:s0+$0xF880] =	vst v9;
	v8 =	vld.idx.msk [tilespmem:v15+s19+$0x0], $0xffff  }
0x218: {  	v9 =	vld.idx.msk [tilespmem:v16+s19+$0x0], $0xffff  }
0x219: {  	v12 =	vld [tilespmem:s30+$0x60D0]  }
0x21a: {  	v14 =	vld [tilespmem:s31+$0x5CC0]  }
0x21b: {  	v15 =	vld [tilespmem:s0+$0x58B0];
	[tilespmem:s29+$0x104C0] =	vst v6  }
0x21c: {  	[tilespmem:s30+$0x100B0] =	vst v7;
	v5 =	vld.idx.msk [tilespmem:v5+s19+$0x0], $0xffff  }
0x21d: {  	[tilespmem:s31+$0xFCA0] =	vst v8;
	v6 =	vld.idx.msk [tilespmem:v10+s19+$0x0], $0xffff  }
0x21e: {  	[tilespmem:s0+$0xF890] =	vst v9;
	v7 =	vld.idx.msk [tilespmem:v11+s19+$0x0], $0xffff  }
0x21f: {  	v8 =	vld.idx.msk [tilespmem:v13+s19+$0x0], $0xffff  }
0x220: {  	v9 =	vld [tilespmem:s30+$0x60E0]  }
0x221: {  	v10 =	vld [tilespmem:s31+$0x5CD0]  }
0x222: {  	v11 =	vld [tilespmem:s0+$0x58C0];
	[tilespmem:s29+$0x104D0] =	vst v5  }
0x223: {  	[tilespmem:s30+$0x100C0] =	vst v6;
	v4 =	vld.idx.msk [tilespmem:v4+s19+$0x0], $0xffff  }
0x224: {  	[tilespmem:s31+$0xFCB0] =	vst v7;
	v5 =	vld.idx.msk [tilespmem:v12+s19+$0x0], $0xffff  }
0x225: {  	[tilespmem:s0+$0xF8A0] =	vst v8;
	v6 =	vld.idx.msk [tilespmem:v14+s19+$0x0], $0xffff  }
0x226: {  	v7 =	vld.idx.msk [tilespmem:v15+s19+$0x0], $0xffff  }
0x227: {  	v8 =	vld [tilespmem:s30+$0x60F0]  }
0x228: {  	v12 =	vld [tilespmem:s31+$0x5CE0]  }
0x229: {  	v13 =	vld [tilespmem:s0+$0x58D0];
	[tilespmem:s29+$0x104E0] =	vst v4  }
0x22a: {  	[tilespmem:s30+$0x100D0] =	vst v5;
	v4 =	vld.idx.msk [tilespmem:v3+s19+$0x0], $0xffff  }
0x22b: {  	[tilespmem:s31+$0xFCC0] =	vst v6;
	v5 =	vld.idx.msk [tilespmem:v9+s19+$0x0], $0xffff  }
0x22c: {  	[tilespmem:s0+$0xF8B0] =	vst v7;
	v6 =	vld.idx.msk [tilespmem:v10+s19+$0x0], $0xffff  }
0x22d: {  	v7 =	vld.idx.msk [tilespmem:v11+s19+$0x0], $0xffff  }
0x22e: {  	v3 =	vld [tilespmem:s30+$0x64F0]  }
0x22f: {  	v9 =	vld [tilespmem:s30+$0x6480]  }
0x230: {  	v10 =	vld [tilespmem:s31+$0x5CF0];
	[tilespmem:s29+$0x104F0] =	vst v4;
	s29 =	smov.u32 s30;
	s30 =	smov.u32 s31;
	s31 =	smov.u32 s0  }
0x231: {  	v11 =	vld [tilespmem:s31+$0x58E0];
	[tilespmem:s29+$0x100E0] =	vst v5  }
0x232: {  	[tilespmem:s30+$0xFCD0] =	vst v6;
	v5 =	vld.idx.msk [tilespmem:v8+s19+$0x0], $0xffff  }
0x233: {  	[tilespmem:s31+$0xF8C0] =	vst v7;
	v6 =	vld.idx.msk [tilespmem:v12+s19+$0x0], $0xffff  }
0x234: {  	v7 =	vld.idx.msk [tilespmem:v13+s19+$0x0], $0xffff  }
0x235: {  	v4 =	vld [tilespmem:s29+$0x64E0]  }
0x236: {  	v12 =	vld [tilespmem:s29+$0x6490]  }
0x237: {  	v13 =	vld [tilespmem:s30+$0x6080]  }
0x238: {  	v14 =	vld [tilespmem:s31+$0x58F0];
	[tilespmem:s29+$0x100F0] =	vst v5  }
0x239: {  	[tilespmem:s30+$0xFCE0] =	vst v6;
	v6 =	vld.idx.msk [tilespmem:v9+s19+$0x0], $0xffff  }
0x23a: {  	[tilespmem:s31+$0xF8D0] =	vst v7;
	v7 =	vld.idx.msk [tilespmem:v10+s19+$0x0], $0xffff  }
0x23b: {  	v9 =	vld.idx.msk [tilespmem:v11+s19+$0x0], $0xffff  }
0x23c: {  	v5 =	vld [tilespmem:s29+$0x64D0]  }
0x23d: {  	v15 =	vld [tilespmem:s29+$0x64A0]  }
0x23e: {  	v8 =	vld [tilespmem:s30+$0x6090]  }
0x23f: {  	v10 =	vld [tilespmem:s31+$0x5C80];
	[tilespmem:s29+$0x10480] =	vst v6  }
0x240: {  	[tilespmem:s30+$0xFCF0] =	vst v7;
	v7 =	vld.idx.msk [tilespmem:v12+s19+$0x0], $0xffff  }
0x241: {  	[tilespmem:s31+$0xF8E0] =	vst v9;
	v16 =	vld.idx.msk [tilespmem:v13+s19+$0x0], $0xffff  }
0x242: {  	v12 =	vld.idx.msk [tilespmem:v14+s19+$0x0], $0xffff  }
.Ltmp3:
0x243: {  	s2 =	sadd.s32 $0x80, s2;
	v6 =	vld [tilespmem:s29+$0x64B0];
	(pc) =	sbr.rel @p0 .LBB2_8-.Ltmp3, $4  }
0x244: {  	s3 =	sand.u32 $0x380, s2;
	s0 =	sand.u32 $0x7000, s1;
	v9 =	vld [tilespmem:s30+$0x60A0]  }
0x245: {  	s0 =	sor.u32 s3, s0;
	v11 =	vld [tilespmem:s31+$0x5C90]  }
0x246: {  	v13 =	vld [tilespmem:s0+$0x5880];
	[tilespmem:s29+$0x10490] =	vst v7  }
0x247: {  	s1 =	sadd.s32 $0x200, s1;
	[tilespmem:s30+$0x10080] =	vst v16;
	v7 =	vld.idx.msk [tilespmem:v15+s19+$0x0], $0xffff  }
0x248: {  	_ =	sdelay $0x4  }
0x249: {  	v14 =	vld [tilespmem:s0+$0x5890];
	_ =	sdelay $0x1  }
0x24a: {  	v13 =	vld.idx.msk [tilespmem:v13+s19+$0x0], $0xffff;
	_ =	sdelay $0x3  }
0x24b: {  	v15 =	vld [tilespmem:s0+$0x58A0]  }
0x24c: {  	[tilespmem:s0+$0xF880] =	vst v13  }
0x24d: {  	v13 =	vld.idx.msk [tilespmem:v14+s19+$0x0], $0xffff;
	_ =	sdelay $0x3  }
0x24e: {  	v14 =	vld [tilespmem:s0+$0x58B0]  }
0x24f: {  	[tilespmem:s0+$0xF890] =	vst v13  }
0x250: {  	v13 =	vld.idx.msk [tilespmem:v15+s19+$0x0], $0xffff;
	_ =	sdelay $0x3  }
0x251: {  	v15 =	vld [tilespmem:s0+$0x58C0]  }
0x252: {  	[tilespmem:s0+$0xF8A0] =	vst v13  }
0x253: {  	v13 =	vld.idx.msk [tilespmem:v14+s19+$0x0], $0xffff;
	_ =	sdelay $0x3  }
0x254: {  	v14 =	vld [tilespmem:s0+$0x58D0]  }
0x255: {  	[tilespmem:s0+$0xF8B0] =	vst v13  }
0x256: {  	v13 =	vld.idx.msk [tilespmem:v15+s19+$0x0], $0xffff;
	_ =	sdelay $0x3  }
0x257: {  	v15 =	vld [tilespmem:s0+$0x58E0]  }
0x258: {  	[tilespmem:s0+$0xF8C0] =	vst v13  }
0x259: {  	v13 =	vld.idx.msk [tilespmem:v14+s19+$0x0], $0xffff;
	_ =	sdelay $0x3  }
0x25a: {  	v14 =	vld [tilespmem:s0+$0x58F0]  }
0x25b: {  	[tilespmem:s0+$0xF8D0] =	vst v13  }
0x25c: {  	v13 =	vld.idx.msk [tilespmem:v15+s19+$0x0], $0xffff;
	_ =	sdelay $0x3  }
0x25d: {  	v15 =	vld [tilespmem:s0+$0x5C80]  }
0x25e: {  	[tilespmem:s0+$0xF8E0] =	vst v13  }
0x25f: {  	v13 =	vld.idx.msk [tilespmem:v14+s19+$0x0], $0xffff;
	_ =	sdelay $0x1  }
0x260: {  	[tilespmem:s31+$0xF8F0] =	vst v12  }
0x261: {  	v10 =	vld.idx.msk [tilespmem:v10+s19+$0x0], $0xffff  }
0x262: {  	v12 =	vld [tilespmem:s0+$0x5C90]  }
0x263: {  	[tilespmem:s0+$0xF8F0] =	vst v13  }
0x264: {  	v13 =	vld.idx.msk [tilespmem:v15+s19+$0x0], $0xffff;
	_ =	sdelay $0x1  }
0x265: {  	[tilespmem:s31+$0xFC80] =	vst v10;
	v14 =	vld [tilespmem:s31+$0x5CA0]  }
0x266: {  	v11 =	vld.idx.msk [tilespmem:v11+s19+$0x0], $0xffff  }
0x267: {  	v10 =	vld [tilespmem:s0+$0x5CA0]  }
0x268: {  	[tilespmem:s0+$0xFC80] =	vst v13  }
0x269: {  	v12 =	vld.idx.msk [tilespmem:v12+s19+$0x0], $0xffff;
	_ =	sdelay $0x1  }
0x26a: {  	[tilespmem:s31+$0xFC90] =	vst v11;
	v11 =	vld [tilespmem:s0+$0x5CB0]  }
0x26b: {  	v13 =	vld [tilespmem:s31+$0x5CB0]  }
0x26c: {  	v14 =	vld.idx.msk [tilespmem:v14+s19+$0x0], $0xffff  }
0x26d: {  	[tilespmem:s0+$0xFC90] =	vst v12  }
0x26e: {  	v10 =	vld.idx.msk [tilespmem:v10+s19+$0x0], $0xffff  }
0x26f: {  	v8 =	vld.idx.msk [tilespmem:v8+s19+$0x0], $0xffff  }
0x270: {  	v15 =	vld [tilespmem:s31+$0x5CC0]  }
0x271: {  	[tilespmem:s31+$0xFCA0] =	vst v14;
	v14 =	vld [tilespmem:s0+$0x5CC0]  }
0x272: {  	v12 =	vld [tilespmem:s30+$0x60B0]  }
0x273: {  	v13 =	vld.idx.msk [tilespmem:v13+s19+$0x0], $0xffff;
	[tilespmem:s0+$0xFCA0] =	vst v10  }
0x274: {  	[tilespmem:s30+$0x10090] =	vst v8;
	v8 =	vld.idx.msk [tilespmem:v11+s19+$0x0], $0xffff  }
0x275: {  	v9 =	vld.idx.msk [tilespmem:v9+s19+$0x0], $0xffff  }
0x276: {  	v10 =	vld [tilespmem:s30+$0x60C0]  }
0x277: {  	v11 =	vld [tilespmem:s31+$0x5CD0]  }
0x278: {  	[tilespmem:s31+$0xFCB0] =	vst v13;
	v13 =	vld [tilespmem:s0+$0x5CD0]  }
0x279: {  	v15 =	vld.idx.msk [tilespmem:v15+s19+$0x0], $0xffff;
	[tilespmem:s0+$0xFCB0] =	vst v8  }
0x27a: {  	[tilespmem:s30+$0x100A0] =	vst v9;
	v8 =	vld.idx.msk [tilespmem:v14+s19+$0x0], $0xffff  }
0x27b: {  	v9 =	vld.idx.msk [tilespmem:v12+s19+$0x0], $0xffff  }
0x27c: {  	v12 =	vld [tilespmem:s30+$0x60D0]  }
0x27d: {  	v14 =	vld [tilespmem:s31+$0x5CE0]  }
0x27e: {  	[tilespmem:s31+$0xFCC0] =	vst v15;
	v15 =	vld [tilespmem:s0+$0x5CE0]  }
0x27f: {  	v11 =	vld.idx.msk [tilespmem:v11+s19+$0x0], $0xffff;
	[tilespmem:s0+$0xFCC0] =	vst v8  }
0x280: {  	[tilespmem:s30+$0x100B0] =	vst v9;
	v8 =	vld.idx.msk [tilespmem:v13+s19+$0x0], $0xffff  }
0x281: {  	v9 =	vld.idx.msk [tilespmem:v10+s19+$0x0], $0xffff  }
0x282: {  	v10 =	vld [tilespmem:s30+$0x60E0]  }
0x283: {  	v13 =	vld [tilespmem:s31+$0x5CF0]  }
0x284: {  	[tilespmem:s31+$0xFCD0] =	vst v11;
	v11 =	vld [tilespmem:s0+$0x5CF0]  }
0x285: {  	v14 =	vld.idx.msk [tilespmem:v14+s19+$0x0], $0xffff;
	[tilespmem:s0+$0xFCD0] =	vst v8  }
0x286: {  	v8 =	vld.idx.msk [tilespmem:v15+s19+$0x0], $0xffff  }
0x287: {  	[tilespmem:s30+$0x100C0] =	vst v9  }
0x288: {  	v9 =	vld.idx.msk [tilespmem:v12+s19+$0x0], $0xffff  }
0x289: {  	v15 =	vld [tilespmem:s31+$0x6080]  }
0x28a: {  	[tilespmem:s31+$0xFCE0] =	vst v14;
	v14 =	vld [tilespmem:s0+$0x6080]  }
0x28b: {  	v13 =	vld.idx.msk [tilespmem:v13+s19+$0x0], $0xffff;
	[tilespmem:s0+$0xFCE0] =	vst v8  }
0x28c: {  	v8 =	vld.idx.msk [tilespmem:v11+s19+$0x0], $0xffff  }
0x28d: {  	v12 =	vld [tilespmem:s30+$0x60F0];
	[tilespmem:s30+$0x100D0] =	vst v9  }
0x28e: {  	v9 =	vld.idx.msk [tilespmem:v10+s19+$0x0], $0xffff  }
0x28f: {  	v10 =	vld [tilespmem:s31+$0x6090]  }
0x290: {  	v11 =	vld [tilespmem:s0+$0x6090];
	[tilespmem:s31+$0xFCF0] =	vst v13  }
0x291: {  	v13 =	vld.idx.msk [tilespmem:v15+s19+$0x0], $0xffff;
	[tilespmem:s0+$0xFCF0] =	vst v8  }
0x292: {  	v8 =	vld.idx.msk [tilespmem:v14+s19+$0x0], $0xffff;
	_ =	sdelay $0x2  }
0x293: {  	v16 =	vld [tilespmem:s31+$0x60A0]  }
0x294: {  	[tilespmem:s31+$0x10080] =	vst v13;
	v13 =	vld [tilespmem:s0+$0x60A0]  }
0x295: {  	v10 =	vld.idx.msk [tilespmem:v10+s19+$0x0], $0xffff;
	[tilespmem:s0+$0x10080] =	vst v8  }
0x296: {  	[tilespmem:s30+$0x100E0] =	vst v9;
	v8 =	vld.idx.msk [tilespmem:v11+s19+$0x0], $0xffff  }
0x297: {  	v9 =	vld.idx.msk [tilespmem:v12+s19+$0x0], $0xffff  }
0x298: {  	v15 =	vld [tilespmem:s30+$0x6480]  }
0x299: {  	v11 =	vld [tilespmem:s31+$0x60B0]  }
0x29a: {  	[tilespmem:s31+$0x10090] =	vst v10;
	v10 =	vld [tilespmem:s0+$0x60B0]  }
0x29b: {  	v12 =	vld.idx.msk [tilespmem:v16+s19+$0x0], $0xffff;
	[tilespmem:s0+$0x10090] =	vst v8  }
0x29c: {  	v8 =	vld.idx.msk [tilespmem:v13+s19+$0x0], $0xffff;
	_ =	sdelay $0x2  }
0x29d: {  	v17 =	vld [tilespmem:s31+$0x60C0]  }
0x29e: {  	[tilespmem:s31+$0x100A0] =	vst v12;
	v12 =	vld [tilespmem:s0+$0x60C0]  }
0x29f: {  	v11 =	vld.idx.msk [tilespmem:v11+s19+$0x0], $0xffff;
	[tilespmem:s0+$0x100A0] =	vst v8  }
0x2a0: {  	v8 =	vld.idx.msk [tilespmem:v10+s19+$0x0], $0xffff  }
0x2a1: {  	[tilespmem:s30+$0x100F0] =	vst v9  }
0x2a2: {  	v9 =	vld.idx.msk [tilespmem:v15+s19+$0x0], $0xffff  }
0x2a3: {  	v15 =	vld [tilespmem:s31+$0x60D0]  }
0x2a4: {  	[tilespmem:s31+$0x100B0] =	vst v11;
	v11 =	vld [tilespmem:s0+$0x60D0]  }
0x2a5: {  	v17 =	vld.idx.msk [tilespmem:v17+s19+$0x0], $0xffff;
	[tilespmem:s0+$0x100B0] =	vst v8  }
0x2a6: {  	v8 =	vld.idx.msk [tilespmem:v12+s19+$0x0], $0xffff;
	_ =	sdelay $0x2  }
0x2a7: {  	v19 =	vld [tilespmem:s31+$0x60E0]  }
0x2a8: {  	v52 =	vld [tilespmem:s0+$0x60E0];
	[tilespmem:s31+$0x100C0] =	vst v17  }
0x2a9: {  	v15 =	vld.idx.msk [tilespmem:v15+s19+$0x0], $0xffff;
	[tilespmem:s0+$0x100C0] =	vst v8  }
0x2aa: {  	v8 =	vld.idx.msk [tilespmem:v11+s19+$0x0], $0xffff  }
0x2ab: {  	v51 =	vld [tilespmem:s30+$0x6490]  }
0x2ac: {  	v18 =	vld [tilespmem:s30+$0x64A0]  }
0x2ad: {  	v53 =	vld [tilespmem:s31+$0x60F0]  }
0x2ae: {  	[tilespmem:s31+$0x100D0] =	vst v15;
	v15 =	vld [tilespmem:s0+$0x60F0]  }
0x2af: {  	v19 =	vld.idx.msk [tilespmem:v19+s19+$0x0], $0xffff;
	[tilespmem:s0+$0x100D0] =	vst v8  }
0x2b0: {  	v8 =	vld.idx.msk [tilespmem:v52+s19+$0x0], $0xffff  }
0x2b1: {  	v54 =	vld [tilespmem:s31+$0x64F0]  }
0x2b2: {  	v20 =	vld [tilespmem:s31+$0x6480]  }
0x2b3: {  	v55 =	vld [tilespmem:s0+$0x6480]  }
0x2b4: {  	v22 =	vld [tilespmem:s31+$0x6490];
	[tilespmem:s31+$0x100E0] =	vst v19  }
0x2b5: {  	v16 =	vld.idx.msk [tilespmem:v53+s19+$0x0], $0xffff;
	[tilespmem:s0+$0x100E0] =	vst v8  }
0x2b6: {  	v8 =	vld.idx.msk [tilespmem:v15+s19+$0x0], $0xffff  }
0x2b7: {  	v23 =	vld [tilespmem:s0+$0x64E0]  }
0x2b8: {  	v56 =	vld [tilespmem:s0+$0x6490]  }
0x2b9: {  	v57 =	vld [tilespmem:s31+$0x64D0]  }
0x2ba: {  	v24 =	vld [tilespmem:s31+$0x64A0];
	[tilespmem:s31+$0x100F0] =	vst v16  }
0x2bb: {  	v20 =	vld.idx.msk [tilespmem:v20+s19+$0x0], $0xffff;
	[tilespmem:s0+$0x100F0] =	vst v8  }
0x2bc: {  	v8 =	vld.idx.msk [tilespmem:v55+s19+$0x0], $0xffff  }
0x2bd: {  	v58 =	vld [tilespmem:s0+$0x64A0];
	[tilespmem:s30+$0x10480] =	vst v9  }
0x2be: {  	v9 =	vld.idx.msk [tilespmem:v51+s19+$0x0], $0xffff  }
0x2bf: {  	v59 =	vld [tilespmem:s30+$0x64C0]  }
0x2c0: {  	v11 =	vld [tilespmem:s30+$0x64B0];
	[tilespmem:s31+$0x10480] =	vst v20  }
0x2c1: {  	v22 =	vld.idx.msk [tilespmem:v22+s19+$0x0], $0xffff;
	[tilespmem:s0+$0x10480] =	vst v8  }
0x2c2: {  	v8 =	vld.idx.msk [tilespmem:v56+s19+$0x0], $0xffff  }
0x2c3: {  	v60 =	vld [tilespmem:s31+$0x64B0];
	[tilespmem:s30+$0x10490] =	vst v9  }
0x2c4: {  	v9 =	vld.idx.msk [tilespmem:v18+s19+$0x0], $0xffff  }
0x2c5: {  	v61 =	vld [tilespmem:s0+$0x64B0]  }
0x2c6: {  	v10 =	vld [tilespmem:s29+$0x64C0];
	[tilespmem:s31+$0x10490] =	vst v22  }
0x2c7: {  	[tilespmem:s0+$0x10490] =	vst v8;
	v8 =	vld.idx.msk [tilespmem:v24+s19+$0x0], $0xffff  }
0x2c8: {  	[tilespmem:s29+$0x104A0] =	vst v7;
	v7 =	vld.idx.msk [tilespmem:v58+s19+$0x0], $0xffff  }
0x2c9: {  	v6 =	vld.idx.msk [tilespmem:v6+s19+$0x0], $0xffff;
	[tilespmem:s30+$0x104A0] =	vst v9  }
0x2ca: {  	v9 =	vld.idx.msk [tilespmem:v11+s19+$0x0], $0xffff  }
0x2cb: {  	v11 =	vld [tilespmem:s31+$0x64C0]  }
0x2cc: {  	[tilespmem:s31+$0x104A0] =	vst v8;
	v8 =	vld [tilespmem:s0+$0x64C0]  }
0x2cd: {  	[tilespmem:s0+$0x104A0] =	vst v7;
	v7 =	vld.idx.msk [tilespmem:v60+s19+$0x0], $0xffff  }
0x2ce: {  	v62 =	vld.idx.msk [tilespmem:v61+s19+$0x0], $0xffff  }
0x2cf: {  	[tilespmem:s29+$0x104B0] =	vst v6;
	v12 =	vld [tilespmem:s30+$0x64D0]  }
0x2d0: {  	v6 =	vld.idx.msk [tilespmem:v10+s19+$0x0], $0xffff  }
0x2d1: {  	v25 =	vld [tilespmem:s0+$0x64D0];
	[tilespmem:s30+$0x104B0] =	vst v9  }
0x2d2: {  	[tilespmem:s31+$0x104B0] =	vst v7;
	v7 =	vld.idx.msk [tilespmem:v59+s19+$0x0], $0xffff  }
0x2d3: {  	[tilespmem:s0+$0x104B0] =	vst v62;
	v9 =	vld.idx.msk [tilespmem:v11+s19+$0x0], $0xffff  }
0x2d4: {  	v8 =	vld.idx.msk [tilespmem:v8+s19+$0x0], $0xffff  }
0x2d5: {  	v13 =	vld [tilespmem:s30+$0x64E0];
	[tilespmem:s29+$0x104C0] =	vst v6  }
0x2d6: {  	v5 =	vld.idx.msk [tilespmem:v5+s19+$0x0], $0xffff  }
0x2d7: {  	v15 =	vld [tilespmem:s31+$0x64E0];
	[tilespmem:s30+$0x104C0] =	vst v7  }
0x2d8: {  	v6 =	vld.idx.msk [tilespmem:v12+s19+$0x0], $0xffff;
	[tilespmem:s31+$0x104C0] =	vst v9  }
0x2d9: {  	v7 =	vld.idx.msk [tilespmem:v57+s19+$0x0], $0xffff;
	[tilespmem:s0+$0x104C0] =	vst v8  }
0x2da: {  	v8 =	vld.idx.msk [tilespmem:v25+s19+$0x0], $0xffff  }
0x2db: {  	v21 =	vld [tilespmem:s0+$0x64F0]  }
0x2dc: {  	v14 =	vld [tilespmem:s30+$0x64F0];
	[tilespmem:s29+$0x104D0] =	vst v5  }
0x2dd: {  	v4 =	vld.idx.msk [tilespmem:v4+s19+$0x0], $0xffff;
	[tilespmem:s30+$0x104D0] =	vst v6  }
0x2de: {  	v5 =	vld.idx.msk [tilespmem:v13+s19+$0x0], $0xffff;
	[tilespmem:s31+$0x104D0] =	vst v7  }
0x2df: {  	v6 =	vld.idx.msk [tilespmem:v15+s19+$0x0], $0xffff;
	[tilespmem:s0+$0x104D0] =	vst v8  }
0x2e0: {  	v7 =	vld.idx.msk [tilespmem:v23+s19+$0x0], $0xffff;
	_ =	sdelay $0x1  }
0x2e1: {  	[tilespmem:s29+$0x104E0] =	vst v4  }
0x2e2: {  	v3 =	vld.idx.msk [tilespmem:v3+s19+$0x0], $0xffff;
	[tilespmem:s30+$0x104E0] =	vst v5  }
0x2e3: {  	v4 =	vld.idx.msk [tilespmem:v14+s19+$0x0], $0xffff;
	[tilespmem:s31+$0x104E0] =	vst v6  }
0x2e4: {  	v5 =	vld.idx.msk [tilespmem:v54+s19+$0x0], $0xffff;
	[tilespmem:s0+$0x104E0] =	vst v7  }
0x2e5: {  	v6 =	vld.idx.msk [tilespmem:v21+s19+$0x0], $0xffff;
	_ =	sdelay $0x1  }
0x2e6: {  	[tilespmem:s29+$0x104F0] =	vst v3  }
0x2e7: {  	[tilespmem:s30+$0x104F0] =	vst v4  }
0x2e8: {  	[tilespmem:s31+$0x104F0] =	vst v5  }
0x2e9: {  	[tilespmem:s0+$0x104F0] =	vst v6  }
0x2ea: {  	[hbm4b:s8+s15] =	stream.strided.scatter [tilespmem:s24], [sflag:$0x4], $0x5000, s16, s15, $0x38;
	[tilespmem:$0x14880] =	vst v63  }
0x2eb: {  	_ = 	snop  }
0x2ec: {  	[tilespmem:s20], [sflag:$0x2] =	stream.strided.gather [hbm4b:s9+s15], $0x5000, s16, s15, $0x38;
	[tilespmem:$0x14880] =	vst v63  }
0x2ed: {  	_ =	swait.ge [sflag:s21], $0x5000  }
0x2ee: {  	[sflag:s21] =	ssyncset.done $0x0  }
0x2ef: {  	[sflag:s21] =	ssyncadd.s32 $0xFFFFB000  }
0x2f0: {  	s3 =	simm.s32 $0x0;
	_ =	swait.ge [sflag:s25], $0x5000  }
0x2f1: {  	s1 =	sand.u32 $0x7000, s3;
	s0 =	sand.u32 $0x380, s3;
	[sflag:s25] =	ssyncset.done $0x0  }
0x2f2: {  	s29 =	sor.u32 s0, s1;
	[sflag:s25] =	ssyncadd.s32 $0xFFFFB000  }
0x2f3: {  	v3 =	vld [tilespmem:s29+$0x880];
	_ =	sdelay $0x5  }
0x2f4: {  	v4 =	vld [tilespmem:s29+$0x890];
	_ =	sdelay $0x1  }
0x2f5: {  	v3 =	vld.idx.msk [tilespmem:v3+s19+$0x0], $0xffff;
	_ =	sdelay $0x3  }
0x2f6: {  	v5 =	vld [tilespmem:s29+$0x8A0]  }
0x2f7: {  	[tilespmem:s29+$0xA880] =	vst v3  }
0x2f8: {  	v3 =	vld.idx.msk [tilespmem:v4+s19+$0x0], $0xffff;
	_ =	sdelay $0x3  }
0x2f9: {  	v4 =	vld [tilespmem:s29+$0x8B0]  }
0x2fa: {  	[tilespmem:s29+$0xA890] =	vst v3  }
0x2fb: {  	v3 =	vld.idx.msk [tilespmem:v5+s19+$0x0], $0xffff;
	_ =	sdelay $0x3  }
0x2fc: {  	v5 =	vld [tilespmem:s29+$0x8C0]  }
0x2fd: {  	[tilespmem:s29+$0xA8A0] =	vst v3  }
0x2fe: {  	v3 =	vld.idx.msk [tilespmem:v4+s19+$0x0], $0xffff;
	_ =	sdelay $0x3  }
0x2ff: {  	v4 =	vld [tilespmem:s29+$0x8D0]  }
0x300: {  	[tilespmem:s29+$0xA8B0] =	vst v3  }
0x301: {  	v3 =	vld.idx.msk [tilespmem:v5+s19+$0x0], $0xffff;
	_ =	sdelay $0x3  }
0x302: {  	v5 =	vld [tilespmem:s29+$0x8E0]  }
0x303: {  	[tilespmem:s29+$0xA8C0] =	vst v3  }
0x304: {  	v3 =	vld.idx.msk [tilespmem:v4+s19+$0x0], $0xffff;
	_ =	sdelay $0x3  }
0x305: {  	v4 =	vld [tilespmem:s29+$0x8F0]  }
0x306: {  	[tilespmem:s29+$0xA8D0] =	vst v3  }
0x307: {  	v3 =	vld.idx.msk [tilespmem:v5+s19+$0x0], $0xffff;
	_ =	sdelay $0x3  }
0x308: {  	v5 =	vld [tilespmem:s29+$0xC80]  }
0x309: {  	[tilespmem:s29+$0xA8E0] =	vst v3  }
0x30a: {  	v3 =	vld.idx.msk [tilespmem:v4+s19+$0x0], $0xffff;
	_ =	sdelay $0x1  }
0x30b: {  	s2 =	simm.s32 $0x200;
	s3 =	simm.s32 $0x80  }
0x30c: {  	s0 =	sand.u32 $0x7000, s2;
	s1 =	sand.u32 $0x380, s3  }
0x30d: {  	s30 =	sor.u32 s1, s0;
	v4 =	vld [tilespmem:s29+$0xC90]  }
0x30e: {  	v6 =	vld [tilespmem:s30+$0x880];
	[tilespmem:s29+$0xA8F0] =	vst v3  }
0x30f: {  	v3 =	vld.idx.msk [tilespmem:v5+s19+$0x0], $0xffff;
	_ =	sdelay $0x3  }
0x310: {  	v5 =	vld [tilespmem:s29+$0xCA0]  }
0x311: {  	v7 =	vld [tilespmem:s30+$0x890];
	[tilespmem:s29+$0xAC80] =	vst v3  }
0x312: {  	v3 =	vld.idx.msk [tilespmem:v4+s19+$0x0], $0xffff  }
0x313: {  	v4 =	vld.idx.msk [tilespmem:v6+s19+$0x0], $0xffff;
	_ =	sdelay $0x2  }
0x314: {  	v6 =	vld [tilespmem:s29+$0xCB0]  }
0x315: {  	v8 =	vld [tilespmem:s30+$0x8A0];
	[tilespmem:s29+$0xAC90] =	vst v3  }
0x316: {  	[tilespmem:s30+$0xA880] =	vst v4;
	v3 =	vld.idx.msk [tilespmem:v5+s19+$0x0], $0xffff  }
0x317: {  	v4 =	vld.idx.msk [tilespmem:v7+s19+$0x0], $0xffff;
	_ =	sdelay $0x2  }
0x318: {  	v5 =	vld [tilespmem:s29+$0xCC0]  }
0x319: {  	v7 =	vld [tilespmem:s30+$0x8B0];
	[tilespmem:s29+$0xACA0] =	vst v3  }
0x31a: {  	[tilespmem:s30+$0xA890] =	vst v4;
	v3 =	vld.idx.msk [tilespmem:v6+s19+$0x0], $0xffff  }
0x31b: {  	v4 =	vld.idx.msk [tilespmem:v8+s19+$0x0], $0xffff;
	_ =	sdelay $0x2  }
0x31c: {  	v6 =	vld [tilespmem:s29+$0xCD0]  }
0x31d: {  	v8 =	vld [tilespmem:s30+$0x8C0];
	[tilespmem:s29+$0xACB0] =	vst v3  }
0x31e: {  	[tilespmem:s30+$0xA8A0] =	vst v4;
	v3 =	vld.idx.msk [tilespmem:v5+s19+$0x0], $0xffff  }
0x31f: {  	v4 =	vld.idx.msk [tilespmem:v7+s19+$0x0], $0xffff;
	_ =	sdelay $0x2  }
0x320: {  	v5 =	vld [tilespmem:s29+$0xCE0]  }
0x321: {  	v7 =	vld [tilespmem:s30+$0x8D0];
	[tilespmem:s29+$0xACC0] =	vst v3  }
0x322: {  	[tilespmem:s30+$0xA8B0] =	vst v4;
	v3 =	vld.idx.msk [tilespmem:v6+s19+$0x0], $0xffff  }
0x323: {  	v4 =	vld.idx.msk [tilespmem:v8+s19+$0x0], $0xffff;
	_ =	sdelay $0x2  }
0x324: {  	v6 =	vld [tilespmem:s29+$0xCF0]  }
0x325: {  	v8 =	vld [tilespmem:s30+$0x8E0];
	[tilespmem:s29+$0xACD0] =	vst v3  }
0x326: {  	[tilespmem:s30+$0xA8C0] =	vst v4;
	v3 =	vld.idx.msk [tilespmem:v5+s19+$0x0], $0xffff  }
0x327: {  	v4 =	vld.idx.msk [tilespmem:v7+s19+$0x0], $0xffff;
	_ =	sdelay $0x2  }
0x328: {  	v5 =	vld [tilespmem:s29+$0x1080]  }
0x329: {  	s2 =	simm.s32 $0x400;
	s3 =	simm.s32 $0x100;
	v7 =	vld [tilespmem:s30+$0x8F0];
	[tilespmem:s29+$0xACE0] =	vst v3  }
0x32a: {  	s0 =	sand.u32 $0x7000, s2;
	s1 =	sand.u32 $0x380, s3;
	[tilespmem:s30+$0xA8D0] =	vst v4;
	v3 =	vld.idx.msk [tilespmem:v6+s19+$0x0], $0xffff  }
0x32b: {  	s31 =	sor.u32 s1, s0;
	v4 =	vld.idx.msk [tilespmem:v8+s19+$0x0], $0xffff  }
0x32c: {  	v9 =	vld [tilespmem:s31+$0x880]  }
0x32d: {  	v10 =	vld [tilespmem:s31+$0x890]  }
0x32e: {  	v6 =	vld [tilespmem:s29+$0x1090]  }
0x32f: {  	v8 =	vld [tilespmem:s30+$0xC80];
	[tilespmem:s29+$0xACF0] =	vst v3  }
0x330: {  	[tilespmem:s30+$0xA8E0] =	vst v4;
	v3 =	vld.idx.msk [tilespmem:v5+s19+$0x0], $0xffff  }
0x331: {  	v4 =	vld.idx.msk [tilespmem:v7+s19+$0x0], $0xffff  }
0x332: {  	v11 =	vld [tilespmem:s31+$0x8A0]  }
0x333: {  	v12 =	vld [tilespmem:s31+$0x8E0]  }
0x334: {  	v5 =	vld [tilespmem:s29+$0x10A0]  }
0x335: {  	v7 =	vld [tilespmem:s30+$0xC90];
	[tilespmem:s29+$0xB080] =	vst v3  }
0x336: {  	[tilespmem:s30+$0xA8F0] =	vst v4;
	v3 =	vld.idx.msk [tilespmem:v6+s19+$0x0], $0xffff  }
0x337: {  	v4 =	vld.idx.msk [tilespmem:v8+s19+$0x0], $0xffff  }
0x338: {  	v13 =	vld [tilespmem:s29+$0x1490]  }
0x339: {  	v14 =	vld [tilespmem:s30+$0x1080]  }
0x33a: {  	v6 =	vld [tilespmem:s29+$0x10B0]  }
0x33b: {  	v8 =	vld [tilespmem:s30+$0xCA0];
	[tilespmem:s29+$0xB090] =	vst v3  }
0x33c: {  	[tilespmem:s30+$0xAC80] =	vst v4;
	v3 =	vld.idx.msk [tilespmem:v5+s19+$0x0], $0xffff  }
0x33d: {  	v4 =	vld.idx.msk [tilespmem:v7+s19+$0x0], $0xffff  }
0x33e: {  	v5 =	vld.idx.msk [tilespmem:v9+s19+$0x0], $0xffff  }
0x33f: {  	v15 =	vld [tilespmem:s31+$0x8F0]  }
0x340: {  	v7 =	vld [tilespmem:s29+$0x10C0]  }
0x341: {  	v9 =	vld [tilespmem:s30+$0xCB0];
	[tilespmem:s29+$0xB0A0] =	vst v3  }
0x342: {  	[tilespmem:s30+$0xAC90] =	vst v4;
	v3 =	vld.idx.msk [tilespmem:v6+s19+$0x0], $0xffff  }
0x343: {  	[tilespmem:s31+$0xA880] =	vst v5;
	v4 =	vld.idx.msk [tilespmem:v8+s19+$0x0], $0xffff  }
0x344: {  	v5 =	vld.idx.msk [tilespmem:v10+s19+$0x0], $0xffff  }
0x345: {  	v6 =	vld [tilespmem:s29+$0x10D0]  }
0x346: {  	v8 =	vld [tilespmem:s30+$0xCC0]  }
0x347: {  	v10 =	vld [tilespmem:s31+$0x8B0];
	[tilespmem:s29+$0xB0B0] =	vst v3  }
0x348: {  	[tilespmem:s30+$0xACA0] =	vst v4;
	v3 =	vld.idx.msk [tilespmem:v7+s19+$0x0], $0xffff  }
0x349: {  	[tilespmem:s31+$0xA890] =	vst v5;
	v4 =	vld.idx.msk [tilespmem:v9+s19+$0x0], $0xffff  }
0x34a: {  	v5 =	vld.idx.msk [tilespmem:v11+s19+$0x0], $0xffff  }
0x34b: {  	v7 =	vld [tilespmem:s29+$0x10E0]  }
0x34c: {  	v9 =	vld [tilespmem:s30+$0xCD0]  }
0x34d: {  	v11 =	vld [tilespmem:s31+$0x8C0];
	[tilespmem:s29+$0xB0C0] =	vst v3  }
0x34e: {  	[tilespmem:s30+$0xACB0] =	vst v4;
	v3 =	vld.idx.msk [tilespmem:v6+s19+$0x0], $0xffff  }
0x34f: {  	[tilespmem:s31+$0xA8A0] =	vst v5;
	v4 =	vld.idx.msk [tilespmem:v8+s19+$0x0], $0xffff  }
0x350: {  	v5 =	vld.idx.msk [tilespmem:v10+s19+$0x0], $0xffff  }
0x351: {  	v6 =	vld [tilespmem:s29+$0x10F0]  }
0x352: {  	v8 =	vld [tilespmem:s30+$0xCE0]  }
0x353: {  	v10 =	vld [tilespmem:s31+$0x8D0];
	[tilespmem:s29+$0xB0D0] =	vst v3  }
0x354: {  	[tilespmem:s30+$0xACC0] =	vst v4;
	v4 =	vld.idx.msk [tilespmem:v7+s19+$0x0], $0xffff  }
0x355: {  	[tilespmem:s31+$0xA8B0] =	vst v5;
	v5 =	vld.idx.msk [tilespmem:v9+s19+$0x0], $0xffff  }
0x356: {  	v7 =	vld.idx.msk [tilespmem:v11+s19+$0x0], $0xffff  }
0x357: {  	v63 =	vld [tilespmem:s29+$0x14A0]  }
0x358: {  	v9 =	vld [tilespmem:s29+$0x1480]  }
0x359: {  	v11 =	vld [tilespmem:s30+$0xCF0];
	[tilespmem:s29+$0xB0E0] =	vst v4  }
0x35a: {  	[tilespmem:s30+$0xACD0] =	vst v5;
	v5 =	vld.idx.msk [tilespmem:v6+s19+$0x0], $0xffff  }
0x35b: {  	[tilespmem:s31+$0xA8C0] =	vst v7;
	v6 =	vld.idx.msk [tilespmem:v8+s19+$0x0], $0xffff  }
0x35c: {  	v7 =	vld.idx.msk [tilespmem:v10+s19+$0x0], $0xffff  }
0x35d: {  	v3 =	vld [tilespmem:s29+$0x14F0]  }
0x35e: {  	v4 =	vld [tilespmem:s29+$0x14E0]  }
0x35f: {  	v8 =	vld [tilespmem:s30+$0x1090];
	[tilespmem:s29+$0xB0F0] =	vst v5  }
0x360: {  	[tilespmem:s30+$0xACE0] =	vst v6;
	v6 =	vld.idx.msk [tilespmem:v9+s19+$0x0], $0xffff  }
0x361: {  	[tilespmem:s31+$0xA8D0] =	vst v7;
	v7 =	vld.idx.msk [tilespmem:v11+s19+$0x0], $0xffff  }
0x362: {  	v9 =	vld.idx.msk [tilespmem:v12+s19+$0x0], $0xffff  }
0x363: {  	v10 =	vld [tilespmem:s31+$0xC80]  }
0x364: {  	v5 =	vld [tilespmem:s29+$0x14D0]  }
0x365: {  	v11 =	vld [tilespmem:s31+$0xC90];
	[tilespmem:s29+$0xB480] =	vst v6  }
0x366: {  	[tilespmem:s30+$0xACF0] =	vst v7;
	v7 =	vld.idx.msk [tilespmem:v13+s19+$0x0], $0xffff  }
0x367: {  	[tilespmem:s31+$0xA8E0] =	vst v9;
	v14 =	vld.idx.msk [tilespmem:v14+s19+$0x0], $0xffff  }
0x368: {  	s2 =	simm.s32 $0x180;
	s1 =	simm.s32 $0x600;
	v12 =	vld.idx.msk [tilespmem:v15+s19+$0x0], $0xffff  }
0x369: {  	s3 =	sand.u32 $0x380, s2;
	s0 =	sand.u32 $0x7000, s1;
	v6 =	vld [tilespmem:s29+$0x14B0]  }
0x36a: {  	s0 =	sor.u32 s3, s0;
	v9 =	vld [tilespmem:s30+$0x10A0]  }
0x36b: {  	v13 =	vld [tilespmem:s0+$0x880];
	[tilespmem:s29+$0xB490] =	vst v7  }
0x36c: {  	s1 =	simm.s32 $0x800;
	[tilespmem:s30+$0xB080] =	vst v14;
	v7 =	vld.idx.msk [tilespmem:v63+s19+$0x0], $0xffff  }
.LBB2_10:
0x36d: {  	p0 =	sne.s32 s1, $0x4E00;
	[tilespmem:s31+$0xA8F0] =	vst v12;
	v8 =	vld.idx.msk [tilespmem:v8+s19+$0x0], $0xffff  }
0x36e: {  	v10 =	vld.idx.msk [tilespmem:v10+s19+$0x0], $0xffff  }
0x36f: {  	v12 =	vld [tilespmem:s29+$0x14C0]  }
0x370: {  	v14 =	vld [tilespmem:s30+$0x10B0]  }
0x371: {  	v15 =	vld [tilespmem:s31+$0xCA0]  }
0x372: {  	v16 =	vld [tilespmem:s0+$0x890];
	[tilespmem:s29+$0xB4A0] =	vst v7  }
0x373: {  	[tilespmem:s30+$0xB090] =	vst v8;
	v6 =	vld.idx.msk [tilespmem:v6+s19+$0x0], $0xffff  }
0x374: {  	[tilespmem:s31+$0xAC80] =	vst v10;
	v7 =	vld.idx.msk [tilespmem:v9+s19+$0x0], $0xffff  }
0x375: {  	v8 =	vld.idx.msk [tilespmem:v11+s19+$0x0], $0xffff  }
0x376: {  	v9 =	vld.idx.msk [tilespmem:v13+s19+$0x0], $0xffff  }
0x377: {  	v10 =	vld [tilespmem:s30+$0x10C0]  }
0x378: {  	v11 =	vld [tilespmem:s31+$0xCB0]  }
0x379: {  	v13 =	vld [tilespmem:s0+$0x8A0];
	[tilespmem:s29+$0xB4B0] =	vst v6  }
0x37a: {  	[tilespmem:s30+$0xB0A0] =	vst v7;
	v6 =	vld.idx.msk [tilespmem:v12+s19+$0x0], $0xffff  }
0x37b: {  	[tilespmem:s31+$0xAC90] =	vst v8;
	v7 =	vld.idx.msk [tilespmem:v14+s19+$0x0], $0xffff  }
0x37c: {  	[tilespmem:s0+$0xA880] =	vst v9;
	v8 =	vld.idx.msk [tilespmem:v15+s19+$0x0], $0xffff  }
0x37d: {  	v9 =	vld.idx.msk [tilespmem:v16+s19+$0x0], $0xffff  }
0x37e: {  	v12 =	vld [tilespmem:s30+$0x10D0]  }
0x37f: {  	v14 =	vld [tilespmem:s31+$0xCC0]  }
0x380: {  	v15 =	vld [tilespmem:s0+$0x8B0];
	[tilespmem:s29+$0xB4C0] =	vst v6  }
0x381: {  	[tilespmem:s30+$0xB0B0] =	vst v7;
	v5 =	vld.idx.msk [tilespmem:v5+s19+$0x0], $0xffff  }
0x382: {  	[tilespmem:s31+$0xACA0] =	vst v8;
	v6 =	vld.idx.msk [tilespmem:v10+s19+$0x0], $0xffff  }
0x383: {  	[tilespmem:s0+$0xA890] =	vst v9;
	v7 =	vld.idx.msk [tilespmem:v11+s19+$0x0], $0xffff  }
0x384: {  	v8 =	vld.idx.msk [tilespmem:v13+s19+$0x0], $0xffff  }
0x385: {  	v9 =	vld [tilespmem:s30+$0x10E0]  }
0x386: {  	v10 =	vld [tilespmem:s31+$0xCD0]  }
0x387: {  	v11 =	vld [tilespmem:s0+$0x8C0];
	[tilespmem:s29+$0xB4D0] =	vst v5  }
0x388: {  	[tilespmem:s30+$0xB0C0] =	vst v6;
	v4 =	vld.idx.msk [tilespmem:v4+s19+$0x0], $0xffff  }
0x389: {  	[tilespmem:s31+$0xACB0] =	vst v7;
	v5 =	vld.idx.msk [tilespmem:v12+s19+$0x0], $0xffff  }
0x38a: {  	[tilespmem:s0+$0xA8A0] =	vst v8;
	v6 =	vld.idx.msk [tilespmem:v14+s19+$0x0], $0xffff  }
0x38b: {  	v7 =	vld.idx.msk [tilespmem:v15+s19+$0x0], $0xffff  }
0x38c: {  	v8 =	vld [tilespmem:s30+$0x10F0]  }
0x38d: {  	v12 =	vld [tilespmem:s31+$0xCE0]  }
0x38e: {  	v13 =	vld [tilespmem:s0+$0x8D0];
	[tilespmem:s29+$0xB4E0] =	vst v4  }
0x38f: {  	[tilespmem:s30+$0xB0D0] =	vst v5;
	v4 =	vld.idx.msk [tilespmem:v3+s19+$0x0], $0xffff  }
0x390: {  	[tilespmem:s31+$0xACC0] =	vst v6;
	v5 =	vld.idx.msk [tilespmem:v9+s19+$0x0], $0xffff  }
0x391: {  	[tilespmem:s0+$0xA8B0] =	vst v7;
	v6 =	vld.idx.msk [tilespmem:v10+s19+$0x0], $0xffff  }
0x392: {  	v7 =	vld.idx.msk [tilespmem:v11+s19+$0x0], $0xffff  }
0x393: {  	v3 =	vld [tilespmem:s30+$0x14F0]  }
0x394: {  	v9 =	vld [tilespmem:s30+$0x1480]  }
0x395: {  	v10 =	vld [tilespmem:s31+$0xCF0];
	[tilespmem:s29+$0xB4F0] =	vst v4;
	s29 =	smov.u32 s30;
	s30 =	smov.u32 s31;
	s31 =	smov.u32 s0  }
0x396: {  	v11 =	vld [tilespmem:s31+$0x8E0];
	[tilespmem:s29+$0xB0E0] =	vst v5  }
0x397: {  	[tilespmem:s30+$0xACD0] =	vst v6;
	v5 =	vld.idx.msk [tilespmem:v8+s19+$0x0], $0xffff  }
0x398: {  	[tilespmem:s31+$0xA8C0] =	vst v7;
	v6 =	vld.idx.msk [tilespmem:v12+s19+$0x0], $0xffff  }
0x399: {  	v7 =	vld.idx.msk [tilespmem:v13+s19+$0x0], $0xffff  }
0x39a: {  	v4 =	vld [tilespmem:s29+$0x14E0]  }
0x39b: {  	v12 =	vld [tilespmem:s29+$0x1490]  }
0x39c: {  	v13 =	vld [tilespmem:s30+$0x1080]  }
0x39d: {  	v14 =	vld [tilespmem:s31+$0x8F0];
	[tilespmem:s29+$0xB0F0] =	vst v5  }
0x39e: {  	[tilespmem:s30+$0xACE0] =	vst v6;
	v6 =	vld.idx.msk [tilespmem:v9+s19+$0x0], $0xffff  }
0x39f: {  	[tilespmem:s31+$0xA8D0] =	vst v7;
	v7 =	vld.idx.msk [tilespmem:v10+s19+$0x0], $0xffff  }
0x3a0: {  	v9 =	vld.idx.msk [tilespmem:v11+s19+$0x0], $0xffff  }
0x3a1: {  	v5 =	vld [tilespmem:s29+$0x14D0]  }
0x3a2: {  	v15 =	vld [tilespmem:s29+$0x14A0]  }
0x3a3: {  	v8 =	vld [tilespmem:s30+$0x1090]  }
0x3a4: {  	v10 =	vld [tilespmem:s31+$0xC80];
	[tilespmem:s29+$0xB480] =	vst v6  }
0x3a5: {  	[tilespmem:s30+$0xACF0] =	vst v7;
	v7 =	vld.idx.msk [tilespmem:v12+s19+$0x0], $0xffff  }
0x3a6: {  	[tilespmem:s31+$0xA8E0] =	vst v9;
	v16 =	vld.idx.msk [tilespmem:v13+s19+$0x0], $0xffff  }
0x3a7: {  	v12 =	vld.idx.msk [tilespmem:v14+s19+$0x0], $0xffff  }
.Ltmp4:
0x3a8: {  	s2 =	sadd.s32 $0x80, s2;
	v6 =	vld [tilespmem:s29+$0x14B0];
	(pc) =	sbr.rel @p0 .LBB2_10-.Ltmp4, $4  }
0x3a9: {  	s3 =	sand.u32 $0x380, s2;
	s0 =	sand.u32 $0x7000, s1;
	v9 =	vld [tilespmem:s30+$0x10A0]  }
0x3aa: {  	s0 =	sor.u32 s3, s0;
	v11 =	vld [tilespmem:s31+$0xC90]  }
0x3ab: {  	v13 =	vld [tilespmem:s0+$0x880];
	[tilespmem:s29+$0xB490] =	vst v7  }
0x3ac: {  	s1 =	sadd.s32 $0x200, s1;
	[tilespmem:s30+$0xB080] =	vst v16;
	v7 =	vld.idx.msk [tilespmem:v15+s19+$0x0], $0xffff  }
0x3ad: {  	_ =	sdelay $0x4  }
0x3ae: {  	v14 =	vld [tilespmem:s0+$0x890];
	_ =	sdelay $0x1  }
0x3af: {  	v13 =	vld.idx.msk [tilespmem:v13+s19+$0x0], $0xffff;
	_ =	sdelay $0x3  }
0x3b0: {  	v15 =	vld [tilespmem:s0+$0x8A0]  }
0x3b1: {  	[tilespmem:s0+$0xA880] =	vst v13  }
0x3b2: {  	v13 =	vld.idx.msk [tilespmem:v14+s19+$0x0], $0xffff;
	_ =	sdelay $0x3  }
0x3b3: {  	v14 =	vld [tilespmem:s0+$0x8B0]  }
0x3b4: {  	[tilespmem:s0+$0xA890] =	vst v13  }
0x3b5: {  	v13 =	vld.idx.msk [tilespmem:v15+s19+$0x0], $0xffff;
	_ =	sdelay $0x3  }
0x3b6: {  	v15 =	vld [tilespmem:s0+$0x8C0]  }
0x3b7: {  	[tilespmem:s0+$0xA8A0] =	vst v13  }
0x3b8: {  	v13 =	vld.idx.msk [tilespmem:v14+s19+$0x0], $0xffff;
	_ =	sdelay $0x3  }
0x3b9: {  	v14 =	vld [tilespmem:s0+$0x8D0]  }
0x3ba: {  	[tilespmem:s0+$0xA8B0] =	vst v13  }
0x3bb: {  	v13 =	vld.idx.msk [tilespmem:v15+s19+$0x0], $0xffff;
	_ =	sdelay $0x3  }
0x3bc: {  	v15 =	vld [tilespmem:s0+$0x8E0]  }
0x3bd: {  	[tilespmem:s0+$0xA8C0] =	vst v13  }
0x3be: {  	v13 =	vld.idx.msk [tilespmem:v14+s19+$0x0], $0xffff;
	_ =	sdelay $0x3  }
0x3bf: {  	v14 =	vld [tilespmem:s0+$0x8F0]  }
0x3c0: {  	[tilespmem:s0+$0xA8D0] =	vst v13  }
0x3c1: {  	v13 =	vld.idx.msk [tilespmem:v15+s19+$0x0], $0xffff;
	_ =	sdelay $0x3  }
0x3c2: {  	v15 =	vld [tilespmem:s0+$0xC80]  }
0x3c3: {  	[tilespmem:s0+$0xA8E0] =	vst v13  }
0x3c4: {  	v13 =	vld.idx.msk [tilespmem:v14+s19+$0x0], $0xffff;
	_ =	sdelay $0x1  }
0x3c5: {  	[tilespmem:s31+$0xA8F0] =	vst v12  }
0x3c6: {  	v10 =	vld.idx.msk [tilespmem:v10+s19+$0x0], $0xffff  }
0x3c7: {  	v12 =	vld [tilespmem:s0+$0xC90]  }
0x3c8: {  	[tilespmem:s0+$0xA8F0] =	vst v13  }
0x3c9: {  	v13 =	vld.idx.msk [tilespmem:v15+s19+$0x0], $0xffff;
	_ =	sdelay $0x1  }
0x3ca: {  	[tilespmem:s31+$0xAC80] =	vst v10;
	v14 =	vld [tilespmem:s31+$0xCA0]  }
0x3cb: {  	v11 =	vld.idx.msk [tilespmem:v11+s19+$0x0], $0xffff  }
0x3cc: {  	v10 =	vld [tilespmem:s0+$0xCA0]  }
0x3cd: {  	[tilespmem:s0+$0xAC80] =	vst v13  }
0x3ce: {  	v12 =	vld.idx.msk [tilespmem:v12+s19+$0x0], $0xffff;
	_ =	sdelay $0x1  }
0x3cf: {  	[tilespmem:s31+$0xAC90] =	vst v11;
	v11 =	vld [tilespmem:s0+$0xCB0]  }
0x3d0: {  	v13 =	vld [tilespmem:s31+$0xCB0]  }
0x3d1: {  	v14 =	vld.idx.msk [tilespmem:v14+s19+$0x0], $0xffff  }
0x3d2: {  	[tilespmem:s0+$0xAC90] =	vst v12  }
0x3d3: {  	v10 =	vld.idx.msk [tilespmem:v10+s19+$0x0], $0xffff  }
0x3d4: {  	v8 =	vld.idx.msk [tilespmem:v8+s19+$0x0], $0xffff  }
0x3d5: {  	v15 =	vld [tilespmem:s31+$0xCC0]  }
0x3d6: {  	[tilespmem:s31+$0xACA0] =	vst v14;
	v14 =	vld [tilespmem:s0+$0xCC0]  }
0x3d7: {  	v12 =	vld [tilespmem:s30+$0x10B0]  }
0x3d8: {  	v13 =	vld.idx.msk [tilespmem:v13+s19+$0x0], $0xffff;
	[tilespmem:s0+$0xACA0] =	vst v10  }
0x3d9: {  	[tilespmem:s30+$0xB090] =	vst v8;
	v8 =	vld.idx.msk [tilespmem:v11+s19+$0x0], $0xffff  }
0x3da: {  	v9 =	vld.idx.msk [tilespmem:v9+s19+$0x0], $0xffff  }
0x3db: {  	v10 =	vld [tilespmem:s30+$0x10C0]  }
0x3dc: {  	v11 =	vld [tilespmem:s31+$0xCD0]  }
0x3dd: {  	[tilespmem:s31+$0xACB0] =	vst v13;
	v13 =	vld [tilespmem:s0+$0xCD0]  }
0x3de: {  	v15 =	vld.idx.msk [tilespmem:v15+s19+$0x0], $0xffff;
	[tilespmem:s0+$0xACB0] =	vst v8  }
0x3df: {  	[tilespmem:s30+$0xB0A0] =	vst v9;
	v8 =	vld.idx.msk [tilespmem:v14+s19+$0x0], $0xffff  }
0x3e0: {  	v9 =	vld.idx.msk [tilespmem:v12+s19+$0x0], $0xffff  }
0x3e1: {  	v12 =	vld [tilespmem:s30+$0x10D0]  }
0x3e2: {  	v14 =	vld [tilespmem:s31+$0xCE0]  }
0x3e3: {  	[tilespmem:s31+$0xACC0] =	vst v15;
	v15 =	vld [tilespmem:s0+$0xCE0]  }
0x3e4: {  	v11 =	vld.idx.msk [tilespmem:v11+s19+$0x0], $0xffff;
	[tilespmem:s0+$0xACC0] =	vst v8  }
0x3e5: {  	[tilespmem:s30+$0xB0B0] =	vst v9;
	v8 =	vld.idx.msk [tilespmem:v13+s19+$0x0], $0xffff  }
0x3e6: {  	v9 =	vld.idx.msk [tilespmem:v10+s19+$0x0], $0xffff  }
0x3e7: {  	v10 =	vld [tilespmem:s30+$0x10E0]  }
0x3e8: {  	v13 =	vld [tilespmem:s31+$0xCF0]  }
0x3e9: {  	[tilespmem:s31+$0xACD0] =	vst v11;
	v11 =	vld [tilespmem:s0+$0xCF0]  }
0x3ea: {  	v14 =	vld.idx.msk [tilespmem:v14+s19+$0x0], $0xffff;
	[tilespmem:s0+$0xACD0] =	vst v8  }
0x3eb: {  	v8 =	vld.idx.msk [tilespmem:v15+s19+$0x0], $0xffff  }
0x3ec: {  	[tilespmem:s30+$0xB0C0] =	vst v9  }
0x3ed: {  	v9 =	vld.idx.msk [tilespmem:v12+s19+$0x0], $0xffff  }
0x3ee: {  	v15 =	vld [tilespmem:s31+$0x1080]  }
0x3ef: {  	[tilespmem:s31+$0xACE0] =	vst v14;
	v14 =	vld [tilespmem:s0+$0x1080]  }
0x3f0: {  	v13 =	vld.idx.msk [tilespmem:v13+s19+$0x0], $0xffff;
	[tilespmem:s0+$0xACE0] =	vst v8  }
0x3f1: {  	v8 =	vld.idx.msk [tilespmem:v11+s19+$0x0], $0xffff  }
0x3f2: {  	v12 =	vld [tilespmem:s30+$0x10F0];
	[tilespmem:s30+$0xB0D0] =	vst v9  }
0x3f3: {  	v9 =	vld.idx.msk [tilespmem:v10+s19+$0x0], $0xffff  }
0x3f4: {  	v10 =	vld [tilespmem:s31+$0x1090]  }
0x3f5: {  	v11 =	vld [tilespmem:s0+$0x1090];
	[tilespmem:s31+$0xACF0] =	vst v13  }
0x3f6: {  	v13 =	vld.idx.msk [tilespmem:v15+s19+$0x0], $0xffff;
	[tilespmem:s0+$0xACF0] =	vst v8  }
0x3f7: {  	v8 =	vld.idx.msk [tilespmem:v14+s19+$0x0], $0xffff;
	_ =	sdelay $0x2  }
0x3f8: {  	v16 =	vld [tilespmem:s31+$0x10A0]  }
0x3f9: {  	[tilespmem:s31+$0xB080] =	vst v13;
	v13 =	vld [tilespmem:s0+$0x10A0]  }
0x3fa: {  	v10 =	vld.idx.msk [tilespmem:v10+s19+$0x0], $0xffff;
	[tilespmem:s0+$0xB080] =	vst v8  }
0x3fb: {  	[tilespmem:s30+$0xB0E0] =	vst v9;
	v8 =	vld.idx.msk [tilespmem:v11+s19+$0x0], $0xffff  }
0x3fc: {  	v9 =	vld.idx.msk [tilespmem:v12+s19+$0x0], $0xffff  }
0x3fd: {  	v15 =	vld [tilespmem:s30+$0x1480]  }
0x3fe: {  	v11 =	vld [tilespmem:s31+$0x10B0]  }
0x3ff: {  	[tilespmem:s31+$0xB090] =	vst v10;
	v10 =	vld [tilespmem:s0+$0x10B0]  }
0x400: {  	v12 =	vld.idx.msk [tilespmem:v16+s19+$0x0], $0xffff;
	[tilespmem:s0+$0xB090] =	vst v8  }
0x401: {  	v8 =	vld.idx.msk [tilespmem:v13+s19+$0x0], $0xffff;
	_ =	sdelay $0x2  }
0x402: {  	v17 =	vld [tilespmem:s31+$0x10C0]  }
0x403: {  	[tilespmem:s31+$0xB0A0] =	vst v12;
	v12 =	vld [tilespmem:s0+$0x10C0]  }
0x404: {  	v11 =	vld.idx.msk [tilespmem:v11+s19+$0x0], $0xffff;
	[tilespmem:s0+$0xB0A0] =	vst v8  }
0x405: {  	v8 =	vld.idx.msk [tilespmem:v10+s19+$0x0], $0xffff  }
0x406: {  	[tilespmem:s30+$0xB0F0] =	vst v9  }
0x407: {  	v9 =	vld.idx.msk [tilespmem:v15+s19+$0x0], $0xffff  }
0x408: {  	v15 =	vld [tilespmem:s31+$0x10D0]  }
0x409: {  	[tilespmem:s31+$0xB0B0] =	vst v11;
	v11 =	vld [tilespmem:s0+$0x10D0]  }
0x40a: {  	v17 =	vld.idx.msk [tilespmem:v17+s19+$0x0], $0xffff;
	[tilespmem:s0+$0xB0B0] =	vst v8  }
0x40b: {  	v8 =	vld.idx.msk [tilespmem:v12+s19+$0x0], $0xffff;
	_ =	sdelay $0x2  }
0x40c: {  	v19 =	vld [tilespmem:s31+$0x10E0]  }
0x40d: {  	v52 =	vld [tilespmem:s0+$0x10E0];
	[tilespmem:s31+$0xB0C0] =	vst v17  }
0x40e: {  	v15 =	vld.idx.msk [tilespmem:v15+s19+$0x0], $0xffff;
	[tilespmem:s0+$0xB0C0] =	vst v8  }
0x40f: {  	v8 =	vld.idx.msk [tilespmem:v11+s19+$0x0], $0xffff  }
0x410: {  	v51 =	vld [tilespmem:s30+$0x1490]  }
0x411: {  	v18 =	vld [tilespmem:s30+$0x14A0]  }
0x412: {  	v53 =	vld [tilespmem:s31+$0x10F0]  }
0x413: {  	[tilespmem:s31+$0xB0D0] =	vst v15;
	v15 =	vld [tilespmem:s0+$0x10F0]  }
0x414: {  	v19 =	vld.idx.msk [tilespmem:v19+s19+$0x0], $0xffff;
	[tilespmem:s0+$0xB0D0] =	vst v8  }
0x415: {  	v8 =	vld.idx.msk [tilespmem:v52+s19+$0x0], $0xffff  }
0x416: {  	v54 =	vld [tilespmem:s31+$0x14F0]  }
0x417: {  	v20 =	vld [tilespmem:s31+$0x1480]  }
0x418: {  	v55 =	vld [tilespmem:s0+$0x1480]  }
0x419: {  	v22 =	vld [tilespmem:s31+$0x1490];
	[tilespmem:s31+$0xB0E0] =	vst v19  }
0x41a: {  	v16 =	vld.idx.msk [tilespmem:v53+s19+$0x0], $0xffff;
	[tilespmem:s0+$0xB0E0] =	vst v8  }
0x41b: {  	v8 =	vld.idx.msk [tilespmem:v15+s19+$0x0], $0xffff  }
0x41c: {  	v23 =	vld [tilespmem:s0+$0x14E0]  }
0x41d: {  	v56 =	vld [tilespmem:s0+$0x1490]  }
0x41e: {  	v57 =	vld [tilespmem:s31+$0x14D0]  }
0x41f: {  	v24 =	vld [tilespmem:s31+$0x14A0];
	[tilespmem:s31+$0xB0F0] =	vst v16  }
0x420: {  	v20 =	vld.idx.msk [tilespmem:v20+s19+$0x0], $0xffff;
	[tilespmem:s0+$0xB0F0] =	vst v8  }
0x421: {  	v8 =	vld.idx.msk [tilespmem:v55+s19+$0x0], $0xffff  }
0x422: {  	v58 =	vld [tilespmem:s0+$0x14A0];
	[tilespmem:s30+$0xB480] =	vst v9  }
0x423: {  	v9 =	vld.idx.msk [tilespmem:v51+s19+$0x0], $0xffff  }
0x424: {  	v59 =	vld [tilespmem:s30+$0x14C0]  }
0x425: {  	v11 =	vld [tilespmem:s30+$0x14B0];
	[tilespmem:s31+$0xB480] =	vst v20  }
0x426: {  	v22 =	vld.idx.msk [tilespmem:v22+s19+$0x0], $0xffff;
	[tilespmem:s0+$0xB480] =	vst v8  }
0x427: {  	v8 =	vld.idx.msk [tilespmem:v56+s19+$0x0], $0xffff  }
0x428: {  	v60 =	vld [tilespmem:s31+$0x14B0];
	[tilespmem:s30+$0xB490] =	vst v9  }
0x429: {  	v9 =	vld.idx.msk [tilespmem:v18+s19+$0x0], $0xffff  }
0x42a: {  	v61 =	vld [tilespmem:s0+$0x14B0]  }
0x42b: {  	v10 =	vld [tilespmem:s29+$0x14C0];
	[tilespmem:s31+$0xB490] =	vst v22  }
0x42c: {  	[tilespmem:s0+$0xB490] =	vst v8;
	v8 =	vld.idx.msk [tilespmem:v24+s19+$0x0], $0xffff  }
0x42d: {  	[tilespmem:s29+$0xB4A0] =	vst v7;
	v7 =	vld.idx.msk [tilespmem:v58+s19+$0x0], $0xffff  }
0x42e: {  	v6 =	vld.idx.msk [tilespmem:v6+s19+$0x0], $0xffff;
	[tilespmem:s30+$0xB4A0] =	vst v9  }
0x42f: {  	v9 =	vld.idx.msk [tilespmem:v11+s19+$0x0], $0xffff  }
0x430: {  	v11 =	vld [tilespmem:s31+$0x14C0]  }
0x431: {  	[tilespmem:s31+$0xB4A0] =	vst v8;
	v8 =	vld [tilespmem:s0+$0x14C0]  }
0x432: {  	[tilespmem:s0+$0xB4A0] =	vst v7;
	v7 =	vld.idx.msk [tilespmem:v60+s19+$0x0], $0xffff  }
0x433: {  	v62 =	vld.idx.msk [tilespmem:v61+s19+$0x0], $0xffff  }
0x434: {  	[tilespmem:s29+$0xB4B0] =	vst v6;
	v12 =	vld [tilespmem:s30+$0x14D0]  }
0x435: {  	v6 =	vld.idx.msk [tilespmem:v10+s19+$0x0], $0xffff  }
0x436: {  	v25 =	vld [tilespmem:s0+$0x14D0];
	[tilespmem:s30+$0xB4B0] =	vst v9  }
0x437: {  	[tilespmem:s31+$0xB4B0] =	vst v7;
	v7 =	vld.idx.msk [tilespmem:v59+s19+$0x0], $0xffff  }
0x438: {  	[tilespmem:s0+$0xB4B0] =	vst v62;
	v9 =	vld.idx.msk [tilespmem:v11+s19+$0x0], $0xffff  }
0x439: {  	v8 =	vld.idx.msk [tilespmem:v8+s19+$0x0], $0xffff  }
0x43a: {  	v13 =	vld [tilespmem:s30+$0x14E0];
	[tilespmem:s29+$0xB4C0] =	vst v6  }
0x43b: {  	v5 =	vld.idx.msk [tilespmem:v5+s19+$0x0], $0xffff  }
0x43c: {  	v15 =	vld [tilespmem:s31+$0x14E0];
	[tilespmem:s30+$0xB4C0] =	vst v7  }
0x43d: {  	v6 =	vld.idx.msk [tilespmem:v12+s19+$0x0], $0xffff;
	[tilespmem:s31+$0xB4C0] =	vst v9  }
0x43e: {  	v7 =	vld.idx.msk [tilespmem:v57+s19+$0x0], $0xffff;
	[tilespmem:s0+$0xB4C0] =	vst v8  }
0x43f: {  	v8 =	vld.idx.msk [tilespmem:v25+s19+$0x0], $0xffff  }
0x440: {  	v21 =	vld [tilespmem:s0+$0x14F0]  }
0x441: {  	v14 =	vld [tilespmem:s30+$0x14F0];
	[tilespmem:s29+$0xB4D0] =	vst v5  }
0x442: {  	v4 =	vld.idx.msk [tilespmem:v4+s19+$0x0], $0xffff;
	[tilespmem:s30+$0xB4D0] =	vst v6  }
0x443: {  	v5 =	vld.idx.msk [tilespmem:v13+s19+$0x0], $0xffff;
	[tilespmem:s31+$0xB4D0] =	vst v7  }
0x444: {  	v6 =	vld.idx.msk [tilespmem:v15+s19+$0x0], $0xffff;
	[tilespmem:s0+$0xB4D0] =	vst v8  }
0x445: {  	v7 =	vld.idx.msk [tilespmem:v23+s19+$0x0], $0xffff;
	_ =	sdelay $0x1  }
0x446: {  	[tilespmem:s29+$0xB4E0] =	vst v4  }
0x447: {  	v3 =	vld.idx.msk [tilespmem:v3+s19+$0x0], $0xffff;
	[tilespmem:s30+$0xB4E0] =	vst v5  }
0x448: {  	v4 =	vld.idx.msk [tilespmem:v14+s19+$0x0], $0xffff;
	[tilespmem:s31+$0xB4E0] =	vst v6  }
0x449: {  	v5 =	vld.idx.msk [tilespmem:v54+s19+$0x0], $0xffff;
	[tilespmem:s0+$0xB4E0] =	vst v7  }
0x44a: {  	v6 =	vld.idx.msk [tilespmem:v21+s19+$0x0], $0xffff;
	_ =	sdelay $0x1  }
0x44b: {  	[tilespmem:s29+$0xB4F0] =	vst v3  }
0x44c: {  	[tilespmem:s30+$0xB4F0] =	vst v4  }
0x44d: {  	[tilespmem:s31+$0xB4F0] =	vst v5  }
0x44e: {  	[tilespmem:s0+$0xB4F0] =	vst v6  }
0x44f: {  	[hbm4b:s10+s15] =	stream.strided.scatter [tilespmem:s22], [sflag:$0x3], $0x5000, s16, s15, $0x38;
	[tilespmem:$0x14880] =	vst v63  }
0x450: {  	_ = 	snop  }
0x451: {  	[tilespmem:s17], [sflag:$0x1] =	stream.strided.gather [hbm4b:s11+s15], $0x5000, s16, s15, $0x38;
	[tilespmem:$0x14880] =	vst v63  }
0x452: {  	_ =	swait.ge [sflag:s23], $0x5000  }
0x453: {  	[sflag:s23] =	ssyncset.done $0x0  }
0x454: {  	[sflag:s23] =	ssyncadd.s32 $0xFFFFB000  }
0x455: {  	s3 =	simm.s32 $0x0;
	_ =	swait.ge [sflag:s26], $0x5000  }
0x456: {  	s1 =	sand.u32 $0x7000, s3;
	s0 =	sand.u32 $0x380, s3;
	[sflag:s26] =	ssyncset.done $0x0  }
0x457: {  	s29 =	sor.u32 s0, s1;
	[sflag:s26] =	ssyncadd.s32 $0xFFFFB000  }
0x458: {  	v3 =	vld [tilespmem:s29+$0x5880];
	_ =	sdelay $0x5  }
0x459: {  	v4 =	vld [tilespmem:s29+$0x5890];
	_ =	sdelay $0x1  }
0x45a: {  	v3 =	vld.idx.msk [tilespmem:v3+s19+$0x0], $0xffff;
	_ =	sdelay $0x3  }
0x45b: {  	v5 =	vld [tilespmem:s29+$0x58A0]  }
0x45c: {  	[tilespmem:s29+$0xF880] =	vst v3  }
0x45d: {  	v3 =	vld.idx.msk [tilespmem:v4+s19+$0x0], $0xffff;
	_ =	sdelay $0x3  }
0x45e: {  	v4 =	vld [tilespmem:s29+$0x58B0]  }
0x45f: {  	[tilespmem:s29+$0xF890] =	vst v3  }
0x460: {  	v3 =	vld.idx.msk [tilespmem:v5+s19+$0x0], $0xffff;
	_ =	sdelay $0x3  }
0x461: {  	v5 =	vld [tilespmem:s29+$0x58C0]  }
0x462: {  	[tilespmem:s29+$0xF8A0] =	vst v3  }
0x463: {  	v3 =	vld.idx.msk [tilespmem:v4+s19+$0x0], $0xffff;
	_ =	sdelay $0x3  }
0x464: {  	v4 =	vld [tilespmem:s29+$0x58D0]  }
0x465: {  	[tilespmem:s29+$0xF8B0] =	vst v3  }
0x466: {  	v3 =	vld.idx.msk [tilespmem:v5+s19+$0x0], $0xffff;
	_ =	sdelay $0x3  }
0x467: {  	v5 =	vld [tilespmem:s29+$0x58E0]  }
0x468: {  	[tilespmem:s29+$0xF8C0] =	vst v3  }
0x469: {  	v3 =	vld.idx.msk [tilespmem:v4+s19+$0x0], $0xffff;
	_ =	sdelay $0x3  }
0x46a: {  	v4 =	vld [tilespmem:s29+$0x58F0]  }
0x46b: {  	[tilespmem:s29+$0xF8D0] =	vst v3  }
0x46c: {  	v3 =	vld.idx.msk [tilespmem:v5+s19+$0x0], $0xffff;
	_ =	sdelay $0x3  }
0x46d: {  	v5 =	vld [tilespmem:s29+$0x5C80]  }
0x46e: {  	[tilespmem:s29+$0xF8E0] =	vst v3  }
0x46f: {  	v3 =	vld.idx.msk [tilespmem:v4+s19+$0x0], $0xffff;
	_ =	sdelay $0x1  }
0x470: {  	s2 =	simm.s32 $0x200;
	s3 =	simm.s32 $0x80  }
0x471: {  	s0 =	sand.u32 $0x7000, s2;
	s1 =	sand.u32 $0x380, s3  }
0x472: {  	s30 =	sor.u32 s1, s0;
	v4 =	vld [tilespmem:s29+$0x5C90]  }
0x473: {  	v6 =	vld [tilespmem:s30+$0x5880];
	[tilespmem:s29+$0xF8F0] =	vst v3  }
0x474: {  	v3 =	vld.idx.msk [tilespmem:v5+s19+$0x0], $0xffff;
	_ =	sdelay $0x3  }
0x475: {  	v5 =	vld [tilespmem:s29+$0x5CA0]  }
0x476: {  	v7 =	vld [tilespmem:s30+$0x5890];
	[tilespmem:s29+$0xFC80] =	vst v3  }
0x477: {  	v3 =	vld.idx.msk [tilespmem:v4+s19+$0x0], $0xffff  }
0x478: {  	v4 =	vld.idx.msk [tilespmem:v6+s19+$0x0], $0xffff;
	_ =	sdelay $0x2  }
0x479: {  	v6 =	vld [tilespmem:s29+$0x5CB0]  }
0x47a: {  	v8 =	vld [tilespmem:s30+$0x58A0];
	[tilespmem:s29+$0xFC90] =	vst v3  }
0x47b: {  	[tilespmem:s30+$0xF880] =	vst v4;
	v3 =	vld.idx.msk [tilespmem:v5+s19+$0x0], $0xffff  }
0x47c: {  	v4 =	vld.idx.msk [tilespmem:v7+s19+$0x0], $0xffff;
	_ =	sdelay $0x2  }
0x47d: {  	v5 =	vld [tilespmem:s29+$0x5CC0]  }
0x47e: {  	v7 =	vld [tilespmem:s30+$0x58B0];
	[tilespmem:s29+$0xFCA0] =	vst v3  }
0x47f: {  	[tilespmem:s30+$0xF890] =	vst v4;
	v3 =	vld.idx.msk [tilespmem:v6+s19+$0x0], $0xffff  }
0x480: {  	v4 =	vld.idx.msk [tilespmem:v8+s19+$0x0], $0xffff;
	_ =	sdelay $0x2  }
0x481: {  	v6 =	vld [tilespmem:s29+$0x5CD0]  }
0x482: {  	v8 =	vld [tilespmem:s30+$0x58C0];
	[tilespmem:s29+$0xFCB0] =	vst v3  }
0x483: {  	[tilespmem:s30+$0xF8A0] =	vst v4;
	v3 =	vld.idx.msk [tilespmem:v5+s19+$0x0], $0xffff  }
0x484: {  	v4 =	vld.idx.msk [tilespmem:v7+s19+$0x0], $0xffff;
	_ =	sdelay $0x2  }
0x485: {  	v5 =	vld [tilespmem:s29+$0x5CE0]  }
0x486: {  	v7 =	vld [tilespmem:s30+$0x58D0];
	[tilespmem:s29+$0xFCC0] =	vst v3  }
0x487: {  	[tilespmem:s30+$0xF8B0] =	vst v4;
	v3 =	vld.idx.msk [tilespmem:v6+s19+$0x0], $0xffff  }
0x488: {  	v4 =	vld.idx.msk [tilespmem:v8+s19+$0x0], $0xffff;
	_ =	sdelay $0x2  }
0x489: {  	v6 =	vld [tilespmem:s29+$0x5CF0]  }
0x48a: {  	v8 =	vld [tilespmem:s30+$0x58E0];
	[tilespmem:s29+$0xFCD0] =	vst v3  }
0x48b: {  	[tilespmem:s30+$0xF8C0] =	vst v4;
	v3 =	vld.idx.msk [tilespmem:v5+s19+$0x0], $0xffff  }
0x48c: {  	v4 =	vld.idx.msk [tilespmem:v7+s19+$0x0], $0xffff;
	_ =	sdelay $0x2  }
0x48d: {  	v5 =	vld [tilespmem:s29+$0x6080]  }
0x48e: {  	s2 =	simm.s32 $0x400;
	s3 =	simm.s32 $0x100;
	v7 =	vld [tilespmem:s30+$0x58F0];
	[tilespmem:s29+$0xFCE0] =	vst v3  }
0x48f: {  	s0 =	sand.u32 $0x7000, s2;
	s1 =	sand.u32 $0x380, s3;
	[tilespmem:s30+$0xF8D0] =	vst v4;
	v3 =	vld.idx.msk [tilespmem:v6+s19+$0x0], $0xffff  }
0x490: {  	s31 =	sor.u32 s1, s0;
	v4 =	vld.idx.msk [tilespmem:v8+s19+$0x0], $0xffff  }
0x491: {  	v9 =	vld [tilespmem:s31+$0x5880]  }
0x492: {  	v10 =	vld [tilespmem:s31+$0x5890]  }
0x493: {  	v6 =	vld [tilespmem:s29+$0x6090]  }
0x494: {  	v8 =	vld [tilespmem:s30+$0x5C80];
	[tilespmem:s29+$0xFCF0] =	vst v3  }
0x495: {  	[tilespmem:s30+$0xF8E0] =	vst v4;
	v3 =	vld.idx.msk [tilespmem:v5+s19+$0x0], $0xffff  }
0x496: {  	v4 =	vld.idx.msk [tilespmem:v7+s19+$0x0], $0xffff  }
0x497: {  	v11 =	vld [tilespmem:s31+$0x58A0]  }
0x498: {  	v12 =	vld [tilespmem:s31+$0x58E0]  }
0x499: {  	v5 =	vld [tilespmem:s29+$0x60A0]  }
0x49a: {  	v7 =	vld [tilespmem:s30+$0x5C90];
	[tilespmem:s29+$0x10080] =	vst v3  }
0x49b: {  	[tilespmem:s30+$0xF8F0] =	vst v4;
	v3 =	vld.idx.msk [tilespmem:v6+s19+$0x0], $0xffff  }
0x49c: {  	v4 =	vld.idx.msk [tilespmem:v8+s19+$0x0], $0xffff  }
0x49d: {  	v13 =	vld [tilespmem:s29+$0x6490]  }
0x49e: {  	v14 =	vld [tilespmem:s30+$0x6080]  }
0x49f: {  	v6 =	vld [tilespmem:s29+$0x60B0]  }
0x4a0: {  	v8 =	vld [tilespmem:s30+$0x5CA0];
	[tilespmem:s29+$0x10090] =	vst v3  }
0x4a1: {  	[tilespmem:s30+$0xFC80] =	vst v4;
	v3 =	vld.idx.msk [tilespmem:v5+s19+$0x0], $0xffff  }
0x4a2: {  	v4 =	vld.idx.msk [tilespmem:v7+s19+$0x0], $0xffff  }
0x4a3: {  	v5 =	vld.idx.msk [tilespmem:v9+s19+$0x0], $0xffff  }
0x4a4: {  	v15 =	vld [tilespmem:s31+$0x58F0]  }
0x4a5: {  	v7 =	vld [tilespmem:s29+$0x60C0]  }
0x4a6: {  	v9 =	vld [tilespmem:s30+$0x5CB0];
	[tilespmem:s29+$0x100A0] =	vst v3  }
0x4a7: {  	[tilespmem:s30+$0xFC90] =	vst v4;
	v3 =	vld.idx.msk [tilespmem:v6+s19+$0x0], $0xffff  }
0x4a8: {  	[tilespmem:s31+$0xF880] =	vst v5;
	v4 =	vld.idx.msk [tilespmem:v8+s19+$0x0], $0xffff  }
0x4a9: {  	v5 =	vld.idx.msk [tilespmem:v10+s19+$0x0], $0xffff  }
0x4aa: {  	v6 =	vld [tilespmem:s29+$0x60D0]  }
0x4ab: {  	v8 =	vld [tilespmem:s30+$0x5CC0]  }
0x4ac: {  	v10 =	vld [tilespmem:s31+$0x58B0];
	[tilespmem:s29+$0x100B0] =	vst v3  }
0x4ad: {  	[tilespmem:s30+$0xFCA0] =	vst v4;
	v3 =	vld.idx.msk [tilespmem:v7+s19+$0x0], $0xffff  }
0x4ae: {  	[tilespmem:s31+$0xF890] =	vst v5;
	v4 =	vld.idx.msk [tilespmem:v9+s19+$0x0], $0xffff  }
0x4af: {  	v5 =	vld.idx.msk [tilespmem:v11+s19+$0x0], $0xffff  }
0x4b0: {  	v7 =	vld [tilespmem:s29+$0x60E0]  }
0x4b1: {  	v9 =	vld [tilespmem:s30+$0x5CD0]  }
0x4b2: {  	v11 =	vld [tilespmem:s31+$0x58C0];
	[tilespmem:s29+$0x100C0] =	vst v3  }
0x4b3: {  	[tilespmem:s30+$0xFCB0] =	vst v4;
	v3 =	vld.idx.msk [tilespmem:v6+s19+$0x0], $0xffff  }
0x4b4: {  	[tilespmem:s31+$0xF8A0] =	vst v5;
	v4 =	vld.idx.msk [tilespmem:v8+s19+$0x0], $0xffff  }
0x4b5: {  	v5 =	vld.idx.msk [tilespmem:v10+s19+$0x0], $0xffff  }
0x4b6: {  	v6 =	vld [tilespmem:s29+$0x60F0]  }
0x4b7: {  	v8 =	vld [tilespmem:s30+$0x5CE0]  }
0x4b8: {  	v10 =	vld [tilespmem:s31+$0x58D0];
	[tilespmem:s29+$0x100D0] =	vst v3  }
0x4b9: {  	[tilespmem:s30+$0xFCC0] =	vst v4;
	v4 =	vld.idx.msk [tilespmem:v7+s19+$0x0], $0xffff  }
0x4ba: {  	[tilespmem:s31+$0xF8B0] =	vst v5;
	v5 =	vld.idx.msk [tilespmem:v9+s19+$0x0], $0xffff  }
0x4bb: {  	v7 =	vld.idx.msk [tilespmem:v11+s19+$0x0], $0xffff  }
0x4bc: {  	v63 =	vld [tilespmem:s29+$0x64A0]  }
0x4bd: {  	v9 =	vld [tilespmem:s29+$0x6480]  }
0x4be: {  	v11 =	vld [tilespmem:s30+$0x5CF0];
	[tilespmem:s29+$0x100E0] =	vst v4  }
0x4bf: {  	[tilespmem:s30+$0xFCD0] =	vst v5;
	v5 =	vld.idx.msk [tilespmem:v6+s19+$0x0], $0xffff  }
0x4c0: {  	[tilespmem:s31+$0xF8C0] =	vst v7;
	v6 =	vld.idx.msk [tilespmem:v8+s19+$0x0], $0xffff  }
0x4c1: {  	v7 =	vld.idx.msk [tilespmem:v10+s19+$0x0], $0xffff  }
0x4c2: {  	v3 =	vld [tilespmem:s29+$0x64F0]  }
0x4c3: {  	v4 =	vld [tilespmem:s29+$0x64E0]  }
0x4c4: {  	v8 =	vld [tilespmem:s30+$0x6090];
	[tilespmem:s29+$0x100F0] =	vst v5  }
0x4c5: {  	[tilespmem:s30+$0xFCE0] =	vst v6;
	v6 =	vld.idx.msk [tilespmem:v9+s19+$0x0], $0xffff  }
0x4c6: {  	[tilespmem:s31+$0xF8D0] =	vst v7;
	v7 =	vld.idx.msk [tilespmem:v11+s19+$0x0], $0xffff  }
0x4c7: {  	v9 =	vld.idx.msk [tilespmem:v12+s19+$0x0], $0xffff  }
0x4c8: {  	v10 =	vld [tilespmem:s31+$0x5C80]  }
0x4c9: {  	v5 =	vld [tilespmem:s29+$0x64D0]  }
0x4ca: {  	v11 =	vld [tilespmem:s31+$0x5C90];
	[tilespmem:s29+$0x10480] =	vst v6  }
0x4cb: {  	[tilespmem:s30+$0xFCF0] =	vst v7;
	v7 =	vld.idx.msk [tilespmem:v13+s19+$0x0], $0xffff  }
0x4cc: {  	[tilespmem:s31+$0xF8E0] =	vst v9;
	v14 =	vld.idx.msk [tilespmem:v14+s19+$0x0], $0xffff  }
0x4cd: {  	s2 =	simm.s32 $0x180;
	s1 =	simm.s32 $0x600;
	v12 =	vld.idx.msk [tilespmem:v15+s19+$0x0], $0xffff  }
0x4ce: {  	s3 =	sand.u32 $0x380, s2;
	s0 =	sand.u32 $0x7000, s1;
	v6 =	vld [tilespmem:s29+$0x64B0]  }
0x4cf: {  	s0 =	sor.u32 s3, s0;
	v9 =	vld [tilespmem:s30+$0x60A0]  }
0x4d0: {  	v13 =	vld [tilespmem:s0+$0x5880];
	[tilespmem:s29+$0x10490] =	vst v7  }
0x4d1: {  	s1 =	simm.s32 $0x800;
	[tilespmem:s30+$0x10080] =	vst v14;
	v7 =	vld.idx.msk [tilespmem:v63+s19+$0x0], $0xffff  }
.LBB2_12:
0x4d2: {  	p0 =	sne.s32 s1, $0x4E00;
	[tilespmem:s31+$0xF8F0] =	vst v12;
	v8 =	vld.idx.msk [tilespmem:v8+s19+$0x0], $0xffff  }
0x4d3: {  	v10 =	vld.idx.msk [tilespmem:v10+s19+$0x0], $0xffff  }
0x4d4: {  	v12 =	vld [tilespmem:s29+$0x64C0]  }
0x4d5: {  	v14 =	vld [tilespmem:s30+$0x60B0]  }
0x4d6: {  	v15 =	vld [tilespmem:s31+$0x5CA0]  }
0x4d7: {  	v16 =	vld [tilespmem:s0+$0x5890];
	[tilespmem:s29+$0x104A0] =	vst v7  }
0x4d8: {  	[tilespmem:s30+$0x10090] =	vst v8;
	v6 =	vld.idx.msk [tilespmem:v6+s19+$0x0], $0xffff  }
0x4d9: {  	[tilespmem:s31+$0xFC80] =	vst v10;
	v7 =	vld.idx.msk [tilespmem:v9+s19+$0x0], $0xffff  }
0x4da: {  	v8 =	vld.idx.msk [tilespmem:v11+s19+$0x0], $0xffff  }
0x4db: {  	v9 =	vld.idx.msk [tilespmem:v13+s19+$0x0], $0xffff  }
0x4dc: {  	v10 =	vld [tilespmem:s30+$0x60C0]  }
0x4dd: {  	v11 =	vld [tilespmem:s31+$0x5CB0]  }
0x4de: {  	v13 =	vld [tilespmem:s0+$0x58A0];
	[tilespmem:s29+$0x104B0] =	vst v6  }
0x4df: {  	[tilespmem:s30+$0x100A0] =	vst v7;
	v6 =	vld.idx.msk [tilespmem:v12+s19+$0x0], $0xffff  }
0x4e0: {  	[tilespmem:s31+$0xFC90] =	vst v8;
	v7 =	vld.idx.msk [tilespmem:v14+s19+$0x0], $0xffff  }
0x4e1: {  	[tilespmem:s0+$0xF880] =	vst v9;
	v8 =	vld.idx.msk [tilespmem:v15+s19+$0x0], $0xffff  }
0x4e2: {  	v9 =	vld.idx.msk [tilespmem:v16+s19+$0x0], $0xffff  }
0x4e3: {  	v12 =	vld [tilespmem:s30+$0x60D0]  }
0x4e4: {  	v14 =	vld [tilespmem:s31+$0x5CC0]  }
0x4e5: {  	v15 =	vld [tilespmem:s0+$0x58B0];
	[tilespmem:s29+$0x104C0] =	vst v6  }
0x4e6: {  	[tilespmem:s30+$0x100B0] =	vst v7;
	v5 =	vld.idx.msk [tilespmem:v5+s19+$0x0], $0xffff  }
0x4e7: {  	[tilespmem:s31+$0xFCA0] =	vst v8;
	v6 =	vld.idx.msk [tilespmem:v10+s19+$0x0], $0xffff  }
0x4e8: {  	[tilespmem:s0+$0xF890] =	vst v9;
	v7 =	vld.idx.msk [tilespmem:v11+s19+$0x0], $0xffff  }
0x4e9: {  	v8 =	vld.idx.msk [tilespmem:v13+s19+$0x0], $0xffff  }
0x4ea: {  	v9 =	vld [tilespmem:s30+$0x60E0]  }
0x4eb: {  	v10 =	vld [tilespmem:s31+$0x5CD0]  }
0x4ec: {  	v11 =	vld [tilespmem:s0+$0x58C0];
	[tilespmem:s29+$0x104D0] =	vst v5  }
0x4ed: {  	[tilespmem:s30+$0x100C0] =	vst v6;
	v4 =	vld.idx.msk [tilespmem:v4+s19+$0x0], $0xffff  }
0x4ee: {  	[tilespmem:s31+$0xFCB0] =	vst v7;
	v5 =	vld.idx.msk [tilespmem:v12+s19+$0x0], $0xffff  }
0x4ef: {  	[tilespmem:s0+$0xF8A0] =	vst v8;
	v6 =	vld.idx.msk [tilespmem:v14+s19+$0x0], $0xffff  }
0x4f0: {  	v7 =	vld.idx.msk [tilespmem:v15+s19+$0x0], $0xffff  }
0x4f1: {  	v8 =	vld [tilespmem:s30+$0x60F0]  }
0x4f2: {  	v12 =	vld [tilespmem:s31+$0x5CE0]  }
0x4f3: {  	v13 =	vld [tilespmem:s0+$0x58D0];
	[tilespmem:s29+$0x104E0] =	vst v4  }
0x4f4: {  	[tilespmem:s30+$0x100D0] =	vst v5;
	v4 =	vld.idx.msk [tilespmem:v3+s19+$0x0], $0xffff  }
0x4f5: {  	[tilespmem:s31+$0xFCC0] =	vst v6;
	v5 =	vld.idx.msk [tilespmem:v9+s19+$0x0], $0xffff  }
0x4f6: {  	[tilespmem:s0+$0xF8B0] =	vst v7;
	v6 =	vld.idx.msk [tilespmem:v10+s19+$0x0], $0xffff  }
0x4f7: {  	v7 =	vld.idx.msk [tilespmem:v11+s19+$0x0], $0xffff  }
0x4f8: {  	v3 =	vld [tilespmem:s30+$0x64F0]  }
0x4f9: {  	v9 =	vld [tilespmem:s30+$0x6480]  }
0x4fa: {  	v10 =	vld [tilespmem:s31+$0x5CF0];
	[tilespmem:s29+$0x104F0] =	vst v4;
	s29 =	smov.u32 s30;
	s30 =	smov.u32 s31;
	s31 =	smov.u32 s0  }
0x4fb: {  	v11 =	vld [tilespmem:s31+$0x58E0];
	[tilespmem:s29+$0x100E0] =	vst v5  }
0x4fc: {  	[tilespmem:s30+$0xFCD0] =	vst v6;
	v5 =	vld.idx.msk [tilespmem:v8+s19+$0x0], $0xffff  }
0x4fd: {  	[tilespmem:s31+$0xF8C0] =	vst v7;
	v6 =	vld.idx.msk [tilespmem:v12+s19+$0x0], $0xffff  }
0x4fe: {  	v7 =	vld.idx.msk [tilespmem:v13+s19+$0x0], $0xffff  }
0x4ff: {  	v4 =	vld [tilespmem:s29+$0x64E0]  }
0x500: {  	v12 =	vld [tilespmem:s29+$0x6490]  }
0x501: {  	v13 =	vld [tilespmem:s30+$0x6080]  }
0x502: {  	v14 =	vld [tilespmem:s31+$0x58F0];
	[tilespmem:s29+$0x100F0] =	vst v5  }
0x503: {  	[tilespmem:s30+$0xFCE0] =	vst v6;
	v6 =	vld.idx.msk [tilespmem:v9+s19+$0x0], $0xffff  }
0x504: {  	[tilespmem:s31+$0xF8D0] =	vst v7;
	v7 =	vld.idx.msk [tilespmem:v10+s19+$0x0], $0xffff  }
0x505: {  	v9 =	vld.idx.msk [tilespmem:v11+s19+$0x0], $0xffff  }
0x506: {  	v5 =	vld [tilespmem:s29+$0x64D0]  }
0x507: {  	v15 =	vld [tilespmem:s29+$0x64A0]  }
0x508: {  	v8 =	vld [tilespmem:s30+$0x6090]  }
0x509: {  	v10 =	vld [tilespmem:s31+$0x5C80];
	[tilespmem:s29+$0x10480] =	vst v6  }
0x50a: {  	[tilespmem:s30+$0xFCF0] =	vst v7;
	v7 =	vld.idx.msk [tilespmem:v12+s19+$0x0], $0xffff  }
0x50b: {  	[tilespmem:s31+$0xF8E0] =	vst v9;
	v16 =	vld.idx.msk [tilespmem:v13+s19+$0x0], $0xffff  }
0x50c: {  	v12 =	vld.idx.msk [tilespmem:v14+s19+$0x0], $0xffff  }
.Ltmp5:
0x50d: {  	s2 =	sadd.s32 $0x80, s2;
	v6 =	vld [tilespmem:s29+$0x64B0];
	(pc) =	sbr.rel @p0 .LBB2_12-.Ltmp5, $4  }
0x50e: {  	s3 =	sand.u32 $0x380, s2;
	s0 =	sand.u32 $0x7000, s1;
	v9 =	vld [tilespmem:s30+$0x60A0]  }
0x50f: {  	s0 =	sor.u32 s3, s0;
	v11 =	vld [tilespmem:s31+$0x5C90]  }
0x510: {  	v13 =	vld [tilespmem:s0+$0x5880];
	[tilespmem:s29+$0x10490] =	vst v7  }
0x511: {  	s1 =	sadd.s32 $0x200, s1;
	[tilespmem:s30+$0x10080] =	vst v16;
	v7 =	vld.idx.msk [tilespmem:v15+s19+$0x0], $0xffff  }
0x512: {  	_ =	sdelay $0x4  }
0x513: {  	v14 =	vld [tilespmem:s0+$0x5890];
	_ =	sdelay $0x1  }
0x514: {  	v13 =	vld.idx.msk [tilespmem:v13+s19+$0x0], $0xffff;
	_ =	sdelay $0x3  }
0x515: {  	v15 =	vld [tilespmem:s0+$0x58A0]  }
0x516: {  	[tilespmem:s0+$0xF880] =	vst v13  }
0x517: {  	v13 =	vld.idx.msk [tilespmem:v14+s19+$0x0], $0xffff;
	_ =	sdelay $0x3  }
0x518: {  	v14 =	vld [tilespmem:s0+$0x58B0]  }
0x519: {  	[tilespmem:s0+$0xF890] =	vst v13  }
0x51a: {  	v13 =	vld.idx.msk [tilespmem:v15+s19+$0x0], $0xffff;
	_ =	sdelay $0x3  }
0x51b: {  	v15 =	vld [tilespmem:s0+$0x58C0]  }
0x51c: {  	[tilespmem:s0+$0xF8A0] =	vst v13  }
0x51d: {  	v13 =	vld.idx.msk [tilespmem:v14+s19+$0x0], $0xffff;
	_ =	sdelay $0x3  }
0x51e: {  	v14 =	vld [tilespmem:s0+$0x58D0]  }
0x51f: {  	[tilespmem:s0+$0xF8B0] =	vst v13  }
0x520: {  	v13 =	vld.idx.msk [tilespmem:v15+s19+$0x0], $0xffff;
	_ =	sdelay $0x3  }
0x521: {  	v15 =	vld [tilespmem:s0+$0x58E0]  }
0x522: {  	[tilespmem:s0+$0xF8C0] =	vst v13  }
0x523: {  	v13 =	vld.idx.msk [tilespmem:v14+s19+$0x0], $0xffff;
	_ =	sdelay $0x3  }
0x524: {  	v14 =	vld [tilespmem:s0+$0x58F0]  }
0x525: {  	[tilespmem:s0+$0xF8D0] =	vst v13  }
0x526: {  	v13 =	vld.idx.msk [tilespmem:v15+s19+$0x0], $0xffff;
	_ =	sdelay $0x3  }
0x527: {  	v15 =	vld [tilespmem:s0+$0x5C80]  }
0x528: {  	[tilespmem:s0+$0xF8E0] =	vst v13  }
0x529: {  	v13 =	vld.idx.msk [tilespmem:v14+s19+$0x0], $0xffff;
	_ =	sdelay $0x1  }
0x52a: {  	[tilespmem:s31+$0xF8F0] =	vst v12  }
0x52b: {  	v10 =	vld.idx.msk [tilespmem:v10+s19+$0x0], $0xffff  }
0x52c: {  	v12 =	vld [tilespmem:s0+$0x5C90]  }
0x52d: {  	[tilespmem:s0+$0xF8F0] =	vst v13  }
0x52e: {  	v13 =	vld.idx.msk [tilespmem:v15+s19+$0x0], $0xffff;
	_ =	sdelay $0x1  }
0x52f: {  	[tilespmem:s31+$0xFC80] =	vst v10;
	v14 =	vld [tilespmem:s31+$0x5CA0]  }
0x530: {  	v11 =	vld.idx.msk [tilespmem:v11+s19+$0x0], $0xffff  }
0x531: {  	v10 =	vld [tilespmem:s0+$0x5CA0]  }
0x532: {  	[tilespmem:s0+$0xFC80] =	vst v13  }
0x533: {  	v12 =	vld.idx.msk [tilespmem:v12+s19+$0x0], $0xffff;
	_ =	sdelay $0x1  }
0x534: {  	[tilespmem:s31+$0xFC90] =	vst v11;
	v11 =	vld [tilespmem:s0+$0x5CB0]  }
0x535: {  	v13 =	vld [tilespmem:s31+$0x5CB0]  }
0x536: {  	v14 =	vld.idx.msk [tilespmem:v14+s19+$0x0], $0xffff  }
0x537: {  	[tilespmem:s0+$0xFC90] =	vst v12  }
0x538: {  	v10 =	vld.idx.msk [tilespmem:v10+s19+$0x0], $0xffff  }
0x539: {  	v8 =	vld.idx.msk [tilespmem:v8+s19+$0x0], $0xffff  }
0x53a: {  	v15 =	vld [tilespmem:s31+$0x5CC0]  }
0x53b: {  	[tilespmem:s31+$0xFCA0] =	vst v14;
	v14 =	vld [tilespmem:s0+$0x5CC0]  }
0x53c: {  	v12 =	vld [tilespmem:s30+$0x60B0]  }
0x53d: {  	v13 =	vld.idx.msk [tilespmem:v13+s19+$0x0], $0xffff;
	[tilespmem:s0+$0xFCA0] =	vst v10  }
0x53e: {  	[tilespmem:s30+$0x10090] =	vst v8;
	v8 =	vld.idx.msk [tilespmem:v11+s19+$0x0], $0xffff  }
0x53f: {  	v9 =	vld.idx.msk [tilespmem:v9+s19+$0x0], $0xffff  }
0x540: {  	v10 =	vld [tilespmem:s30+$0x60C0]  }
0x541: {  	v11 =	vld [tilespmem:s31+$0x5CD0]  }
0x542: {  	[tilespmem:s31+$0xFCB0] =	vst v13;
	v13 =	vld [tilespmem:s0+$0x5CD0]  }
0x543: {  	v15 =	vld.idx.msk [tilespmem:v15+s19+$0x0], $0xffff;
	[tilespmem:s0+$0xFCB0] =	vst v8  }
0x544: {  	[tilespmem:s30+$0x100A0] =	vst v9;
	v8 =	vld.idx.msk [tilespmem:v14+s19+$0x0], $0xffff  }
0x545: {  	v9 =	vld.idx.msk [tilespmem:v12+s19+$0x0], $0xffff  }
0x546: {  	v12 =	vld [tilespmem:s30+$0x60D0]  }
0x547: {  	v14 =	vld [tilespmem:s31+$0x5CE0]  }
0x548: {  	[tilespmem:s31+$0xFCC0] =	vst v15;
	v15 =	vld [tilespmem:s0+$0x5CE0]  }
0x549: {  	v11 =	vld.idx.msk [tilespmem:v11+s19+$0x0], $0xffff;
	[tilespmem:s0+$0xFCC0] =	vst v8  }
0x54a: {  	[tilespmem:s30+$0x100B0] =	vst v9;
	v8 =	vld.idx.msk [tilespmem:v13+s19+$0x0], $0xffff  }
0x54b: {  	v9 =	vld.idx.msk [tilespmem:v10+s19+$0x0], $0xffff  }
0x54c: {  	v10 =	vld [tilespmem:s30+$0x60E0]  }
0x54d: {  	v13 =	vld [tilespmem:s31+$0x5CF0]  }
0x54e: {  	[tilespmem:s31+$0xFCD0] =	vst v11;
	v11 =	vld [tilespmem:s0+$0x5CF0]  }
0x54f: {  	v14 =	vld.idx.msk [tilespmem:v14+s19+$0x0], $0xffff;
	[tilespmem:s0+$0xFCD0] =	vst v8  }
0x550: {  	v8 =	vld.idx.msk [tilespmem:v15+s19+$0x0], $0xffff  }
0x551: {  	[tilespmem:s30+$0x100C0] =	vst v9  }
0x552: {  	v9 =	vld.idx.msk [tilespmem:v12+s19+$0x0], $0xffff  }
0x553: {  	v15 =	vld [tilespmem:s31+$0x6080]  }
0x554: {  	[tilespmem:s31+$0xFCE0] =	vst v14;
	v14 =	vld [tilespmem:s0+$0x6080]  }
0x555: {  	v13 =	vld.idx.msk [tilespmem:v13+s19+$0x0], $0xffff;
	[tilespmem:s0+$0xFCE0] =	vst v8  }
0x556: {  	v8 =	vld.idx.msk [tilespmem:v11+s19+$0x0], $0xffff  }
0x557: {  	v12 =	vld [tilespmem:s30+$0x60F0];
	[tilespmem:s30+$0x100D0] =	vst v9  }
0x558: {  	v9 =	vld.idx.msk [tilespmem:v10+s19+$0x0], $0xffff  }
0x559: {  	v10 =	vld [tilespmem:s31+$0x6090]  }
0x55a: {  	v11 =	vld [tilespmem:s0+$0x6090];
	[tilespmem:s31+$0xFCF0] =	vst v13  }
0x55b: {  	v13 =	vld.idx.msk [tilespmem:v15+s19+$0x0], $0xffff;
	[tilespmem:s0+$0xFCF0] =	vst v8  }
0x55c: {  	v8 =	vld.idx.msk [tilespmem:v14+s19+$0x0], $0xffff;
	_ =	sdelay $0x2  }
0x55d: {  	v16 =	vld [tilespmem:s31+$0x60A0]  }
0x55e: {  	[tilespmem:s31+$0x10080] =	vst v13;
	v13 =	vld [tilespmem:s0+$0x60A0]  }
0x55f: {  	v10 =	vld.idx.msk [tilespmem:v10+s19+$0x0], $0xffff;
	[tilespmem:s0+$0x10080] =	vst v8  }
0x560: {  	[tilespmem:s30+$0x100E0] =	vst v9;
	v8 =	vld.idx.msk [tilespmem:v11+s19+$0x0], $0xffff  }
0x561: {  	v9 =	vld.idx.msk [tilespmem:v12+s19+$0x0], $0xffff  }
0x562: {  	v15 =	vld [tilespmem:s30+$0x6480]  }
0x563: {  	v11 =	vld [tilespmem:s31+$0x60B0]  }
0x564: {  	[tilespmem:s31+$0x10090] =	vst v10;
	v10 =	vld [tilespmem:s0+$0x60B0]  }
0x565: {  	v12 =	vld.idx.msk [tilespmem:v16+s19+$0x0], $0xffff;
	[tilespmem:s0+$0x10090] =	vst v8  }
0x566: {  	v8 =	vld.idx.msk [tilespmem:v13+s19+$0x0], $0xffff;
	_ =	sdelay $0x2  }
0x567: {  	v17 =	vld [tilespmem:s31+$0x60C0]  }
0x568: {  	[tilespmem:s31+$0x100A0] =	vst v12;
	v12 =	vld [tilespmem:s0+$0x60C0]  }
0x569: {  	v11 =	vld.idx.msk [tilespmem:v11+s19+$0x0], $0xffff;
	[tilespmem:s0+$0x100A0] =	vst v8  }
0x56a: {  	v8 =	vld.idx.msk [tilespmem:v10+s19+$0x0], $0xffff  }
0x56b: {  	[tilespmem:s30+$0x100F0] =	vst v9  }
0x56c: {  	v9 =	vld.idx.msk [tilespmem:v15+s19+$0x0], $0xffff  }
0x56d: {  	v15 =	vld [tilespmem:s31+$0x60D0]  }
0x56e: {  	[tilespmem:s31+$0x100B0] =	vst v11;
	v11 =	vld [tilespmem:s0+$0x60D0]  }
0x56f: {  	v17 =	vld.idx.msk [tilespmem:v17+s19+$0x0], $0xffff;
	[tilespmem:s0+$0x100B0] =	vst v8  }
0x570: {  	v8 =	vld.idx.msk [tilespmem:v12+s19+$0x0], $0xffff;
	_ =	sdelay $0x2  }
0x571: {  	v19 =	vld [tilespmem:s31+$0x60E0]  }
0x572: {  	v52 =	vld [tilespmem:s0+$0x60E0];
	[tilespmem:s31+$0x100C0] =	vst v17  }
0x573: {  	v15 =	vld.idx.msk [tilespmem:v15+s19+$0x0], $0xffff;
	[tilespmem:s0+$0x100C0] =	vst v8  }
0x574: {  	v8 =	vld.idx.msk [tilespmem:v11+s19+$0x0], $0xffff  }
0x575: {  	v51 =	vld [tilespmem:s30+$0x6490]  }
0x576: {  	v18 =	vld [tilespmem:s30+$0x64A0]  }
0x577: {  	v53 =	vld [tilespmem:s31+$0x60F0]  }
0x578: {  	[tilespmem:s31+$0x100D0] =	vst v15;
	v15 =	vld [tilespmem:s0+$0x60F0]  }
0x579: {  	v19 =	vld.idx.msk [tilespmem:v19+s19+$0x0], $0xffff;
	[tilespmem:s0+$0x100D0] =	vst v8  }
0x57a: {  	v8 =	vld.idx.msk [tilespmem:v52+s19+$0x0], $0xffff  }
0x57b: {  	v54 =	vld [tilespmem:s31+$0x64F0]  }
0x57c: {  	v20 =	vld [tilespmem:s31+$0x6480]  }
0x57d: {  	v55 =	vld [tilespmem:s0+$0x6480]  }
0x57e: {  	v22 =	vld [tilespmem:s31+$0x6490];
	[tilespmem:s31+$0x100E0] =	vst v19  }
0x57f: {  	v16 =	vld.idx.msk [tilespmem:v53+s19+$0x0], $0xffff;
	[tilespmem:s0+$0x100E0] =	vst v8  }
0x580: {  	v8 =	vld.idx.msk [tilespmem:v15+s19+$0x0], $0xffff  }
0x581: {  	v23 =	vld [tilespmem:s0+$0x64E0]  }
0x582: {  	v56 =	vld [tilespmem:s0+$0x6490]  }
0x583: {  	v57 =	vld [tilespmem:s31+$0x64D0]  }
0x584: {  	v24 =	vld [tilespmem:s31+$0x64A0];
	[tilespmem:s31+$0x100F0] =	vst v16  }
0x585: {  	v20 =	vld.idx.msk [tilespmem:v20+s19+$0x0], $0xffff;
	[tilespmem:s0+$0x100F0] =	vst v8  }
0x586: {  	v8 =	vld.idx.msk [tilespmem:v55+s19+$0x0], $0xffff  }
0x587: {  	v58 =	vld [tilespmem:s0+$0x64A0];
	[tilespmem:s30+$0x10480] =	vst v9  }
0x588: {  	v9 =	vld.idx.msk [tilespmem:v51+s19+$0x0], $0xffff  }
0x589: {  	v59 =	vld [tilespmem:s30+$0x64C0]  }
0x58a: {  	v11 =	vld [tilespmem:s30+$0x64B0];
	[tilespmem:s31+$0x10480] =	vst v20  }
0x58b: {  	v22 =	vld.idx.msk [tilespmem:v22+s19+$0x0], $0xffff;
	[tilespmem:s0+$0x10480] =	vst v8  }
0x58c: {  	v8 =	vld.idx.msk [tilespmem:v56+s19+$0x0], $0xffff  }
0x58d: {  	v60 =	vld [tilespmem:s31+$0x64B0];
	[tilespmem:s30+$0x10490] =	vst v9  }
0x58e: {  	v9 =	vld.idx.msk [tilespmem:v18+s19+$0x0], $0xffff  }
0x58f: {  	v61 =	vld [tilespmem:s0+$0x64B0]  }
0x590: {  	v10 =	vld [tilespmem:s29+$0x64C0];
	[tilespmem:s31+$0x10490] =	vst v22  }
0x591: {  	[tilespmem:s0+$0x10490] =	vst v8;
	v8 =	vld.idx.msk [tilespmem:v24+s19+$0x0], $0xffff  }
0x592: {  	[tilespmem:s29+$0x104A0] =	vst v7;
	v7 =	vld.idx.msk [tilespmem:v58+s19+$0x0], $0xffff  }
0x593: {  	v6 =	vld.idx.msk [tilespmem:v6+s19+$0x0], $0xffff;
	[tilespmem:s30+$0x104A0] =	vst v9  }
0x594: {  	v9 =	vld.idx.msk [tilespmem:v11+s19+$0x0], $0xffff  }
0x595: {  	v11 =	vld [tilespmem:s31+$0x64C0]  }
0x596: {  	[tilespmem:s31+$0x104A0] =	vst v8;
	v8 =	vld [tilespmem:s0+$0x64C0]  }
0x597: {  	[tilespmem:s0+$0x104A0] =	vst v7;
	v7 =	vld.idx.msk [tilespmem:v60+s19+$0x0], $0xffff  }
0x598: {  	v62 =	vld.idx.msk [tilespmem:v61+s19+$0x0], $0xffff  }
0x599: {  	[tilespmem:s29+$0x104B0] =	vst v6;
	v12 =	vld [tilespmem:s30+$0x64D0]  }
0x59a: {  	v6 =	vld.idx.msk [tilespmem:v10+s19+$0x0], $0xffff  }
0x59b: {  	v25 =	vld [tilespmem:s0+$0x64D0];
	[tilespmem:s30+$0x104B0] =	vst v9  }
0x59c: {  	[tilespmem:s31+$0x104B0] =	vst v7;
	v7 =	vld.idx.msk [tilespmem:v59+s19+$0x0], $0xffff  }
0x59d: {  	[tilespmem:s0+$0x104B0] =	vst v62;
	v9 =	vld.idx.msk [tilespmem:v11+s19+$0x0], $0xffff  }
0x59e: {  	v8 =	vld.idx.msk [tilespmem:v8+s19+$0x0], $0xffff  }
0x59f: {  	v13 =	vld [tilespmem:s30+$0x64E0];
	[tilespmem:s29+$0x104C0] =	vst v6  }
0x5a0: {  	v5 =	vld.idx.msk [tilespmem:v5+s19+$0x0], $0xffff  }
0x5a1: {  	v15 =	vld [tilespmem:s31+$0x64E0];
	[tilespmem:s30+$0x104C0] =	vst v7  }
0x5a2: {  	v6 =	vld.idx.msk [tilespmem:v12+s19+$0x0], $0xffff;
	[tilespmem:s31+$0x104C0] =	vst v9  }
0x5a3: {  	v7 =	vld.idx.msk [tilespmem:v57+s19+$0x0], $0xffff;
	[tilespmem:s0+$0x104C0] =	vst v8  }
0x5a4: {  	v8 =	vld.idx.msk [tilespmem:v25+s19+$0x0], $0xffff  }
0x5a5: {  	v21 =	vld [tilespmem:s0+$0x64F0]  }
0x5a6: {  	v14 =	vld [tilespmem:s30+$0x64F0];
	[tilespmem:s29+$0x104D0] =	vst v5  }
0x5a7: {  	v4 =	vld.idx.msk [tilespmem:v4+s19+$0x0], $0xffff;
	[tilespmem:s30+$0x104D0] =	vst v6  }
0x5a8: {  	v5 =	vld.idx.msk [tilespmem:v13+s19+$0x0], $0xffff;
	[tilespmem:s31+$0x104D0] =	vst v7  }
0x5a9: {  	v6 =	vld.idx.msk [tilespmem:v15+s19+$0x0], $0xffff;
	[tilespmem:s0+$0x104D0] =	vst v8  }
0x5aa: {  	v7 =	vld.idx.msk [tilespmem:v23+s19+$0x0], $0xffff;
	_ =	sdelay $0x1  }
0x5ab: {  	[tilespmem:s29+$0x104E0] =	vst v4  }
0x5ac: {  	v3 =	vld.idx.msk [tilespmem:v3+s19+$0x0], $0xffff;
	[tilespmem:s30+$0x104E0] =	vst v5  }
0x5ad: {  	v4 =	vld.idx.msk [tilespmem:v14+s19+$0x0], $0xffff;
	[tilespmem:s31+$0x104E0] =	vst v6  }
0x5ae: {  	v5 =	vld.idx.msk [tilespmem:v54+s19+$0x0], $0xffff;
	[tilespmem:s0+$0x104E0] =	vst v7  }
0x5af: {  	v6 =	vld.idx.msk [tilespmem:v21+s19+$0x0], $0xffff;
	_ =	sdelay $0x1  }
0x5b0: {  	[tilespmem:s29+$0x104F0] =	vst v3  }
0x5b1: {  	[tilespmem:s30+$0x104F0] =	vst v4  }
0x5b2: {  	[tilespmem:s31+$0x104F0] =	vst v5  }
0x5b3: {  	[tilespmem:s0+$0x104F0] =	vst v6  }
0x5b4: {  	[hbm4b:s12+s15] =	stream.strided.scatter [tilespmem:s24], [sflag:$0x4], $0x5000, s16, s15, $0x38;
	[tilespmem:$0x14880] =	vst v63  }
0x5b5: {  	_ =	swait.ge [sflag:s21], $0x5000  }
0x5b6: {  	[sflag:s21] =	ssyncset.done $0x0  }
0x5b7: {  	[sflag:s21] =	ssyncadd.s32 $0xFFFFB000  }
0x5b8: {  	s3 =	simm.s32 $0x0;
	_ =	swait.ge [sflag:s25], $0x5000  }
0x5b9: {  	s1 =	sand.u32 $0x7000, s3;
	s0 =	sand.u32 $0x380, s3;
	[sflag:s25] =	ssyncset.done $0x0  }
0x5ba: {  	s29 =	sor.u32 s0, s1;
	[sflag:s25] =	ssyncadd.s32 $0xFFFFB000  }
0x5bb: {  	v3 =	vld [tilespmem:s29+$0x880];
	_ =	sdelay $0x5  }
0x5bc: {  	v4 =	vld [tilespmem:s29+$0x890];
	_ =	sdelay $0x1  }
0x5bd: {  	v3 =	vld.idx.msk [tilespmem:v3+s19+$0x0], $0xffff;
	_ =	sdelay $0x3  }
0x5be: {  	v5 =	vld [tilespmem:s29+$0x8A0]  }
0x5bf: {  	[tilespmem:s29+$0xA880] =	vst v3  }
0x5c0: {  	v3 =	vld.idx.msk [tilespmem:v4+s19+$0x0], $0xffff;
	_ =	sdelay $0x3  }
0x5c1: {  	v4 =	vld [tilespmem:s29+$0x8B0]  }
0x5c2: {  	[tilespmem:s29+$0xA890] =	vst v3  }
0x5c3: {  	v3 =	vld.idx.msk [tilespmem:v5+s19+$0x0], $0xffff;
	_ =	sdelay $0x3  }
0x5c4: {  	v5 =	vld [tilespmem:s29+$0x8C0]  }
0x5c5: {  	[tilespmem:s29+$0xA8A0] =	vst v3  }
0x5c6: {  	v3 =	vld.idx.msk [tilespmem:v4+s19+$0x0], $0xffff;
	_ =	sdelay $0x3  }
0x5c7: {  	v4 =	vld [tilespmem:s29+$0x8D0]  }
0x5c8: {  	[tilespmem:s29+$0xA8B0] =	vst v3  }
0x5c9: {  	v3 =	vld.idx.msk [tilespmem:v5+s19+$0x0], $0xffff;
	_ =	sdelay $0x3  }
0x5ca: {  	v5 =	vld [tilespmem:s29+$0x8E0]  }
0x5cb: {  	[tilespmem:s29+$0xA8C0] =	vst v3  }
0x5cc: {  	v3 =	vld.idx.msk [tilespmem:v4+s19+$0x0], $0xffff;
	_ =	sdelay $0x3  }
0x5cd: {  	v4 =	vld [tilespmem:s29+$0x8F0]  }
0x5ce: {  	[tilespmem:s29+$0xA8D0] =	vst v3  }
0x5cf: {  	v3 =	vld.idx.msk [tilespmem:v5+s19+$0x0], $0xffff;
	_ =	sdelay $0x3  }
0x5d0: {  	v5 =	vld [tilespmem:s29+$0xC80]  }
0x5d1: {  	[tilespmem:s29+$0xA8E0] =	vst v3  }
0x5d2: {  	v3 =	vld.idx.msk [tilespmem:v4+s19+$0x0], $0xffff;
	_ =	sdelay $0x1  }
0x5d3: {  	s2 =	simm.s32 $0x200;
	s3 =	simm.s32 $0x80  }
0x5d4: {  	s0 =	sand.u32 $0x7000, s2;
	s1 =	sand.u32 $0x380, s3  }
0x5d5: {  	s30 =	sor.u32 s1, s0;
	v4 =	vld [tilespmem:s29+$0xC90]  }
0x5d6: {  	v6 =	vld [tilespmem:s30+$0x880];
	[tilespmem:s29+$0xA8F0] =	vst v3  }
0x5d7: {  	v3 =	vld.idx.msk [tilespmem:v5+s19+$0x0], $0xffff;
	_ =	sdelay $0x3  }
0x5d8: {  	v5 =	vld [tilespmem:s29+$0xCA0]  }
0x5d9: {  	v7 =	vld [tilespmem:s30+$0x890];
	[tilespmem:s29+$0xAC80] =	vst v3  }
0x5da: {  	v3 =	vld.idx.msk [tilespmem:v4+s19+$0x0], $0xffff  }
0x5db: {  	v4 =	vld.idx.msk [tilespmem:v6+s19+$0x0], $0xffff;
	_ =	sdelay $0x2  }
0x5dc: {  	v6 =	vld [tilespmem:s29+$0xCB0]  }
0x5dd: {  	v8 =	vld [tilespmem:s30+$0x8A0];
	[tilespmem:s29+$0xAC90] =	vst v3  }
0x5de: {  	[tilespmem:s30+$0xA880] =	vst v4;
	v3 =	vld.idx.msk [tilespmem:v5+s19+$0x0], $0xffff  }
0x5df: {  	v4 =	vld.idx.msk [tilespmem:v7+s19+$0x0], $0xffff;
	_ =	sdelay $0x2  }
0x5e0: {  	v5 =	vld [tilespmem:s29+$0xCC0]  }
0x5e1: {  	v7 =	vld [tilespmem:s30+$0x8B0];
	[tilespmem:s29+$0xACA0] =	vst v3  }
0x5e2: {  	[tilespmem:s30+$0xA890] =	vst v4;
	v3 =	vld.idx.msk [tilespmem:v6+s19+$0x0], $0xffff  }
0x5e3: {  	v4 =	vld.idx.msk [tilespmem:v8+s19+$0x0], $0xffff;
	_ =	sdelay $0x2  }
0x5e4: {  	v6 =	vld [tilespmem:s29+$0xCD0]  }
0x5e5: {  	v8 =	vld [tilespmem:s30+$0x8C0];
	[tilespmem:s29+$0xACB0] =	vst v3  }
0x5e6: {  	[tilespmem:s30+$0xA8A0] =	vst v4;
	v3 =	vld.idx.msk [tilespmem:v5+s19+$0x0], $0xffff  }
0x5e7: {  	v4 =	vld.idx.msk [tilespmem:v7+s19+$0x0], $0xffff;
	_ =	sdelay $0x2  }
0x5e8: {  	v5 =	vld [tilespmem:s29+$0xCE0]  }
0x5e9: {  	v7 =	vld [tilespmem:s30+$0x8D0];
	[tilespmem:s29+$0xACC0] =	vst v3  }
0x5ea: {  	[tilespmem:s30+$0xA8B0] =	vst v4;
	v3 =	vld.idx.msk [tilespmem:v6+s19+$0x0], $0xffff  }
0x5eb: {  	v4 =	vld.idx.msk [tilespmem:v8+s19+$0x0], $0xffff;
	_ =	sdelay $0x2  }
0x5ec: {  	v6 =	vld [tilespmem:s29+$0xCF0]  }
0x5ed: {  	v8 =	vld [tilespmem:s30+$0x8E0];
	[tilespmem:s29+$0xACD0] =	vst v3  }
0x5ee: {  	[tilespmem:s30+$0xA8C0] =	vst v4;
	v3 =	vld.idx.msk [tilespmem:v5+s19+$0x0], $0xffff  }
0x5ef: {  	v4 =	vld.idx.msk [tilespmem:v7+s19+$0x0], $0xffff;
	_ =	sdelay $0x2  }
0x5f0: {  	v5 =	vld [tilespmem:s29+$0x1080]  }
0x5f1: {  	s2 =	simm.s32 $0x400;
	s3 =	simm.s32 $0x100;
	v7 =	vld [tilespmem:s30+$0x8F0];
	[tilespmem:s29+$0xACE0] =	vst v3  }
0x5f2: {  	s0 =	sand.u32 $0x7000, s2;
	s1 =	sand.u32 $0x380, s3;
	[tilespmem:s30+$0xA8D0] =	vst v4;
	v3 =	vld.idx.msk [tilespmem:v6+s19+$0x0], $0xffff  }
0x5f3: {  	s31 =	sor.u32 s1, s0;
	v4 =	vld.idx.msk [tilespmem:v8+s19+$0x0], $0xffff  }
0x5f4: {  	v9 =	vld [tilespmem:s31+$0x880]  }
0x5f5: {  	v10 =	vld [tilespmem:s31+$0x890]  }
0x5f6: {  	v6 =	vld [tilespmem:s29+$0x1090]  }
0x5f7: {  	v8 =	vld [tilespmem:s30+$0xC80];
	[tilespmem:s29+$0xACF0] =	vst v3  }
0x5f8: {  	[tilespmem:s30+$0xA8E0] =	vst v4;
	v3 =	vld.idx.msk [tilespmem:v5+s19+$0x0], $0xffff  }
0x5f9: {  	v4 =	vld.idx.msk [tilespmem:v7+s19+$0x0], $0xffff  }
0x5fa: {  	v11 =	vld [tilespmem:s31+$0x8A0]  }
0x5fb: {  	v12 =	vld [tilespmem:s31+$0x8E0]  }
0x5fc: {  	v5 =	vld [tilespmem:s29+$0x10A0]  }
0x5fd: {  	v7 =	vld [tilespmem:s30+$0xC90];
	[tilespmem:s29+$0xB080] =	vst v3  }
0x5fe: {  	[tilespmem:s30+$0xA8F0] =	vst v4;
	v3 =	vld.idx.msk [tilespmem:v6+s19+$0x0], $0xffff  }
0x5ff: {  	v4 =	vld.idx.msk [tilespmem:v8+s19+$0x0], $0xffff  }
0x600: {  	v13 =	vld [tilespmem:s29+$0x1490]  }
0x601: {  	v14 =	vld [tilespmem:s30+$0x1080]  }
0x602: {  	v6 =	vld [tilespmem:s29+$0x10B0]  }
0x603: {  	v8 =	vld [tilespmem:s30+$0xCA0];
	[tilespmem:s29+$0xB090] =	vst v3  }
0x604: {  	[tilespmem:s30+$0xAC80] =	vst v4;
	v3 =	vld.idx.msk [tilespmem:v5+s19+$0x0], $0xffff  }
0x605: {  	v4 =	vld.idx.msk [tilespmem:v7+s19+$0x0], $0xffff  }
0x606: {  	v5 =	vld.idx.msk [tilespmem:v9+s19+$0x0], $0xffff  }
0x607: {  	v15 =	vld [tilespmem:s31+$0x8F0]  }
0x608: {  	v7 =	vld [tilespmem:s29+$0x10C0]  }
0x609: {  	v9 =	vld [tilespmem:s30+$0xCB0];
	[tilespmem:s29+$0xB0A0] =	vst v3  }
0x60a: {  	[tilespmem:s30+$0xAC90] =	vst v4;
	v3 =	vld.idx.msk [tilespmem:v6+s19+$0x0], $0xffff  }
0x60b: {  	[tilespmem:s31+$0xA880] =	vst v5;
	v4 =	vld.idx.msk [tilespmem:v8+s19+$0x0], $0xffff  }
0x60c: {  	v5 =	vld.idx.msk [tilespmem:v10+s19+$0x0], $0xffff  }
0x60d: {  	v6 =	vld [tilespmem:s29+$0x10D0]  }
0x60e: {  	v8 =	vld [tilespmem:s30+$0xCC0]  }
0x60f: {  	v10 =	vld [tilespmem:s31+$0x8B0];
	[tilespmem:s29+$0xB0B0] =	vst v3  }
0x610: {  	[tilespmem:s30+$0xACA0] =	vst v4;
	v3 =	vld.idx.msk [tilespmem:v7+s19+$0x0], $0xffff  }
0x611: {  	[tilespmem:s31+$0xA890] =	vst v5;
	v4 =	vld.idx.msk [tilespmem:v9+s19+$0x0], $0xffff  }
0x612: {  	v5 =	vld.idx.msk [tilespmem:v11+s19+$0x0], $0xffff  }
0x613: {  	v7 =	vld [tilespmem:s29+$0x10E0]  }
0x614: {  	v9 =	vld [tilespmem:s30+$0xCD0]  }
0x615: {  	v11 =	vld [tilespmem:s31+$0x8C0];
	[tilespmem:s29+$0xB0C0] =	vst v3  }
0x616: {  	[tilespmem:s30+$0xACB0] =	vst v4;
	v3 =	vld.idx.msk [tilespmem:v6+s19+$0x0], $0xffff  }
0x617: {  	[tilespmem:s31+$0xA8A0] =	vst v5;
	v4 =	vld.idx.msk [tilespmem:v8+s19+$0x0], $0xffff  }
0x618: {  	v5 =	vld.idx.msk [tilespmem:v10+s19+$0x0], $0xffff  }
0x619: {  	v6 =	vld [tilespmem:s29+$0x10F0]  }
0x61a: {  	v8 =	vld [tilespmem:s30+$0xCE0]  }
0x61b: {  	v10 =	vld [tilespmem:s31+$0x8D0];
	[tilespmem:s29+$0xB0D0] =	vst v3  }
0x61c: {  	[tilespmem:s30+$0xACC0] =	vst v4;
	v4 =	vld.idx.msk [tilespmem:v7+s19+$0x0], $0xffff  }
0x61d: {  	[tilespmem:s31+$0xA8B0] =	vst v5;
	v5 =	vld.idx.msk [tilespmem:v9+s19+$0x0], $0xffff  }
0x61e: {  	v7 =	vld.idx.msk [tilespmem:v11+s19+$0x0], $0xffff  }
0x61f: {  	v63 =	vld [tilespmem:s29+$0x14A0]  }
0x620: {  	v9 =	vld [tilespmem:s29+$0x1480]  }
0x621: {  	v11 =	vld [tilespmem:s30+$0xCF0];
	[tilespmem:s29+$0xB0E0] =	vst v4  }
0x622: {  	[tilespmem:s30+$0xACD0] =	vst v5;
	v5 =	vld.idx.msk [tilespmem:v6+s19+$0x0], $0xffff  }
0x623: {  	[tilespmem:s31+$0xA8C0] =	vst v7;
	v6 =	vld.idx.msk [tilespmem:v8+s19+$0x0], $0xffff  }
0x624: {  	v7 =	vld.idx.msk [tilespmem:v10+s19+$0x0], $0xffff  }
0x625: {  	v3 =	vld [tilespmem:s29+$0x14F0]  }
0x626: {  	v4 =	vld [tilespmem:s29+$0x14E0]  }
0x627: {  	v8 =	vld [tilespmem:s30+$0x1090];
	[tilespmem:s29+$0xB0F0] =	vst v5  }
0x628: {  	[tilespmem:s30+$0xACE0] =	vst v6;
	v6 =	vld.idx.msk [tilespmem:v9+s19+$0x0], $0xffff  }
0x629: {  	[tilespmem:s31+$0xA8D0] =	vst v7;
	v7 =	vld.idx.msk [tilespmem:v11+s19+$0x0], $0xffff  }
0x62a: {  	v9 =	vld.idx.msk [tilespmem:v12+s19+$0x0], $0xffff  }
0x62b: {  	v10 =	vld [tilespmem:s31+$0xC80]  }
0x62c: {  	v5 =	vld [tilespmem:s29+$0x14D0]  }
0x62d: {  	v11 =	vld [tilespmem:s31+$0xC90];
	[tilespmem:s29+$0xB480] =	vst v6  }
0x62e: {  	[tilespmem:s30+$0xACF0] =	vst v7;
	v7 =	vld.idx.msk [tilespmem:v13+s19+$0x0], $0xffff  }
0x62f: {  	[tilespmem:s31+$0xA8E0] =	vst v9;
	v14 =	vld.idx.msk [tilespmem:v14+s19+$0x0], $0xffff  }
0x630: {  	s2 =	simm.s32 $0x180;
	s1 =	simm.s32 $0x600;
	v12 =	vld.idx.msk [tilespmem:v15+s19+$0x0], $0xffff  }
0x631: {  	s3 =	sand.u32 $0x380, s2;
	s0 =	sand.u32 $0x7000, s1;
	v6 =	vld [tilespmem:s29+$0x14B0]  }
0x632: {  	s0 =	sor.u32 s3, s0;
	v9 =	vld [tilespmem:s30+$0x10A0]  }
0x633: {  	v13 =	vld [tilespmem:s0+$0x880];
	[tilespmem:s29+$0xB490] =	vst v7  }
0x634: {  	s1 =	simm.s32 $0x800;
	[tilespmem:s30+$0xB080] =	vst v14;
	v7 =	vld.idx.msk [tilespmem:v63+s19+$0x0], $0xffff  }
.LBB2_14:
0x635: {  	p0 =	sne.s32 s1, $0x4E00;
	[tilespmem:s31+$0xA8F0] =	vst v12;
	v8 =	vld.idx.msk [tilespmem:v8+s19+$0x0], $0xffff  }
0x636: {  	v10 =	vld.idx.msk [tilespmem:v10+s19+$0x0], $0xffff  }
0x637: {  	v12 =	vld [tilespmem:s29+$0x14C0]  }
0x638: {  	v14 =	vld [tilespmem:s30+$0x10B0]  }
0x639: {  	v15 =	vld [tilespmem:s31+$0xCA0]  }
0x63a: {  	v16 =	vld [tilespmem:s0+$0x890];
	[tilespmem:s29+$0xB4A0] =	vst v7  }
0x63b: {  	[tilespmem:s30+$0xB090] =	vst v8;
	v6 =	vld.idx.msk [tilespmem:v6+s19+$0x0], $0xffff  }
0x63c: {  	[tilespmem:s31+$0xAC80] =	vst v10;
	v7 =	vld.idx.msk [tilespmem:v9+s19+$0x0], $0xffff  }
0x63d: {  	v8 =	vld.idx.msk [tilespmem:v11+s19+$0x0], $0xffff  }
0x63e: {  	v9 =	vld.idx.msk [tilespmem:v13+s19+$0x0], $0xffff  }
0x63f: {  	v10 =	vld [tilespmem:s30+$0x10C0]  }
0x640: {  	v11 =	vld [tilespmem:s31+$0xCB0]  }
0x641: {  	v13 =	vld [tilespmem:s0+$0x8A0];
	[tilespmem:s29+$0xB4B0] =	vst v6  }
0x642: {  	[tilespmem:s30+$0xB0A0] =	vst v7;
	v6 =	vld.idx.msk [tilespmem:v12+s19+$0x0], $0xffff  }
0x643: {  	[tilespmem:s31+$0xAC90] =	vst v8;
	v7 =	vld.idx.msk [tilespmem:v14+s19+$0x0], $0xffff  }
0x644: {  	[tilespmem:s0+$0xA880] =	vst v9;
	v8 =	vld.idx.msk [tilespmem:v15+s19+$0x0], $0xffff  }
0x645: {  	v9 =	vld.idx.msk [tilespmem:v16+s19+$0x0], $0xffff  }
0x646: {  	v12 =	vld [tilespmem:s30+$0x10D0]  }
0x647: {  	v14 =	vld [tilespmem:s31+$0xCC0]  }
0x648: {  	v15 =	vld [tilespmem:s0+$0x8B0];
	[tilespmem:s29+$0xB4C0] =	vst v6  }
0x649: {  	[tilespmem:s30+$0xB0B0] =	vst v7;
	v5 =	vld.idx.msk [tilespmem:v5+s19+$0x0], $0xffff  }
0x64a: {  	[tilespmem:s31+$0xACA0] =	vst v8;
	v6 =	vld.idx.msk [tilespmem:v10+s19+$0x0], $0xffff  }
0x64b: {  	[tilespmem:s0+$0xA890] =	vst v9;
	v7 =	vld.idx.msk [tilespmem:v11+s19+$0x0], $0xffff  }
0x64c: {  	v8 =	vld.idx.msk [tilespmem:v13+s19+$0x0], $0xffff  }
0x64d: {  	v9 =	vld [tilespmem:s30+$0x10E0]  }
0x64e: {  	v10 =	vld [tilespmem:s31+$0xCD0]  }
0x64f: {  	v11 =	vld [tilespmem:s0+$0x8C0];
	[tilespmem:s29+$0xB4D0] =	vst v5  }
0x650: {  	[tilespmem:s30+$0xB0C0] =	vst v6;
	v4 =	vld.idx.msk [tilespmem:v4+s19+$0x0], $0xffff  }
0x651: {  	[tilespmem:s31+$0xACB0] =	vst v7;
	v5 =	vld.idx.msk [tilespmem:v12+s19+$0x0], $0xffff  }
0x652: {  	[tilespmem:s0+$0xA8A0] =	vst v8;
	v6 =	vld.idx.msk [tilespmem:v14+s19+$0x0], $0xffff  }
0x653: {  	v7 =	vld.idx.msk [tilespmem:v15+s19+$0x0], $0xffff  }
0x654: {  	v8 =	vld [tilespmem:s30+$0x10F0]  }
0x655: {  	v12 =	vld [tilespmem:s31+$0xCE0]  }
0x656: {  	v13 =	vld [tilespmem:s0+$0x8D0];
	[tilespmem:s29+$0xB4E0] =	vst v4  }
0x657: {  	[tilespmem:s30+$0xB0D0] =	vst v5;
	v4 =	vld.idx.msk [tilespmem:v3+s19+$0x0], $0xffff  }
0x658: {  	[tilespmem:s31+$0xACC0] =	vst v6;
	v5 =	vld.idx.msk [tilespmem:v9+s19+$0x0], $0xffff  }
0x659: {  	[tilespmem:s0+$0xA8B0] =	vst v7;
	v6 =	vld.idx.msk [tilespmem:v10+s19+$0x0], $0xffff  }
0x65a: {  	v7 =	vld.idx.msk [tilespmem:v11+s19+$0x0], $0xffff  }
0x65b: {  	v3 =	vld [tilespmem:s30+$0x14F0]  }
0x65c: {  	v9 =	vld [tilespmem:s30+$0x1480]  }
0x65d: {  	v10 =	vld [tilespmem:s31+$0xCF0];
	[tilespmem:s29+$0xB4F0] =	vst v4;
	s29 =	smov.u32 s30;
	s30 =	smov.u32 s31;
	s31 =	smov.u32 s0  }
0x65e: {  	v11 =	vld [tilespmem:s31+$0x8E0];
	[tilespmem:s29+$0xB0E0] =	vst v5  }
0x65f: {  	[tilespmem:s30+$0xACD0] =	vst v6;
	v5 =	vld.idx.msk [tilespmem:v8+s19+$0x0], $0xffff  }
0x660: {  	[tilespmem:s31+$0xA8C0] =	vst v7;
	v6 =	vld.idx.msk [tilespmem:v12+s19+$0x0], $0xffff  }
0x661: {  	v7 =	vld.idx.msk [tilespmem:v13+s19+$0x0], $0xffff  }
0x662: {  	v4 =	vld [tilespmem:s29+$0x14E0]  }
0x663: {  	v12 =	vld [tilespmem:s29+$0x1490]  }
0x664: {  	v13 =	vld [tilespmem:s30+$0x1080]  }
0x665: {  	v14 =	vld [tilespmem:s31+$0x8F0];
	[tilespmem:s29+$0xB0F0] =	vst v5  }
0x666: {  	[tilespmem:s30+$0xACE0] =	vst v6;
	v6 =	vld.idx.msk [tilespmem:v9+s19+$0x0], $0xffff  }
0x667: {  	[tilespmem:s31+$0xA8D0] =	vst v7;
	v7 =	vld.idx.msk [tilespmem:v10+s19+$0x0], $0xffff  }
0x668: {  	v9 =	vld.idx.msk [tilespmem:v11+s19+$0x0], $0xffff  }
0x669: {  	v5 =	vld [tilespmem:s29+$0x14D0]  }
0x66a: {  	v15 =	vld [tilespmem:s29+$0x14A0]  }
0x66b: {  	v8 =	vld [tilespmem:s30+$0x1090]  }
0x66c: {  	v10 =	vld [tilespmem:s31+$0xC80];
	[tilespmem:s29+$0xB480] =	vst v6  }
0x66d: {  	[tilespmem:s30+$0xACF0] =	vst v7;
	v7 =	vld.idx.msk [tilespmem:v12+s19+$0x0], $0xffff  }
0x66e: {  	[tilespmem:s31+$0xA8E0] =	vst v9;
	v16 =	vld.idx.msk [tilespmem:v13+s19+$0x0], $0xffff  }
0x66f: {  	v12 =	vld.idx.msk [tilespmem:v14+s19+$0x0], $0xffff  }
.Ltmp6:
0x670: {  	s2 =	sadd.s32 $0x80, s2;
	v6 =	vld [tilespmem:s29+$0x14B0];
	(pc) =	sbr.rel @p0 .LBB2_14-.Ltmp6, $4  }
0x671: {  	s3 =	sand.u32 $0x380, s2;
	s0 =	sand.u32 $0x7000, s1;
	v9 =	vld [tilespmem:s30+$0x10A0]  }
0x672: {  	s0 =	sor.u32 s3, s0;
	v11 =	vld [tilespmem:s31+$0xC90]  }
0x673: {  	v13 =	vld [tilespmem:s0+$0x880];
	[tilespmem:s29+$0xB490] =	vst v7  }
0x674: {  	s1 =	sadd.s32 $0x200, s1;
	[tilespmem:s30+$0xB080] =	vst v16;
	v7 =	vld.idx.msk [tilespmem:v15+s19+$0x0], $0xffff  }
0x675: {  	_ =	sdelay $0x4  }
0x676: {  	v14 =	vld [tilespmem:s0+$0x890];
	_ =	sdelay $0x1  }
0x677: {  	v13 =	vld.idx.msk [tilespmem:v13+s19+$0x0], $0xffff;
	_ =	sdelay $0x3  }
0x678: {  	v15 =	vld [tilespmem:s0+$0x8A0]  }
0x679: {  	[tilespmem:s0+$0xA880] =	vst v13  }
0x67a: {  	v13 =	vld.idx.msk [tilespmem:v14+s19+$0x0], $0xffff;
	_ =	sdelay $0x3  }
0x67b: {  	v34 =	vld [tilespmem:s0+$0x8B0]  }
0x67c: {  	[tilespmem:s0+$0xA890] =	vst v13  }
0x67d: {  	v13 =	vld.idx.msk [tilespmem:v15+s19+$0x0], $0xffff;
	_ =	sdelay $0x3  }
0x67e: {  	v35 =	vld [tilespmem:s0+$0x8C0]  }
0x67f: {  	[tilespmem:s0+$0xA8A0] =	vst v13  }
0x680: {  	v13 =	vld.idx.msk [tilespmem:v34+s19+$0x0], $0xffff;
	_ =	sdelay $0x3  }
0x681: {  	v36 =	vld [tilespmem:s0+$0x8D0]  }
0x682: {  	[tilespmem:s0+$0xA8B0] =	vst v13  }
0x683: {  	v13 =	vld.idx.msk [tilespmem:v35+s19+$0x0], $0xffff;
	_ =	sdelay $0x3  }
0x684: {  	v37 =	vld [tilespmem:s0+$0x8E0]  }
0x685: {  	[tilespmem:s0+$0xA8C0] =	vst v13  }
0x686: {  	v13 =	vld.idx.msk [tilespmem:v36+s19+$0x0], $0xffff;
	_ =	sdelay $0x3  }
0x687: {  	v38 =	vld [tilespmem:s0+$0x8F0]  }
0x688: {  	[tilespmem:s0+$0xA8D0] =	vst v13  }
0x689: {  	v13 =	vld.idx.msk [tilespmem:v37+s19+$0x0], $0xffff;
	_ =	sdelay $0x3  }
0x68a: {  	v39 =	vld [tilespmem:s0+$0xC80]  }
0x68b: {  	[tilespmem:s0+$0xA8E0] =	vst v13  }
0x68c: {  	v13 =	vld.idx.msk [tilespmem:v38+s19+$0x0], $0xffff;
	_ =	sdelay $0x3  }
0x68d: {  	[tilespmem:s31+$0xA8F0] =	vst v12;
	v40 =	vld [tilespmem:s0+$0xC90]  }
0x68e: {  	v10 =	vld.idx.msk [tilespmem:v10+s19+$0x0], $0xffff;
	[tilespmem:s0+$0xA8F0] =	vst v13  }
0x68f: {  	v13 =	vld.idx.msk [tilespmem:v39+s19+$0x0], $0xffff;
	_ =	sdelay $0x2  }
0x690: {  	v41 =	vld [tilespmem:s31+$0xCA0]  }
0x691: {  	v42 =	vld [tilespmem:s0+$0xCA0];
	[tilespmem:s31+$0xAC80] =	vst v10  }
0x692: {  	v11 =	vld.idx.msk [tilespmem:v11+s19+$0x0], $0xffff;
	[tilespmem:s0+$0xAC80] =	vst v13  }
0x693: {  	v12 =	vld.idx.msk [tilespmem:v40+s19+$0x0], $0xffff;
	_ =	sdelay $0x2  }
0x694: {  	v43 =	vld [tilespmem:s31+$0xCB0]  }
0x695: {  	v44 =	vld [tilespmem:s0+$0xCB0];
	[tilespmem:s31+$0xAC90] =	vst v11  }
0x696: {  	v14 =	vld.idx.msk [tilespmem:v41+s19+$0x0], $0xffff;
	[tilespmem:s0+$0xAC90] =	vst v12  }
0x697: {  	v10 =	vld.idx.msk [tilespmem:v42+s19+$0x0], $0xffff;
	_ =	sdelay $0x2  }
0x698: {  	v46 =	vld [tilespmem:s31+$0xCC0]  }
0x699: {  	v47 =	vld [tilespmem:s0+$0xCC0];
	[tilespmem:s31+$0xACA0] =	vst v14  }
0x69a: {  	v13 =	vld.idx.msk [tilespmem:v43+s19+$0x0], $0xffff;
	[tilespmem:s0+$0xACA0] =	vst v10  }
0x69b: {  	v48 =	vld.idx.msk [tilespmem:v44+s19+$0x0], $0xffff  }
0x69c: {  	v8 =	vld.idx.msk [tilespmem:v8+s19+$0x0], $0xffff;
	_ =	sdelay $0x1  }
0x69d: {  	v50 =	vld [tilespmem:s31+$0xCD0]  }
0x69e: {  	v51 =	vld [tilespmem:s0+$0xCD0];
	[tilespmem:s31+$0xACB0] =	vst v13  }
0x69f: {  	v15 =	vld.idx.msk [tilespmem:v46+s19+$0x0], $0xffff;
	[tilespmem:s0+$0xACB0] =	vst v48  }
0x6a0: {  	[tilespmem:s30+$0xB090] =	vst v8;
	v8 =	vld.idx.msk [tilespmem:v47+s19+$0x0], $0xffff;
	_ =	sdelay $0x2  }
0x6a1: {  	v53 =	vld [tilespmem:s31+$0xCE0]  }
0x6a2: {  	v54 =	vld [tilespmem:s0+$0xCE0];
	[tilespmem:s31+$0xACC0] =	vst v15  }
0x6a3: {  	v11 =	vld.idx.msk [tilespmem:v50+s19+$0x0], $0xffff;
	[tilespmem:s0+$0xACC0] =	vst v8  }
0x6a4: {  	v8 =	vld.idx.msk [tilespmem:v51+s19+$0x0], $0xffff;
	_ =	sdelay $0x2  }
0x6a5: {  	v56 =	vld [tilespmem:s31+$0xCF0]  }
0x6a6: {  	v57 =	vld [tilespmem:s0+$0xCF0];
	[tilespmem:s31+$0xACD0] =	vst v11  }
0x6a7: {  	v14 =	vld.idx.msk [tilespmem:v53+s19+$0x0], $0xffff;
	[tilespmem:s0+$0xACD0] =	vst v8  }
0x6a8: {  	v8 =	vld.idx.msk [tilespmem:v54+s19+$0x0], $0xffff;
	_ =	sdelay $0x1  }
0x6a9: {  	v45 =	vld [tilespmem:s30+$0x10B0]  }
0x6aa: {  	v59 =	vld [tilespmem:s31+$0x1080]  }
0x6ab: {  	v60 =	vld [tilespmem:s0+$0x1080];
	[tilespmem:s31+$0xACE0] =	vst v14  }
0x6ac: {  	v13 =	vld.idx.msk [tilespmem:v56+s19+$0x0], $0xffff;
	[tilespmem:s0+$0xACE0] =	vst v8  }
0x6ad: {  	v8 =	vld.idx.msk [tilespmem:v57+s19+$0x0], $0xffff  }
0x6ae: {  	v49 =	vld [tilespmem:s30+$0x10C0]  }
0x6af: {  	v52 =	vld [tilespmem:s30+$0x10D0]  }
0x6b0: {  	v61 =	vld [tilespmem:s31+$0x1090]  }
0x6b1: {  	v62 =	vld [tilespmem:s0+$0x1090];
	[tilespmem:s31+$0xACF0] =	vst v13  }
0x6b2: {  	v13 =	vld.idx.msk [tilespmem:v59+s19+$0x0], $0xffff;
	[tilespmem:s0+$0xACF0] =	vst v8  }
0x6b3: {  	v8 =	vld.idx.msk [tilespmem:v60+s19+$0x0], $0xffff  }
0x6b4: {  	v55 =	vld [tilespmem:s30+$0x10E0]  }
0x6b5: {  	v58 =	vld [tilespmem:s30+$0x10F0]  }
0x6b6: {  	v16 =	vld [tilespmem:s31+$0x10A0]  }
0x6b7: {  	v24 =	vld [tilespmem:s0+$0x10A0];
	[tilespmem:s31+$0xB080] =	vst v13  }
0x6b8: {  	v10 =	vld.idx.msk [tilespmem:v61+s19+$0x0], $0xffff;
	[tilespmem:s0+$0xB080] =	vst v8  }
0x6b9: {  	v8 =	vld.idx.msk [tilespmem:v62+s19+$0x0], $0xffff  }
0x6ba: {  	v63 =	vld [tilespmem:s30+$0x14F0]  }
0x6bb: {  	v9 =	vld.idx.msk [tilespmem:v9+s19+$0x0], $0xffff  }
0x6bc: {  	v25 =	vld [tilespmem:s31+$0x10B0]  }
0x6bd: {  	v26 =	vld [tilespmem:s0+$0x10B0];
	[tilespmem:s31+$0xB090] =	vst v10  }
0x6be: {  	v27 =	vld.idx.msk [tilespmem:v16+s19+$0x0], $0xffff;
	[tilespmem:s0+$0xB090] =	vst v8  }
0x6bf: {  	v8 =	vld.idx.msk [tilespmem:v24+s19+$0x0], $0xffff  }
0x6c0: {  	v23 =	vld [tilespmem:s30+$0x1480];
	[tilespmem:s30+$0xB0A0] =	vst v9  }
0x6c1: {  	v9 =	vld.idx.msk [tilespmem:v45+s19+$0x0], $0xffff  }
0x6c2: {  	v17 =	vld [tilespmem:s31+$0x10C0]  }
0x6c3: {  	v30 =	vld [tilespmem:s0+$0x10C0];
	[tilespmem:s31+$0xB0A0] =	vst v27  }
0x6c4: {  	v11 =	vld.idx.msk [tilespmem:v25+s19+$0x0], $0xffff;
	[tilespmem:s0+$0xB0A0] =	vst v8  }
0x6c5: {  	v8 =	vld.idx.msk [tilespmem:v26+s19+$0x0], $0xffff  }
0x6c6: {  	v28 =	vld [tilespmem:s30+$0x14E0];
	[tilespmem:s30+$0xB0B0] =	vst v9  }
0x6c7: {  	v9 =	vld.idx.msk [tilespmem:v49+s19+$0x0], $0xffff  }
0x6c8: {  	v32 =	vld [tilespmem:s31+$0x10D0]  }
0x6c9: {  	v33 =	vld [tilespmem:s0+$0x10D0];
	[tilespmem:s31+$0xB0B0] =	vst v11  }
0x6ca: {  	v17 =	vld.idx.msk [tilespmem:v17+s19+$0x0], $0xffff;
	[tilespmem:s0+$0xB0B0] =	vst v8  }
0x6cb: {  	v8 =	vld.idx.msk [tilespmem:v30+s19+$0x0], $0xffff  }
0x6cc: {  	v29 =	vld [tilespmem:s30+$0x1490];
	[tilespmem:s30+$0xB0C0] =	vst v9  }
0x6cd: {  	v9 =	vld.idx.msk [tilespmem:v52+s19+$0x0], $0xffff  }
0x6ce: {  	v19 =	vld [tilespmem:s31+$0x10E0]  }
0x6cf: {  	v35 =	vld [tilespmem:s0+$0x10E0];
	[tilespmem:s31+$0xB0C0] =	vst v17  }
0x6d0: {  	v15 =	vld.idx.msk [tilespmem:v32+s19+$0x0], $0xffff;
	[tilespmem:s0+$0xB0C0] =	vst v8  }
0x6d1: {  	v8 =	vld.idx.msk [tilespmem:v33+s19+$0x0], $0xffff  }
0x6d2: {  	v31 =	vld [tilespmem:s29+$0x14C0];
	[tilespmem:s30+$0xB0D0] =	vst v9  }
0x6d3: {  	v9 =	vld.idx.msk [tilespmem:v55+s19+$0x0], $0xffff  }
0x6d4: {  	v37 =	vld [tilespmem:s31+$0x10F0]  }
0x6d5: {  	v38 =	vld [tilespmem:s0+$0x10F0];
	[tilespmem:s31+$0xB0D0] =	vst v15  }
0x6d6: {  	v19 =	vld.idx.msk [tilespmem:v19+s19+$0x0], $0xffff;
	[tilespmem:s0+$0xB0D0] =	vst v8  }
0x6d7: {  	v8 =	vld.idx.msk [tilespmem:v35+s19+$0x0], $0xffff  }
0x6d8: {  	v18 =	vld [tilespmem:s30+$0x14A0];
	[tilespmem:s30+$0xB0E0] =	vst v9  }
0x6d9: {  	v9 =	vld.idx.msk [tilespmem:v58+s19+$0x0], $0xffff  }
0x6da: {  	v20 =	vld [tilespmem:s31+$0x1480]  }
0x6db: {  	v40 =	vld [tilespmem:s0+$0x1480];
	[tilespmem:s31+$0xB0E0] =	vst v19  }
0x6dc: {  	v16 =	vld.idx.msk [tilespmem:v37+s19+$0x0], $0xffff;
	[tilespmem:s0+$0xB0E0] =	vst v8  }
0x6dd: {  	v8 =	vld.idx.msk [tilespmem:v38+s19+$0x0], $0xffff  }
0x6de: {  	v22 =	vld [tilespmem:s31+$0x1490];
	[tilespmem:s30+$0xB0F0] =	vst v9  }
0x6df: {  	[tilespmem:s29+$0xB4A0] =	vst v7;
	v9 =	vld.idx.msk [tilespmem:v23+s19+$0x0], $0xffff  }
0x6e0: {  	v6 =	vld.idx.msk [tilespmem:v6+s19+$0x0], $0xffff  }
0x6e1: {  	v42 =	vld [tilespmem:s0+$0x1490];
	[tilespmem:s31+$0xB0F0] =	vst v16  }
0x6e2: {  	v20 =	vld.idx.msk [tilespmem:v20+s19+$0x0], $0xffff;
	[tilespmem:s0+$0xB0F0] =	vst v8  }
0x6e3: {  	v8 =	vld.idx.msk [tilespmem:v40+s19+$0x0], $0xffff  }
0x6e4: {  	v36 =	vld [tilespmem:s30+$0x14B0];
	[tilespmem:s30+$0xB480] =	vst v9  }
0x6e5: {  	v9 =	vld.idx.msk [tilespmem:v29+s19+$0x0], $0xffff  }
0x6e6: {  	v24 =	vld [tilespmem:s31+$0x14A0]  }
0x6e7: {  	v44 =	vld [tilespmem:s0+$0x14A0];
	[tilespmem:s31+$0xB480] =	vst v20  }
0x6e8: {  	v22 =	vld.idx.msk [tilespmem:v22+s19+$0x0], $0xffff;
	[tilespmem:s0+$0xB480] =	vst v8  }
0x6e9: {  	[tilespmem:s29+$0xB4B0] =	vst v6;
	v8 =	vld.idx.msk [tilespmem:v42+s19+$0x0], $0xffff  }
0x6ea: {  	v6 =	vld.idx.msk [tilespmem:v31+s19+$0x0], $0xffff;
	[tilespmem:s30+$0xB490] =	vst v9  }
0x6eb: {  	v9 =	vld.idx.msk [tilespmem:v18+s19+$0x0], $0xffff  }
0x6ec: {  	v46 =	vld [tilespmem:s31+$0x14B0]  }
0x6ed: {  	v47 =	vld [tilespmem:s0+$0x14B0];
	[tilespmem:s31+$0xB490] =	vst v22  }
0x6ee: {  	v48 =	vld.idx.msk [tilespmem:v24+s19+$0x0], $0xffff;
	[tilespmem:s0+$0xB490] =	vst v8  }
0x6ef: {  	v49 =	vld.idx.msk [tilespmem:v44+s19+$0x0], $0xffff  }
0x6f0: {  	v45 =	vld [tilespmem:s30+$0x14C0];
	[tilespmem:s30+$0xB4A0] =	vst v9  }
0x6f1: {  	v9 =	vld.idx.msk [tilespmem:v36+s19+$0x0], $0xffff  }
0x6f2: {  	v50 =	vld [tilespmem:s31+$0x14C0]  }
0x6f3: {  	v51 =	vld [tilespmem:s0+$0x14C0];
	[tilespmem:s31+$0xB4A0] =	vst v48  }
0x6f4: {  	v52 =	vld.idx.msk [tilespmem:v46+s19+$0x0], $0xffff;
	[tilespmem:s0+$0xB4A0] =	vst v49  }
0x6f5: {  	v53 =	vld.idx.msk [tilespmem:v47+s19+$0x0], $0xffff  }
0x6f6: {  	v34 =	vld [tilespmem:s30+$0x14D0]  }
0x6f7: {  	v43 =	vld [tilespmem:s31+$0x14D0];
	[tilespmem:s30+$0xB4B0] =	vst v9  }
0x6f8: {  	v54 =	vld.idx.msk [tilespmem:v45+s19+$0x0], $0xffff  }
0x6f9: {  	v25 =	vld [tilespmem:s0+$0x14D0];
	[tilespmem:s31+$0xB4B0] =	vst v52  }
0x6fa: {  	v55 =	vld.idx.msk [tilespmem:v50+s19+$0x0], $0xffff;
	[tilespmem:s0+$0xB4B0] =	vst v53  }
0x6fb: {  	v8 =	vld.idx.msk [tilespmem:v51+s19+$0x0], $0xffff  }
0x6fc: {  	v41 =	vld [tilespmem:s31+$0x14E0];
	[tilespmem:s29+$0xB4C0] =	vst v6  }
0x6fd: {  	v5 =	vld.idx.msk [tilespmem:v5+s19+$0x0], $0xffff  }
0x6fe: {  	v23 =	vld [tilespmem:s0+$0x14E0];
	[tilespmem:s30+$0xB4C0] =	vst v54  }
0x6ff: {  	v56 =	vld.idx.msk [tilespmem:v34+s19+$0x0], $0xffff;
	[tilespmem:s31+$0xB4C0] =	vst v55  }
0x700: {  	v57 =	vld.idx.msk [tilespmem:v43+s19+$0x0], $0xffff;
	[tilespmem:s0+$0xB4C0] =	vst v8  }
0x701: {  	v8 =	vld.idx.msk [tilespmem:v25+s19+$0x0], $0xffff  }
0x702: {  	v21 =	vld [tilespmem:s0+$0x14F0];
	[tilespmem:s29+$0xB4D0] =	vst v5  }
0x703: {  	v4 =	vld.idx.msk [tilespmem:v4+s19+$0x0], $0xffff  }
0x704: {  	v39 =	vld [tilespmem:s31+$0x14F0];
	[tilespmem:s30+$0xB4D0] =	vst v56  }
0x705: {  	v58 =	vld.idx.msk [tilespmem:v28+s19+$0x0], $0xffff;
	[tilespmem:s31+$0xB4D0] =	vst v57  }
0x706: {  	v59 =	vld.idx.msk [tilespmem:v41+s19+$0x0], $0xffff;
	[tilespmem:s0+$0xB4D0] =	vst v8  }
0x707: {  	v60 =	vld.idx.msk [tilespmem:v23+s19+$0x0], $0xffff;
	_ =	sdelay $0x1  }
0x708: {  	[tilespmem:s29+$0xB4E0] =	vst v4  }
0x709: {  	v3 =	vld.idx.msk [tilespmem:v3+s19+$0x0], $0xffff;
	[tilespmem:s30+$0xB4E0] =	vst v58  }
0x70a: {  	v61 =	vld.idx.msk [tilespmem:v63+s19+$0x0], $0xffff;
	[tilespmem:s31+$0xB4E0] =	vst v59  }
0x70b: {  	v62 =	vld.idx.msk [tilespmem:v39+s19+$0x0], $0xffff;
	[tilespmem:s0+$0xB4E0] =	vst v60  }
0x70c: {  	v63 =	vld.idx.msk [tilespmem:v21+s19+$0x0], $0xffff;
	_ =	sdelay $0x1  }
0x70d: {  	[tilespmem:s29+$0xB4F0] =	vst v3  }
0x70e: {  	[tilespmem:s30+$0xB4F0] =	vst v61  }
0x70f: {  	[tilespmem:s31+$0xB4F0] =	vst v62  }
0x710: {  	s28 =	sadd.s32 $0x1, s28;
	[tilespmem:s0+$0xB4F0] =	vst v63  }
0x711: {  	[hbm4b:s13+s15] =	stream.strided.scatter [tilespmem:s22], [sflag:$0x3], $0x5000, s16, s15, $0x38;
	[tilespmem:$0x14880] =	vst v63  }
0x712: {  	p0 =	sne.s32 s28, s14;
	_ =	swait.ge [sflag:s25], $0x5000  }
.Ltmp7:
0x713: {  	[sflag:s25] =	ssyncset.done $0x0;
	(pc) =	sbr.rel @p0 .LBB2_1-.Ltmp7, $4  }
0x714: {  	[sflag:s25] =	ssyncadd.s32 $0xFFFFB000  }
0x715: {  	_ =	swait.ge [sflag:s26], $0x5000  }
0x716: {  	[sflag:s26] =	ssyncset.done $0x0  }
0x717: {  	[sflag:s26] =	ssyncadd.s32 $0xFFFFB000  }
0x718: {  	_ =	sfence.sel $0x180000  }
0x719: {  	[bflag:$0x0] =	sbarrier.arrive $0xFFFF  }
0x71a: {  	_ =	strace $0x90000047  }
0x71b: {  	s0 =	stileid.u32;
	[bflag:$0x2] =	sbarrier.arrive $0xFFFF  }
0x71c: {  	p0 =	sne.s32 s0, $0x0;
	s0 =	rddreg [dreg:$0x3]  }
0x71d: {  	s0 =	sadd.s32 @!p0 $0x100000, s0  }
0x71e: {  	[sflag:s0] =	ssyncadd.tile.s32 @!p0 $0x1;
	_ =	shalt  }
.Lfunc_end2:
_tile_overlayer_lowered:
.L_overlay_start_2:
0x71f: {  	(tag) =	ssettag $0x2  }
0x720: {  	s0 =	rddreg [dreg:$0x0];
	s2 =	stileid.u32  }
0x721: {  	s1 =	rddreg [dreg:$0x1];
	p0 =	sne.s32 s2, $0x0  }
0x722: {  	s3 =	rddreg [dreg:$0x2];
	[bflag:$0x3] =	sbarrier.arrive $0xFFFF;
	s2 =	simm.s32 @!p0 $0x1C05  }
0x723: {  	[timem:s3], [sflag:s2] =	dma.local @!p0 [hbm:s0], s1  }
0x724: {  	s0 =	simm.s32 @!p0 $0x5  }
0x725: {  	_ =	swait.ge @!p0 [sflag:s0], s1  }
0x726: {  	s1 =	ssub.s32 @!p0 $0x0, s1;
	[sflag:s0] =	ssyncset.done @!p0 $0x0  }
0x727: {  	[sflag:s0] =	ssyncadd.s32 @!p0 s1  }
0x728: {  	[bflag:$0x3] =	sbarrier.arrive $0xFFFF  }
0x729: {  	_ =	shalt  }

</sc_bundles>
